<compile_context>
chip_gen: v7x
topology: tpu7x:2x2x1
jax: 0.10.2.dev20260603
libtpu: 0.0.44.dev20260713+nightly
codegen_flags: <defaults>
</compile_context>

<pallas_src>
import functools

import jax
import jax.numpy as jnp
from jax import lax
from jax.experimental import pallas as pl
from jax.experimental.pallas import tpu as pltpu
from jax.experimental.pallas import tpu_sc as plsc
from jax._src.pallas import mpmd as _plmpmd

N_CLASSES = 100000
D = 64
A_EMA = 0.5
B = 16384
EPS = 1e-12



def _norm_body(x_ref, o_ref):
    x = x_ref[...]
    n = jnp.sqrt(jnp.sum(x * x, axis=1, keepdims=True))
    o_ref[...] = x / jnp.maximum(n, EPS)


def _normalize(x):
    return pl.pallas_call(
        _norm_body,
        out_shape=jax.ShapeDtypeStruct((B, D), jnp.float32),
    )(x)



_NC = 2
_NS = 16
_NW = _NC * _NS
_BPW = B // _NW
_CH = 128
_NCH = _BPW // _CH


def _gather_body(tab_hbm, idx_hbm, out_hbm, idx_v, rows_v, sem):
    wid = lax.axis_index("s") * _NC + lax.axis_index("c")
    base = wid * _BPW
    pltpu.sync_copy(idx_hbm.at[pl.ds(base, _BPW)], idx_v)

    def _row(r, carry):
        lv = plsc.load_gather(idx_v, [jnp.full((16,), r, jnp.int32)])
        lab = jnp.max(lv)
        pltpu.async_copy(tab_hbm.at[pl.ds(lab, 1)],
                         rows_v.at[pl.ds(r, 1)], sem)
        return carry

    lax.fori_loop(0, _BPW, _row, 0)
    pltpu.make_async_copy(tab_hbm.at[pl.ds(0, _BPW)], rows_v, sem).wait()
    pltpu.sync_copy(rows_v, out_hbm.at[pl.ds(base, _BPW)])


def _gather_rows(tab, idx):
    k = pl.kernel(
        _gather_body,
        out_type=jax.ShapeDtypeStruct((B, D), jnp.float32),
        mesh=plsc.VectorSubcoreMesh(core_axis_name="c", subcore_axis_name="s"),
        compiler_params=pltpu.CompilerParams(needs_layout_passes=False),
        scratch_types=[
            pltpu.VMEM((_BPW,), jnp.int32),
            pltpu.VMEM((_BPW, D), jnp.float32),
            pltpu.SemaphoreType.DMA,
        ],
    )
    return k(tab, idx)



_W = 16
_NCC = D // (_NC * _W)
_RPT = B // _NS


def _segsum_body(fn_hbm, lab_hbm, msum_hbm, cnt_hbm,
                 idx_v, src_v, zrow_v, zcnt_v, one_v, cbuf_v, spm, spmc):
    s = lax.axis_index("s")
    c = lax.axis_index("c")
    base = s * _RPT
    nj = _RPT // _CH

    for j in range(nj):
        pltpu.sync_copy(lab_hbm.at[pl.ds(base + j * _CH, _CH)], idx_v.at[j])

    def _zrow(r, carry):
        zrow_v[r] = jnp.zeros((_W,), jnp.float32)
        return carry

    lax.fori_loop(0, _CH, _zrow, 0)
    for k in range(_CH // 16):
        zcnt_v[pl.ds(k * 16, 16)] = jnp.zeros((16,), jnp.float32)
        one_v[pl.ds(k * 16, 16)] = jnp.ones((16,), jnp.float32)

    for cc in range(_NCC):
        col = c * _NCC * _W + cc * _W
        for j in range(nj):
            pltpu.sync_copy(zrow_v, spm.at[idx_v.at[j]])
        if cc == 0:
            @pl.when(c == 0)
            def _():
                for j in range(nj):
                    pltpu.sync_copy(zcnt_v, spmc.at[idx_v.at[j]])
        plsc.subcore_barrier()
        pltpu.sync_copy(fn_hbm.at[pl.ds(base, _RPT), pl.ds(col, _W)], src_v)
        for j in range(nj):
            pltpu.sync_copy(src_v.at[pl.ds(j * _CH, _CH)],
                            spm.at[idx_v.at[j]], add=True)
        if cc == 0:
            @pl.when(c == 0)
            def _():
                for j in range(nj):
                    pltpu.sync_copy(one_v, spmc.at[idx_v.at[j]], add=True)
        plsc.subcore_barrier()
        for j in range(nj):
            pltpu.sync_copy(spm.at[idx_v.at[j]],
                            src_v.at[pl.ds(j * _CH, _CH)])
        pltpu.sync_copy(src_v, msum_hbm.at[pl.ds(base, _RPT), pl.ds(col, _W)])
        if cc == 0:
            @pl.when(c == 0)
            def _():
                for j in range(nj):
                    pltpu.sync_copy(spmc.at[idx_v.at[j]], cbuf_v.at[pl.ds(j * _CH, _CH)])
                pltpu.sync_copy(cbuf_v, cnt_hbm.at[pl.ds(base, _RPT)])
        plsc.subcore_barrier()


def _segment_sums(fn, lab):
    k = pl.kernel(
        _segsum_body,
        out_type=(jax.ShapeDtypeStruct((B, D), jnp.float32),
                  jax.ShapeDtypeStruct((B,), jnp.float32)),
        mesh=plsc.VectorSubcoreMesh(core_axis_name="c", subcore_axis_name="s"),
        compiler_params=pltpu.CompilerParams(use_tc_tiling_on_sc=False),
        scratch_types=[
            pltpu.VMEM((_RPT // _CH, _CH), jnp.int32),
            pltpu.VMEM((_RPT, _W), jnp.float32),
            pltpu.VMEM((_CH, _W), jnp.float32),
            pltpu.VMEM((_CH,), jnp.float32),
            pltpu.VMEM((_CH,), jnp.float32),
            pltpu.VMEM((_RPT,), jnp.float32),
            pltpu.VMEM_SHARED((N_CLASSES, _W), jnp.float32),
            pltpu.VMEM_SHARED((N_CLASSES,), jnp.float32),
        ],
    )
    return k(fn, lab)




def _epi_body(fn_ref, bc_ref, ms_ref, ct_ref, u_ref, loss_ref):
    craw = bc_ref[...]
    mean = ms_ref[...] / ct_ref[...]
    u_ref[...] = (1.0 - A_EMA) * craw + A_EMA * mean
    ss = jnp.sum(craw * craw, axis=1, keepdims=True)
    cn = craw / jnp.maximum(jnp.sqrt(ss), EPS)
    dlt = fn_ref[...] - cn
    loss_ref[...] = jnp.sum(dlt * dlt)[None, None]


def _epilogue(fn, bc, msum, cnt):
    return pl.pallas_call(
        _epi_body,
        out_shape=[
            jax.ShapeDtypeStruct((B, D), jnp.float32),
            jax.ShapeDtypeStruct((1, 1), jnp.float32),
        ],
    )(fn, bc, msum, cnt.reshape(B, 1))



def _scatter_body(cen_hbm, idx_hbm, u_hbm, out_hbm, idx_v, rows_v, sem):
    del cen_hbm
    wid = lax.axis_index("s") * _NC + lax.axis_index("c")
    base = wid * _BPW
    pltpu.sync_copy(idx_hbm.at[pl.ds(base, _BPW)], idx_v)
    pltpu.sync_copy(u_hbm.at[pl.ds(base, _BPW)], rows_v)

    def _row(r, carry):
        lv = plsc.load_gather(idx_v, [jnp.full((16,), r, jnp.int32)])
        lab = jnp.max(lv)
        pltpu.async_copy(rows_v.at[pl.ds(r, 1)],
                         out_hbm.at[pl.ds(lab, 1)], sem)
        return carry

    lax.fori_loop(0, _BPW, _row, 0)
    pltpu.make_async_copy(u_hbm.at[pl.ds(base, _BPW)], rows_v, sem).wait()


def _copy_scatter(cen, idx, u):
    k = _plmpmd._mpmd_map(
        [(plsc.VectorSubcoreMesh(core_axis_name="c", subcore_axis_name="s"),
          _scatter_body)],
        jax.ShapeDtypeStruct((N_CLASSES, D), jnp.float32),
        input_output_aliases={0: 0},
        compiler_params=pltpu.CompilerParams(needs_layout_passes=False),
        scratch_types=[
            pltpu.VMEM((_BPW,), jnp.int32),
            pltpu.VMEM((_BPW, D), jnp.float32),
            pltpu.SemaphoreType.DMA,
        ],
    )
    return k(cen, idx, u)




def kernel(features, labels, centers):
    labels = labels.astype(jnp.int32)
    fn = _normalize(features)
    bc = _gather_rows(centers, labels)
    msum, cnt = _segment_sums(fn, labels)
    u, loss2 = _epilogue(fn, bc, msum, cnt)
    new_centers = _copy_scatter(jnp.copy(centers), labels, u)
    loss = loss2[0, 0] / (2.0 * B)
    return loss, new_centers

# --- scband reference (transcript-rebuilt; emitter-appended) ---
"""Pipeline reference for scband-tcenter-loss-39333310497242 (READ-ONLY COPY).

The authoritative reference and input builder live on the scoring server;
editing this copy changes nothing except your own understanding.
"""

import jax, jax.numpy as jnp
import numpy as np

NUM_CLASSES = 100000
FEAT_DIM = 64
ALPHA = 0.5
BATCH = 16384


def _l2_normalize(x, eps=1e-12):
    # matches torch.nn.functional.normalize(p=2, dim=1)
    norm = jnp.linalg.norm(x, ord=2, axis=1, keepdims=True)
    return x / jnp.clip(norm, eps, None)


def setup_inputs(seed: int = 0) -> dict:
    key = jax.random.key(seed)
    k1, k2, k3 = jax.random.split(key, 3)
    features = jax.random.normal(k1, (BATCH, FEAT_DIM), dtype=jnp.float32)
    labels = jax.random.randint(k2, (BATCH,), 0, NUM_CLASSES)
    # learned/buffer state: centers, initialized randn as in register_buffer
    centers = jax.random.normal(k3, (NUM_CLASSES, FEAT_DIM), dtype=jnp.float32)
    return {"features": features, "labels": labels, "centers": centers}


def reference(features, labels, centers):
    features_norm = _l2_normalize(features)
    centers_norm = _l2_normalize(centers)
    # gather: batch_centers = centers_norm[labels]
    batch_centers = jnp.take(centers_norm, labels, axis=0)
    loss = jnp.mean(jnp.sum((features_norm - batch_centers) ** 2, axis=1)) / 2.0

    # no_grad buffer update: per-unique-label mean of normalized features,
    # EMA-blended into centers. Vectorized with segment_sum (scatter-add).
    sums = jax.ops.segment_sum(features_norm, labels, num_segments=NUM_CLASSES)
    counts = jax.ops.segment_sum(jnp.ones((features_norm.shape[0],), dtype=features_norm.dtype), labels, num_segments=NUM_CLASSES)
    mean_feat = sums / jnp.maximum(counts, 1.0)[:, None]
    present = (counts > 0)[:, None]
    new_centers = jnp.where(present, (1.0 - ALPHA) * centers + ALPHA * mean_feat, centers)
    return loss, new_centers


if False:  # reference __main__ guard neutralized (emitter)
    inp = setup_inputs()
    out = reference(**inp)
    print(out[0], out[1].shape)

if __name__ == "__main__":
    import jax
    _d = setup_inputs()
    print(jax.jit(kernel)(*tuple(_d.values())))

</pallas_src>

<mosaic_0001>
#map = affine_map<(d0, d1) -> (0, 0)>
#map1 = affine_map<(d0, d1) -> (0)>
module attributes {stable_mosaic.version = 14 : i64} {
  func.func @_segsum_body(%arg0: i32, %arg1: i32, %arg2: memref<16384x64xf32, #tpu.memory_space<hbm>>, %arg3: memref<16384xi32, #tpu.memory_space<hbm>>, %arg4: memref<16384x64xf32, #tpu.memory_space<hbm>>, %arg5: memref<16384xf32, #tpu.memory_space<hbm>>, %arg6: memref<8x128xi32, #tpu.memory_space<vmem>>, %arg7: memref<1024x16xf32, #tpu.memory_space<vmem>>, %arg8: memref<128x16xf32, #tpu.memory_space<vmem>>, %arg9: memref<128xf32, #tpu.memory_space<vmem>>, %arg10: memref<128xf32, #tpu.memory_space<vmem>>, %arg11: memref<1024xf32, #tpu.memory_space<vmem>>, %arg12: memref<100000x16xf32, #tpu.memory_space<vmem_shared>>, %arg13: memref<100000xf32, #tpu.memory_space<vmem_shared>>) attributes {dimension_semantics = [#tpu.dimension_semantics<core_parallel>, #tpu.dimension_semantics<subcore_parallel>], iteration_bounds = array<i64: 2, 16>, scalar_prefetch = 0 : i64, scratch_operands = 8 : i64, tpu.core_type = #tpu.core_type<sc_vector_subcore>, window_params = [{transform_indices = #map}, {transform_indices = #map1}, {transform_indices = #map}, {transform_indices = #map1}]} {
    %mul3A = arith.constant 1024 : i32
    %mul3A_0 = arith.muli %arg1, %mul3A : i32
    %add3A = arith.constant 0 : i32
    %add3A_1 = arith.addi %mul3A_0, %add3A : i32
    %run_scoped3A = arith.constant 0 : i32
    "tpu.region"() ({
      %run_scoped3A_199 = tpu.sem_alloc : memref<!tpu.dma_semaphore, #tpu.memory_space<semaphore_mem>>
      %dma_start3A = arith.constant 0 : i32
      %dma_start3A_200 = tpu.memref_slice %arg6[%run_scoped3A, %dma_start3A] : memref<8x128xi32, #tpu.memory_space<vmem>> -> memref<1x128xi32, #tpu.memory_space<vmem>>
      %dma_start3A_201 = tpu.memref_squeeze %dma_start3A_200 : memref<1x128xi32, #tpu.memory_space<vmem>> -> memref<128xi32, #tpu.memory_space<vmem>>
      %dma_start3A_202 = tpu.memref_slice %arg3[%add3A_1] : memref<16384xi32, #tpu.memory_space<hbm>> -> memref<128xi32, #tpu.memory_space<hbm>>
      %dma_start3A_203 = arith.constant 0 : i32
      %dma_start3A_204 = tpu.memref_slice %arg6[%run_scoped3A, %dma_start3A_203] : memref<8x128xi32, #tpu.memory_space<vmem>> -> memref<1x128xi32, #tpu.memory_space<vmem>>
      %dma_start3A_205 = tpu.memref_squeeze %dma_start3A_204 : memref<1x128xi32, #tpu.memory_space<vmem>> -> memref<128xi32, #tpu.memory_space<vmem>>
      %dma_start3A_206 = tpu.memref_slice %arg3[%add3A_1] : memref<16384xi32, #tpu.memory_space<hbm>> -> memref<128xi32, #tpu.memory_space<hbm>>
      tpu.enqueue_dma source(%dma_start3A_206 : memref<128xi32, #tpu.memory_space<hbm>>) target(%dma_start3A_205 : memref<128xi32, #tpu.memory_space<vmem>>) target_semaphore(%run_scoped3A_199 : memref<!tpu.dma_semaphore, #tpu.memory_space<semaphore_mem>>)
      %dma_wait3A = arith.constant 0 : i32
      %dma_wait3A_207 = tpu.memref_slice %arg6[%run_scoped3A, %dma_wait3A] : memref<8x128xi32, #tpu.memory_space<vmem>> -> memref<1x128xi32, #tpu.memory_space<vmem>>
      %dma_wait3A_208 = tpu.memref_squeeze %dma_wait3A_207 : memref<1x128xi32, #tpu.memory_space<vmem>> -> memref<128xi32, #tpu.memory_space<vmem>>
      %dma_wait3A_209 = tpu.memref_slice %arg3[%add3A_1] : memref<16384xi32, #tpu.memory_space<hbm>> -> memref<128xi32, #tpu.memory_space<hbm>>
      %dma_wait3A_210 = arith.constant 0 : i32
      %dma_wait3A_211 = tpu.memref_slice %arg6[%run_scoped3A, %dma_wait3A_210] : memref<8x128xi32, #tpu.memory_space<vmem>> -> memref<1x128xi32, #tpu.memory_space<vmem>>
      %dma_wait3A_212 = tpu.memref_squeeze %dma_wait3A_211 : memref<1x128xi32, #tpu.memory_space<vmem>> -> memref<128xi32, #tpu.memory_space<vmem>>
      %dma_wait3A_213 = tpu.memref_slice %arg3[%add3A_1] : memref<16384xi32, #tpu.memory_space<hbm>> -> memref<128xi32, #tpu.memory_space<hbm>>
      tpu.wait_dma2 semaphore(%run_scoped3A_199 : memref<!tpu.dma_semaphore, #tpu.memory_space<semaphore_mem>>) src(%dma_wait3A_213 : memref<128xi32, #tpu.memory_space<hbm>>) dst(%dma_wait3A_212 : memref<128xi32, #tpu.memory_space<vmem>>)
      tpu.yield
    }) : () -> ()
    %add3A_2 = arith.constant 128 : i32
    %add3A_3 = arith.addi %mul3A_0, %add3A_2 : i32
    %run_scoped3A_4 = arith.constant 1 : i32
    "tpu.region"() ({
      %run_scoped3A_199 = tpu.sem_alloc : memref<!tpu.dma_semaphore, #tpu.memory_space<semaphore_mem>>
      %dma_start3A = arith.constant 0 : i32
      %dma_start3A_200 = tpu.memref_slice %arg6[%run_scoped3A_4, %dma_start3A] : memref<8x128xi32, #tpu.memory_space<vmem>> -> memref<1x128xi32, #tpu.memory_space<vmem>>
      %dma_start3A_201 = tpu.memref_squeeze %dma_start3A_200 : memref<1x128xi32, #tpu.memory_space<vmem>> -> memref<128xi32, #tpu.memory_space<vmem>>
      %dma_start3A_202 = tpu.memref_slice %arg3[%add3A_3] : memref<16384xi32, #tpu.memory_space<hbm>> -> memref<128xi32, #tpu.memory_space<hbm>>
      %dma_start3A_203 = arith.constant 0 : i32
      %dma_start3A_204 = tpu.memref_slice %arg6[%run_scoped3A_4, %dma_start3A_203] : memref<8x128xi32, #tpu.memory_space<vmem>> -> memref<1x128xi32, #tpu.memory_space<vmem>>
      %dma_start3A_205 = tpu.memref_squeeze %dma_start3A_204 : memref<1x128xi32, #tpu.memory_space<vmem>> -> memref<128xi32, #tpu.memory_space<vmem>>
      %dma_start3A_206 = tpu.memref_slice %arg3[%add3A_3] : memref<16384xi32, #tpu.memory_space<hbm>> -> memref<128xi32, #tpu.memory_space<hbm>>
      tpu.enqueue_dma source(%dma_start3A_206 : memref<128xi32, #tpu.memory_space<hbm>>) target(%dma_start3A_205 : memref<128xi32, #tpu.memory_space<vmem>>) target_semaphore(%run_scoped3A_199 : memref<!tpu.dma_semaphore, #tpu.memory_space<semaphore_mem>>)
      %dma_wait3A = arith.constant 0 : i32
      %dma_wait3A_207 = tpu.memref_slice %arg6[%run_scoped3A_4, %dma_wait3A] : memref<8x128xi32, #tpu.memory_space<vmem>> -> memref<1x128xi32, #tpu.memory_space<vmem>>
      %dma_wait3A_208 = tpu.memref_squeeze %dma_wait3A_207 : memref<1x128xi32, #tpu.memory_space<vmem>> -> memref<128xi32, #tpu.memory_space<vmem>>
      %dma_wait3A_209 = tpu.memref_slice %arg3[%add3A_3] : memref<16384xi32, #tpu.memory_space<hbm>> -> memref<128xi32, #tpu.memory_space<hbm>>
      %dma_wait3A_210 = arith.constant 0 : i32
      %dma_wait3A_211 = tpu.memref_slice %arg6[%run_scoped3A_4, %dma_wait3A_210] : memref<8x128xi32, #tpu.memory_space<vmem>> -> memref<1x128xi32, #tpu.memory_space<vmem>>
      %dma_wait3A_212 = tpu.memref_squeeze %dma_wait3A_211 : memref<1x128xi32, #tpu.memory_space<vmem>> -> memref<128xi32, #tpu.memory_space<vmem>>
      %dma_wait3A_213 = tpu.memref_slice %arg3[%add3A_3] : memref<16384xi32, #tpu.memory_space<hbm>> -> memref<128xi32, #tpu.memory_space<hbm>>
      tpu.wait_dma2 semaphore(%run_scoped3A_199 : memref<!tpu.dma_semaphore, #tpu.memory_space<semaphore_mem>>) src(%dma_wait3A_213 : memref<128xi32, #tpu.memory_space<hbm>>) dst(%dma_wait3A_212 : memref<128xi32, #tpu.memory_space<vmem>>)
      tpu.yield
    }) : () -> ()
    %add3A_5 = arith.constant 256 : i32
    %add3A_6 = arith.addi %mul3A_0, %add3A_5 : i32
    %run_scoped3A_7 = arith.constant 2 : i32
    "tpu.region"() ({
      %run_scoped3A_199 = tpu.sem_alloc : memref<!tpu.dma_semaphore, #tpu.memory_space<semaphore_mem>>
      %dma_start3A = arith.constant 0 : i32
      %dma_start3A_200 = tpu.memref_slice %arg6[%run_scoped3A_7, %dma_start3A] : memref<8x128xi32, #tpu.memory_space<vmem>> -> memref<1x128xi32, #tpu.memory_space<vmem>>
      %dma_start3A_201 = tpu.memref_squeeze %dma_start3A_200 : memref<1x128xi32, #tpu.memory_space<vmem>> -> memref<128xi32, #tpu.memory_space<vmem>>
      %dma_start3A_202 = tpu.memref_slice %arg3[%add3A_6] : memref<16384xi32, #tpu.memory_space<hbm>> -> memref<128xi32, #tpu.memory_space<hbm>>
      %dma_start3A_203 = arith.constant 0 : i32
      %dma_start3A_204 = tpu.memref_slice %arg6[%run_scoped3A_7, %dma_start3A_203] : memref<8x128xi32, #tpu.memory_space<vmem>> -> memref<1x128xi32, #tpu.memory_space<vmem>>
      %dma_start3A_205 = tpu.memref_squeeze %dma_start3A_204 : memref<1x128xi32, #tpu.memory_space<vmem>> -> memref<128xi32, #tpu.memory_space<vmem>>
      %dma_start3A_206 = tpu.memref_slice %arg3[%add3A_6] : memref<16384xi32, #tpu.memory_space<hbm>> -> memref<128xi32, #tpu.memory_space<hbm>>
      tpu.enqueue_dma source(%dma_start3A_206 : memref<128xi32, #tpu.memory_space<hbm>>) target(%dma_start3A_205 : memref<128xi32, #tpu.memory_space<vmem>>) target_semaphore(%run_scoped3A_199 : memref<!tpu.dma_semaphore, #tpu.memory_space<semaphore_mem>>)
      %dma_wait3A = arith.constant 0 : i32
      %dma_wait3A_207 = tpu.memref_slice %arg6[%run_scoped3A_7, %dma_wait3A] : memref<8x128xi32, #tpu.memory_space<vmem>> -> memref<1x128xi32, #tpu.memory_space<vmem>>
      %dma_wait3A_208 = tpu.memref_squeeze %dma_wait3A_207 : memref<1x128xi32, #tpu.memory_space<vmem>> -> memref<128xi32, #tpu.memory_space<vmem>>
      %dma_wait3A_209 = tpu.memref_slice %arg3[%add3A_6] : memref<16384xi32, #tpu.memory_space<hbm>> -> memref<128xi32, #tpu.memory_space<hbm>>
      %dma_wait3A_210 = arith.constant 0 : i32
      %dma_wait3A_211 = tpu.memref_slice %arg6[%run_scoped3A_7, %dma_wait3A_210] : memref<8x128xi32, #tpu.memory_space<vmem>> -> memref<1x128xi32, #tpu.memory_space<vmem>>
      %dma_wait3A_212 = tpu.memref_squeeze %dma_wait3A_211 : memref<1x128xi32, #tpu.memory_space<vmem>> -> memref<128xi32, #tpu.memory_space<vmem>>
      %dma_wait3A_213 = tpu.memref_slice %arg3[%add3A_6] : memref<16384xi32, #tpu.memory_space<hbm>> -> memref<128xi32, #tpu.memory_space<hbm>>
      tpu.wait_dma2 semaphore(%run_scoped3A_199 : memref<!tpu.dma_semaphore, #tpu.memory_space<semaphore_mem>>) src(%dma_wait3A_213 : memref<128xi32, #tpu.memory_space<hbm>>) dst(%dma_wait3A_212 : memref<128xi32, #tpu.memory_space<vmem>>)
      tpu.yield
    }) : () -> ()
    %add3A_8 = arith.constant 384 : i32
    %add3A_9 = arith.addi %mul3A_0, %add3A_8 : i32
    %run_scoped3A_10 = arith.constant 3 : i32
    "tpu.region"() ({
      %run_scoped3A_199 = tpu.sem_alloc : memref<!tpu.dma_semaphore, #tpu.memory_space<semaphore_mem>>
      %dma_start3A = arith.constant 0 : i32
      %dma_start3A_200 = tpu.memref_slice %arg6[%run_scoped3A_10, %dma_start3A] : memref<8x128xi32, #tpu.memory_space<vmem>> -> memref<1x128xi32, #tpu.memory_space<vmem>>
      %dma_start3A_201 = tpu.memref_squeeze %dma_start3A_200 : memref<1x128xi32, #tpu.memory_space<vmem>> -> memref<128xi32, #tpu.memory_space<vmem>>
      %dma_start3A_202 = tpu.memref_slice %arg3[%add3A_9] : memref<16384xi32, #tpu.memory_space<hbm>> -> memref<128xi32, #tpu.memory_space<hbm>>
      %dma_start3A_203 = arith.constant 0 : i32
      %dma_start3A_204 = tpu.memref_slice %arg6[%run_scoped3A_10, %dma_start3A_203] : memref<8x128xi32, #tpu.memory_space<vmem>> -> memref<1x128xi32, #tpu.memory_space<vmem>>
      %dma_start3A_205 = tpu.memref_squeeze %dma_start3A_204 : memref<1x128xi32, #tpu.memory_space<vmem>> -> memref<128xi32, #tpu.memory_space<vmem>>
      %dma_start3A_206 = tpu.memref_slice %arg3[%add3A_9] : memref<16384xi32, #tpu.memory_space<hbm>> -> memref<128xi32, #tpu.memory_space<hbm>>
      tpu.enqueue_dma source(%dma_start3A_206 : memref<128xi32, #tpu.memory_space<hbm>>) target(%dma_start3A_205 : memref<128xi32, #tpu.memory_space<vmem>>) target_semaphore(%run_scoped3A_199 : memref<!tpu.dma_semaphore, #tpu.memory_space<semaphore_mem>>)
      %dma_wait3A = arith.constant 0 : i32
      %dma_wait3A_207 = tpu.memref_slice %arg6[%run_scoped3A_10, %dma_wait3A] : memref<8x128xi32, #tpu.memory_space<vmem>> -> memref<1x128xi32, #tpu.memory_space<vmem>>
      %dma_wait3A_208 = tpu.memref_squeeze %dma_wait3A_207 : memref<1x128xi32, #tpu.memory_space<vmem>> -> memref<128xi32, #tpu.memory_space<vmem>>
      %dma_wait3A_209 = tpu.memref_slice %arg3[%add3A_9] : memref<16384xi32, #tpu.memory_space<hbm>> -> memref<128xi32, #tpu.memory_space<hbm>>
      %dma_wait3A_210 = arith.constant 0 : i32
      %dma_wait3A_211 = tpu.memref_slice %arg6[%run_scoped3A_10, %dma_wait3A_210] : memref<8x128xi32, #tpu.memory_space<vmem>> -> memref<1x128xi32, #tpu.memory_space<vmem>>
      %dma_wait3A_212 = tpu.memref_squeeze %dma_wait3A_211 : memref<1x128xi32, #tpu.memory_space<vmem>> -> memref<128xi32, #tpu.memory_space<vmem>>
      %dma_wait3A_213 = tpu.memref_slice %arg3[%add3A_9] : memref<16384xi32, #tpu.memory_space<hbm>> -> memref<128xi32, #tpu.memory_space<hbm>>
      tpu.wait_dma2 semaphore(%run_scoped3A_199 : memref<!tpu.dma_semaphore, #tpu.memory_space<semaphore_mem>>) src(%dma_wait3A_213 : memref<128xi32, #tpu.memory_space<hbm>>) dst(%dma_wait3A_212 : memref<128xi32, #tpu.memory_space<vmem>>)
      tpu.yield
    }) : () -> ()
    %add3A_11 = arith.constant 512 : i32
    %add3A_12 = arith.addi %mul3A_0, %add3A_11 : i32
    %run_scoped3A_13 = arith.constant 4 : i32
    "tpu.region"() ({
      %run_scoped3A_199 = tpu.sem_alloc : memref<!tpu.dma_semaphore, #tpu.memory_space<semaphore_mem>>
      %dma_start3A = arith.constant 0 : i32
      %dma_start3A_200 = tpu.memref_slice %arg6[%run_scoped3A_13, %dma_start3A] : memref<8x128xi32, #tpu.memory_space<vmem>> -> memref<1x128xi32, #tpu.memory_space<vmem>>
      %dma_start3A_201 = tpu.memref_squeeze %dma_start3A_200 : memref<1x128xi32, #tpu.memory_space<vmem>> -> memref<128xi32, #tpu.memory_space<vmem>>
      %dma_start3A_202 = tpu.memref_slice %arg3[%add3A_12] : memref<16384xi32, #tpu.memory_space<hbm>> -> memref<128xi32, #tpu.memory_space<hbm>>
      %dma_start3A_203 = arith.constant 0 : i32
      %dma_start3A_204 = tpu.memref_slice %arg6[%run_scoped3A_13, %dma_start3A_203] : memref<8x128xi32, #tpu.memory_space<vmem>> -> memref<1x128xi32, #tpu.memory_space<vmem>>
      %dma_start3A_205 = tpu.memref_squeeze %dma_start3A_204 : memref<1x128xi32, #tpu.memory_space<vmem>> -> memref<128xi32, #tpu.memory_space<vmem>>
      %dma_start3A_206 = tpu.memref_slice %arg3[%add3A_12] : memref<16384xi32, #tpu.memory_space<hbm>> -> memref<128xi32, #tpu.memory_space<hbm>>
      tpu.enqueue_dma source(%dma_start3A_206 : memref<128xi32, #tpu.memory_space<hbm>>) target(%dma_start3A_205 : memref<128xi32, #tpu.memory_space<vmem>>) target_semaphore(%run_scoped3A_199 : memref<!tpu.dma_semaphore, #tpu.memory_space<semaphore_mem>>)
      %dma_wait3A = arith.constant 0 : i32
      %dma_wait3A_207 = tpu.memref_slice %arg6[%run_scoped3A_13, %dma_wait3A] : memref<8x128xi32, #tpu.memory_space<vmem>> -> memref<1x128xi32, #tpu.memory_space<vmem>>
      %dma_wait3A_208 = tpu.memref_squeeze %dma_wait3A_207 : memref<1x128xi32, #tpu.memory_space<vmem>> -> memref<128xi32, #tpu.memory_space<vmem>>
      %dma_wait3A_209 = tpu.memref_slice %arg3[%add3A_12] : memref<16384xi32, #tpu.memory_space<hbm>> -> memref<128xi32, #tpu.memory_space<hbm>>
      %dma_wait3A_210 = arith.constant 0 : i32
      %dma_wait3A_211 = tpu.memref_slice %arg6[%run_scoped3A_13, %dma_wait3A_210] : memref<8x128xi32, #tpu.memory_space<vmem>> -> memref<1x128xi32, #tpu.memory_space<vmem>>
      %dma_wait3A_212 = tpu.memref_squeeze %dma_wait3A_211 : memref<1x128xi32, #tpu.memory_space<vmem>> -> memref<128xi32, #tpu.memory_space<vmem>>
      %dma_wait3A_213 = tpu.memref_slice %arg3[%add3A_12] : memref<16384xi32, #tpu.memory_space<hbm>> -> memref<128xi32, #tpu.memory_space<hbm>>
      tpu.wait_dma2 semaphore(%run_scoped3A_199 : memref<!tpu.dma_semaphore, #tpu.memory_space<semaphore_mem>>) src(%dma_wait3A_213 : memref<128xi32, #tpu.memory_space<hbm>>) dst(%dma_wait3A_212 : memref<128xi32, #tpu.memory_space<vmem>>)
      tpu.yield
    }) : () -> ()
    %add3A_14 = arith.constant 640 : i32
    %add3A_15 = arith.addi %mul3A_0, %add3A_14 : i32
    %run_scoped3A_16 = arith.constant 5 : i32
    "tpu.region"() ({
      %run_scoped3A_199 = tpu.sem_alloc : memref<!tpu.dma_semaphore, #tpu.memory_space<semaphore_mem>>
      %dma_start3A = arith.constant 0 : i32
      %dma_start3A_200 = tpu.memref_slice %arg6[%run_scoped3A_16, %dma_start3A] : memref<8x128xi32, #tpu.memory_space<vmem>> -> memref<1x128xi32, #tpu.memory_space<vmem>>
      %dma_start3A_201 = tpu.memref_squeeze %dma_start3A_200 : memref<1x128xi32, #tpu.memory_space<vmem>> -> memref<128xi32, #tpu.memory_space<vmem>>
      %dma_start3A_202 = tpu.memref_slice %arg3[%add3A_15] : memref<16384xi32, #tpu.memory_space<hbm>> -> memref<128xi32, #tpu.memory_space<hbm>>
      %dma_start3A_203 = arith.constant 0 : i32
      %dma_start3A_204 = tpu.memref_slice %arg6[%run_scoped3A_16, %dma_start3A_203] : memref<8x128xi32, #tpu.memory_space<vmem>> -> memref<1x128xi32, #tpu.memory_space<vmem>>
      %dma_start3A_205 = tpu.memref_squeeze %dma_start3A_204 : memref<1x128xi32, #tpu.memory_space<vmem>> -> memref<128xi32, #tpu.memory_space<vmem>>
      %dma_start3A_206 = tpu.memref_slice %arg3[%add3A_15] : memref<16384xi32, #tpu.memory_space<hbm>> -> memref<128xi32, #tpu.memory_space<hbm>>
      tpu.enqueue_dma source(%dma_start3A_206 : memref<128xi32, #tpu.memory_space<hbm>>) target(%dma_start3A_205 : memref<128xi32, #tpu.memory_space<vmem>>) target_semaphore(%run_scoped3A_199 : memref<!tpu.dma_semaphore, #tpu.memory_space<semaphore_mem>>)
      %dma_wait3A = arith.constant 0 : i32
      %dma_wait3A_207 = tpu.memref_slice %arg6[%run_scoped3A_16, %dma_wait3A] : memref<8x128xi32, #tpu.memory_space<vmem>> -> memref<1x128xi32, #tpu.memory_space<vmem>>
      %dma_wait3A_208 = tpu.memref_squeeze %dma_wait3A_207 : memref<1x128xi32, #tpu.memory_space<vmem>> -> memref<128xi32, #tpu.memory_space<vmem>>
      %dma_wait3A_209 = tpu.memref_slice %arg3[%add3A_15] : memref<16384xi32, #tpu.memory_space<hbm>> -> memref<128xi32, #tpu.memory_space<hbm>>
      %dma_wait3A_210 = arith.constant 0 : i32
      %dma_wait3A_211 = tpu.memref_slice %arg6[%run_scoped3A_16, %dma_wait3A_210] : memref<8x128xi32, #tpu.memory_space<vmem>> -> memref<1x128xi32, #tpu.memory_space<vmem>>
      %dma_wait3A_212 = tpu.memref_squeeze %dma_wait3A_211 : memref<1x128xi32, #tpu.memory_space<vmem>> -> memref<128xi32, #tpu.memory_space<vmem>>
      %dma_wait3A_213 = tpu.memref_slice %arg3[%add3A_15] : memref<16384xi32, #tpu.memory_space<hbm>> -> memref<128xi32, #tpu.memory_space<hbm>>
      tpu.wait_dma2 semaphore(%run_scoped3A_199 : memref<!tpu.dma_semaphore, #tpu.memory_space<semaphore_mem>>) src(%dma_wait3A_213 : memref<128xi32, #tpu.memory_space<hbm>>) dst(%dma_wait3A_212 : memref<128xi32, #tpu.memory_space<vmem>>)
      tpu.yield
    }) : () -> ()
    %add3A_17 = arith.constant 768 : i32
    %add3A_18 = arith.addi %mul3A_0, %add3A_17 : i32
    %run_scoped3A_19 = arith.constant 6 : i32
    "tpu.region"() ({
      %run_scoped3A_199 = tpu.sem_alloc : memref<!tpu.dma_semaphore, #tpu.memory_space<semaphore_mem>>
      %dma_start3A = arith.constant 0 : i32
      %dma_start3A_200 = tpu.memref_slice %arg6[%run_scoped3A_19, %dma_start3A] : memref<8x128xi32, #tpu.memory_space<vmem>> -> memref<1x128xi32, #tpu.memory_space<vmem>>
      %dma_start3A_201 = tpu.memref_squeeze %dma_start3A_200 : memref<1x128xi32, #tpu.memory_space<vmem>> -> memref<128xi32, #tpu.memory_space<vmem>>
      %dma_start3A_202 = tpu.memref_slice %arg3[%add3A_18] : memref<16384xi32, #tpu.memory_space<hbm>> -> memref<128xi32, #tpu.memory_space<hbm>>
      %dma_start3A_203 = arith.constant 0 : i32
      %dma_start3A_204 = tpu.memref_slice %arg6[%run_scoped3A_19, %dma_start3A_203] : memref<8x128xi32, #tpu.memory_space<vmem>> -> memref<1x128xi32, #tpu.memory_space<vmem>>
      %dma_start3A_205 = tpu.memref_squeeze %dma_start3A_204 : memref<1x128xi32, #tpu.memory_space<vmem>> -> memref<128xi32, #tpu.memory_space<vmem>>
      %dma_start3A_206 = tpu.memref_slice %arg3[%add3A_18] : memref<16384xi32, #tpu.memory_space<hbm>> -> memref<128xi32, #tpu.memory_space<hbm>>
      tpu.enqueue_dma source(%dma_start3A_206 : memref<128xi32, #tpu.memory_space<hbm>>) target(%dma_start3A_205 : memref<128xi32, #tpu.memory_space<vmem>>) target_semaphore(%run_scoped3A_199 : memref<!tpu.dma_semaphore, #tpu.memory_space<semaphore_mem>>)
      %dma_wait3A = arith.constant 0 : i32
      %dma_wait3A_207 = tpu.memref_slice %arg6[%run_scoped3A_19, %dma_wait3A] : memref<8x128xi32, #tpu.memory_space<vmem>> -> memref<1x128xi32, #tpu.memory_space<vmem>>
      %dma_wait3A_208 = tpu.memref_squeeze %dma_wait3A_207 : memref<1x128xi32, #tpu.memory_space<vmem>> -> memref<128xi32, #tpu.memory_space<vmem>>
      %dma_wait3A_209 = tpu.memref_slice %arg3[%add3A_18] : memref<16384xi32, #tpu.memory_space<hbm>> -> memref<128xi32, #tpu.memory_space<hbm>>
      %dma_wait3A_210 = arith.constant 0 : i32
      %dma_wait3A_211 = tpu.memref_slice %arg6[%run_scoped3A_19, %dma_wait3A_210] : memref<8x128xi32, #tpu.memory_space<vmem>> -> memref<1x128xi32, #tpu.memory_space<vmem>>
      %dma_wait3A_212 = tpu.memref_squeeze %dma_wait3A_211 : memref<1x128xi32, #tpu.memory_space<vmem>> -> memref<128xi32, #tpu.memory_space<vmem>>
      %dma_wait3A_213 = tpu.memref_slice %arg3[%add3A_18] : memref<16384xi32, #tpu.memory_space<hbm>> -> memref<128xi32, #tpu.memory_space<hbm>>
      tpu.wait_dma2 semaphore(%run_scoped3A_199 : memref<!tpu.dma_semaphore, #tpu.memory_space<semaphore_mem>>) src(%dma_wait3A_213 : memref<128xi32, #tpu.memory_space<hbm>>) dst(%dma_wait3A_212 : memref<128xi32, #tpu.memory_space<vmem>>)
      tpu.yield
    }) : () -> ()
    %add3A_20 = arith.constant 896 : i32
    %add3A_21 = arith.addi %mul3A_0, %add3A_20 : i32
    %run_scoped3A_22 = arith.constant 7 : i32
    "tpu.region"() ({
      %run_scoped3A_199 = tpu.sem_alloc : memref<!tpu.dma_semaphore, #tpu.memory_space<semaphore_mem>>
      %dma_start3A = arith.constant 0 : i32
      %dma_start3A_200 = tpu.memref_slice %arg6[%run_scoped3A_22, %dma_start3A] : memref<8x128xi32, #tpu.memory_space<vmem>> -> memref<1x128xi32, #tpu.memory_space<vmem>>
      %dma_start3A_201 = tpu.memref_squeeze %dma_start3A_200 : memref<1x128xi32, #tpu.memory_space<vmem>> -> memref<128xi32, #tpu.memory_space<vmem>>
      %dma_start3A_202 = tpu.memref_slice %arg3[%add3A_21] : memref<16384xi32, #tpu.memory_space<hbm>> -> memref<128xi32, #tpu.memory_space<hbm>>
      %dma_start3A_203 = arith.constant 0 : i32
      %dma_start3A_204 = tpu.memref_slice %arg6[%run_scoped3A_22, %dma_start3A_203] : memref<8x128xi32, #tpu.memory_space<vmem>> -> memref<1x128xi32, #tpu.memory_space<vmem>>
      %dma_start3A_205 = tpu.memref_squeeze %dma_start3A_204 : memref<1x128xi32, #tpu.memory_space<vmem>> -> memref<128xi32, #tpu.memory_space<vmem>>
      %dma_start3A_206 = tpu.memref_slice %arg3[%add3A_21] : memref<16384xi32, #tpu.memory_space<hbm>> -> memref<128xi32, #tpu.memory_space<hbm>>
      tpu.enqueue_dma source(%dma_start3A_206 : memref<128xi32, #tpu.memory_space<hbm>>) target(%dma_start3A_205 : memref<128xi32, #tpu.memory_space<vmem>>) target_semaphore(%run_scoped3A_199 : memref<!tpu.dma_semaphore, #tpu.memory_space<semaphore_mem>>)
      %dma_wait3A = arith.constant 0 : i32
      %dma_wait3A_207 = tpu.memref_slice %arg6[%run_scoped3A_22, %dma_wait3A] : memref<8x128xi32, #tpu.memory_space<vmem>> -> memref<1x128xi32, #tpu.memory_space<vmem>>
      %dma_wait3A_208 = tpu.memref_squeeze %dma_wait3A_207 : memref<1x128xi32, #tpu.memory_space<vmem>> -> memref<128xi32, #tpu.memory_space<vmem>>
      %dma_wait3A_209 = tpu.memref_slice %arg3[%add3A_21] : memref<16384xi32, #tpu.memory_space<hbm>> -> memref<128xi32, #tpu.memory_space<hbm>>
      %dma_wait3A_210 = arith.constant 0 : i32
      %dma_wait3A_211 = tpu.memref_slice %arg6[%run_scoped3A_22, %dma_wait3A_210] : memref<8x128xi32, #tpu.memory_space<vmem>> -> memref<1x128xi32, #tpu.memory_space<vmem>>
      %dma_wait3A_212 = tpu.memref_squeeze %dma_wait3A_211 : memref<1x128xi32, #tpu.memory_space<vmem>> -> memref<128xi32, #tpu.memory_space<vmem>>
      %dma_wait3A_213 = tpu.memref_slice %arg3[%add3A_21] : memref<16384xi32, #tpu.memory_space<hbm>> -> memref<128xi32, #tpu.memory_space<hbm>>
      tpu.wait_dma2 semaphore(%run_scoped3A_199 : memref<!tpu.dma_semaphore, #tpu.memory_space<semaphore_mem>>) src(%dma_wait3A_213 : memref<128xi32, #tpu.memory_space<hbm>>) dst(%dma_wait3A_212 : memref<128xi32, #tpu.memory_space<vmem>>)
      tpu.yield
    }) : () -> ()
    %scan3A = arith.constant 0 : i32
    %scan3A_23 = arith.constant 0 : i32
    %scan3A_24 = arith.constant 128 : i32
    %scan3A_25 = arith.addi %scan3A_23, %scan3A_24 : i32
    %scan3A_26 = arith.constant 1 : i32
    scf.for %scan3A_199 = %scan3A_23 to %scan3A_25 step %scan3A_26  : i32 {
      %broadcast_in_dim3A_200 = arith.constant 0.000000e+00 : f32
      %broadcast_in_dim3A_201 = vector.broadcast %broadcast_in_dim3A_200 : f32 to vector<16xf32>
      %swap3A_202 = arith.index_cast %scan3A_199 : i32 to index
      %swap3A_203 = arith.constant 0 : index
      %swap3A_204 = tpu.vector_load %arg8[%swap3A_202, %swap3A_203] {strides = array<i32>} : memref<128x16xf32, #tpu.memory_space<vmem>>, vector<1x16xf32>,
      %swap3A_205 = vector.shape_cast %swap3A_204 : vector<1x16xf32> to vector<16xf32>
      %swap3A_206 = vector.shape_cast %broadcast_in_dim3A_201 : vector<16xf32> to vector<1x16xf32>
      tpu.vector_store %arg8[%swap3A_202, %swap3A_203], %swap3A_206 {strides = array<i32>} : memref<128x16xf32, #tpu.memory_space<vmem>>, vector<1x16xf32>,
    }
    %scan3A_27 = arith.constant 128 : i32
    %broadcast_in_dim3A = arith.constant 0.000000e+00 : f32
    %broadcast_in_dim3A_28 = vector.broadcast %broadcast_in_dim3A : f32 to vector<16xf32>
    %swap3A = arith.constant 0 : index
    %swap3A_29 = tpu.vector_load %arg9[%swap3A] {strides = array<i32>} : memref<128xf32, #tpu.memory_space<vmem>>, vector<16xf32>,
    %swap3A_30 = vector.shape_cast %swap3A_29 : vector<16xf32> to vector<16xf32>
    %swap3A_31 = vector.shape_cast %broadcast_in_dim3A_28 : vector<16xf32> to vector<16xf32>
    tpu.vector_store %arg9[%swap3A], %swap3A_31 {strides = array<i32>} : memref<128xf32, #tpu.memory_space<vmem>>, vector<16xf32>,
    %broadcast_in_dim3A_32 = arith.constant 1.000000e+00 : f32
    %broadcast_in_dim3A_33 = vector.broadcast %broadcast_in_dim3A_32 : f32 to vector<16xf32>
    %swap3A_34 = arith.constant 0 : index
    %swap3A_35 = tpu.vector_load %arg10[%swap3A_34] {strides = array<i32>} : memref<128xf32, #tpu.memory_space<vmem>>, vector<16xf32>,
    %swap3A_36 = vector.shape_cast %swap3A_35 : vector<16xf32> to vector<16xf32>
    %swap3A_37 = vector.shape_cast %broadcast_in_dim3A_33 : vector<16xf32> to vector<16xf32>
    tpu.vector_store %arg10[%swap3A_34], %swap3A_37 {strides = array<i32>} : memref<128xf32, #tpu.memory_space<vmem>>, vector<16xf32>,
    %broadcast_in_dim3A_38 = arith.constant 0.000000e+00 : f32
    %broadcast_in_dim3A_39 = vector.broadcast %broadcast_in_dim3A_38 : f32 to vector<16xf32>
    %swap3A_40 = arith.constant 16 : index
    %swap3A_41 = tpu.vector_load %arg9[%swap3A_40] {strides = array<i32>} : memref<128xf32, #tpu.memory_space<vmem>>, vector<16xf32>,
    %swap3A_42 = vector.shape_cast %swap3A_41 : vector<16xf32> to vector<16xf32>
    %swap3A_43 = vector.shape_cast %broadcast_in_dim3A_39 : vector<16xf32> to vector<16xf32>
    tpu.vector_store %arg9[%swap3A_40], %swap3A_43 {strides = array<i32>} : memref<128xf32, #tpu.memory_space<vmem>>, vector<16xf32>,
    %broadcast_in_dim3A_44 = arith.constant 1.000000e+00 : f32
    %broadcast_in_dim3A_45 = vector.broadcast %broadcast_in_dim3A_44 : f32 to vector<16xf32>
    %swap3A_46 = arith.constant 16 : index
    %swap3A_47 = tpu.vector_load %arg10[%swap3A_46] {strides = array<i32>} : memref<128xf32, #tpu.memory_space<vmem>>, vector<16xf32>,
    %swap3A_48 = vector.shape_cast %swap3A_47 : vector<16xf32> to vector<16xf32>
    %swap3A_49 = vector.shape_cast %broadcast_in_dim3A_45 : vector<16xf32> to vector<16xf32>
    tpu.vector_store %arg10[%swap3A_46], %swap3A_49 {strides = array<i32>} : memref<128xf32, #tpu.memory_space<vmem>>, vector<16xf32>,
    %broadcast_in_dim3A_50 = arith.constant 0.000000e+00 : f32
    %broadcast_in_dim3A_51 = vector.broadcast %broadcast_in_dim3A_50 : f32 to vector<16xf32>
    %swap3A_52 = arith.constant 32 : index
    %swap3A_53 = tpu.vector_load %arg9[%swap3A_52] {strides = array<i32>} : memref<128xf32, #tpu.memory_space<vmem>>, vector<16xf32>,
    %swap3A_54 = vector.shape_cast %swap3A_53 : vector<16xf32> to vector<16xf32>
    %swap3A_55 = vector.shape_cast %broadcast_in_dim3A_51 : vector<16xf32> to vector<16xf32>
    tpu.vector_store %arg9[%swap3A_52], %swap3A_55 {strides = array<i32>} : memref<128xf32, #tpu.memory_space<vmem>>, vector<16xf32>,
    %broadcast_in_dim3A_56 = arith.constant 1.000000e+00 : f32
    %broadcast_in_dim3A_57 = vector.broadcast %broadcast_in_dim3A_56 : f32 to vector<16xf32>
    %swap3A_58 = arith.constant 32 : index
    %swap3A_59 = tpu.vector_load %arg10[%swap3A_58] {strides = array<i32>} : memref<128xf32, #tpu.memory_space<vmem>>, vector<16xf32>,
    %swap3A_60 = vector.shape_cast %swap3A_59 : vector<16xf32> to vector<16xf32>
    %swap3A_61 = vector.shape_cast %broadcast_in_dim3A_57 : vector<16xf32> to vector<16xf32>
    tpu.vector_store %arg10[%swap3A_58], %swap3A_61 {strides = array<i32>} : memref<128xf32, #tpu.memory_space<vmem>>, vector<16xf32>,
    %broadcast_in_dim3A_62 = arith.constant 0.000000e+00 : f32
    %broadcast_in_dim3A_63 = vector.broadcast %broadcast_in_dim3A_62 : f32 to vector<16xf32>
    %swap3A_64 = arith.constant 48 : index
    %swap3A_65 = tpu.vector_load %arg9[%swap3A_64] {strides = array<i32>} : memref<128xf32, #tpu.memory_space<vmem>>, vector<16xf32>,
    %swap3A_66 = vector.shape_cast %swap3A_65 : vector<16xf32> to vector<16xf32>
    %swap3A_67 = vector.shape_cast %broadcast_in_dim3A_63 : vector<16xf32> to vector<16xf32>
    tpu.vector_store %arg9[%swap3A_64], %swap3A_67 {strides = array<i32>} : memref<128xf32, #tpu.memory_space<vmem>>, vector<16xf32>,
    %broadcast_in_dim3A_68 = arith.constant 1.000000e+00 : f32
    %broadcast_in_dim3A_69 = vector.broadcast %broadcast_in_dim3A_68 : f32 to vector<16xf32>
    %swap3A_70 = arith.constant 48 : index
    %swap3A_71 = tpu.vector_load %arg10[%swap3A_70] {strides = array<i32>} : memref<128xf32, #tpu.memory_space<vmem>>, vector<16xf32>,
    %swap3A_72 = vector.shape_cast %swap3A_71 : vector<16xf32> to vector<16xf32>
    %swap3A_73 = vector.shape_cast %broadcast_in_dim3A_69 : vector<16xf32> to vector<16xf32>
    tpu.vector_store %arg10[%swap3A_70], %swap3A_73 {strides = array<i32>} : memref<128xf32, #tpu.memory_space<vmem>>, vector<16xf32>,
    %broadcast_in_dim3A_74 = arith.constant 0.000000e+00 : f32
    %broadcast_in_dim3A_75 = vector.broadcast %broadcast_in_dim3A_74 : f32 to vector<16xf32>
    %swap3A_76 = arith.constant 64 : index
    %swap3A_77 = tpu.vector_load %arg9[%swap3A_76] {strides = array<i32>} : memref<128xf32, #tpu.memory_space<vmem>>, vector<16xf32>,
    %swap3A_78 = vector.shape_cast %swap3A_77 : vector<16xf32> to vector<16xf32>
    %swap3A_79 = vector.shape_cast %broadcast_in_dim3A_75 : vector<16xf32> to vector<16xf32>
    tpu.vector_store %arg9[%swap3A_76], %swap3A_79 {strides = array<i32>} : memref<128xf32, #tpu.memory_space<vmem>>, vector<16xf32>,
    %broadcast_in_dim3A_80 = arith.constant 1.000000e+00 : f32
    %broadcast_in_dim3A_81 = vector.broadcast %broadcast_in_dim3A_80 : f32 to vector<16xf32>
    %swap3A_82 = arith.constant 64 : index
    %swap3A_83 = tpu.vector_load %arg10[%swap3A_82] {strides = array<i32>} : memref<128xf32, #tpu.memory_space<vmem>>, vector<16xf32>,
    %swap3A_84 = vector.shape_cast %swap3A_83 : vector<16xf32> to vector<16xf32>
    %swap3A_85 = vector.shape_cast %broadcast_in_dim3A_81 : vector<16xf32> to vector<16xf32>
    tpu.vector_store %arg10[%swap3A_82], %swap3A_85 {strides = array<i32>} : memref<128xf32, #tpu.memory_space<vmem>>, vector<16xf32>,
    %broadcast_in_dim3A_86 = arith.constant 0.000000e+00 : f32
    %broadcast_in_dim3A_87 = vector.broadcast %broadcast_in_dim3A_86 : f32 to vector<16xf32>
    %swap3A_88 = arith.constant 80 : index
    %swap3A_89 = tpu.vector_load %arg9[%swap3A_88] {strides = array<i32>} : memref<128xf32, #tpu.memory_space<vmem>>, vector<16xf32>,
    %swap3A_90 = vector.shape_cast %swap3A_89 : vector<16xf32> to vector<16xf32>
    %swap3A_91 = vector.shape_cast %broadcast_in_dim3A_87 : vector<16xf32> to vector<16xf32>
    tpu.vector_store %arg9[%swap3A_88], %swap3A_91 {strides = array<i32>} : memref<128xf32, #tpu.memory_space<vmem>>, vector<16xf32>,
    %broadcast_in_dim3A_92 = arith.constant 1.000000e+00 : f32
    %broadcast_in_dim3A_93 = vector.broadcast %broadcast_in_dim3A_92 : f32 to vector<16xf32>
    %swap3A_94 = arith.constant 80 : index
    %swap3A_95 = tpu.vector_load %arg10[%swap3A_94] {strides = array<i32>} : memref<128xf32, #tpu.memory_space<vmem>>, vector<16xf32>,
    %swap3A_96 = vector.shape_cast %swap3A_95 : vector<16xf32> to vector<16xf32>
    %swap3A_97 = vector.shape_cast %broadcast_in_dim3A_93 : vector<16xf32> to vector<16xf32>
    tpu.vector_store %arg10[%swap3A_94], %swap3A_97 {strides = array<i32>} : memref<128xf32, #tpu.memory_space<vmem>>, vector<16xf32>,
    %broadcast_in_dim3A_98 = arith.constant 0.000000e+00 : f32
    %broadcast_in_dim3A_99 = vector.broadcast %broadcast_in_dim3A_98 : f32 to vector<16xf32>
    %swap3A_100 = arith.constant 96 : index
    %swap3A_101 = tpu.vector_load %arg9[%swap3A_100] {strides = array<i32>} : memref<128xf32, #tpu.memory_space<vmem>>, vector<16xf32>,
    %swap3A_102 = vector.shape_cast %swap3A_101 : vector<16xf32> to vector<16xf32>
    %swap3A_103 = vector.shape_cast %broadcast_in_dim3A_99 : vector<16xf32> to vector<16xf32>
    tpu.vector_store %arg9[%swap3A_100], %swap3A_103 {strides = array<i32>} : memref<128xf32, #tpu.memory_space<vmem>>, vector<16xf32>,
    %broadcast_in_dim3A_104 = arith.constant 1.000000e+00 : f32
    %broadcast_in_dim3A_105 = vector.broadcast %broadcast_in_dim3A_104 : f32 to vector<16xf32>
    %swap3A_106 = arith.constant 96 : index
    %swap3A_107 = tpu.vector_load %arg10[%swap3A_106] {strides = array<i32>} : memref<128xf32, #tpu.memory_space<vmem>>, vector<16xf32>,
    %swap3A_108 = vector.shape_cast %swap3A_107 : vector<16xf32> to vector<16xf32>
    %swap3A_109 = vector.shape_cast %broadcast_in_dim3A_105 : vector<16xf32> to vector<16xf32>
    tpu.vector_store %arg10[%swap3A_106], %swap3A_109 {strides = array<i32>} : memref<128xf32, #tpu.memory_space<vmem>>, vector<16xf32>,
    %broadcast_in_dim3A_110 = arith.constant 0.000000e+00 : f32
    %broadcast_in_dim3A_111 = vector.broadcast %broadcast_in_dim3A_110 : f32 to vector<16xf32>
    %swap3A_112 = arith.constant 112 : index
    %swap3A_113 = tpu.vector_load %arg9[%swap3A_112] {strides = array<i32>} : memref<128xf32, #tpu.memory_space<vmem>>, vector<16xf32>,
    %swap3A_114 = vector.shape_cast %swap3A_113 : vector<16xf32> to vector<16xf32>
    %swap3A_115 = vector.shape_cast %broadcast_in_dim3A_111 : vector<16xf32> to vector<16xf32>
    tpu.vector_store %arg9[%swap3A_112], %swap3A_115 {strides = array<i32>} : memref<128xf32, #tpu.memory_space<vmem>>, vector<16xf32>,
    %broadcast_in_dim3A_116 = arith.constant 1.000000e+00 : f32
    %broadcast_in_dim3A_117 = vector.broadcast %broadcast_in_dim3A_116 : f32 to vector<16xf32>
    %swap3A_118 = arith.constant 112 : index
    %swap3A_119 = tpu.vector_load %arg10[%swap3A_118] {strides = array<i32>} : memref<128xf32, #tpu.memory_space<vmem>>, vector<16xf32>,
    %swap3A_120 = vector.shape_cast %swap3A_119 : vector<16xf32> to vector<16xf32>
    %swap3A_121 = vector.shape_cast %broadcast_in_dim3A_117 : vector<16xf32> to vector<16xf32>
    tpu.vector_store %arg10[%swap3A_118], %swap3A_121 {strides = array<i32>} : memref<128xf32, #tpu.memory_space<vmem>>, vector<16xf32>,
    %mul3A_122 = arith.constant 2 : i32
    %mul3A_123 = arith.muli %arg0, %mul3A_122 : i32
    %mul3A_124 = arith.constant 16 : i32
    %mul3A_125 = arith.muli %mul3A_123, %mul3A_124 : i32
    %add3A_126 = arith.constant 0 : i32
    %add3A_127 = arith.addi %mul3A_125, %add3A_126 : i32
    %run_scoped3A_128 = arith.constant 0 : i32
    "tpu.region"() ({
      %run_scoped3A_199 = tpu.sem_alloc : memref<!tpu.dma_semaphore, #tpu.memory_space<semaphore_mem>>
      %dma_start3A = arith.constant 0 : i32
      %dma_start3A_200 = tpu.memref_slice %arg6[%run_scoped3A_128, %dma_start3A] : memref<8x128xi32, #tpu.memory_space<vmem>> -> memref<1x128xi32, #tpu.memory_space<vmem>>
      %dma_start3A_201 = tpu.memref_squeeze %dma_start3A_200 : memref<1x128xi32, #tpu.memory_space<vmem>> -> memref<128xi32, #tpu.memory_space<vmem>>
      %dma_start3A_202 = arith.constant 0 : i32
      %dma_start3A_203 = arith.constant 0 : i32
      %dma_start3A_204 = tpu.memref_slice %arg12[%dma_start3A_202, %dma_start3A_203] : memref<100000x16xf32, #tpu.memory_space<vmem_shared>> -> memref<100000x16xf32, #tpu.memory_space<vmem_shared>>
      tpu.enqueue_indirect_dma source(%arg8 : memref<128x16xf32, #tpu.memory_space<vmem>>) target(%dma_start3A_204 : memref<100000x16xf32, #tpu.memory_space<vmem_shared>>) offsets(%dma_start3A_201 : memref<128xi32, #tpu.memory_space<vmem>>) semaphore(%run_scoped3A_199 : memref<!tpu.dma_semaphore, #tpu.memory_space<semaphore_mem>>)
      %dma_wait3A = arith.constant 0 : i32
      %dma_wait3A_205 = tpu.memref_slice %arg6[%run_scoped3A_128, %dma_wait3A] : memref<8x128xi32, #tpu.memory_space<vmem>> -> memref<1x128xi32, #tpu.memory_space<vmem>>
      %dma_wait3A_206 = tpu.memref_squeeze %dma_wait3A_205 : memref<1x128xi32, #tpu.memory_space<vmem>> -> memref<128xi32, #tpu.memory_space<vmem>>
      %dma_wait3A_207 = arith.constant 0 : i32
      %dma_wait3A_208 = arith.constant 0 : i32
      %dma_wait3A_209 = tpu.memref_slice %arg12[%dma_wait3A_207, %dma_wait3A_208] : memref<100000x16xf32, #tpu.memory_space<vmem_shared>> -> memref<100000x16xf32, #tpu.memory_space<vmem_shared>>
      tpu.wait_indirect_dma semaphore(%run_scoped3A_199 : memref<!tpu.dma_semaphore, #tpu.memory_space<semaphore_mem>>) src(%arg8 : memref<128x16xf32, #tpu.memory_space<vmem>>) dst(%dma_wait3A_209 : memref<100000x16xf32, #tpu.memory_space<vmem_shared>>)
      tpu.yield
    }) : () -> ()
    %run_scoped3A_129 = arith.constant 1 : i32
    "tpu.region"() ({
      %run_scoped3A_199 = tpu.sem_alloc : memref<!tpu.dma_semaphore, #tpu.memory_space<semaphore_mem>>
      %dma_start3A = arith.constant 0 : i32
      %dma_start3A_200 = tpu.memref_slice %arg6[%run_scoped3A_129, %dma_start3A] : memref<8x128xi32, #tpu.memory_space<vmem>> -> memref<1x128xi32, #tpu.memory_space<vmem>>
      %dma_start3A_201 = tpu.memref_squeeze %dma_start3A_200 : memref<1x128xi32, #tpu.memory_space<vmem>> -> memref<128xi32, #tpu.memory_space<vmem>>
      %dma_start3A_202 = arith.constant 0 : i32
      %dma_start3A_203 = arith.constant 0 : i32
      %dma_start3A_204 = tpu.memref_slice %arg12[%dma_start3A_202, %dma_start3A_203] : memref<100000x16xf32, #tpu.memory_space<vmem_shared>> -> memref<100000x16xf32, #tpu.memory_space<vmem_shared>>
      tpu.enqueue_indirect_dma source(%arg8 : memref<128x16xf32, #tpu.memory_space<vmem>>) target(%dma_start3A_204 : memref<100000x16xf32, #tpu.memory_space<vmem_shared>>) offsets(%dma_start3A_201 : memref<128xi32, #tpu.memory_space<vmem>>) semaphore(%run_scoped3A_199 : memref<!tpu.dma_semaphore, #tpu.memory_space<semaphore_mem>>)
      %dma_wait3A = arith.constant 0 : i32
      %dma_wait3A_205 = tpu.memref_slice %arg6[%run_scoped3A_129, %dma_wait3A] : memref<8x128xi32, #tpu.memory_space<vmem>> -> memref<1x128xi32, #tpu.memory_space<vmem>>
      %dma_wait3A_206 = tpu.memref_squeeze %dma_wait3A_205 : memref<1x128xi32, #tpu.memory_space<vmem>> -> memref<128xi32, #tpu.memory_space<vmem>>
      %dma_wait3A_207 = arith.constant 0 : i32
      %dma_wait3A_208 = arith.constant 0 : i32
      %dma_wait3A_209 = tpu.memref_slice %arg12[%dma_wait3A_207, %dma_wait3A_208] : memref<100000x16xf32, #tpu.memory_space<vmem_shared>> -> memref<100000x16xf32, #tpu.memory_space<vmem_shared>>
      tpu.wait_indirect_dma semaphore(%run_scoped3A_199 : memref<!tpu.dma_semaphore, #tpu.memory_space<semaphore_mem>>) src(%arg8 : memref<128x16xf32, #tpu.memory_space<vmem>>) dst(%dma_wait3A_209 : memref<100000x16xf32, #tpu.memory_space<vmem_shared>>)
      tpu.yield
    }) : () -> ()
    %run_scoped3A_130 = arith.constant 2 : i32
    "tpu.region"() ({
      %run_scoped3A_199 = tpu.sem_alloc : memref<!tpu.dma_semaphore, #tpu.memory_space<semaphore_mem>>
      %dma_start3A = arith.constant 0 : i32
      %dma_start3A_200 = tpu.memref_slice %arg6[%run_scoped3A_130, %dma_start3A] : memref<8x128xi32, #tpu.memory_space<vmem>> -> memref<1x128xi32, #tpu.memory_space<vmem>>
      %dma_start3A_201 = tpu.memref_squeeze %dma_start3A_200 : memref<1x128xi32, #tpu.memory_space<vmem>> -> memref<128xi32, #tpu.memory_space<vmem>>
      %dma_start3A_202 = arith.constant 0 : i32
      %dma_start3A_203 = arith.constant 0 : i32
      %dma_start3A_204 = tpu.memref_slice %arg12[%dma_start3A_202, %dma_start3A_203] : memref<100000x16xf32, #tpu.memory_space<vmem_shared>> -> memref<100000x16xf32, #tpu.memory_space<vmem_shared>>
      tpu.enqueue_indirect_dma source(%arg8 : memref<128x16xf32, #tpu.memory_space<vmem>>) target(%dma_start3A_204 : memref<100000x16xf32, #tpu.memory_space<vmem_shared>>) offsets(%dma_start3A_201 : memref<128xi32, #tpu.memory_space<vmem>>) semaphore(%run_scoped3A_199 : memref<!tpu.dma_semaphore, #tpu.memory_space<semaphore_mem>>)
      %dma_wait3A = arith.constant 0 : i32
      %dma_wait3A_205 = tpu.memref_slice %arg6[%run_scoped3A_130, %dma_wait3A] : memref<8x128xi32, #tpu.memory_space<vmem>> -> memref<1x128xi32, #tpu.memory_space<vmem>>
      %dma_wait3A_206 = tpu.memref_squeeze %dma_wait3A_205 : memref<1x128xi32, #tpu.memory_space<vmem>> -> memref<128xi32, #tpu.memory_space<vmem>>
      %dma_wait3A_207 = arith.constant 0 : i32
      %dma_wait3A_208 = arith.constant 0 : i32
      %dma_wait3A_209 = tpu.memref_slice %arg12[%dma_wait3A_207, %dma_wait3A_208] : memref<100000x16xf32, #tpu.memory_space<vmem_shared>> -> memref<100000x16xf32, #tpu.memory_space<vmem_shared>>
      tpu.wait_indirect_dma semaphore(%run_scoped3A_199 : memref<!tpu.dma_semaphore, #tpu.memory_space<semaphore_mem>>) src(%arg8 : memref<128x16xf32, #tpu.memory_space<vmem>>) dst(%dma_wait3A_209 : memref<100000x16xf32, #tpu.memory_space<vmem_shared>>)
      tpu.yield
    }) : () -> ()
    %run_scoped3A_131 = arith.constant 3 : i32
    "tpu.region"() ({
      %run_scoped3A_199 = tpu.sem_alloc : memref<!tpu.dma_semaphore, #tpu.memory_space<semaphore_mem>>
      %dma_start3A = arith.constant 0 : i32
      %dma_start3A_200 = tpu.memref_slice %arg6[%run_scoped3A_131, %dma_start3A] : memref<8x128xi32, #tpu.memory_space<vmem>> -> memref<1x128xi32, #tpu.memory_space<vmem>>
      %dma_start3A_201 = tpu.memref_squeeze %dma_start3A_200 : memref<1x128xi32, #tpu.memory_space<vmem>> -> memref<128xi32, #tpu.memory_space<vmem>>
      %dma_start3A_202 = arith.constant 0 : i32
      %dma_start3A_203 = arith.constant 0 : i32
      %dma_start3A_204 = tpu.memref_slice %arg12[%dma_start3A_202, %dma_start3A_203] : memref<100000x16xf32, #tpu.memory_space<vmem_shared>> -> memref<100000x16xf32, #tpu.memory_space<vmem_shared>>
      tpu.enqueue_indirect_dma source(%arg8 : memref<128x16xf32, #tpu.memory_space<vmem>>) target(%dma_start3A_204 : memref<100000x16xf32, #tpu.memory_space<vmem_shared>>) offsets(%dma_start3A_201 : memref<128xi32, #tpu.memory_space<vmem>>) semaphore(%run_scoped3A_199 : memref<!tpu.dma_semaphore, #tpu.memory_space<semaphore_mem>>)
      %dma_wait3A = arith.constant 0 : i32
      %dma_wait3A_205 = tpu.memref_slice %arg6[%run_scoped3A_131, %dma_wait3A] : memref<8x128xi32, #tpu.memory_space<vmem>> -> memref<1x128xi32, #tpu.memory_space<vmem>>
      %dma_wait3A_206 = tpu.memref_squeeze %dma_wait3A_205 : memref<1x128xi32, #tpu.memory_space<vmem>> -> memref<128xi32, #tpu.memory_space<vmem>>
      %dma_wait3A_207 = arith.constant 0 : i32
      %dma_wait3A_208 = arith.constant 0 : i32
      %dma_wait3A_209 = tpu.memref_slice %arg12[%dma_wait3A_207, %dma_wait3A_208] : memref<100000x16xf32, #tpu.memory_space<vmem_shared>> -> memref<100000x16xf32, #tpu.memory_space<vmem_shared>>
      tpu.wait_indirect_dma semaphore(%run_scoped3A_199 : memref<!tpu.dma_semaphore, #tpu.memory_space<semaphore_mem>>) src(%arg8 : memref<128x16xf32, #tpu.memory_space<vmem>>) dst(%dma_wait3A_209 : memref<100000x16xf32, #tpu.memory_space<vmem_shared>>)
      tpu.yield
    }) : () -> ()
    %run_scoped3A_132 = arith.constant 4 : i32
    "tpu.region"() ({
      %run_scoped3A_199 = tpu.sem_alloc : memref<!tpu.dma_semaphore, #tpu.memory_space<semaphore_mem>>
      %dma_start3A = arith.constant 0 : i32
      %dma_start3A_200 = tpu.memref_slice %arg6[%run_scoped3A_132, %dma_start3A] : memref<8x128xi32, #tpu.memory_space<vmem>> -> memref<1x128xi32, #tpu.memory_space<vmem>>
      %dma_start3A_201 = tpu.memref_squeeze %dma_start3A_200 : memref<1x128xi32, #tpu.memory_space<vmem>> -> memref<128xi32, #tpu.memory_space<vmem>>
      %dma_start3A_202 = arith.constant 0 : i32
      %dma_start3A_203 = arith.constant 0 : i32
      %dma_start3A_204 = tpu.memref_slice %arg12[%dma_start3A_202, %dma_start3A_203] : memref<100000x16xf32, #tpu.memory_space<vmem_shared>> -> memref<100000x16xf32, #tpu.memory_space<vmem_shared>>
      tpu.enqueue_indirect_dma source(%arg8 : memref<128x16xf32, #tpu.memory_space<vmem>>) target(%dma_start3A_204 : memref<100000x16xf32, #tpu.memory_space<vmem_shared>>) offsets(%dma_start3A_201 : memref<128xi32, #tpu.memory_space<vmem>>) semaphore(%run_scoped3A_199 : memref<!tpu.dma_semaphore, #tpu.memory_space<semaphore_mem>>)
      %dma_wait3A = arith.constant 0 : i32
      %dma_wait3A_205 = tpu.memref_slice %arg6[%run_scoped3A_132, %dma_wait3A] : memref<8x128xi32, #tpu.memory_space<vmem>> -> memref<1x128xi32, #tpu.memory_space<vmem>>
      %dma_wait3A_206 = tpu.memref_squeeze %dma_wait3A_205 : memref<1x128xi32, #tpu.memory_space<vmem>> -> memref<128xi32, #tpu.memory_space<vmem>>
      %dma_wait3A_207 = arith.constant 0 : i32
      %dma_wait3A_208 = arith.constant 0 : i32
      %dma_wait3A_209 = tpu.memref_slice %arg12[%dma_wait3A_207, %dma_wait3A_208] : memref<100000x16xf32, #tpu.memory_space<vmem_shared>> -> memref<100000x16xf32, #tpu.memory_space<vmem_shared>>
      tpu.wait_indirect_dma semaphore(%run_scoped3A_199 : memref<!tpu.dma_semaphore, #tpu.memory_space<semaphore_mem>>) src(%arg8 : memref<128x16xf32, #tpu.memory_space<vmem>>) dst(%dma_wait3A_209 : memref<100000x16xf32, #tpu.memory_space<vmem_shared>>)
      tpu.yield
    }) : () -> ()
    %run_scoped3A_133 = arith.constant 5 : i32
    "tpu.region"() ({
      %run_scoped3A_199 = tpu.sem_alloc : memref<!tpu.dma_semaphore, #tpu.memory_space<semaphore_mem>>
      %dma_start3A = arith.constant 0 : i32
      %dma_start3A_200 = tpu.memref_slice %arg6[%run_scoped3A_133, %dma_start3A] : memref<8x128xi32, #tpu.memory_space<vmem>> -> memref<1x128xi32, #tpu.memory_space<vmem>>
      %dma_start3A_201 = tpu.memref_squeeze %dma_start3A_200 : memref<1x128xi32, #tpu.memory_space<vmem>> -> memref<128xi32, #tpu.memory_space<vmem>>
      %dma_start3A_202 = arith.constant 0 : i32
      %dma_start3A_203 = arith.constant 0 : i32
      %dma_start3A_204 = tpu.memref_slice %arg12[%dma_start3A_202, %dma_start3A_203] : memref<100000x16xf32, #tpu.memory_space<vmem_shared>> -> memref<100000x16xf32, #tpu.memory_space<vmem_shared>>
      tpu.enqueue_indirect_dma source(%arg8 : memref<128x16xf32, #tpu.memory_space<vmem>>) target(%dma_start3A_204 : memref<100000x16xf32, #tpu.memory_space<vmem_shared>>) offsets(%dma_start3A_201 : memref<128xi32, #tpu.memory_space<vmem>>) semaphore(%run_scoped3A_199 : memref<!tpu.dma_semaphore, #tpu.memory_space<semaphore_mem>>)
      %dma_wait3A = arith.constant 0 : i32
      %dma_wait3A_205 = tpu.memref_slice %arg6[%run_scoped3A_133, %dma_wait3A] : memref<8x128xi32, #tpu.memory_space<vmem>> -> memref<1x128xi32, #tpu.memory_space<vmem>>
      %dma_wait3A_206 = tpu.memref_squeeze %dma_wait3A_205 : memref<1x128xi32, #tpu.memory_space<vmem>> -> memref<128xi32, #tpu.memory_space<vmem>>
      %dma_wait3A_207 = arith.constant 0 : i32
      %dma_wait3A_208 = arith.constant 0 : i32
      %dma_wait3A_209 = tpu.memref_slice %arg12[%dma_wait3A_207, %dma_wait3A_208] : memref<100000x16xf32, #tpu.memory_space<vmem_shared>> -> memref<100000x16xf32, #tpu.memory_space<vmem_shared>>
      tpu.wait_indirect_dma semaphore(%run_scoped3A_199 : memref<!tpu.dma_semaphore, #tpu.memory_space<semaphore_mem>>) src(%arg8 : memref<128x16xf32, #tpu.memory_space<vmem>>) dst(%dma_wait3A_209 : memref<100000x16xf32, #tpu.memory_space<vmem_shared>>)
      tpu.yield
    }) : () -> ()
    %run_scoped3A_134 = arith.constant 6 : i32
    "tpu.region"() ({
      %run_scoped3A_199 = tpu.sem_alloc : memref<!tpu.dma_semaphore, #tpu.memory_space<semaphore_mem>>
      %dma_start3A = arith.constant 0 : i32
      %dma_start3A_200 = tpu.memref_slice %arg6[%run_scoped3A_134, %dma_start3A] : memref<8x128xi32, #tpu.memory_space<vmem>> -> memref<1x128xi32, #tpu.memory_space<vmem>>
      %dma_start3A_201 = tpu.memref_squeeze %dma_start3A_200 : memref<1x128xi32, #tpu.memory_space<vmem>> -> memref<128xi32, #tpu.memory_space<vmem>>
      %dma_start3A_202 = arith.constant 0 : i32
      %dma_start3A_203 = arith.constant 0 : i32
      %dma_start3A_204 = tpu.memref_slice %arg12[%dma_start3A_202, %dma_start3A_203] : memref<100000x16xf32, #tpu.memory_space<vmem_shared>> -> memref<100000x16xf32, #tpu.memory_space<vmem_shared>>
      tpu.enqueue_indirect_dma source(%arg8 : memref<128x16xf32, #tpu.memory_space<vmem>>) target(%dma_start3A_204 : memref<100000x16xf32, #tpu.memory_space<vmem_shared>>) offsets(%dma_start3A_201 : memref<128xi32, #tpu.memory_space<vmem>>) semaphore(%run_scoped3A_199 : memref<!tpu.dma_semaphore, #tpu.memory_space<semaphore_mem>>)
      %dma_wait3A = arith.constant 0 : i32
      %dma_wait3A_205 = tpu.memref_slice %arg6[%run_scoped3A_134, %dma_wait3A] : memref<8x128xi32, #tpu.memory_space<vmem>> -> memref<1x128xi32, #tpu.memory_space<vmem>>
      %dma_wait3A_206 = tpu.memref_squeeze %dma_wait3A_205 : memref<1x128xi32, #tpu.memory_space<vmem>> -> memref<128xi32, #tpu.memory_space<vmem>>
      %dma_wait3A_207 = arith.constant 0 : i32
      %dma_wait3A_208 = arith.constant 0 : i32
      %dma_wait3A_209 = tpu.memref_slice %arg12[%dma_wait3A_207, %dma_wait3A_208] : memref<100000x16xf32, #tpu.memory_space<vmem_shared>> -> memref<100000x16xf32, #tpu.memory_space<vmem_shared>>
      tpu.wait_indirect_dma semaphore(%run_scoped3A_199 : memref<!tpu.dma_semaphore, #tpu.memory_space<semaphore_mem>>) src(%arg8 : memref<128x16xf32, #tpu.memory_space<vmem>>) dst(%dma_wait3A_209 : memref<100000x16xf32, #tpu.memory_space<vmem_shared>>)
      tpu.yield
    }) : () -> ()
    %run_scoped3A_135 = arith.constant 7 : i32
    "tpu.region"() ({
      %run_scoped3A_199 = tpu.sem_alloc : memref<!tpu.dma_semaphore, #tpu.memory_space<semaphore_mem>>
      %dma_start3A = arith.constant 0 : i32
      %dma_start3A_200 = tpu.memref_slice %arg6[%run_scoped3A_135, %dma_start3A] : memref<8x128xi32, #tpu.memory_space<vmem>> -> memref<1x128xi32, #tpu.memory_space<vmem>>
      %dma_start3A_201 = tpu.memref_squeeze %dma_start3A_200 : memref<1x128xi32, #tpu.memory_space<vmem>> -> memref<128xi32, #tpu.memory_space<vmem>>
      %dma_start3A_202 = arith.constant 0 : i32
      %dma_start3A_203 = arith.constant 0 : i32
      %dma_start3A_204 = tpu.memref_slice %arg12[%dma_start3A_202, %dma_start3A_203] : memref<100000x16xf32, #tpu.memory_space<vmem_shared>> -> memref<100000x16xf32, #tpu.memory_space<vmem_shared>>
      tpu.enqueue_indirect_dma source(%arg8 : memref<128x16xf32, #tpu.memory_space<vmem>>) target(%dma_start3A_204 : memref<100000x16xf32, #tpu.memory_space<vmem_shared>>) offsets(%dma_start3A_201 : memref<128xi32, #tpu.memory_space<vmem>>) semaphore(%run_scoped3A_199 : memref<!tpu.dma_semaphore, #tpu.memory_space<semaphore_mem>>)
      %dma_wait3A = arith.constant 0 : i32
      %dma_wait3A_205 = tpu.memref_slice %arg6[%run_scoped3A_135, %dma_wait3A] : memref<8x128xi32, #tpu.memory_space<vmem>> -> memref<1x128xi32, #tpu.memory_space<vmem>>
      %dma_wait3A_206 = tpu.memref_squeeze %dma_wait3A_205 : memref<1x128xi32, #tpu.memory_space<vmem>> -> memref<128xi32, #tpu.memory_space<vmem>>
      %dma_wait3A_207 = arith.constant 0 : i32
      %dma_wait3A_208 = arith.constant 0 : i32
      %dma_wait3A_209 = tpu.memref_slice %arg12[%dma_wait3A_207, %dma_wait3A_208] : memref<100000x16xf32, #tpu.memory_space<vmem_shared>> -> memref<100000x16xf32, #tpu.memory_space<vmem_shared>>
      tpu.wait_indirect_dma semaphore(%run_scoped3A_199 : memref<!tpu.dma_semaphore, #tpu.memory_space<semaphore_mem>>) src(%arg8 : memref<128x16xf32, #tpu.memory_space<vmem>>) dst(%dma_wait3A_209 : memref<100000x16xf32, #tpu.memory_space<vmem_shared>>)
      tpu.yield
    }) : () -> ()
    %eq3A = arith.constant 0 : i32
    %eq3A_136 = arith.cmpi eq, %arg0, %eq3A : i32
    %convert_element_type3A = arith.extui %eq3A_136 : i1 to i32
    %cond3A = arith.constant 0 : i32
    %cond3A_137 = arith.cmpi ne, %convert_element_type3A, %cond3A : i32
    scf.if %cond3A_137 {
      %run_scoped3A_199 = arith.constant 0 : i32
      "tpu.region"() ({
        %run_scoped3A_207 = tpu.sem_alloc : memref<!tpu.dma_semaphore, #tpu.memory_space<semaphore_mem>>
        %dma_start3A = arith.constant 0 : i32
        %dma_start3A_208 = tpu.memref_slice %arg6[%run_scoped3A_199, %dma_start3A] : memref<8x128xi32, #tpu.memory_space<vmem>> -> memref<1x128xi32, #tpu.memory_space<vmem>>
        %dma_start3A_209 = tpu.memref_squeeze %dma_start3A_208 : memref<1x128xi32, #tpu.memory_space<vmem>> -> memref<128xi32, #tpu.memory_space<vmem>>
        %dma_start3A_210 = arith.constant 0 : i32
        %dma_start3A_211 = tpu.memref_slice %arg13[%dma_start3A_210] : memref<100000xf32, #tpu.memory_space<vmem_shared>> -> memref<100000xf32, #tpu.memory_space<vmem_shared>>
        tpu.enqueue_indirect_dma source(%arg9 : memref<128xf32, #tpu.memory_space<vmem>>) target(%dma_start3A_211 : memref<100000xf32, #tpu.memory_space<vmem_shared>>) offsets(%dma_start3A_209 : memref<128xi32, #tpu.memory_space<vmem>>) semaphore(%run_scoped3A_207 : memref<!tpu.dma_semaphore, #tpu.memory_space<semaphore_mem>>)
        %dma_wait3A = arith.constant 0 : i32
        %dma_wait3A_212 = tpu.memref_slice %arg6[%run_scoped3A_199, %dma_wait3A] : memref<8x128xi32, #tpu.memory_space<vmem>> -> memref<1x128xi32, #tpu.memory_space<vmem>>
        %dma_wait3A_213 = tpu.memref_squeeze %dma_wait3A_212 : memref<1x128xi32, #tpu.memory_space<vmem>> -> memref<128xi32, #tpu.memory_space<vmem>>
        %dma_wait3A_214 = arith.constant 0 : i32
        %dma_wait3A_215 = tpu.memref_slice %arg13[%dma_wait3A_214] : memref<100000xf32, #tpu.memory_space<vmem_shared>> -> memref<100000xf32, #tpu.memory_space<vmem_shared>>
        tpu.wait_indirect_dma semaphore(%run_scoped3A_207 : memref<!tpu.dma_semaphore, #tpu.memory_space<semaphore_mem>>) src(%arg9 : memref<128xf32, #tpu.memory_space<vmem>>) dst(%dma_wait3A_215 : memref<100000xf32, #tpu.memory_space<vmem_shared>>)
        tpu.yield
      }) : () -> ()
      %run_scoped3A_200 = arith.constant 1 : i32
      "tpu.region"() ({
        %run_scoped3A_207 = tpu.sem_alloc : memref<!tpu.dma_semaphore, #tpu.memory_space<semaphore_mem>>
        %dma_start3A = arith.constant 0 : i32
        %dma_start3A_208 = tpu.memref_slice %arg6[%run_scoped3A_200, %dma_start3A] : memref<8x128xi32, #tpu.memory_space<vmem>> -> memref<1x128xi32, #tpu.memory_space<vmem>>
        %dma_start3A_209 = tpu.memref_squeeze %dma_start3A_208 : memref<1x128xi32, #tpu.memory_space<vmem>> -> memref<128xi32, #tpu.memory_space<vmem>>
        %dma_start3A_210 = arith.constant 0 : i32
        %dma_start3A_211 = tpu.memref_slice %arg13[%dma_start3A_210] : memref<100000xf32, #tpu.memory_space<vmem_shared>> -> memref<100000xf32, #tpu.memory_space<vmem_shared>>
        tpu.enqueue_indirect_dma source(%arg9 : memref<128xf32, #tpu.memory_space<vmem>>) target(%dma_start3A_211 : memref<100000xf32, #tpu.memory_space<vmem_shared>>) offsets(%dma_start3A_209 : memref<128xi32, #tpu.memory_space<vmem>>) semaphore(%run_scoped3A_207 : memref<!tpu.dma_semaphore, #tpu.memory_space<semaphore_mem>>)
        %dma_wait3A = arith.constant 0 : i32
        %dma_wait3A_212 = tpu.memref_slice %arg6[%run_scoped3A_200, %dma_wait3A] : memref<8x128xi32, #tpu.memory_space<vmem>> -> memref<1x128xi32, #tpu.memory_space<vmem>>
        %dma_wait3A_213 = tpu.memref_squeeze %dma_wait3A_212 : memref<1x128xi32, #tpu.memory_space<vmem>> -> memref<128xi32, #tpu.memory_space<vmem>>
        %dma_wait3A_214 = arith.constant 0 : i32
        %dma_wait3A_215 = tpu.memref_slice %arg13[%dma_wait3A_214] : memref<100000xf32, #tpu.memory_space<vmem_shared>> -> memref<100000xf32, #tpu.memory_space<vmem_shared>>
        tpu.wait_indirect_dma semaphore(%run_scoped3A_207 : memref<!tpu.dma_semaphore, #tpu.memory_space<semaphore_mem>>) src(%arg9 : memref<128xf32, #tpu.memory_space<vmem>>) dst(%dma_wait3A_215 : memref<100000xf32, #tpu.memory_space<vmem_shared>>)
        tpu.yield
      }) : () -> ()
      %run_scoped3A_201 = arith.constant 2 : i32
      "tpu.region"() ({
        %run_scoped3A_207 = tpu.sem_alloc : memref<!tpu.dma_semaphore, #tpu.memory_space<semaphore_mem>>
        %dma_start3A = arith.constant 0 : i32
        %dma_start3A_208 = tpu.memref_slice %arg6[%run_scoped3A_201, %dma_start3A] : memref<8x128xi32, #tpu.memory_space<vmem>> -> memref<1x128xi32, #tpu.memory_space<vmem>>
        %dma_start3A_209 = tpu.memref_squeeze %dma_start3A_208 : memref<1x128xi32, #tpu.memory_space<vmem>> -> memref<128xi32, #tpu.memory_space<vmem>>
        %dma_start3A_210 = arith.constant 0 : i32
        %dma_start3A_211 = tpu.memref_slice %arg13[%dma_start3A_210] : memref<100000xf32, #tpu.memory_space<vmem_shared>> -> memref<100000xf32, #tpu.memory_space<vmem_shared>>
        tpu.enqueue_indirect_dma source(%arg9 : memref<128xf32, #tpu.memory_space<vmem>>) target(%dma_start3A_211 : memref<100000xf32, #tpu.memory_space<vmem_shared>>) offsets(%dma_start3A_209 : memref<128xi32, #tpu.memory_space<vmem>>) semaphore(%run_scoped3A_207 : memref<!tpu.dma_semaphore, #tpu.memory_space<semaphore_mem>>)
        %dma_wait3A = arith.constant 0 : i32
        %dma_wait3A_212 = tpu.memref_slice %arg6[%run_scoped3A_201, %dma_wait3A] : memref<8x128xi32, #tpu.memory_space<vmem>> -> memref<1x128xi32, #tpu.memory_space<vmem>>
        %dma_wait3A_213 = tpu.memref_squeeze %dma_wait3A_212 : memref<1x128xi32, #tpu.memory_space<vmem>> -> memref<128xi32, #tpu.memory_space<vmem>>
        %dma_wait3A_214 = arith.constant 0 : i32
        %dma_wait3A_215 = tpu.memref_slice %arg13[%dma_wait3A_214] : memref<100000xf32, #tpu.memory_space<vmem_shared>> -> memref<100000xf32, #tpu.memory_space<vmem_shared>>
        tpu.wait_indirect_dma semaphore(%run_scoped3A_207 : memref<!tpu.dma_semaphore, #tpu.memory_space<semaphore_mem>>) src(%arg9 : memref<128xf32, #tpu.memory_space<vmem>>) dst(%dma_wait3A_215 : memref<100000xf32, #tpu.memory_space<vmem_shared>>)
        tpu.yield
      }) : () -> ()
      %run_scoped3A_202 = arith.constant 3 : i32
      "tpu.region"() ({
        %run_scoped3A_207 = tpu.sem_alloc : memref<!tpu.dma_semaphore, #tpu.memory_space<semaphore_mem>>
        %dma_start3A = arith.constant 0 : i32
        %dma_start3A_208 = tpu.memref_slice %arg6[%run_scoped3A_202, %dma_start3A] : memref<8x128xi32, #tpu.memory_space<vmem>> -> memref<1x128xi32, #tpu.memory_space<vmem>>
        %dma_start3A_209 = tpu.memref_squeeze %dma_start3A_208 : memref<1x128xi32, #tpu.memory_space<vmem>> -> memref<128xi32, #tpu.memory_space<vmem>>
        %dma_start3A_210 = arith.constant 0 : i32
        %dma_start3A_211 = tpu.memref_slice %arg13[%dma_start3A_210] : memref<100000xf32, #tpu.memory_space<vmem_shared>> -> memref<100000xf32, #tpu.memory_space<vmem_shared>>
        tpu.enqueue_indirect_dma source(%arg9 : memref<128xf32, #tpu.memory_space<vmem>>) target(%dma_start3A_211 : memref<100000xf32, #tpu.memory_space<vmem_shared>>) offsets(%dma_start3A_209 : memref<128xi32, #tpu.memory_space<vmem>>) semaphore(%run_scoped3A_207 : memref<!tpu.dma_semaphore, #tpu.memory_space<semaphore_mem>>)
        %dma_wait3A = arith.constant 0 : i32
        %dma_wait3A_212 = tpu.memref_slice %arg6[%run_scoped3A_202, %dma_wait3A] : memref<8x128xi32, #tpu.memory_space<vmem>> -> memref<1x128xi32, #tpu.memory_space<vmem>>
        %dma_wait3A_213 = tpu.memref_squeeze %dma_wait3A_212 : memref<1x128xi32, #tpu.memory_space<vmem>> -> memref<128xi32, #tpu.memory_space<vmem>>
        %dma_wait3A_214 = arith.constant 0 : i32
        %dma_wait3A_215 = tpu.memref_slice %arg13[%dma_wait3A_214] : memref<100000xf32, #tpu.memory_space<vmem_shared>> -> memref<100000xf32, #tpu.memory_space<vmem_shared>>
        tpu.wait_indirect_dma semaphore(%run_scoped3A_207 : memref<!tpu.dma_semaphore, #tpu.memory_space<semaphore_mem>>) src(%arg9 : memref<128xf32, #tpu.memory_space<vmem>>) dst(%dma_wait3A_215 : memref<100000xf32, #tpu.memory_space<vmem_shared>>)
        tpu.yield
      }) : () -> ()
      %run_scoped3A_203 = arith.constant 4 : i32
      "tpu.region"() ({
        %run_scoped3A_207 = tpu.sem_alloc : memref<!tpu.dma_semaphore, #tpu.memory_space<semaphore_mem>>
        %dma_start3A = arith.constant 0 : i32
        %dma_start3A_208 = tpu.memref_slice %arg6[%run_scoped3A_203, %dma_start3A] : memref<8x128xi32, #tpu.memory_space<vmem>> -> memref<1x128xi32, #tpu.memory_space<vmem>>
        %dma_start3A_209 = tpu.memref_squeeze %dma_start3A_208 : memref<1x128xi32, #tpu.memory_space<vmem>> -> memref<128xi32, #tpu.memory_space<vmem>>
        %dma_start3A_210 = arith.constant 0 : i32
        %dma_start3A_211 = tpu.memref_slice %arg13[%dma_start3A_210] : memref<100000xf32, #tpu.memory_space<vmem_shared>> -> memref<100000xf32, #tpu.memory_space<vmem_shared>>
        tpu.enqueue_indirect_dma source(%arg9 : memref<128xf32, #tpu.memory_space<vmem>>) target(%dma_start3A_211 : memref<100000xf32, #tpu.memory_space<vmem_shared>>) offsets(%dma_start3A_209 : memref<128xi32, #tpu.memory_space<vmem>>) semaphore(%run_scoped3A_207 : memref<!tpu.dma_semaphore, #tpu.memory_space<semaphore_mem>>)
        %dma_wait3A = arith.constant 0 : i32
        %dma_wait3A_212 = tpu.memref_slice %arg6[%run_scoped3A_203, %dma_wait3A] : memref<8x128xi32, #tpu.memory_space<vmem>> -> memref<1x128xi32, #tpu.memory_space<vmem>>
        %dma_wait3A_213 = tpu.memref_squeeze %dma_wait3A_212 : memref<1x128xi32, #tpu.memory_space<vmem>> -> memref<128xi32, #tpu.memory_space<vmem>>
        %dma_wait3A_214 = arith.constant 0 : i32
        %dma_wait3A_215 = tpu.memref_slice %arg13[%dma_wait3A_214] : memref<100000xf32, #tpu.memory_space<vmem_shared>> -> memref<100000xf32, #tpu.memory_space<vmem_shared>>
        tpu.wait_indirect_dma semaphore(%run_scoped3A_207 : memref<!tpu.dma_semaphore, #tpu.memory_space<semaphore_mem>>) src(%arg9 : memref<128xf32, #tpu.memory_space<vmem>>) dst(%dma_wait3A_215 : memref<100000xf32, #tpu.memory_space<vmem_shared>>)
        tpu.yield
      }) : () -> ()
      %run_scoped3A_204 = arith.constant 5 : i32
      "tpu.region"() ({
        %run_scoped3A_207 = tpu.sem_alloc : memref<!tpu.dma_semaphore, #tpu.memory_space<semaphore_mem>>
        %dma_start3A = arith.constant 0 : i32
        %dma_start3A_208 = tpu.memref_slice %arg6[%run_scoped3A_204, %dma_start3A] : memref<8x128xi32, #tpu.memory_space<vmem>> -> memref<1x128xi32, #tpu.memory_space<vmem>>
        %dma_start3A_209 = tpu.memref_squeeze %dma_start3A_208 : memref<1x128xi32, #tpu.memory_space<vmem>> -> memref<128xi32, #tpu.memory_space<vmem>>
        %dma_start3A_210 = arith.constant 0 : i32
        %dma_start3A_211 = tpu.memref_slice %arg13[%dma_start3A_210] : memref<100000xf32, #tpu.memory_space<vmem_shared>> -> memref<100000xf32, #tpu.memory_space<vmem_shared>>
        tpu.enqueue_indirect_dma source(%arg9 : memref<128xf32, #tpu.memory_space<vmem>>) target(%dma_start3A_211 : memref<100000xf32, #tpu.memory_space<vmem_shared>>) offsets(%dma_start3A_209 : memref<128xi32, #tpu.memory_space<vmem>>) semaphore(%run_scoped3A_207 : memref<!tpu.dma_semaphore, #tpu.memory_space<semaphore_mem>>)
        %dma_wait3A = arith.constant 0 : i32
        %dma_wait3A_212 = tpu.memref_slice %arg6[%run_scoped3A_204, %dma_wait3A] : memref<8x128xi32, #tpu.memory_space<vmem>> -> memref<1x128xi32, #tpu.memory_space<vmem>>
        %dma_wait3A_213 = tpu.memref_squeeze %dma_wait3A_212 : memref<1x128xi32, #tpu.memory_space<vmem>> -> memref<128xi32, #tpu.memory_space<vmem>>
        %dma_wait3A_214 = arith.constant 0 : i32
        %dma_wait3A_215 = tpu.memref_slice %arg13[%dma_wait3A_214] : memref<100000xf32, #tpu.memory_space<vmem_shared>> -> memref<100000xf32, #tpu.memory_space<vmem_shared>>
        tpu.wait_indirect_dma semaphore(%run_scoped3A_207 : memref<!tpu.dma_semaphore, #tpu.memory_space<semaphore_mem>>) src(%arg9 : memref<128xf32, #tpu.memory_space<vmem>>) dst(%dma_wait3A_215 : memref<100000xf32, #tpu.memory_space<vmem_shared>>)
        tpu.yield
      }) : () -> ()
      %run_scoped3A_205 = arith.constant 6 : i32
      "tpu.region"() ({
        %run_scoped3A_207 = tpu.sem_alloc : memref<!tpu.dma_semaphore, #tpu.memory_space<semaphore_mem>>
        %dma_start3A = arith.constant 0 : i32
        %dma_start3A_208 = tpu.memref_slice %arg6[%run_scoped3A_205, %dma_start3A] : memref<8x128xi32, #tpu.memory_space<vmem>> -> memref<1x128xi32, #tpu.memory_space<vmem>>
        %dma_start3A_209 = tpu.memref_squeeze %dma_start3A_208 : memref<1x128xi32, #tpu.memory_space<vmem>> -> memref<128xi32, #tpu.memory_space<vmem>>
        %dma_start3A_210 = arith.constant 0 : i32
        %dma_start3A_211 = tpu.memref_slice %arg13[%dma_start3A_210] : memref<100000xf32, #tpu.memory_space<vmem_shared>> -> memref<100000xf32, #tpu.memory_space<vmem_shared>>
        tpu.enqueue_indirect_dma source(%arg9 : memref<128xf32, #tpu.memory_space<vmem>>) target(%dma_start3A_211 : memref<100000xf32, #tpu.memory_space<vmem_shared>>) offsets(%dma_start3A_209 : memref<128xi32, #tpu.memory_space<vmem>>) semaphore(%run_scoped3A_207 : memref<!tpu.dma_semaphore, #tpu.memory_space<semaphore_mem>>)
        %dma_wait3A = arith.constant 0 : i32
        %dma_wait3A_212 = tpu.memref_slice %arg6[%run_scoped3A_205, %dma_wait3A] : memref<8x128xi32, #tpu.memory_space<vmem>> -> memref<1x128xi32, #tpu.memory_space<vmem>>
        %dma_wait3A_213 = tpu.memref_squeeze %dma_wait3A_212 : memref<1x128xi32, #tpu.memory_space<vmem>> -> memref<128xi32, #tpu.memory_space<vmem>>
        %dma_wait3A_214 = arith.constant 0 : i32
        %dma_wait3A_215 = tpu.memref_slice %arg13[%dma_wait3A_214] : memref<100000xf32, #tpu.memory_space<vmem_shared>> -> memref<100000xf32, #tpu.memory_space<vmem_shared>>
        tpu.wait_indirect_dma semaphore(%run_scoped3A_207 : memref<!tpu.dma_semaphore, #tpu.memory_space<semaphore_mem>>) src(%arg9 : memref<128xf32, #tpu.memory_space<vmem>>) dst(%dma_wait3A_215 : memref<100000xf32, #tpu.memory_space<vmem_shared>>)
        tpu.yield
      }) : () -> ()
      %run_scoped3A_206 = arith.constant 7 : i32
      "tpu.region"() ({
        %run_scoped3A_207 = tpu.sem_alloc : memref<!tpu.dma_semaphore, #tpu.memory_space<semaphore_mem>>
        %dma_start3A = arith.constant 0 : i32
        %dma_start3A_208 = tpu.memref_slice %arg6[%run_scoped3A_206, %dma_start3A] : memref<8x128xi32, #tpu.memory_space<vmem>> -> memref<1x128xi32, #tpu.memory_space<vmem>>
        %dma_start3A_209 = tpu.memref_squeeze %dma_start3A_208 : memref<1x128xi32, #tpu.memory_space<vmem>> -> memref<128xi32, #tpu.memory_space<vmem>>
        %dma_start3A_210 = arith.constant 0 : i32
        %dma_start3A_211 = tpu.memref_slice %arg13[%dma_start3A_210] : memref<100000xf32, #tpu.memory_space<vmem_shared>> -> memref<100000xf32, #tpu.memory_space<vmem_shared>>
        tpu.enqueue_indirect_dma source(%arg9 : memref<128xf32, #tpu.memory_space<vmem>>) target(%dma_start3A_211 : memref<100000xf32, #tpu.memory_space<vmem_shared>>) offsets(%dma_start3A_209 : memref<128xi32, #tpu.memory_space<vmem>>) semaphore(%run_scoped3A_207 : memref<!tpu.dma_semaphore, #tpu.memory_space<semaphore_mem>>)
        %dma_wait3A = arith.constant 0 : i32
        %dma_wait3A_212 = tpu.memref_slice %arg6[%run_scoped3A_206, %dma_wait3A] : memref<8x128xi32, #tpu.memory_space<vmem>> -> memref<1x128xi32, #tpu.memory_space<vmem>>
        %dma_wait3A_213 = tpu.memref_squeeze %dma_wait3A_212 : memref<1x128xi32, #tpu.memory_space<vmem>> -> memref<128xi32, #tpu.memory_space<vmem>>
        %dma_wait3A_214 = arith.constant 0 : i32
        %dma_wait3A_215 = tpu.memref_slice %arg13[%dma_wait3A_214] : memref<100000xf32, #tpu.memory_space<vmem_shared>> -> memref<100000xf32, #tpu.memory_space<vmem_shared>>
        tpu.wait_indirect_dma semaphore(%run_scoped3A_207 : memref<!tpu.dma_semaphore, #tpu.memory_space<semaphore_mem>>) src(%arg9 : memref<128xf32, #tpu.memory_space<vmem>>) dst(%dma_wait3A_215 : memref<100000xf32, #tpu.memory_space<vmem_shared>>)
        tpu.yield
      }) : () -> ()
    } else {
    }
    %barrier3A = arith.constant 0 : index
    tpu.barrier barrier_id(%barrier3A)
    "tpu.region"() ({
      %run_scoped3A_199 = tpu.sem_alloc : memref<!tpu.dma_semaphore, #tpu.memory_space<semaphore_mem>>
      %dma_start3A = tpu.memref_slice %arg2[%mul3A_0, %add3A_127] : memref<16384x64xf32, #tpu.memory_space<hbm>> -> memref<1024x16xf32, #tpu.memory_space<hbm>>
      %dma_start3A_200 = tpu.memref_slice %arg2[%mul3A_0, %add3A_127] : memref<16384x64xf32, #tpu.memory_space<hbm>> -> memref<1024x16xf32, #tpu.memory_space<hbm>>
      tpu.enqueue_dma source(%dma_start3A_200 : memref<1024x16xf32, #tpu.memory_space<hbm>>) target(%arg7 : memref<1024x16xf32, #tpu.memory_space<vmem>>) target_semaphore(%run_scoped3A_199 : memref<!tpu.dma_semaphore, #tpu.memory_space<semaphore_mem>>)
      %dma_wait3A = tpu.memref_slice %arg2[%mul3A_0, %add3A_127] : memref<16384x64xf32, #tpu.memory_space<hbm>> -> memref<1024x16xf32, #tpu.memory_space<hbm>>
      %dma_wait3A_201 = tpu.memref_slice %arg2[%mul3A_0, %add3A_127] : memref<16384x64xf32, #tpu.memory_space<hbm>> -> memref<1024x16xf32, #tpu.memory_space<hbm>>
      tpu.wait_dma2 semaphore(%run_scoped3A_199 : memref<!tpu.dma_semaphore, #tpu.memory_space<semaphore_mem>>) src(%dma_wait3A_201 : memref<1024x16xf32, #tpu.memory_space<hbm>>) dst(%arg7 : memref<1024x16xf32, #tpu.memory_space<vmem>>)
      tpu.yield
    }) : () -> ()
    %run_scoped3A_138 = arith.constant 0 : i32
    "tpu.region"() ({
      %run_scoped3A_199 = tpu.sem_alloc : memref<!tpu.dma_semaphore, #tpu.memory_space<semaphore_mem>>
      %dma_start3A = arith.constant 0 : i32
      %dma_start3A_200 = arith.constant 0 : i32
      %dma_start3A_201 = tpu.memref_slice %arg7[%dma_start3A, %dma_start3A_200] : memref<1024x16xf32, #tpu.memory_space<vmem>> -> memref<128x16xf32, #tpu.memory_space<vmem>>
      %dma_start3A_202 = arith.constant 0 : i32
      %dma_start3A_203 = tpu.memref_slice %arg6[%run_scoped3A_138, %dma_start3A_202] : memref<8x128xi32, #tpu.memory_space<vmem>> -> memref<1x128xi32, #tpu.memory_space<vmem>>
      %dma_start3A_204 = tpu.memref_squeeze %dma_start3A_203 : memref<1x128xi32, #tpu.memory_space<vmem>> -> memref<128xi32, #tpu.memory_space<vmem>>
      %dma_start3A_205 = arith.constant 0 : i32
      %dma_start3A_206 = arith.constant 0 : i32
      %dma_start3A_207 = tpu.memref_slice %arg12[%dma_start3A_205, %dma_start3A_206] : memref<100000x16xf32, #tpu.memory_space<vmem_shared>> -> memref<100000x16xf32, #tpu.memory_space<vmem_shared>>
      tpu.enqueue_indirect_dma source(%dma_start3A_201 : memref<128x16xf32, #tpu.memory_space<vmem>>) target(%dma_start3A_207 : memref<100000x16xf32, #tpu.memory_space<vmem_shared>>) offsets(%dma_start3A_204 : memref<128xi32, #tpu.memory_space<vmem>>) semaphore(%run_scoped3A_199 : memref<!tpu.dma_semaphore, #tpu.memory_space<semaphore_mem>>) {add = true}
      %dma_wait3A = arith.constant 0 : i32
      %dma_wait3A_208 = arith.constant 0 : i32
      %dma_wait3A_209 = tpu.memref_slice %arg7[%dma_wait3A, %dma_wait3A_208] : memref<1024x16xf32, #tpu.memory_space<vmem>> -> memref<128x16xf32, #tpu.memory_space<vmem>>
      %dma_wait3A_210 = arith.constant 0 : i32
      %dma_wait3A_211 = tpu.memref_slice %arg6[%run_scoped3A_138, %dma_wait3A_210] : memref<8x128xi32, #tpu.memory_space<vmem>> -> memref<1x128xi32, #tpu.memory_space<vmem>>
      %dma_wait3A_212 = tpu.memref_squeeze %dma_wait3A_211 : memref<1x128xi32, #tpu.memory_space<vmem>> -> memref<128xi32, #tpu.memory_space<vmem>>
      %dma_wait3A_213 = arith.constant 0 : i32
      %dma_wait3A_214 = arith.constant 0 : i32
      %dma_wait3A_215 = tpu.memref_slice %arg12[%dma_wait3A_213, %dma_wait3A_214] : memref<100000x16xf32, #tpu.memory_space<vmem_shared>> -> memref<100000x16xf32, #tpu.memory_space<vmem_shared>>
      tpu.wait_indirect_dma semaphore(%run_scoped3A_199 : memref<!tpu.dma_semaphore, #tpu.memory_space<semaphore_mem>>) src(%dma_wait3A_209 : memref<128x16xf32, #tpu.memory_space<vmem>>) dst(%dma_wait3A_215 : memref<100000x16xf32, #tpu.memory_space<vmem_shared>>)
      tpu.yield
    }) : () -> ()
    %run_scoped3A_139 = arith.constant 1 : i32
    "tpu.region"() ({
      %run_scoped3A_199 = tpu.sem_alloc : memref<!tpu.dma_semaphore, #tpu.memory_space<semaphore_mem>>
      %dma_start3A = arith.constant 128 : i32
      %dma_start3A_200 = arith.constant 0 : i32
      %dma_start3A_201 = tpu.memref_slice %arg7[%dma_start3A, %dma_start3A_200] : memref<1024x16xf32, #tpu.memory_space<vmem>> -> memref<128x16xf32, #tpu.memory_space<vmem>>
      %dma_start3A_202 = arith.constant 0 : i32
      %dma_start3A_203 = tpu.memref_slice %arg6[%run_scoped3A_139, %dma_start3A_202] : memref<8x128xi32, #tpu.memory_space<vmem>> -> memref<1x128xi32, #tpu.memory_space<vmem>>
      %dma_start3A_204 = tpu.memref_squeeze %dma_start3A_203 : memref<1x128xi32, #tpu.memory_space<vmem>> -> memref<128xi32, #tpu.memory_space<vmem>>
      %dma_start3A_205 = arith.constant 0 : i32
      %dma_start3A_206 = arith.constant 0 : i32
      %dma_start3A_207 = tpu.memref_slice %arg12[%dma_start3A_205, %dma_start3A_206] : memref<100000x16xf32, #tpu.memory_space<vmem_shared>> -> memref<100000x16xf32, #tpu.memory_space<vmem_shared>>
      tpu.enqueue_indirect_dma source(%dma_start3A_201 : memref<128x16xf32, #tpu.memory_space<vmem>>) target(%dma_start3A_207 : memref<100000x16xf32, #tpu.memory_space<vmem_shared>>) offsets(%dma_start3A_204 : memref<128xi32, #tpu.memory_space<vmem>>) semaphore(%run_scoped3A_199 : memref<!tpu.dma_semaphore, #tpu.memory_space<semaphore_mem>>) {add = true}
      %dma_wait3A = arith.constant 128 : i32
      %dma_wait3A_208 = arith.constant 0 : i32
      %dma_wait3A_209 = tpu.memref_slice %arg7[%dma_wait3A, %dma_wait3A_208] : memref<1024x16xf32, #tpu.memory_space<vmem>> -> memref<128x16xf32, #tpu.memory_space<vmem>>
      %dma_wait3A_210 = arith.constant 0 : i32
      %dma_wait3A_211 = tpu.memref_slice %arg6[%run_scoped3A_139, %dma_wait3A_210] : memref<8x128xi32, #tpu.memory_space<vmem>> -> memref<1x128xi32, #tpu.memory_space<vmem>>
      %dma_wait3A_212 = tpu.memref_squeeze %dma_wait3A_211 : memref<1x128xi32, #tpu.memory_space<vmem>> -> memref<128xi32, #tpu.memory_space<vmem>>
      %dma_wait3A_213 = arith.constant 0 : i32
      %dma_wait3A_214 = arith.constant 0 : i32
      %dma_wait3A_215 = tpu.memref_slice %arg12[%dma_wait3A_213, %dma_wait3A_214] : memref<100000x16xf32, #tpu.memory_space<vmem_shared>> -> memref<100000x16xf32, #tpu.memory_space<vmem_shared>>
      tpu.wait_indirect_dma semaphore(%run_scoped3A_199 : memref<!tpu.dma_semaphore, #tpu.memory_space<semaphore_mem>>) src(%dma_wait3A_209 : memref<128x16xf32, #tpu.memory_space<vmem>>) dst(%dma_wait3A_215 : memref<100000x16xf32, #tpu.memory_space<vmem_shared>>)
      tpu.yield
    }) : () -> ()
    %run_scoped3A_140 = arith.constant 2 : i32
    "tpu.region"() ({
      %run_scoped3A_199 = tpu.sem_alloc : memref<!tpu.dma_semaphore, #tpu.memory_space<semaphore_mem>>
      %dma_start3A = arith.constant 256 : i32
      %dma_start3A_200 = arith.constant 0 : i32
      %dma_start3A_201 = tpu.memref_slice %arg7[%dma_start3A, %dma_start3A_200] : memref<1024x16xf32, #tpu.memory_space<vmem>> -> memref<128x16xf32, #tpu.memory_space<vmem>>
      %dma_start3A_202 = arith.constant 0 : i32
      %dma_start3A_203 = tpu.memref_slice %arg6[%run_scoped3A_140, %dma_start3A_202] : memref<8x128xi32, #tpu.memory_space<vmem>> -> memref<1x128xi32, #tpu.memory_space<vmem>>
      %dma_start3A_204 = tpu.memref_squeeze %dma_start3A_203 : memref<1x128xi32, #tpu.memory_space<vmem>> -> memref<128xi32, #tpu.memory_space<vmem>>
      %dma_start3A_205 = arith.constant 0 : i32
      %dma_start3A_206 = arith.constant 0 : i32
      %dma_start3A_207 = tpu.memref_slice %arg12[%dma_start3A_205, %dma_start3A_206] : memref<100000x16xf32, #tpu.memory_space<vmem_shared>> -> memref<100000x16xf32, #tpu.memory_space<vmem_shared>>
      tpu.enqueue_indirect_dma source(%dma_start3A_201 : memref<128x16xf32, #tpu.memory_space<vmem>>) target(%dma_start3A_207 : memref<100000x16xf32, #tpu.memory_space<vmem_shared>>) offsets(%dma_start3A_204 : memref<128xi32, #tpu.memory_space<vmem>>) semaphore(%run_scoped3A_199 : memref<!tpu.dma_semaphore, #tpu.memory_space<semaphore_mem>>) {add = true}
      %dma_wait3A = arith.constant 256 : i32
      %dma_wait3A_208 = arith.constant 0 : i32
      %dma_wait3A_209 = tpu.memref_slice %arg7[%dma_wait3A, %dma_wait3A_208] : memref<1024x16xf32, #tpu.memory_space<vmem>> -> memref<128x16xf32, #tpu.memory_space<vmem>>
      %dma_wait3A_210 = arith.constant 0 : i32
      %dma_wait3A_211 = tpu.memref_slice %arg6[%run_scoped3A_140, %dma_wait3A_210] : memref<8x128xi32, #tpu.memory_space<vmem>> -> memref<1x128xi32, #tpu.memory_space<vmem>>
      %dma_wait3A_212 = tpu.memref_squeeze %dma_wait3A_211 : memref<1x128xi32, #tpu.memory_space<vmem>> -> memref<128xi32, #tpu.memory_space<vmem>>
      %dma_wait3A_213 = arith.constant 0 : i32
      %dma_wait3A_214 = arith.constant 0 : i32
      %dma_wait3A_215 = tpu.memref_slice %arg12[%dma_wait3A_213, %dma_wait3A_214] : memref<100000x16xf32, #tpu.memory_space<vmem_shared>> -> memref<100000x16xf32, #tpu.memory_space<vmem_shared>>
      tpu.wait_indirect_dma semaphore(%run_scoped3A_199 : memref<!tpu.dma_semaphore, #tpu.memory_space<semaphore_mem>>) src(%dma_wait3A_209 : memref<128x16xf32, #tpu.memory_space<vmem>>) dst(%dma_wait3A_215 : memref<100000x16xf32, #tpu.memory_space<vmem_shared>>)
      tpu.yield
    }) : () -> ()
    %run_scoped3A_141 = arith.constant 3 : i32
    "tpu.region"() ({
      %run_scoped3A_199 = tpu.sem_alloc : memref<!tpu.dma_semaphore, #tpu.memory_space<semaphore_mem>>
      %dma_start3A = arith.constant 384 : i32
      %dma_start3A_200 = arith.constant 0 : i32
      %dma_start3A_201 = tpu.memref_slice %arg7[%dma_start3A, %dma_start3A_200] : memref<1024x16xf32, #tpu.memory_space<vmem>> -> memref<128x16xf32, #tpu.memory_space<vmem>>
      %dma_start3A_202 = arith.constant 0 : i32
      %dma_start3A_203 = tpu.memref_slice %arg6[%run_scoped3A_141, %dma_start3A_202] : memref<8x128xi32, #tpu.memory_space<vmem>> -> memref<1x128xi32, #tpu.memory_space<vmem>>
      %dma_start3A_204 = tpu.memref_squeeze %dma_start3A_203 : memref<1x128xi32, #tpu.memory_space<vmem>> -> memref<128xi32, #tpu.memory_space<vmem>>
      %dma_start3A_205 = arith.constant 0 : i32
      %dma_start3A_206 = arith.constant 0 : i32
      %dma_start3A_207 = tpu.memref_slice %arg12[%dma_start3A_205, %dma_start3A_206] : memref<100000x16xf32, #tpu.memory_space<vmem_shared>> -> memref<100000x16xf32, #tpu.memory_space<vmem_shared>>
      tpu.enqueue_indirect_dma source(%dma_start3A_201 : memref<128x16xf32, #tpu.memory_space<vmem>>) target(%dma_start3A_207 : memref<100000x16xf32, #tpu.memory_space<vmem_shared>>) offsets(%dma_start3A_204 : memref<128xi32, #tpu.memory_space<vmem>>) semaphore(%run_scoped3A_199 : memref<!tpu.dma_semaphore, #tpu.memory_space<semaphore_mem>>) {add = true}
      %dma_wait3A = arith.constant 384 : i32
      %dma_wait3A_208 = arith.constant 0 : i32
      %dma_wait3A_209 = tpu.memref_slice %arg7[%dma_wait3A, %dma_wait3A_208] : memref<1024x16xf32, #tpu.memory_space<vmem>> -> memref<128x16xf32, #tpu.memory_space<vmem>>
      %dma_wait3A_210 = arith.constant 0 : i32
      %dma_wait3A_211 = tpu.memref_slice %arg6[%run_scoped3A_141, %dma_wait3A_210] : memref<8x128xi32, #tpu.memory_space<vmem>> -> memref<1x128xi32, #tpu.memory_space<vmem>>
      %dma_wait3A_212 = tpu.memref_squeeze %dma_wait3A_211 : memref<1x128xi32, #tpu.memory_space<vmem>> -> memref<128xi32, #tpu.memory_space<vmem>>
      %dma_wait3A_213 = arith.constant 0 : i32
      %dma_wait3A_214 = arith.constant 0 : i32
      %dma_wait3A_215 = tpu.memref_slice %arg12[%dma_wait3A_213, %dma_wait3A_214] : memref<100000x16xf32, #tpu.memory_space<vmem_shared>> -> memref<100000x16xf32, #tpu.memory_space<vmem_shared>>
      tpu.wait_indirect_dma semaphore(%run_scoped3A_199 : memref<!tpu.dma_semaphore, #tpu.memory_space<semaphore_mem>>) src(%dma_wait3A_209 : memref<128x16xf32, #tpu.memory_space<vmem>>) dst(%dma_wait3A_215 : memref<100000x16xf32, #tpu.memory_space<vmem_shared>>)
      tpu.yield
    }) : () -> ()
    %run_scoped3A_142 = arith.constant 4 : i32
    "tpu.region"() ({
      %run_scoped3A_199 = tpu.sem_alloc : memref<!tpu.dma_semaphore, #tpu.memory_space<semaphore_mem>>
      %dma_start3A = arith.constant 512 : i32
      %dma_start3A_200 = arith.constant 0 : i32
      %dma_start3A_201 = tpu.memref_slice %arg7[%dma_start3A, %dma_start3A_200] : memref<1024x16xf32, #tpu.memory_space<vmem>> -> memref<128x16xf32, #tpu.memory_space<vmem>>
      %dma_start3A_202 = arith.constant 0 : i32
      %dma_start3A_203 = tpu.memref_slice %arg6[%run_scoped3A_142, %dma_start3A_202] : memref<8x128xi32, #tpu.memory_space<vmem>> -> memref<1x128xi32, #tpu.memory_space<vmem>>
      %dma_start3A_204 = tpu.memref_squeeze %dma_start3A_203 : memref<1x128xi32, #tpu.memory_space<vmem>> -> memref<128xi32, #tpu.memory_space<vmem>>
      %dma_start3A_205 = arith.constant 0 : i32
      %dma_start3A_206 = arith.constant 0 : i32
      %dma_start3A_207 = tpu.memref_slice %arg12[%dma_start3A_205, %dma_start3A_206] : memref<100000x16xf32, #tpu.memory_space<vmem_shared>> -> memref<100000x16xf32, #tpu.memory_space<vmem_shared>>
      tpu.enqueue_indirect_dma source(%dma_start3A_201 : memref<128x16xf32, #tpu.memory_space<vmem>>) target(%dma_start3A_207 : memref<100000x16xf32, #tpu.memory_space<vmem_shared>>) offsets(%dma_start3A_204 : memref<128xi32, #tpu.memory_space<vmem>>) semaphore(%run_scoped3A_199 : memref<!tpu.dma_semaphore, #tpu.memory_space<semaphore_mem>>) {add = true}
      %dma_wait3A = arith.constant 512 : i32
      %dma_wait3A_208 = arith.constant 0 : i32
      %dma_wait3A_209 = tpu.memref_slice %arg7[%dma_wait3A, %dma_wait3A_208] : memref<1024x16xf32, #tpu.memory_space<vmem>> -> memref<128x16xf32, #tpu.memory_space<vmem>>
      %dma_wait3A_210 = arith.constant 0 : i32
      %dma_wait3A_211 = tpu.memref_slice %arg6[%run_scoped3A_142, %dma_wait3A_210] : memref<8x128xi32, #tpu.memory_space<vmem>> -> memref<1x128xi32, #tpu.memory_space<vmem>>
      %dma_wait3A_212 = tpu.memref_squeeze %dma_wait3A_211 : memref<1x128xi32, #tpu.memory_space<vmem>> -> memref<128xi32, #tpu.memory_space<vmem>>
      %dma_wait3A_213 = arith.constant 0 : i32
      %dma_wait3A_214 = arith.constant 0 : i32
      %dma_wait3A_215 = tpu.memref_slice %arg12[%dma_wait3A_213, %dma_wait3A_214] : memref<100000x16xf32, #tpu.memory_space<vmem_shared>> -> memref<100000x16xf32, #tpu.memory_space<vmem_shared>>
      tpu.wait_indirect_dma semaphore(%run_scoped3A_199 : memref<!tpu.dma_semaphore, #tpu.memory_space<semaphore_mem>>) src(%dma_wait3A_209 : memref<128x16xf32, #tpu.memory_space<vmem>>) dst(%dma_wait3A_215 : memref<100000x16xf32, #tpu.memory_space<vmem_shared>>)
      tpu.yield
    }) : () -> ()
    %run_scoped3A_143 = arith.constant 5 : i32
    "tpu.region"() ({
      %run_scoped3A_199 = tpu.sem_alloc : memref<!tpu.dma_semaphore, #tpu.memory_space<semaphore_mem>>
      %dma_start3A = arith.constant 640 : i32
      %dma_start3A_200 = arith.constant 0 : i32
      %dma_start3A_201 = tpu.memref_slice %arg7[%dma_start3A, %dma_start3A_200] : memref<1024x16xf32, #tpu.memory_space<vmem>> -> memref<128x16xf32, #tpu.memory_space<vmem>>
      %dma_start3A_202 = arith.constant 0 : i32
      %dma_start3A_203 = tpu.memref_slice %arg6[%run_scoped3A_143, %dma_start3A_202] : memref<8x128xi32, #tpu.memory_space<vmem>> -> memref<1x128xi32, #tpu.memory_space<vmem>>
      %dma_start3A_204 = tpu.memref_squeeze %dma_start3A_203 : memref<1x128xi32, #tpu.memory_space<vmem>> -> memref<128xi32, #tpu.memory_space<vmem>>
      %dma_start3A_205 = arith.constant 0 : i32
      %dma_start3A_206 = arith.constant 0 : i32
      %dma_start3A_207 = tpu.memref_slice %arg12[%dma_start3A_205, %dma_start3A_206] : memref<100000x16xf32, #tpu.memory_space<vmem_shared>> -> memref<100000x16xf32, #tpu.memory_space<vmem_shared>>
      tpu.enqueue_indirect_dma source(%dma_start3A_201 : memref<128x16xf32, #tpu.memory_space<vmem>>) target(%dma_start3A_207 : memref<100000x16xf32, #tpu.memory_space<vmem_shared>>) offsets(%dma_start3A_204 : memref<128xi32, #tpu.memory_space<vmem>>) semaphore(%run_scoped3A_199 : memref<!tpu.dma_semaphore, #tpu.memory_space<semaphore_mem>>) {add = true}
      %dma_wait3A = arith.constant 640 : i32
      %dma_wait3A_208 = arith.constant 0 : i32
      %dma_wait3A_209 = tpu.memref_slice %arg7[%dma_wait3A, %dma_wait3A_208] : memref<1024x16xf32, #tpu.memory_space<vmem>> -> memref<128x16xf32, #tpu.memory_space<vmem>>
      %dma_wait3A_210 = arith.constant 0 : i32
      %dma_wait3A_211 = tpu.memref_slice %arg6[%run_scoped3A_143, %dma_wait3A_210] : memref<8x128xi32, #tpu.memory_space<vmem>> -> memref<1x128xi32, #tpu.memory_space<vmem>>
      %dma_wait3A_212 = tpu.memref_squeeze %dma_wait3A_211 : memref<1x128xi32, #tpu.memory_space<vmem>> -> memref<128xi32, #tpu.memory_space<vmem>>
      %dma_wait3A_213 = arith.constant 0 : i32
      %dma_wait3A_214 = arith.constant 0 : i32
      %dma_wait3A_215 = tpu.memref_slice %arg12[%dma_wait3A_213, %dma_wait3A_214] : memref<100000x16xf32, #tpu.memory_space<vmem_shared>> -> memref<100000x16xf32, #tpu.memory_space<vmem_shared>>
      tpu.wait_indirect_dma semaphore(%run_scoped3A_199 : memref<!tpu.dma_semaphore, #tpu.memory_space<semaphore_mem>>) src(%dma_wait3A_209 : memref<128x16xf32, #tpu.memory_space<vmem>>) dst(%dma_wait3A_215 : memref<100000x16xf32, #tpu.memory_space<vmem_shared>>)
      tpu.yield
    }) : () -> ()
    %run_scoped3A_144 = arith.constant 6 : i32
    "tpu.region"() ({
      %run_scoped3A_199 = tpu.sem_alloc : memref<!tpu.dma_semaphore, #tpu.memory_space<semaphore_mem>>
      %dma_start3A = arith.constant 768 : i32
      %dma_start3A_200 = arith.constant 0 : i32
      %dma_start3A_201 = tpu.memref_slice %arg7[%dma_start3A, %dma_start3A_200] : memref<1024x16xf32, #tpu.memory_space<vmem>> -> memref<128x16xf32, #tpu.memory_space<vmem>>
      %dma_start3A_202 = arith.constant 0 : i32
      %dma_start3A_203 = tpu.memref_slice %arg6[%run_scoped3A_144, %dma_start3A_202] : memref<8x128xi32, #tpu.memory_space<vmem>> -> memref<1x128xi32, #tpu.memory_space<vmem>>
      %dma_start3A_204 = tpu.memref_squeeze %dma_start3A_203 : memref<1x128xi32, #tpu.memory_space<vmem>> -> memref<128xi32, #tpu.memory_space<vmem>>
      %dma_start3A_205 = arith.constant 0 : i32
      %dma_start3A_206 = arith.constant 0 : i32
      %dma_start3A_207 = tpu.memref_slice %arg12[%dma_start3A_205, %dma_start3A_206] : memref<100000x16xf32, #tpu.memory_space<vmem_shared>> -> memref<100000x16xf32, #tpu.memory_space<vmem_shared>>
      tpu.enqueue_indirect_dma source(%dma_start3A_201 : memref<128x16xf32, #tpu.memory_space<vmem>>) target(%dma_start3A_207 : memref<100000x16xf32, #tpu.memory_space<vmem_shared>>) offsets(%dma_start3A_204 : memref<128xi32, #tpu.memory_space<vmem>>) semaphore(%run_scoped3A_199 : memref<!tpu.dma_semaphore, #tpu.memory_space<semaphore_mem>>) {add = true}
      %dma_wait3A = arith.constant 768 : i32
      %dma_wait3A_208 = arith.constant 0 : i32
      %dma_wait3A_209 = tpu.memref_slice %arg7[%dma_wait3A, %dma_wait3A_208] : memref<1024x16xf32, #tpu.memory_space<vmem>> -> memref<128x16xf32, #tpu.memory_space<vmem>>
      %dma_wait3A_210 = arith.constant 0 : i32
      %dma_wait3A_211 = tpu.memref_slice %arg6[%run_scoped3A_144, %dma_wait3A_210] : memref<8x128xi32, #tpu.memory_space<vmem>> -> memref<1x128xi32, #tpu.memory_space<vmem>>
      %dma_wait3A_212 = tpu.memref_squeeze %dma_wait3A_211 : memref<1x128xi32, #tpu.memory_space<vmem>> -> memref<128xi32, #tpu.memory_space<vmem>>
      %dma_wait3A_213 = arith.constant 0 : i32
      %dma_wait3A_214 = arith.constant 0 : i32
      %dma_wait3A_215 = tpu.memref_slice %arg12[%dma_wait3A_213, %dma_wait3A_214] : memref<100000x16xf32, #tpu.memory_space<vmem_shared>> -> memref<100000x16xf32, #tpu.memory_space<vmem_shared>>
      tpu.wait_indirect_dma semaphore(%run_scoped3A_199 : memref<!tpu.dma_semaphore, #tpu.memory_space<semaphore_mem>>) src(%dma_wait3A_209 : memref<128x16xf32, #tpu.memory_space<vmem>>) dst(%dma_wait3A_215 : memref<100000x16xf32, #tpu.memory_space<vmem_shared>>)
      tpu.yield
    }) : () -> ()
    %run_scoped3A_145 = arith.constant 7 : i32
    "tpu.region"() ({
      %run_scoped3A_199 = tpu.sem_alloc : memref<!tpu.dma_semaphore, #tpu.memory_space<semaphore_mem>>
      %dma_start3A = arith.constant 896 : i32
      %dma_start3A_200 = arith.constant 0 : i32
      %dma_start3A_201 = tpu.memref_slice %arg7[%dma_start3A, %dma_start3A_200] : memref<1024x16xf32, #tpu.memory_space<vmem>> -> memref<128x16xf32, #tpu.memory_space<vmem>>
      %dma_start3A_202 = arith.constant 0 : i32
      %dma_start3A_203 = tpu.memref_slice %arg6[%run_scoped3A_145, %dma_start3A_202] : memref<8x128xi32, #tpu.memory_space<vmem>> -> memref<1x128xi32, #tpu.memory_space<vmem>>
      %dma_start3A_204 = tpu.memref_squeeze %dma_start3A_203 : memref<1x128xi32, #tpu.memory_space<vmem>> -> memref<128xi32, #tpu.memory_space<vmem>>
      %dma_start3A_205 = arith.constant 0 : i32
      %dma_start3A_206 = arith.constant 0 : i32
      %dma_start3A_207 = tpu.memref_slice %arg12[%dma_start3A_205, %dma_start3A_206] : memref<100000x16xf32, #tpu.memory_space<vmem_shared>> -> memref<100000x16xf32, #tpu.memory_space<vmem_shared>>
      tpu.enqueue_indirect_dma source(%dma_start3A_201 : memref<128x16xf32, #tpu.memory_space<vmem>>) target(%dma_start3A_207 : memref<100000x16xf32, #tpu.memory_space<vmem_shared>>) offsets(%dma_start3A_204 : memref<128xi32, #tpu.memory_space<vmem>>) semaphore(%run_scoped3A_199 : memref<!tpu.dma_semaphore, #tpu.memory_space<semaphore_mem>>) {add = true}
      %dma_wait3A = arith.constant 896 : i32
      %dma_wait3A_208 = arith.constant 0 : i32
      %dma_wait3A_209 = tpu.memref_slice %arg7[%dma_wait3A, %dma_wait3A_208] : memref<1024x16xf32, #tpu.memory_space<vmem>> -> memref<128x16xf32, #tpu.memory_space<vmem>>
      %dma_wait3A_210 = arith.constant 0 : i32
      %dma_wait3A_211 = tpu.memref_slice %arg6[%run_scoped3A_145, %dma_wait3A_210] : memref<8x128xi32, #tpu.memory_space<vmem>> -> memref<1x128xi32, #tpu.memory_space<vmem>>
      %dma_wait3A_212 = tpu.memref_squeeze %dma_wait3A_211 : memref<1x128xi32, #tpu.memory_space<vmem>> -> memref<128xi32, #tpu.memory_space<vmem>>
      %dma_wait3A_213 = arith.constant 0 : i32
      %dma_wait3A_214 = arith.constant 0 : i32
      %dma_wait3A_215 = tpu.memref_slice %arg12[%dma_wait3A_213, %dma_wait3A_214] : memref<100000x16xf32, #tpu.memory_space<vmem_shared>> -> memref<100000x16xf32, #tpu.memory_space<vmem_shared>>
      tpu.wait_indirect_dma semaphore(%run_scoped3A_199 : memref<!tpu.dma_semaphore, #tpu.memory_space<semaphore_mem>>) src(%dma_wait3A_209 : memref<128x16xf32, #tpu.memory_space<vmem>>) dst(%dma_wait3A_215 : memref<100000x16xf32, #tpu.memory_space<vmem_shared>>)
      tpu.yield
    }) : () -> ()
    %eq3A_146 = arith.constant 0 : i32
    %eq3A_147 = arith.cmpi eq, %arg0, %eq3A_146 : i32
    %convert_element_type3A_148 = arith.extui %eq3A_147 : i1 to i32
    %cond3A_149 = arith.constant 0 : i32
    %cond3A_150 = arith.cmpi ne, %convert_element_type3A_148, %cond3A_149 : i32
    scf.if %cond3A_150 {
      %run_scoped3A_199 = arith.constant 0 : i32
      "tpu.region"() ({
        %run_scoped3A_207 = tpu.sem_alloc : memref<!tpu.dma_semaphore, #tpu.memory_space<semaphore_mem>>
        %dma_start3A = arith.constant 0 : i32
        %dma_start3A_208 = tpu.memref_slice %arg6[%run_scoped3A_199, %dma_start3A] : memref<8x128xi32, #tpu.memory_space<vmem>> -> memref<1x128xi32, #tpu.memory_space<vmem>>
        %dma_start3A_209 = tpu.memref_squeeze %dma_start3A_208 : memref<1x128xi32, #tpu.memory_space<vmem>> -> memref<128xi32, #tpu.memory_space<vmem>>
        %dma_start3A_210 = arith.constant 0 : i32
        %dma_start3A_211 = tpu.memref_slice %arg13[%dma_start3A_210] : memref<100000xf32, #tpu.memory_space<vmem_shared>> -> memref<100000xf32, #tpu.memory_space<vmem_shared>>
        tpu.enqueue_indirect_dma source(%arg10 : memref<128xf32, #tpu.memory_space<vmem>>) target(%dma_start3A_211 : memref<100000xf32, #tpu.memory_space<vmem_shared>>) offsets(%dma_start3A_209 : memref<128xi32, #tpu.memory_space<vmem>>) semaphore(%run_scoped3A_207 : memref<!tpu.dma_semaphore, #tpu.memory_space<semaphore_mem>>) {add = true}
        %dma_wait3A = arith.constant 0 : i32
        %dma_wait3A_212 = tpu.memref_slice %arg6[%run_scoped3A_199, %dma_wait3A] : memref<8x128xi32, #tpu.memory_space<vmem>> -> memref<1x128xi32, #tpu.memory_space<vmem>>
        %dma_wait3A_213 = tpu.memref_squeeze %dma_wait3A_212 : memref<1x128xi32, #tpu.memory_space<vmem>> -> memref<128xi32, #tpu.memory_space<vmem>>
        %dma_wait3A_214 = arith.constant 0 : i32
        %dma_wait3A_215 = tpu.memref_slice %arg13[%dma_wait3A_214] : memref<100000xf32, #tpu.memory_space<vmem_shared>> -> memref<100000xf32, #tpu.memory_space<vmem_shared>>
        tpu.wait_indirect_dma semaphore(%run_scoped3A_207 : memref<!tpu.dma_semaphore, #tpu.memory_space<semaphore_mem>>) src(%arg10 : memref<128xf32, #tpu.memory_space<vmem>>) dst(%dma_wait3A_215 : memref<100000xf32, #tpu.memory_space<vmem_shared>>)
        tpu.yield
      }) : () -> ()
      %run_scoped3A_200 = arith.constant 1 : i32
      "tpu.region"() ({
        %run_scoped3A_207 = tpu.sem_alloc : memref<!tpu.dma_semaphore, #tpu.memory_space<semaphore_mem>>
        %dma_start3A = arith.constant 0 : i32
        %dma_start3A_208 = tpu.memref_slice %arg6[%run_scoped3A_200, %dma_start3A] : memref<8x128xi32, #tpu.memory_space<vmem>> -> memref<1x128xi32, #tpu.memory_space<vmem>>
        %dma_start3A_209 = tpu.memref_squeeze %dma_start3A_208 : memref<1x128xi32, #tpu.memory_space<vmem>> -> memref<128xi32, #tpu.memory_space<vmem>>
        %dma_start3A_210 = arith.constant 0 : i32
        %dma_start3A_211 = tpu.memref_slice %arg13[%dma_start3A_210] : memref<100000xf32, #tpu.memory_space<vmem_shared>> -> memref<100000xf32, #tpu.memory_space<vmem_shared>>
        tpu.enqueue_indirect_dma source(%arg10 : memref<128xf32, #tpu.memory_space<vmem>>) target(%dma_start3A_211 : memref<100000xf32, #tpu.memory_space<vmem_shared>>) offsets(%dma_start3A_209 : memref<128xi32, #tpu.memory_space<vmem>>) semaphore(%run_scoped3A_207 : memref<!tpu.dma_semaphore, #tpu.memory_space<semaphore_mem>>) {add = true}
        %dma_wait3A = arith.constant 0 : i32
        %dma_wait3A_212 = tpu.memref_slice %arg6[%run_scoped3A_200, %dma_wait3A] : memref<8x128xi32, #tpu.memory_space<vmem>> -> memref<1x128xi32, #tpu.memory_space<vmem>>
        %dma_wait3A_213 = tpu.memref_squeeze %dma_wait3A_212 : memref<1x128xi32, #tpu.memory_space<vmem>> -> memref<128xi32, #tpu.memory_space<vmem>>
        %dma_wait3A_214 = arith.constant 0 : i32
        %dma_wait3A_215 = tpu.memref_slice %arg13[%dma_wait3A_214] : memref<100000xf32, #tpu.memory_space<vmem_shared>> -> memref<100000xf32, #tpu.memory_space<vmem_shared>>
        tpu.wait_indirect_dma semaphore(%run_scoped3A_207 : memref<!tpu.dma_semaphore, #tpu.memory_space<semaphore_mem>>) src(%arg10 : memref<128xf32, #tpu.memory_space<vmem>>) dst(%dma_wait3A_215 : memref<100000xf32, #tpu.memory_space<vmem_shared>>)
        tpu.yield
      }) : () -> ()
      %run_scoped3A_201 = arith.constant 2 : i32
      "tpu.region"() ({
        %run_scoped3A_207 = tpu.sem_alloc : memref<!tpu.dma_semaphore, #tpu.memory_space<semaphore_mem>>
        %dma_start3A = arith.constant 0 : i32
        %dma_start3A_208 = tpu.memref_slice %arg6[%run_scoped3A_201, %dma_start3A] : memref<8x128xi32, #tpu.memory_space<vmem>> -> memref<1x128xi32, #tpu.memory_space<vmem>>
        %dma_start3A_209 = tpu.memref_squeeze %dma_start3A_208 : memref<1x128xi32, #tpu.memory_space<vmem>> -> memref<128xi32, #tpu.memory_space<vmem>>
        %dma_start3A_210 = arith.constant 0 : i32
        %dma_start3A_211 = tpu.memref_slice %arg13[%dma_start3A_210] : memref<100000xf32, #tpu.memory_space<vmem_shared>> -> memref<100000xf32, #tpu.memory_space<vmem_shared>>
        tpu.enqueue_indirect_dma source(%arg10 : memref<128xf32, #tpu.memory_space<vmem>>) target(%dma_start3A_211 : memref<100000xf32, #tpu.memory_space<vmem_shared>>) offsets(%dma_start3A_209 : memref<128xi32, #tpu.memory_space<vmem>>) semaphore(%run_scoped3A_207 : memref<!tpu.dma_semaphore, #tpu.memory_space<semaphore_mem>>) {add = true}
        %dma_wait3A = arith.constant 0 : i32
        %dma_wait3A_212 = tpu.memref_slice %arg6[%run_scoped3A_201, %dma_wait3A] : memref<8x128xi32, #tpu.memory_space<vmem>> -> memref<1x128xi32, #tpu.memory_space<vmem>>
        %dma_wait3A_213 = tpu.memref_squeeze %dma_wait3A_212 : memref<1x128xi32, #tpu.memory_space<vmem>> -> memref<128xi32, #tpu.memory_space<vmem>>
        %dma_wait3A_214 = arith.constant 0 : i32
        %dma_wait3A_215 = tpu.memref_slice %arg13[%dma_wait3A_214] : memref<100000xf32, #tpu.memory_space<vmem_shared>> -> memref<100000xf32, #tpu.memory_space<vmem_shared>>
        tpu.wait_indirect_dma semaphore(%run_scoped3A_207 : memref<!tpu.dma_semaphore, #tpu.memory_space<semaphore_mem>>) src(%arg10 : memref<128xf32, #tpu.memory_space<vmem>>) dst(%dma_wait3A_215 : memref<100000xf32, #tpu.memory_space<vmem_shared>>)
        tpu.yield
      }) : () -> ()
      %run_scoped3A_202 = arith.constant 3 : i32
      "tpu.region"() ({
        %run_scoped3A_207 = tpu.sem_alloc : memref<!tpu.dma_semaphore, #tpu.memory_space<semaphore_mem>>
        %dma_start3A = arith.constant 0 : i32
        %dma_start3A_208 = tpu.memref_slice %arg6[%run_scoped3A_202, %dma_start3A] : memref<8x128xi32, #tpu.memory_space<vmem>> -> memref<1x128xi32, #tpu.memory_space<vmem>>
        %dma_start3A_209 = tpu.memref_squeeze %dma_start3A_208 : memref<1x128xi32, #tpu.memory_space<vmem>> -> memref<128xi32, #tpu.memory_space<vmem>>
        %dma_start3A_210 = arith.constant 0 : i32
        %dma_start3A_211 = tpu.memref_slice %arg13[%dma_start3A_210] : memref<100000xf32, #tpu.memory_space<vmem_shared>> -> memref<100000xf32, #tpu.memory_space<vmem_shared>>
        tpu.enqueue_indirect_dma source(%arg10 : memref<128xf32, #tpu.memory_space<vmem>>) target(%dma_start3A_211 : memref<100000xf32, #tpu.memory_space<vmem_shared>>) offsets(%dma_start3A_209 : memref<128xi32, #tpu.memory_space<vmem>>) semaphore(%run_scoped3A_207 : memref<!tpu.dma_semaphore, #tpu.memory_space<semaphore_mem>>) {add = true}
        %dma_wait3A = arith.constant 0 : i32
        %dma_wait3A_212 = tpu.memref_slice %arg6[%run_scoped3A_202, %dma_wait3A] : memref<8x128xi32, #tpu.memory_space<vmem>> -> memref<1x128xi32, #tpu.memory_space<vmem>>
        %dma_wait3A_213 = tpu.memref_squeeze %dma_wait3A_212 : memref<1x128xi32, #tpu.memory_space<vmem>> -> memref<128xi32, #tpu.memory_space<vmem>>
        %dma_wait3A_214 = arith.constant 0 : i32
        %dma_wait3A_215 = tpu.memref_slice %arg13[%dma_wait3A_214] : memref<100000xf32, #tpu.memory_space<vmem_shared>> -> memref<100000xf32, #tpu.memory_space<vmem_shared>>
        tpu.wait_indirect_dma semaphore(%run_scoped3A_207 : memref<!tpu.dma_semaphore, #tpu.memory_space<semaphore_mem>>) src(%arg10 : memref<128xf32, #tpu.memory_space<vmem>>) dst(%dma_wait3A_215 : memref<100000xf32, #tpu.memory_space<vmem_shared>>)
        tpu.yield
      }) : () -> ()
      %run_scoped3A_203 = arith.constant 4 : i32
      "tpu.region"() ({
        %run_scoped3A_207 = tpu.sem_alloc : memref<!tpu.dma_semaphore, #tpu.memory_space<semaphore_mem>>
        %dma_start3A = arith.constant 0 : i32
        %dma_start3A_208 = tpu.memref_slice %arg6[%run_scoped3A_203, %dma_start3A] : memref<8x128xi32, #tpu.memory_space<vmem>> -> memref<1x128xi32, #tpu.memory_space<vmem>>
        %dma_start3A_209 = tpu.memref_squeeze %dma_start3A_208 : memref<1x128xi32, #tpu.memory_space<vmem>> -> memref<128xi32, #tpu.memory_space<vmem>>
        %dma_start3A_210 = arith.constant 0 : i32
        %dma_start3A_211 = tpu.memref_slice %arg13[%dma_start3A_210] : memref<100000xf32, #tpu.memory_space<vmem_shared>> -> memref<100000xf32, #tpu.memory_space<vmem_shared>>
        tpu.enqueue_indirect_dma source(%arg10 : memref<128xf32, #tpu.memory_space<vmem>>) target(%dma_start3A_211 : memref<100000xf32, #tpu.memory_space<vmem_shared>>) offsets(%dma_start3A_209 : memref<128xi32, #tpu.memory_space<vmem>>) semaphore(%run_scoped3A_207 : memref<!tpu.dma_semaphore, #tpu.memory_space<semaphore_mem>>) {add = true}
        %dma_wait3A = arith.constant 0 : i32
        %dma_wait3A_212 = tpu.memref_slice %arg6[%run_scoped3A_203, %dma_wait3A] : memref<8x128xi32, #tpu.memory_space<vmem>> -> memref<1x128xi32, #tpu.memory_space<vmem>>
        %dma_wait3A_213 = tpu.memref_squeeze %dma_wait3A_212 : memref<1x128xi32, #tpu.memory_space<vmem>> -> memref<128xi32, #tpu.memory_space<vmem>>
        %dma_wait3A_214 = arith.constant 0 : i32
        %dma_wait3A_215 = tpu.memref_slice %arg13[%dma_wait3A_214] : memref<100000xf32, #tpu.memory_space<vmem_shared>> -> memref<100000xf32, #tpu.memory_space<vmem_shared>>
        tpu.wait_indirect_dma semaphore(%run_scoped3A_207 : memref<!tpu.dma_semaphore, #tpu.memory_space<semaphore_mem>>) src(%arg10 : memref<128xf32, #tpu.memory_space<vmem>>) dst(%dma_wait3A_215 : memref<100000xf32, #tpu.memory_space<vmem_shared>>)
        tpu.yield
      }) : () -> ()
      %run_scoped3A_204 = arith.constant 5 : i32
      "tpu.region"() ({
        %run_scoped3A_207 = tpu.sem_alloc : memref<!tpu.dma_semaphore, #tpu.memory_space<semaphore_mem>>
        %dma_start3A = arith.constant 0 : i32
        %dma_start3A_208 = tpu.memref_slice %arg6[%run_scoped3A_204, %dma_start3A] : memref<8x128xi32, #tpu.memory_space<vmem>> -> memref<1x128xi32, #tpu.memory_space<vmem>>
        %dma_start3A_209 = tpu.memref_squeeze %dma_start3A_208 : memref<1x128xi32, #tpu.memory_space<vmem>> -> memref<128xi32, #tpu.memory_space<vmem>>
        %dma_start3A_210 = arith.constant 0 : i32
        %dma_start3A_211 = tpu.memref_slice %arg13[%dma_start3A_210] : memref<100000xf32, #tpu.memory_space<vmem_shared>> -> memref<100000xf32, #tpu.memory_space<vmem_shared>>
        tpu.enqueue_indirect_dma source(%arg10 : memref<128xf32, #tpu.memory_space<vmem>>) target(%dma_start3A_211 : memref<100000xf32, #tpu.memory_space<vmem_shared>>) offsets(%dma_start3A_209 : memref<128xi32, #tpu.memory_space<vmem>>) semaphore(%run_scoped3A_207 : memref<!tpu.dma_semaphore, #tpu.memory_space<semaphore_mem>>) {add = true}
        %dma_wait3A = arith.constant 0 : i32
        %dma_wait3A_212 = tpu.memref_slice %arg6[%run_scoped3A_204, %dma_wait3A] : memref<8x128xi32, #tpu.memory_space<vmem>> -> memref<1x128xi32, #tpu.memory_space<vmem>>
        %dma_wait3A_213 = tpu.memref_squeeze %dma_wait3A_212 : memref<1x128xi32, #tpu.memory_space<vmem>> -> memref<128xi32, #tpu.memory_space<vmem>>
        %dma_wait3A_214 = arith.constant 0 : i32
        %dma_wait3A_215 = tpu.memref_slice %arg13[%dma_wait3A_214] : memref<100000xf32, #tpu.memory_space<vmem_shared>> -> memref<100000xf32, #tpu.memory_space<vmem_shared>>
        tpu.wait_indirect_dma semaphore(%run_scoped3A_207 : memref<!tpu.dma_semaphore, #tpu.memory_space<semaphore_mem>>) src(%arg10 : memref<128xf32, #tpu.memory_space<vmem>>) dst(%dma_wait3A_215 : memref<100000xf32, #tpu.memory_space<vmem_shared>>)
        tpu.yield
      }) : () -> ()
      %run_scoped3A_205 = arith.constant 6 : i32
      "tpu.region"() ({
        %run_scoped3A_207 = tpu.sem_alloc : memref<!tpu.dma_semaphore, #tpu.memory_space<semaphore_mem>>
        %dma_start3A = arith.constant 0 : i32
        %dma_start3A_208 = tpu.memref_slice %arg6[%run_scoped3A_205, %dma_start3A] : memref<8x128xi32, #tpu.memory_space<vmem>> -> memref<1x128xi32, #tpu.memory_space<vmem>>
        %dma_start3A_209 = tpu.memref_squeeze %dma_start3A_208 : memref<1x128xi32, #tpu.memory_space<vmem>> -> memref<128xi32, #tpu.memory_space<vmem>>
        %dma_start3A_210 = arith.constant 0 : i32
        %dma_start3A_211 = tpu.memref_slice %arg13[%dma_start3A_210] : memref<100000xf32, #tpu.memory_space<vmem_shared>> -> memref<100000xf32, #tpu.memory_space<vmem_shared>>
        tpu.enqueue_indirect_dma source(%arg10 : memref<128xf32, #tpu.memory_space<vmem>>) target(%dma_start3A_211 : memref<100000xf32, #tpu.memory_space<vmem_shared>>) offsets(%dma_start3A_209 : memref<128xi32, #tpu.memory_space<vmem>>) semaphore(%run_scoped3A_207 : memref<!tpu.dma_semaphore, #tpu.memory_space<semaphore_mem>>) {add = true}
        %dma_wait3A = arith.constant 0 : i32
        %dma_wait3A_212 = tpu.memref_slice %arg6[%run_scoped3A_205, %dma_wait3A] : memref<8x128xi32, #tpu.memory_space<vmem>> -> memref<1x128xi32, #tpu.memory_space<vmem>>
        %dma_wait3A_213 = tpu.memref_squeeze %dma_wait3A_212 : memref<1x128xi32, #tpu.memory_space<vmem>> -> memref<128xi32, #tpu.memory_space<vmem>>
        %dma_wait3A_214 = arith.constant 0 : i32
        %dma_wait3A_215 = tpu.memref_slice %arg13[%dma_wait3A_214] : memref<100000xf32, #tpu.memory_space<vmem_shared>> -> memref<100000xf32, #tpu.memory_space<vmem_shared>>
        tpu.wait_indirect_dma semaphore(%run_scoped3A_207 : memref<!tpu.dma_semaphore, #tpu.memory_space<semaphore_mem>>) src(%arg10 : memref<128xf32, #tpu.memory_space<vmem>>) dst(%dma_wait3A_215 : memref<100000xf32, #tpu.memory_space<vmem_shared>>)
        tpu.yield
      }) : () -> ()
      %run_scoped3A_206 = arith.constant 7 : i32
      "tpu.region"() ({
        %run_scoped3A_207 = tpu.sem_alloc : memref<!tpu.dma_semaphore, #tpu.memory_space<semaphore_mem>>
        %dma_start3A = arith.constant 0 : i32
        %dma_start3A_208 = tpu.memref_slice %arg6[%run_scoped3A_206, %dma_start3A] : memref<8x128xi32, #tpu.memory_space<vmem>> -> memref<1x128xi32, #tpu.memory_space<vmem>>
        %dma_start3A_209 = tpu.memref_squeeze %dma_start3A_208 : memref<1x128xi32, #tpu.memory_space<vmem>> -> memref<128xi32, #tpu.memory_space<vmem>>
        %dma_start3A_210 = arith.constant 0 : i32
        %dma_start3A_211 = tpu.memref_slice %arg13[%dma_start3A_210] : memref<100000xf32, #tpu.memory_space<vmem_shared>> -> memref<100000xf32, #tpu.memory_space<vmem_shared>>
        tpu.enqueue_indirect_dma source(%arg10 : memref<128xf32, #tpu.memory_space<vmem>>) target(%dma_start3A_211 : memref<100000xf32, #tpu.memory_space<vmem_shared>>) offsets(%dma_start3A_209 : memref<128xi32, #tpu.memory_space<vmem>>) semaphore(%run_scoped3A_207 : memref<!tpu.dma_semaphore, #tpu.memory_space<semaphore_mem>>) {add = true}
        %dma_wait3A = arith.constant 0 : i32
        %dma_wait3A_212 = tpu.memref_slice %arg6[%run_scoped3A_206, %dma_wait3A] : memref<8x128xi32, #tpu.memory_space<vmem>> -> memref<1x128xi32, #tpu.memory_space<vmem>>
        %dma_wait3A_213 = tpu.memref_squeeze %dma_wait3A_212 : memref<1x128xi32, #tpu.memory_space<vmem>> -> memref<128xi32, #tpu.memory_space<vmem>>
        %dma_wait3A_214 = arith.constant 0 : i32
        %dma_wait3A_215 = tpu.memref_slice %arg13[%dma_wait3A_214] : memref<100000xf32, #tpu.memory_space<vmem_shared>> -> memref<100000xf32, #tpu.memory_space<vmem_shared>>
        tpu.wait_indirect_dma semaphore(%run_scoped3A_207 : memref<!tpu.dma_semaphore, #tpu.memory_space<semaphore_mem>>) src(%arg10 : memref<128xf32, #tpu.memory_space<vmem>>) dst(%dma_wait3A_215 : memref<100000xf32, #tpu.memory_space<vmem_shared>>)
        tpu.yield
      }) : () -> ()
    } else {
    }
    %barrier3A_151 = arith.constant 0 : index
    tpu.barrier barrier_id(%barrier3A_151)
    %run_scoped3A_152 = arith.constant 0 : i32
    "tpu.region"() ({
      %run_scoped3A_199 = tpu.sem_alloc : memref<!tpu.dma_semaphore, #tpu.memory_space<semaphore_mem>>
      %dma_start3A = arith.constant 0 : i32
      %dma_start3A_200 = arith.constant 0 : i32
      %dma_start3A_201 = tpu.memref_slice %arg7[%dma_start3A, %dma_start3A_200] : memref<1024x16xf32, #tpu.memory_space<vmem>> -> memref<128x16xf32, #tpu.memory_space<vmem>>
      %dma_start3A_202 = arith.constant 0 : i32
      %dma_start3A_203 = tpu.memref_slice %arg6[%run_scoped3A_152, %dma_start3A_202] : memref<8x128xi32, #tpu.memory_space<vmem>> -> memref<1x128xi32, #tpu.memory_space<vmem>>
      %dma_start3A_204 = tpu.memref_squeeze %dma_start3A_203 : memref<1x128xi32, #tpu.memory_space<vmem>> -> memref<128xi32, #tpu.memory_space<vmem>>
      %dma_start3A_205 = arith.constant 0 : i32
      %dma_start3A_206 = arith.constant 0 : i32
      %dma_start3A_207 = tpu.memref_slice %arg12[%dma_start3A_205, %dma_start3A_206] : memref<100000x16xf32, #tpu.memory_space<vmem_shared>> -> memref<100000x16xf32, #tpu.memory_space<vmem_shared>>
      tpu.enqueue_indirect_dma source(%dma_start3A_207 : memref<100000x16xf32, #tpu.memory_space<vmem_shared>>) target(%dma_start3A_201 : memref<128x16xf32, #tpu.memory_space<vmem>>) offsets(%dma_start3A_204 : memref<128xi32, #tpu.memory_space<vmem>>) semaphore(%run_scoped3A_199 : memref<!tpu.dma_semaphore, #tpu.memory_space<semaphore_mem>>)
      %dma_wait3A = arith.constant 0 : i32
      %dma_wait3A_208 = arith.constant 0 : i32
      %dma_wait3A_209 = tpu.memref_slice %arg7[%dma_wait3A, %dma_wait3A_208] : memref<1024x16xf32, #tpu.memory_space<vmem>> -> memref<128x16xf32, #tpu.memory_space<vmem>>
      %dma_wait3A_210 = arith.constant 0 : i32
      %dma_wait3A_211 = tpu.memref_slice %arg6[%run_scoped3A_152, %dma_wait3A_210] : memref<8x128xi32, #tpu.memory_space<vmem>> -> memref<1x128xi32, #tpu.memory_space<vmem>>
      %dma_wait3A_212 = tpu.memref_squeeze %dma_wait3A_211 : memref<1x128xi32, #tpu.memory_space<vmem>> -> memref<128xi32, #tpu.memory_space<vmem>>
      %dma_wait3A_213 = arith.constant 0 : i32
      %dma_wait3A_214 = arith.constant 0 : i32
      %dma_wait3A_215 = tpu.memref_slice %arg12[%dma_wait3A_213, %dma_wait3A_214] : memref<100000x16xf32, #tpu.memory_space<vmem_shared>> -> memref<100000x16xf32, #tpu.memory_space<vmem_shared>>
      tpu.wait_indirect_dma semaphore(%run_scoped3A_199 : memref<!tpu.dma_semaphore, #tpu.memory_space<semaphore_mem>>) src(%dma_wait3A_215 : memref<100000x16xf32, #tpu.memory_space<vmem_shared>>) dst(%dma_wait3A_209 : memref<128x16xf32, #tpu.memory_space<vmem>>)
      tpu.yield
    }) : () -> ()
    %run_scoped3A_153 = arith.constant 1 : i32
    "tpu.region"() ({
      %run_scoped3A_199 = tpu.sem_alloc : memref<!tpu.dma_semaphore, #tpu.memory_space<semaphore_mem>>
      %dma_start3A = arith.constant 128 : i32
      %dma_start3A_200 = arith.constant 0 : i32
      %dma_start3A_201 = tpu.memref_slice %arg7[%dma_start3A, %dma_start3A_200] : memref<1024x16xf32, #tpu.memory_space<vmem>> -> memref<128x16xf32, #tpu.memory_space<vmem>>
      %dma_start3A_202 = arith.constant 0 : i32
      %dma_start3A_203 = tpu.memref_slice %arg6[%run_scoped3A_153, %dma_start3A_202] : memref<8x128xi32, #tpu.memory_space<vmem>> -> memref<1x128xi32, #tpu.memory_space<vmem>>
      %dma_start3A_204 = tpu.memref_squeeze %dma_start3A_203 : memref<1x128xi32, #tpu.memory_space<vmem>> -> memref<128xi32, #tpu.memory_space<vmem>>
      %dma_start3A_205 = arith.constant 0 : i32
      %dma_start3A_206 = arith.constant 0 : i32
      %dma_start3A_207 = tpu.memref_slice %arg12[%dma_start3A_205, %dma_start3A_206] : memref<100000x16xf32, #tpu.memory_space<vmem_shared>> -> memref<100000x16xf32, #tpu.memory_space<vmem_shared>>
      tpu.enqueue_indirect_dma source(%dma_start3A_207 : memref<100000x16xf32, #tpu.memory_space<vmem_shared>>) target(%dma_start3A_201 : memref<128x16xf32, #tpu.memory_space<vmem>>) offsets(%dma_start3A_204 : memref<128xi32, #tpu.memory_space<vmem>>) semaphore(%run_scoped3A_199 : memref<!tpu.dma_semaphore, #tpu.memory_space<semaphore_mem>>)
      %dma_wait3A = arith.constant 128 : i32
      %dma_wait3A_208 = arith.constant 0 : i32
      %dma_wait3A_209 = tpu.memref_slice %arg7[%dma_wait3A, %dma_wait3A_208] : memref<1024x16xf32, #tpu.memory_space<vmem>> -> memref<128x16xf32, #tpu.memory_space<vmem>>
      %dma_wait3A_210 = arith.constant 0 : i32
      %dma_wait3A_211 = tpu.memref_slice %arg6[%run_scoped3A_153, %dma_wait3A_210] : memref<8x128xi32, #tpu.memory_space<vmem>> -> memref<1x128xi32, #tpu.memory_space<vmem>>
      %dma_wait3A_212 = tpu.memref_squeeze %dma_wait3A_211 : memref<1x128xi32, #tpu.memory_space<vmem>> -> memref<128xi32, #tpu.memory_space<vmem>>
      %dma_wait3A_213 = arith.constant 0 : i32
      %dma_wait3A_214 = arith.constant 0 : i32
      %dma_wait3A_215 = tpu.memref_slice %arg12[%dma_wait3A_213, %dma_wait3A_214] : memref<100000x16xf32, #tpu.memory_space<vmem_shared>> -> memref<100000x16xf32, #tpu.memory_space<vmem_shared>>
      tpu.wait_indirect_dma semaphore(%run_scoped3A_199 : memref<!tpu.dma_semaphore, #tpu.memory_space<semaphore_mem>>) src(%dma_wait3A_215 : memref<100000x16xf32, #tpu.memory_space<vmem_shared>>) dst(%dma_wait3A_209 : memref<128x16xf32, #tpu.memory_space<vmem>>)
      tpu.yield
    }) : () -> ()
    %run_scoped3A_154 = arith.constant 2 : i32
    "tpu.region"() ({
      %run_scoped3A_199 = tpu.sem_alloc : memref<!tpu.dma_semaphore, #tpu.memory_space<semaphore_mem>>
      %dma_start3A = arith.constant 256 : i32
      %dma_start3A_200 = arith.constant 0 : i32
      %dma_start3A_201 = tpu.memref_slice %arg7[%dma_start3A, %dma_start3A_200] : memref<1024x16xf32, #tpu.memory_space<vmem>> -> memref<128x16xf32, #tpu.memory_space<vmem>>
      %dma_start3A_202 = arith.constant 0 : i32
      %dma_start3A_203 = tpu.memref_slice %arg6[%run_scoped3A_154, %dma_start3A_202] : memref<8x128xi32, #tpu.memory_space<vmem>> -> memref<1x128xi32, #tpu.memory_space<vmem>>
      %dma_start3A_204 = tpu.memref_squeeze %dma_start3A_203 : memref<1x128xi32, #tpu.memory_space<vmem>> -> memref<128xi32, #tpu.memory_space<vmem>>
      %dma_start3A_205 = arith.constant 0 : i32
      %dma_start3A_206 = arith.constant 0 : i32
      %dma_start3A_207 = tpu.memref_slice %arg12[%dma_start3A_205, %dma_start3A_206] : memref<100000x16xf32, #tpu.memory_space<vmem_shared>> -> memref<100000x16xf32, #tpu.memory_space<vmem_shared>>
      tpu.enqueue_indirect_dma source(%dma_start3A_207 : memref<100000x16xf32, #tpu.memory_space<vmem_shared>>) target(%dma_start3A_201 : memref<128x16xf32, #tpu.memory_space<vmem>>) offsets(%dma_start3A_204 : memref<128xi32, #tpu.memory_space<vmem>>) semaphore(%run_scoped3A_199 : memref<!tpu.dma_semaphore, #tpu.memory_space<semaphore_mem>>)
      %dma_wait3A = arith.constant 256 : i32
      %dma_wait3A_208 = arith.constant 0 : i32
      %dma_wait3A_209 = tpu.memref_slice %arg7[%dma_wait3A, %dma_wait3A_208] : memref<1024x16xf32, #tpu.memory_space<vmem>> -> memref<128x16xf32, #tpu.memory_space<vmem>>
      %dma_wait3A_210 = arith.constant 0 : i32
      %dma_wait3A_211 = tpu.memref_slice %arg6[%run_scoped3A_154, %dma_wait3A_210] : memref<8x128xi32, #tpu.memory_space<vmem>> -> memref<1x128xi32, #tpu.memory_space<vmem>>
      %dma_wait3A_212 = tpu.memref_squeeze %dma_wait3A_211 : memref<1x128xi32, #tpu.memory_space<vmem>> -> memref<128xi32, #tpu.memory_space<vmem>>
      %dma_wait3A_213 = arith.constant 0 : i32
      %dma_wait3A_214 = arith.constant 0 : i32
      %dma_wait3A_215 = tpu.memref_slice %arg12[%dma_wait3A_213, %dma_wait3A_214] : memref<100000x16xf32, #tpu.memory_space<vmem_shared>> -> memref<100000x16xf32, #tpu.memory_space<vmem_shared>>
      tpu.wait_indirect_dma semaphore(%run_scoped3A_199 : memref<!tpu.dma_semaphore, #tpu.memory_space<semaphore_mem>>) src(%dma_wait3A_215 : memref<100000x16xf32, #tpu.memory_space<vmem_shared>>) dst(%dma_wait3A_209 : memref<128x16xf32, #tpu.memory_space<vmem>>)
      tpu.yield
    }) : () -> ()
    %run_scoped3A_155 = arith.constant 3 : i32
    "tpu.region"() ({
      %run_scoped3A_199 = tpu.sem_alloc : memref<!tpu.dma_semaphore, #tpu.memory_space<semaphore_mem>>
      %dma_start3A = arith.constant 384 : i32
      %dma_start3A_200 = arith.constant 0 : i32
      %dma_start3A_201 = tpu.memref_slice %arg7[%dma_start3A, %dma_start3A_200] : memref<1024x16xf32, #tpu.memory_space<vmem>> -> memref<128x16xf32, #tpu.memory_space<vmem>>
      %dma_start3A_202 = arith.constant 0 : i32
      %dma_start3A_203 = tpu.memref_slice %arg6[%run_scoped3A_155, %dma_start3A_202] : memref<8x128xi32, #tpu.memory_space<vmem>> -> memref<1x128xi32, #tpu.memory_space<vmem>>
      %dma_start3A_204 = tpu.memref_squeeze %dma_start3A_203 : memref<1x128xi32, #tpu.memory_space<vmem>> -> memref<128xi32, #tpu.memory_space<vmem>>
      %dma_start3A_205 = arith.constant 0 : i32
      %dma_start3A_206 = arith.constant 0 : i32
      %dma_start3A_207 = tpu.memref_slice %arg12[%dma_start3A_205, %dma_start3A_206] : memref<100000x16xf32, #tpu.memory_space<vmem_shared>> -> memref<100000x16xf32, #tpu.memory_space<vmem_shared>>
      tpu.enqueue_indirect_dma source(%dma_start3A_207 : memref<100000x16xf32, #tpu.memory_space<vmem_shared>>) target(%dma_start3A_201 : memref<128x16xf32, #tpu.memory_space<vmem>>) offsets(%dma_start3A_204 : memref<128xi32, #tpu.memory_space<vmem>>) semaphore(%run_scoped3A_199 : memref<!tpu.dma_semaphore, #tpu.memory_space<semaphore_mem>>)
      %dma_wait3A = arith.constant 384 : i32
      %dma_wait3A_208 = arith.constant 0 : i32
      %dma_wait3A_209 = tpu.memref_slice %arg7[%dma_wait3A, %dma_wait3A_208] : memref<1024x16xf32, #tpu.memory_space<vmem>> -> memref<128x16xf32, #tpu.memory_space<vmem>>
      %dma_wait3A_210 = arith.constant 0 : i32
      %dma_wait3A_211 = tpu.memref_slice %arg6[%run_scoped3A_155, %dma_wait3A_210] : memref<8x128xi32, #tpu.memory_space<vmem>> -> memref<1x128xi32, #tpu.memory_space<vmem>>
      %dma_wait3A_212 = tpu.memref_squeeze %dma_wait3A_211 : memref<1x128xi32, #tpu.memory_space<vmem>> -> memref<128xi32, #tpu.memory_space<vmem>>
      %dma_wait3A_213 = arith.constant 0 : i32
      %dma_wait3A_214 = arith.constant 0 : i32
      %dma_wait3A_215 = tpu.memref_slice %arg12[%dma_wait3A_213, %dma_wait3A_214] : memref<100000x16xf32, #tpu.memory_space<vmem_shared>> -> memref<100000x16xf32, #tpu.memory_space<vmem_shared>>
      tpu.wait_indirect_dma semaphore(%run_scoped3A_199 : memref<!tpu.dma_semaphore, #tpu.memory_space<semaphore_mem>>) src(%dma_wait3A_215 : memref<100000x16xf32, #tpu.memory_space<vmem_shared>>) dst(%dma_wait3A_209 : memref<128x16xf32, #tpu.memory_space<vmem>>)
      tpu.yield
    }) : () -> ()
    %run_scoped3A_156 = arith.constant 4 : i32
    "tpu.region"() ({
      %run_scoped3A_199 = tpu.sem_alloc : memref<!tpu.dma_semaphore, #tpu.memory_space<semaphore_mem>>
      %dma_start3A = arith.constant 512 : i32
      %dma_start3A_200 = arith.constant 0 : i32
      %dma_start3A_201 = tpu.memref_slice %arg7[%dma_start3A, %dma_start3A_200] : memref<1024x16xf32, #tpu.memory_space<vmem>> -> memref<128x16xf32, #tpu.memory_space<vmem>>
      %dma_start3A_202 = arith.constant 0 : i32
      %dma_start3A_203 = tpu.memref_slice %arg6[%run_scoped3A_156, %dma_start3A_202] : memref<8x128xi32, #tpu.memory_space<vmem>> -> memref<1x128xi32, #tpu.memory_space<vmem>>
      %dma_start3A_204 = tpu.memref_squeeze %dma_start3A_203 : memref<1x128xi32, #tpu.memory_space<vmem>> -> memref<128xi32, #tpu.memory_space<vmem>>
      %dma_start3A_205 = arith.constant 0 : i32
      %dma_start3A_206 = arith.constant 0 : i32
      %dma_start3A_207 = tpu.memref_slice %arg12[%dma_start3A_205, %dma_start3A_206] : memref<100000x16xf32, #tpu.memory_space<vmem_shared>> -> memref<100000x16xf32, #tpu.memory_space<vmem_shared>>
      tpu.enqueue_indirect_dma source(%dma_start3A_207 : memref<100000x16xf32, #tpu.memory_space<vmem_shared>>) target(%dma_start3A_201 : memref<128x16xf32, #tpu.memory_space<vmem>>) offsets(%dma_start3A_204 : memref<128xi32, #tpu.memory_space<vmem>>) semaphore(%run_scoped3A_199 : memref<!tpu.dma_semaphore, #tpu.memory_space<semaphore_mem>>)
      %dma_wait3A = arith.constant 512 : i32
      %dma_wait3A_208 = arith.constant 0 : i32
      %dma_wait3A_209 = tpu.memref_slice %arg7[%dma_wait3A, %dma_wait3A_208] : memref<1024x16xf32, #tpu.memory_space<vmem>> -> memref<128x16xf32, #tpu.memory_space<vmem>>
      %dma_wait3A_210 = arith.constant 0 : i32
      %dma_wait3A_211 = tpu.memref_slice %arg6[%run_scoped3A_156, %dma_wait3A_210] : memref<8x128xi32, #tpu.memory_space<vmem>> -> memref<1x128xi32, #tpu.memory_space<vmem>>
      %dma_wait3A_212 = tpu.memref_squeeze %dma_wait3A_211 : memref<1x128xi32, #tpu.memory_space<vmem>> -> memref<128xi32, #tpu.memory_space<vmem>>
      %dma_wait3A_213 = arith.constant 0 : i32
      %dma_wait3A_214 = arith.constant 0 : i32
      %dma_wait3A_215 = tpu.memref_slice %arg12[%dma_wait3A_213, %dma_wait3A_214] : memref<100000x16xf32, #tpu.memory_space<vmem_shared>> -> memref<100000x16xf32, #tpu.memory_space<vmem_shared>>
      tpu.wait_indirect_dma semaphore(%run_scoped3A_199 : memref<!tpu.dma_semaphore, #tpu.memory_space<semaphore_mem>>) src(%dma_wait3A_215 : memref<100000x16xf32, #tpu.memory_space<vmem_shared>>) dst(%dma_wait3A_209 : memref<128x16xf32, #tpu.memory_space<vmem>>)
      tpu.yield
    }) : () -> ()
    %run_scoped3A_157 = arith.constant 5 : i32
    "tpu.region"() ({
      %run_scoped3A_199 = tpu.sem_alloc : memref<!tpu.dma_semaphore, #tpu.memory_space<semaphore_mem>>
      %dma_start3A = arith.constant 640 : i32
      %dma_start3A_200 = arith.constant 0 : i32
      %dma_start3A_201 = tpu.memref_slice %arg7[%dma_start3A, %dma_start3A_200] : memref<1024x16xf32, #tpu.memory_space<vmem>> -> memref<128x16xf32, #tpu.memory_space<vmem>>
      %dma_start3A_202 = arith.constant 0 : i32
      %dma_start3A_203 = tpu.memref_slice %arg6[%run_scoped3A_157, %dma_start3A_202] : memref<8x128xi32, #tpu.memory_space<vmem>> -> memref<1x128xi32, #tpu.memory_space<vmem>>
      %dma_start3A_204 = tpu.memref_squeeze %dma_start3A_203 : memref<1x128xi32, #tpu.memory_space<vmem>> -> memref<128xi32, #tpu.memory_space<vmem>>
      %dma_start3A_205 = arith.constant 0 : i32
      %dma_start3A_206 = arith.constant 0 : i32
      %dma_start3A_207 = tpu.memref_slice %arg12[%dma_start3A_205, %dma_start3A_206] : memref<100000x16xf32, #tpu.memory_space<vmem_shared>> -> memref<100000x16xf32, #tpu.memory_space<vmem_shared>>
      tpu.enqueue_indirect_dma source(%dma_start3A_207 : memref<100000x16xf32, #tpu.memory_space<vmem_shared>>) target(%dma_start3A_201 : memref<128x16xf32, #tpu.memory_space<vmem>>) offsets(%dma_start3A_204 : memref<128xi32, #tpu.memory_space<vmem>>) semaphore(%run_scoped3A_199 : memref<!tpu.dma_semaphore, #tpu.memory_space<semaphore_mem>>)
      %dma_wait3A = arith.constant 640 : i32
      %dma_wait3A_208 = arith.constant 0 : i32
      %dma_wait3A_209 = tpu.memref_slice %arg7[%dma_wait3A, %dma_wait3A_208] : memref<1024x16xf32, #tpu.memory_space<vmem>> -> memref<128x16xf32, #tpu.memory_space<vmem>>
      %dma_wait3A_210 = arith.constant 0 : i32
      %dma_wait3A_211 = tpu.memref_slice %arg6[%run_scoped3A_157, %dma_wait3A_210] : memref<8x128xi32, #tpu.memory_space<vmem>> -> memref<1x128xi32, #tpu.memory_space<vmem>>
      %dma_wait3A_212 = tpu.memref_squeeze %dma_wait3A_211 : memref<1x128xi32, #tpu.memory_space<vmem>> -> memref<128xi32, #tpu.memory_space<vmem>>
      %dma_wait3A_213 = arith.constant 0 : i32
      %dma_wait3A_214 = arith.constant 0 : i32
      %dma_wait3A_215 = tpu.memref_slice %arg12[%dma_wait3A_213, %dma_wait3A_214] : memref<100000x16xf32, #tpu.memory_space<vmem_shared>> -> memref<100000x16xf32, #tpu.memory_space<vmem_shared>>
      tpu.wait_indirect_dma semaphore(%run_scoped3A_199 : memref<!tpu.dma_semaphore, #tpu.memory_space<semaphore_mem>>) src(%dma_wait3A_215 : memref<100000x16xf32, #tpu.memory_space<vmem_shared>>) dst(%dma_wait3A_209 : memref<128x16xf32, #tpu.memory_space<vmem>>)
      tpu.yield
    }) : () -> ()
    %run_scoped3A_158 = arith.constant 6 : i32
    "tpu.region"() ({
      %run_scoped3A_199 = tpu.sem_alloc : memref<!tpu.dma_semaphore, #tpu.memory_space<semaphore_mem>>
      %dma_start3A = arith.constant 768 : i32
      %dma_start3A_200 = arith.constant 0 : i32
      %dma_start3A_201 = tpu.memref_slice %arg7[%dma_start3A, %dma_start3A_200] : memref<1024x16xf32, #tpu.memory_space<vmem>> -> memref<128x16xf32, #tpu.memory_space<vmem>>
      %dma_start3A_202 = arith.constant 0 : i32
      %dma_start3A_203 = tpu.memref_slice %arg6[%run_scoped3A_158, %dma_start3A_202] : memref<8x128xi32, #tpu.memory_space<vmem>> -> memref<1x128xi32, #tpu.memory_space<vmem>>
      %dma_start3A_204 = tpu.memref_squeeze %dma_start3A_203 : memref<1x128xi32, #tpu.memory_space<vmem>> -> memref<128xi32, #tpu.memory_space<vmem>>
      %dma_start3A_205 = arith.constant 0 : i32
      %dma_start3A_206 = arith.constant 0 : i32
      %dma_start3A_207 = tpu.memref_slice %arg12[%dma_start3A_205, %dma_start3A_206] : memref<100000x16xf32, #tpu.memory_space<vmem_shared>> -> memref<100000x16xf32, #tpu.memory_space<vmem_shared>>
      tpu.enqueue_indirect_dma source(%dma_start3A_207 : memref<100000x16xf32, #tpu.memory_space<vmem_shared>>) target(%dma_start3A_201 : memref<128x16xf32, #tpu.memory_space<vmem>>) offsets(%dma_start3A_204 : memref<128xi32, #tpu.memory_space<vmem>>) semaphore(%run_scoped3A_199 : memref<!tpu.dma_semaphore, #tpu.memory_space<semaphore_mem>>)
      %dma_wait3A = arith.constant 768 : i32
      %dma_wait3A_208 = arith.constant 0 : i32
      %dma_wait3A_209 = tpu.memref_slice %arg7[%dma_wait3A, %dma_wait3A_208] : memref<1024x16xf32, #tpu.memory_space<vmem>> -> memref<128x16xf32, #tpu.memory_space<vmem>>
      %dma_wait3A_210 = arith.constant 0 : i32
      %dma_wait3A_211 = tpu.memref_slice %arg6[%run_scoped3A_158, %dma_wait3A_210] : memref<8x128xi32, #tpu.memory_space<vmem>> -> memref<1x128xi32, #tpu.memory_space<vmem>>
      %dma_wait3A_212 = tpu.memref_squeeze %dma_wait3A_211 : memref<1x128xi32, #tpu.memory_space<vmem>> -> memref<128xi32, #tpu.memory_space<vmem>>
      %dma_wait3A_213 = arith.constant 0 : i32
      %dma_wait3A_214 = arith.constant 0 : i32
      %dma_wait3A_215 = tpu.memref_slice %arg12[%dma_wait3A_213, %dma_wait3A_214] : memref<100000x16xf32, #tpu.memory_space<vmem_shared>> -> memref<100000x16xf32, #tpu.memory_space<vmem_shared>>
      tpu.wait_indirect_dma semaphore(%run_scoped3A_199 : memref<!tpu.dma_semaphore, #tpu.memory_space<semaphore_mem>>) src(%dma_wait3A_215 : memref<100000x16xf32, #tpu.memory_space<vmem_shared>>) dst(%dma_wait3A_209 : memref<128x16xf32, #tpu.memory_space<vmem>>)
      tpu.yield
    }) : () -> ()
    %run_scoped3A_159 = arith.constant 7 : i32
    "tpu.region"() ({
      %run_scoped3A_199 = tpu.sem_alloc : memref<!tpu.dma_semaphore, #tpu.memory_space<semaphore_mem>>
      %dma_start3A = arith.constant 896 : i32
      %dma_start3A_200 = arith.constant 0 : i32
      %dma_start3A_201 = tpu.memref_slice %arg7[%dma_start3A, %dma_start3A_200] : memref<1024x16xf32, #tpu.memory_space<vmem>> -> memref<128x16xf32, #tpu.memory_space<vmem>>
      %dma_start3A_202 = arith.constant 0 : i32
      %dma_start3A_203 = tpu.memref_slice %arg6[%run_scoped3A_159, %dma_start3A_202] : memref<8x128xi32, #tpu.memory_space<vmem>> -> memref<1x128xi32, #tpu.memory_space<vmem>>
      %dma_start3A_204 = tpu.memref_squeeze %dma_start3A_203 : memref<1x128xi32, #tpu.memory_space<vmem>> -> memref<128xi32, #tpu.memory_space<vmem>>
      %dma_start3A_205 = arith.constant 0 : i32
      %dma_start3A_206 = arith.constant 0 : i32
      %dma_start3A_207 = tpu.memref_slice %arg12[%dma_start3A_205, %dma_start3A_206] : memref<100000x16xf32, #tpu.memory_space<vmem_shared>> -> memref<100000x16xf32, #tpu.memory_space<vmem_shared>>
      tpu.enqueue_indirect_dma source(%dma_start3A_207 : memref<100000x16xf32, #tpu.memory_space<vmem_shared>>) target(%dma_start3A_201 : memref<128x16xf32, #tpu.memory_space<vmem>>) offsets(%dma_start3A_204 : memref<128xi32, #tpu.memory_space<vmem>>) semaphore(%run_scoped3A_199 : memref<!tpu.dma_semaphore, #tpu.memory_space<semaphore_mem>>)
      %dma_wait3A = arith.constant 896 : i32
      %dma_wait3A_208 = arith.constant 0 : i32
      %dma_wait3A_209 = tpu.memref_slice %arg7[%dma_wait3A, %dma_wait3A_208] : memref<1024x16xf32, #tpu.memory_space<vmem>> -> memref<128x16xf32, #tpu.memory_space<vmem>>
      %dma_wait3A_210 = arith.constant 0 : i32
      %dma_wait3A_211 = tpu.memref_slice %arg6[%run_scoped3A_159, %dma_wait3A_210] : memref<8x128xi32, #tpu.memory_space<vmem>> -> memref<1x128xi32, #tpu.memory_space<vmem>>
      %dma_wait3A_212 = tpu.memref_squeeze %dma_wait3A_211 : memref<1x128xi32, #tpu.memory_space<vmem>> -> memref<128xi32, #tpu.memory_space<vmem>>
      %dma_wait3A_213 = arith.constant 0 : i32
      %dma_wait3A_214 = arith.constant 0 : i32
      %dma_wait3A_215 = tpu.memref_slice %arg12[%dma_wait3A_213, %dma_wait3A_214] : memref<100000x16xf32, #tpu.memory_space<vmem_shared>> -> memref<100000x16xf32, #tpu.memory_space<vmem_shared>>
      tpu.wait_indirect_dma semaphore(%run_scoped3A_199 : memref<!tpu.dma_semaphore, #tpu.memory_space<semaphore_mem>>) src(%dma_wait3A_215 : memref<100000x16xf32, #tpu.memory_space<vmem_shared>>) dst(%dma_wait3A_209 : memref<128x16xf32, #tpu.memory_space<vmem>>)
      tpu.yield
    }) : () -> ()
    "tpu.region"() ({
      %run_scoped3A_199 = tpu.sem_alloc : memref<!tpu.dma_semaphore, #tpu.memory_space<semaphore_mem>>
      %dma_start3A = tpu.memref_slice %arg4[%mul3A_0, %add3A_127] : memref<16384x64xf32, #tpu.memory_space<hbm>> -> memref<1024x16xf32, #tpu.memory_space<hbm>>
      %dma_start3A_200 = tpu.memref_slice %arg4[%mul3A_0, %add3A_127] : memref<16384x64xf32, #tpu.memory_space<hbm>> -> memref<1024x16xf32, #tpu.memory_space<hbm>>
      tpu.enqueue_dma source(%arg7 : memref<1024x16xf32, #tpu.memory_space<vmem>>) target(%dma_start3A_200 : memref<1024x16xf32, #tpu.memory_space<hbm>>) target_semaphore(%run_scoped3A_199 : memref<!tpu.dma_semaphore, #tpu.memory_space<semaphore_mem>>)
      %dma_wait3A = tpu.memref_slice %arg4[%mul3A_0, %add3A_127] : memref<16384x64xf32, #tpu.memory_space<hbm>> -> memref<1024x16xf32, #tpu.memory_space<hbm>>
      %dma_wait3A_201 = tpu.memref_slice %arg4[%mul3A_0, %add3A_127] : memref<16384x64xf32, #tpu.memory_space<hbm>> -> memref<1024x16xf32, #tpu.memory_space<hbm>>
      tpu.wait_dma2 semaphore(%run_scoped3A_199 : memref<!tpu.dma_semaphore, #tpu.memory_space<semaphore_mem>>) src(%arg7 : memref<1024x16xf32, #tpu.memory_space<vmem>>) dst(%dma_wait3A_201 : memref<1024x16xf32, #tpu.memory_space<hbm>>)
      tpu.yield
    }) : () -> ()
    %eq3A_160 = arith.constant 0 : i32
    %eq3A_161 = arith.cmpi eq, %arg0, %eq3A_160 : i32
    %convert_element_type3A_162 = arith.extui %eq3A_161 : i1 to i32
    %cond3A_163 = arith.constant 0 : i32
    %cond3A_164 = arith.cmpi ne, %convert_element_type3A_162, %cond3A_163 : i32
    scf.if %cond3A_164 {
      %run_scoped3A_199 = arith.constant 0 : i32
      "tpu.region"() ({
        %run_scoped3A_207 = tpu.sem_alloc : memref<!tpu.dma_semaphore, #tpu.memory_space<semaphore_mem>>
        %dma_start3A = arith.constant 0 : i32
        %dma_start3A_208 = tpu.memref_slice %arg11[%dma_start3A] : memref<1024xf32, #tpu.memory_space<vmem>> -> memref<128xf32, #tpu.memory_space<vmem>>
        %dma_start3A_209 = arith.constant 0 : i32
        %dma_start3A_210 = tpu.memref_slice %arg6[%run_scoped3A_199, %dma_start3A_209] : memref<8x128xi32, #tpu.memory_space<vmem>> -> memref<1x128xi32, #tpu.memory_space<vmem>>
        %dma_start3A_211 = tpu.memref_squeeze %dma_start3A_210 : memref<1x128xi32, #tpu.memory_space<vmem>> -> memref<128xi32, #tpu.memory_space<vmem>>
        %dma_start3A_212 = arith.constant 0 : i32
        %dma_start3A_213 = tpu.memref_slice %arg13[%dma_start3A_212] : memref<100000xf32, #tpu.memory_space<vmem_shared>> -> memref<100000xf32, #tpu.memory_space<vmem_shared>>
        tpu.enqueue_indirect_dma source(%dma_start3A_213 : memref<100000xf32, #tpu.memory_space<vmem_shared>>) target(%dma_start3A_208 : memref<128xf32, #tpu.memory_space<vmem>>) offsets(%dma_start3A_211 : memref<128xi32, #tpu.memory_space<vmem>>) semaphore(%run_scoped3A_207 : memref<!tpu.dma_semaphore, #tpu.memory_space<semaphore_mem>>)
        %dma_wait3A = arith.constant 0 : i32
        %dma_wait3A_214 = tpu.memref_slice %arg11[%dma_wait3A] : memref<1024xf32, #tpu.memory_space<vmem>> -> memref<128xf32, #tpu.memory_space<vmem>>
        %dma_wait3A_215 = arith.constant 0 : i32
        %dma_wait3A_216 = tpu.memref_slice %arg6[%run_scoped3A_199, %dma_wait3A_215] : memref<8x128xi32, #tpu.memory_space<vmem>> -> memref<1x128xi32, #tpu.memory_space<vmem>>
        %dma_wait3A_217 = tpu.memref_squeeze %dma_wait3A_216 : memref<1x128xi32, #tpu.memory_space<vmem>> -> memref<128xi32, #tpu.memory_space<vmem>>
        %dma_wait3A_218 = arith.constant 0 : i32
        %dma_wait3A_219 = tpu.memref_slice %arg13[%dma_wait3A_218] : memref<100000xf32, #tpu.memory_space<vmem_shared>> -> memref<100000xf32, #tpu.memory_space<vmem_shared>>
        tpu.wait_indirect_dma semaphore(%run_scoped3A_207 : memref<!tpu.dma_semaphore, #tpu.memory_space<semaphore_mem>>) src(%dma_wait3A_219 : memref<100000xf32, #tpu.memory_space<vmem_shared>>) dst(%dma_wait3A_214 : memref<128xf32, #tpu.memory_space<vmem>>)
        tpu.yield
      }) : () -> ()
      %run_scoped3A_200 = arith.constant 1 : i32
      "tpu.region"() ({
        %run_scoped3A_207 = tpu.sem_alloc : memref<!tpu.dma_semaphore, #tpu.memory_space<semaphore_mem>>
        %dma_start3A = arith.constant 128 : i32
        %dma_start3A_208 = tpu.memref_slice %arg11[%dma_start3A] : memref<1024xf32, #tpu.memory_space<vmem>> -> memref<128xf32, #tpu.memory_space<vmem>>
        %dma_start3A_209 = arith.constant 0 : i32
        %dma_start3A_210 = tpu.memref_slice %arg6[%run_scoped3A_200, %dma_start3A_209] : memref<8x128xi32, #tpu.memory_space<vmem>> -> memref<1x128xi32, #tpu.memory_space<vmem>>
        %dma_start3A_211 = tpu.memref_squeeze %dma_start3A_210 : memref<1x128xi32, #tpu.memory_space<vmem>> -> memref<128xi32, #tpu.memory_space<vmem>>
        %dma_start3A_212 = arith.constant 0 : i32
        %dma_start3A_213 = tpu.memref_slice %arg13[%dma_start3A_212] : memref<100000xf32, #tpu.memory_space<vmem_shared>> -> memref<100000xf32, #tpu.memory_space<vmem_shared>>
        tpu.enqueue_indirect_dma source(%dma_start3A_213 : memref<100000xf32, #tpu.memory_space<vmem_shared>>) target(%dma_start3A_208 : memref<128xf32, #tpu.memory_space<vmem>>) offsets(%dma_start3A_211 : memref<128xi32, #tpu.memory_space<vmem>>) semaphore(%run_scoped3A_207 : memref<!tpu.dma_semaphore, #tpu.memory_space<semaphore_mem>>)
        %dma_wait3A = arith.constant 128 : i32
        %dma_wait3A_214 = tpu.memref_slice %arg11[%dma_wait3A] : memref<1024xf32, #tpu.memory_space<vmem>> -> memref<128xf32, #tpu.memory_space<vmem>>
        %dma_wait3A_215 = arith.constant 0 : i32
        %dma_wait3A_216 = tpu.memref_slice %arg6[%run_scoped3A_200, %dma_wait3A_215] : memref<8x128xi32, #tpu.memory_space<vmem>> -> memref<1x128xi32, #tpu.memory_space<vmem>>
        %dma_wait3A_217 = tpu.memref_squeeze %dma_wait3A_216 : memref<1x128xi32, #tpu.memory_space<vmem>> -> memref<128xi32, #tpu.memory_space<vmem>>
        %dma_wait3A_218 = arith.constant 0 : i32
        %dma_wait3A_219 = tpu.memref_slice %arg13[%dma_wait3A_218] : memref<100000xf32, #tpu.memory_space<vmem_shared>> -> memref<100000xf32, #tpu.memory_space<vmem_shared>>
        tpu.wait_indirect_dma semaphore(%run_scoped3A_207 : memref<!tpu.dma_semaphore, #tpu.memory_space<semaphore_mem>>) src(%dma_wait3A_219 : memref<100000xf32, #tpu.memory_space<vmem_shared>>) dst(%dma_wait3A_214 : memref<128xf32, #tpu.memory_space<vmem>>)
        tpu.yield
      }) : () -> ()
      %run_scoped3A_201 = arith.constant 2 : i32
      "tpu.region"() ({
        %run_scoped3A_207 = tpu.sem_alloc : memref<!tpu.dma_semaphore, #tpu.memory_space<semaphore_mem>>
        %dma_start3A = arith.constant 256 : i32
        %dma_start3A_208 = tpu.memref_slice %arg11[%dma_start3A] : memref<1024xf32, #tpu.memory_space<vmem>> -> memref<128xf32, #tpu.memory_space<vmem>>
        %dma_start3A_209 = arith.constant 0 : i32
        %dma_start3A_210 = tpu.memref_slice %arg6[%run_scoped3A_201, %dma_start3A_209] : memref<8x128xi32, #tpu.memory_space<vmem>> -> memref<1x128xi32, #tpu.memory_space<vmem>>
        %dma_start3A_211 = tpu.memref_squeeze %dma_start3A_210 : memref<1x128xi32, #tpu.memory_space<vmem>> -> memref<128xi32, #tpu.memory_space<vmem>>
        %dma_start3A_212 = arith.constant 0 : i32
        %dma_start3A_213 = tpu.memref_slice %arg13[%dma_start3A_212] : memref<100000xf32, #tpu.memory_space<vmem_shared>> -> memref<100000xf32, #tpu.memory_space<vmem_shared>>
        tpu.enqueue_indirect_dma source(%dma_start3A_213 : memref<100000xf32, #tpu.memory_space<vmem_shared>>) target(%dma_start3A_208 : memref<128xf32, #tpu.memory_space<vmem>>) offsets(%dma_start3A_211 : memref<128xi32, #tpu.memory_space<vmem>>) semaphore(%run_scoped3A_207 : memref<!tpu.dma_semaphore, #tpu.memory_space<semaphore_mem>>)
        %dma_wait3A = arith.constant 256 : i32
        %dma_wait3A_214 = tpu.memref_slice %arg11[%dma_wait3A] : memref<1024xf32, #tpu.memory_space<vmem>> -> memref<128xf32, #tpu.memory_space<vmem>>
        %dma_wait3A_215 = arith.constant 0 : i32
        %dma_wait3A_216 = tpu.memref_slice %arg6[%run_scoped3A_201, %dma_wait3A_215] : memref<8x128xi32, #tpu.memory_space<vmem>> -> memref<1x128xi32, #tpu.memory_space<vmem>>
        %dma_wait3A_217 = tpu.memref_squeeze %dma_wait3A_216 : memref<1x128xi32, #tpu.memory_space<vmem>> -> memref<128xi32, #tpu.memory_space<vmem>>
        %dma_wait3A_218 = arith.constant 0 : i32
        %dma_wait3A_219 = tpu.memref_slice %arg13[%dma_wait3A_218] : memref<100000xf32, #tpu.memory_space<vmem_shared>> -> memref<100000xf32, #tpu.memory_space<vmem_shared>>
        tpu.wait_indirect_dma semaphore(%run_scoped3A_207 : memref<!tpu.dma_semaphore, #tpu.memory_space<semaphore_mem>>) src(%dma_wait3A_219 : memref<100000xf32, #tpu.memory_space<vmem_shared>>) dst(%dma_wait3A_214 : memref<128xf32, #tpu.memory_space<vmem>>)
        tpu.yield
      }) : () -> ()
      %run_scoped3A_202 = arith.constant 3 : i32
      "tpu.region"() ({
        %run_scoped3A_207 = tpu.sem_alloc : memref<!tpu.dma_semaphore, #tpu.memory_space<semaphore_mem>>
        %dma_start3A = arith.constant 384 : i32
        %dma_start3A_208 = tpu.memref_slice %arg11[%dma_start3A] : memref<1024xf32, #tpu.memory_space<vmem>> -> memref<128xf32, #tpu.memory_space<vmem>>
        %dma_start3A_209 = arith.constant 0 : i32
        %dma_start3A_210 = tpu.memref_slice %arg6[%run_scoped3A_202, %dma_start3A_209] : memref<8x128xi32, #tpu.memory_space<vmem>> -> memref<1x128xi32, #tpu.memory_space<vmem>>
        %dma_start3A_211 = tpu.memref_squeeze %dma_start3A_210 : memref<1x128xi32, #tpu.memory_space<vmem>> -> memref<128xi32, #tpu.memory_space<vmem>>
        %dma_start3A_212 = arith.constant 0 : i32
        %dma_start3A_213 = tpu.memref_slice %arg13[%dma_start3A_212] : memref<100000xf32, #tpu.memory_space<vmem_shared>> -> memref<100000xf32, #tpu.memory_space<vmem_shared>>
        tpu.enqueue_indirect_dma source(%dma_start3A_213 : memref<100000xf32, #tpu.memory_space<vmem_shared>>) target(%dma_start3A_208 : memref<128xf32, #tpu.memory_space<vmem>>) offsets(%dma_start3A_211 : memref<128xi32, #tpu.memory_space<vmem>>) semaphore(%run_scoped3A_207 : memref<!tpu.dma_semaphore, #tpu.memory_space<semaphore_mem>>)
        %dma_wait3A = arith.constant 384 : i32
        %dma_wait3A_214 = tpu.memref_slice %arg11[%dma_wait3A] : memref<1024xf32, #tpu.memory_space<vmem>> -> memref<128xf32, #tpu.memory_space<vmem>>
        %dma_wait3A_215 = arith.constant 0 : i32
        %dma_wait3A_216 = tpu.memref_slice %arg6[%run_scoped3A_202, %dma_wait3A_215] : memref<8x128xi32, #tpu.memory_space<vmem>> -> memref<1x128xi32, #tpu.memory_space<vmem>>
        %dma_wait3A_217 = tpu.memref_squeeze %dma_wait3A_216 : memref<1x128xi32, #tpu.memory_space<vmem>> -> memref<128xi32, #tpu.memory_space<vmem>>
        %dma_wait3A_218 = arith.constant 0 : i32
        %dma_wait3A_219 = tpu.memref_slice %arg13[%dma_wait3A_218] : memref<100000xf32, #tpu.memory_space<vmem_shared>> -> memref<100000xf32, #tpu.memory_space<vmem_shared>>
        tpu.wait_indirect_dma semaphore(%run_scoped3A_207 : memref<!tpu.dma_semaphore, #tpu.memory_space<semaphore_mem>>) src(%dma_wait3A_219 : memref<100000xf32, #tpu.memory_space<vmem_shared>>) dst(%dma_wait3A_214 : memref<128xf32, #tpu.memory_space<vmem>>)
        tpu.yield
      }) : () -> ()
      %run_scoped3A_203 = arith.constant 4 : i32
      "tpu.region"() ({
        %run_scoped3A_207 = tpu.sem_alloc : memref<!tpu.dma_semaphore, #tpu.memory_space<semaphore_mem>>
        %dma_start3A = arith.constant 512 : i32
        %dma_start3A_208 = tpu.memref_slice %arg11[%dma_start3A] : memref<1024xf32, #tpu.memory_space<vmem>> -> memref<128xf32, #tpu.memory_space<vmem>>
        %dma_start3A_209 = arith.constant 0 : i32
        %dma_start3A_210 = tpu.memref_slice %arg6[%run_scoped3A_203, %dma_start3A_209] : memref<8x128xi32, #tpu.memory_space<vmem>> -> memref<1x128xi32, #tpu.memory_space<vmem>>
        %dma_start3A_211 = tpu.memref_squeeze %dma_start3A_210 : memref<1x128xi32, #tpu.memory_space<vmem>> -> memref<128xi32, #tpu.memory_space<vmem>>
        %dma_start3A_212 = arith.constant 0 : i32
        %dma_start3A_213 = tpu.memref_slice %arg13[%dma_start3A_212] : memref<100000xf32, #tpu.memory_space<vmem_shared>> -> memref<100000xf32, #tpu.memory_space<vmem_shared>>
        tpu.enqueue_indirect_dma source(%dma_start3A_213 : memref<100000xf32, #tpu.memory_space<vmem_shared>>) target(%dma_start3A_208 : memref<128xf32, #tpu.memory_space<vmem>>) offsets(%dma_start3A_211 : memref<128xi32, #tpu.memory_space<vmem>>) semaphore(%run_scoped3A_207 : memref<!tpu.dma_semaphore, #tpu.memory_space<semaphore_mem>>)
        %dma_wait3A = arith.constant 512 : i32
        %dma_wait3A_214 = tpu.memref_slice %arg11[%dma_wait3A] : memref<1024xf32, #tpu.memory_space<vmem>> -> memref<128xf32, #tpu.memory_space<vmem>>
        %dma_wait3A_215 = arith.constant 0 : i32
        %dma_wait3A_216 = tpu.memref_slice %arg6[%run_scoped3A_203, %dma_wait3A_215] : memref<8x128xi32, #tpu.memory_space<vmem>> -> memref<1x128xi32, #tpu.memory_space<vmem>>
        %dma_wait3A_217 = tpu.memref_squeeze %dma_wait3A_216 : memref<1x128xi32, #tpu.memory_space<vmem>> -> memref<128xi32, #tpu.memory_space<vmem>>
        %dma_wait3A_218 = arith.constant 0 : i32
        %dma_wait3A_219 = tpu.memref_slice %arg13[%dma_wait3A_218] : memref<100000xf32, #tpu.memory_space<vmem_shared>> -> memref<100000xf32, #tpu.memory_space<vmem_shared>>
        tpu.wait_indirect_dma semaphore(%run_scoped3A_207 : memref<!tpu.dma_semaphore, #tpu.memory_space<semaphore_mem>>) src(%dma_wait3A_219 : memref<100000xf32, #tpu.memory_space<vmem_shared>>) dst(%dma_wait3A_214 : memref<128xf32, #tpu.memory_space<vmem>>)
        tpu.yield
      }) : () -> ()
      %run_scoped3A_204 = arith.constant 5 : i32
      "tpu.region"() ({
        %run_scoped3A_207 = tpu.sem_alloc : memref<!tpu.dma_semaphore, #tpu.memory_space<semaphore_mem>>
        %dma_start3A = arith.constant 640 : i32
        %dma_start3A_208 = tpu.memref_slice %arg11[%dma_start3A] : memref<1024xf32, #tpu.memory_space<vmem>> -> memref<128xf32, #tpu.memory_space<vmem>>
        %dma_start3A_209 = arith.constant 0 : i32
        %dma_start3A_210 = tpu.memref_slice %arg6[%run_scoped3A_204, %dma_start3A_209] : memref<8x128xi32, #tpu.memory_space<vmem>> -> memref<1x128xi32, #tpu.memory_space<vmem>>
        %dma_start3A_211 = tpu.memref_squeeze %dma_start3A_210 : memref<1x128xi32, #tpu.memory_space<vmem>> -> memref<128xi32, #tpu.memory_space<vmem>>
        %dma_start3A_212 = arith.constant 0 : i32
        %dma_start3A_213 = tpu.memref_slice %arg13[%dma_start3A_212] : memref<100000xf32, #tpu.memory_space<vmem_shared>> -> memref<100000xf32, #tpu.memory_space<vmem_shared>>
        tpu.enqueue_indirect_dma source(%dma_start3A_213 : memref<100000xf32, #tpu.memory_space<vmem_shared>>) target(%dma_start3A_208 : memref<128xf32, #tpu.memory_space<vmem>>) offsets(%dma_start3A_211 : memref<128xi32, #tpu.memory_space<vmem>>) semaphore(%run_scoped3A_207 : memref<!tpu.dma_semaphore, #tpu.memory_space<semaphore_mem>>)
        %dma_wait3A = arith.constant 640 : i32
        %dma_wait3A_214 = tpu.memref_slice %arg11[%dma_wait3A] : memref<1024xf32, #tpu.memory_space<vmem>> -> memref<128xf32, #tpu.memory_space<vmem>>
        %dma_wait3A_215 = arith.constant 0 : i32
        %dma_wait3A_216 = tpu.memref_slice %arg6[%run_scoped3A_204, %dma_wait3A_215] : memref<8x128xi32, #tpu.memory_space<vmem>> -> memref<1x128xi32, #tpu.memory_space<vmem>>
        %dma_wait3A_217 = tpu.memref_squeeze %dma_wait3A_216 : memref<1x128xi32, #tpu.memory_space<vmem>> -> memref<128xi32, #tpu.memory_space<vmem>>
        %dma_wait3A_218 = arith.constant 0 : i32
        %dma_wait3A_219 = tpu.memref_slice %arg13[%dma_wait3A_218] : memref<100000xf32, #tpu.memory_space<vmem_shared>> -> memref<100000xf32, #tpu.memory_space<vmem_shared>>
        tpu.wait_indirect_dma semaphore(%run_scoped3A_207 : memref<!tpu.dma_semaphore, #tpu.memory_space<semaphore_mem>>) src(%dma_wait3A_219 : memref<100000xf32, #tpu.memory_space<vmem_shared>>) dst(%dma_wait3A_214 : memref<128xf32, #tpu.memory_space<vmem>>)
        tpu.yield
      }) : () -> ()
      %run_scoped3A_205 = arith.constant 6 : i32
      "tpu.region"() ({
        %run_scoped3A_207 = tpu.sem_alloc : memref<!tpu.dma_semaphore, #tpu.memory_space<semaphore_mem>>
        %dma_start3A = arith.constant 768 : i32
        %dma_start3A_208 = tpu.memref_slice %arg11[%dma_start3A] : memref<1024xf32, #tpu.memory_space<vmem>> -> memref<128xf32, #tpu.memory_space<vmem>>
        %dma_start3A_209 = arith.constant 0 : i32
        %dma_start3A_210 = tpu.memref_slice %arg6[%run_scoped3A_205, %dma_start3A_209] : memref<8x128xi32, #tpu.memory_space<vmem>> -> memref<1x128xi32, #tpu.memory_space<vmem>>
        %dma_start3A_211 = tpu.memref_squeeze %dma_start3A_210 : memref<1x128xi32, #tpu.memory_space<vmem>> -> memref<128xi32, #tpu.memory_space<vmem>>
        %dma_start3A_212 = arith.constant 0 : i32
        %dma_start3A_213 = tpu.memref_slice %arg13[%dma_start3A_212] : memref<100000xf32, #tpu.memory_space<vmem_shared>> -> memref<100000xf32, #tpu.memory_space<vmem_shared>>
        tpu.enqueue_indirect_dma source(%dma_start3A_213 : memref<100000xf32, #tpu.memory_space<vmem_shared>>) target(%dma_start3A_208 : memref<128xf32, #tpu.memory_space<vmem>>) offsets(%dma_start3A_211 : memref<128xi32, #tpu.memory_space<vmem>>) semaphore(%run_scoped3A_207 : memref<!tpu.dma_semaphore, #tpu.memory_space<semaphore_mem>>)
        %dma_wait3A = arith.constant 768 : i32
        %dma_wait3A_214 = tpu.memref_slice %arg11[%dma_wait3A] : memref<1024xf32, #tpu.memory_space<vmem>> -> memref<128xf32, #tpu.memory_space<vmem>>
        %dma_wait3A_215 = arith.constant 0 : i32
        %dma_wait3A_216 = tpu.memref_slice %arg6[%run_scoped3A_205, %dma_wait3A_215] : memref<8x128xi32, #tpu.memory_space<vmem>> -> memref<1x128xi32, #tpu.memory_space<vmem>>
        %dma_wait3A_217 = tpu.memref_squeeze %dma_wait3A_216 : memref<1x128xi32, #tpu.memory_space<vmem>> -> memref<128xi32, #tpu.memory_space<vmem>>
        %dma_wait3A_218 = arith.constant 0 : i32
        %dma_wait3A_219 = tpu.memref_slice %arg13[%dma_wait3A_218] : memref<100000xf32, #tpu.memory_space<vmem_shared>> -> memref<100000xf32, #tpu.memory_space<vmem_shared>>
        tpu.wait_indirect_dma semaphore(%run_scoped3A_207 : memref<!tpu.dma_semaphore, #tpu.memory_space<semaphore_mem>>) src(%dma_wait3A_219 : memref<100000xf32, #tpu.memory_space<vmem_shared>>) dst(%dma_wait3A_214 : memref<128xf32, #tpu.memory_space<vmem>>)
        tpu.yield
      }) : () -> ()
      %run_scoped3A_206 = arith.constant 7 : i32
      "tpu.region"() ({
        %run_scoped3A_207 = tpu.sem_alloc : memref<!tpu.dma_semaphore, #tpu.memory_space<semaphore_mem>>
        %dma_start3A = arith.constant 896 : i32
        %dma_start3A_208 = tpu.memref_slice %arg11[%dma_start3A] : memref<1024xf32, #tpu.memory_space<vmem>> -> memref<128xf32, #tpu.memory_space<vmem>>
        %dma_start3A_209 = arith.constant 0 : i32
        %dma_start3A_210 = tpu.memref_slice %arg6[%run_scoped3A_206, %dma_start3A_209] : memref<8x128xi32, #tpu.memory_space<vmem>> -> memref<1x128xi32, #tpu.memory_space<vmem>>
        %dma_start3A_211 = tpu.memref_squeeze %dma_start3A_210 : memref<1x128xi32, #tpu.memory_space<vmem>> -> memref<128xi32, #tpu.memory_space<vmem>>
        %dma_start3A_212 = arith.constant 0 : i32
        %dma_start3A_213 = tpu.memref_slice %arg13[%dma_start3A_212] : memref<100000xf32, #tpu.memory_space<vmem_shared>> -> memref<100000xf32, #tpu.memory_space<vmem_shared>>
        tpu.enqueue_indirect_dma source(%dma_start3A_213 : memref<100000xf32, #tpu.memory_space<vmem_shared>>) target(%dma_start3A_208 : memref<128xf32, #tpu.memory_space<vmem>>) offsets(%dma_start3A_211 : memref<128xi32, #tpu.memory_space<vmem>>) semaphore(%run_scoped3A_207 : memref<!tpu.dma_semaphore, #tpu.memory_space<semaphore_mem>>)
        %dma_wait3A = arith.constant 896 : i32
        %dma_wait3A_214 = tpu.memref_slice %arg11[%dma_wait3A] : memref<1024xf32, #tpu.memory_space<vmem>> -> memref<128xf32, #tpu.memory_space<vmem>>
        %dma_wait3A_215 = arith.constant 0 : i32
        %dma_wait3A_216 = tpu.memref_slice %arg6[%run_scoped3A_206, %dma_wait3A_215] : memref<8x128xi32, #tpu.memory_space<vmem>> -> memref<1x128xi32, #tpu.memory_space<vmem>>
        %dma_wait3A_217 = tpu.memref_squeeze %dma_wait3A_216 : memref<1x128xi32, #tpu.memory_space<vmem>> -> memref<128xi32, #tpu.memory_space<vmem>>
        %dma_wait3A_218 = arith.constant 0 : i32
        %dma_wait3A_219 = tpu.memref_slice %arg13[%dma_wait3A_218] : memref<100000xf32, #tpu.memory_space<vmem_shared>> -> memref<100000xf32, #tpu.memory_space<vmem_shared>>
        tpu.wait_indirect_dma semaphore(%run_scoped3A_207 : memref<!tpu.dma_semaphore, #tpu.memory_space<semaphore_mem>>) src(%dma_wait3A_219 : memref<100000xf32, #tpu.memory_space<vmem_shared>>) dst(%dma_wait3A_214 : memref<128xf32, #tpu.memory_space<vmem>>)
        tpu.yield
      }) : () -> ()
      "tpu.region"() ({
        %run_scoped3A_207 = tpu.sem_alloc : memref<!tpu.dma_semaphore, #tpu.memory_space<semaphore_mem>>
        %dma_start3A = tpu.memref_slice %arg5[%mul3A_0] : memref<16384xf32, #tpu.memory_space<hbm>> -> memref<1024xf32, #tpu.memory_space<hbm>>
        %dma_start3A_208 = tpu.memref_slice %arg5[%mul3A_0] : memref<16384xf32, #tpu.memory_space<hbm>> -> memref<1024xf32, #tpu.memory_space<hbm>>
        tpu.enqueue_dma source(%arg11 : memref<1024xf32, #tpu.memory_space<vmem>>) target(%dma_start3A_208 : memref<1024xf32, #tpu.memory_space<hbm>>) target_semaphore(%run_scoped3A_207 : memref<!tpu.dma_semaphore, #tpu.memory_space<semaphore_mem>>)
        %dma_wait3A = tpu.memref_slice %arg5[%mul3A_0] : memref<16384xf32, #tpu.memory_space<hbm>> -> memref<1024xf32, #tpu.memory_space<hbm>>
        %dma_wait3A_209 = tpu.memref_slice %arg5[%mul3A_0] : memref<16384xf32, #tpu.memory_space<hbm>> -> memref<1024xf32, #tpu.memory_space<hbm>>
        tpu.wait_dma2 semaphore(%run_scoped3A_207 : memref<!tpu.dma_semaphore, #tpu.memory_space<semaphore_mem>>) src(%arg11 : memref<1024xf32, #tpu.memory_space<vmem>>) dst(%dma_wait3A_209 : memref<1024xf32, #tpu.memory_space<hbm>>)
        tpu.yield
      }) : () -> ()
    } else {
    }
    %barrier3A_165 = arith.constant 0 : index
    tpu.barrier barrier_id(%barrier3A_165)
    %mul3A_166 = arith.constant 2 : i32
    %mul3A_167 = arith.muli %arg0, %mul3A_166 : i32
    %mul3A_168 = arith.constant 16 : i32
    %mul3A_169 = arith.muli %mul3A_167, %mul3A_168 : i32
    %add3A_170 = arith.constant 16 : i32
    %add3A_171 = arith.addi %mul3A_169, %add3A_170 : i32
    %run_scoped3A_172 = arith.constant 0 : i32
    "tpu.region"() ({
      %run_scoped3A_199 = tpu.sem_alloc : memref<!tpu.dma_semaphore, #tpu.memory_space<semaphore_mem>>
      %dma_start3A = arith.constant 0 : i32
      %dma_start3A_200 = tpu.memref_slice %arg6[%run_scoped3A_172, %dma_start3A] : memref<8x128xi32, #tpu.memory_space<vmem>> -> memref<1x128xi32, #tpu.memory_space<vmem>>
      %dma_start3A_201 = tpu.memref_squeeze %dma_start3A_200 : memref<1x128xi32, #tpu.memory_space<vmem>> -> memref<128xi32, #tpu.memory_space<vmem>>
      %dma_start3A_202 = arith.constant 0 : i32
      %dma_start3A_203 = arith.constant 0 : i32
      %dma_start3A_204 = tpu.memref_slice %arg12[%dma_start3A_202, %dma_start3A_203] : memref<100000x16xf32, #tpu.memory_space<vmem_shared>> -> memref<100000x16xf32, #tpu.memory_space<vmem_shared>>
      tpu.enqueue_indirect_dma source(%arg8 : memref<128x16xf32, #tpu.memory_space<vmem>>) target(%dma_start3A_204 : memref<100000x16xf32, #tpu.memory_space<vmem_shared>>) offsets(%dma_start3A_201 : memref<128xi32, #tpu.memory_space<vmem>>) semaphore(%run_scoped3A_199 : memref<!tpu.dma_semaphore, #tpu.memory_space<semaphore_mem>>)
      %dma_wait3A = arith.constant 0 : i32
      %dma_wait3A_205 = tpu.memref_slice %arg6[%run_scoped3A_172, %dma_wait3A] : memref<8x128xi32, #tpu.memory_space<vmem>> -> memref<1x128xi32, #tpu.memory_space<vmem>>
      %dma_wait3A_206 = tpu.memref_squeeze %dma_wait3A_205 : memref<1x128xi32, #tpu.memory_space<vmem>> -> memref<128xi32, #tpu.memory_space<vmem>>
      %dma_wait3A_207 = arith.constant 0 : i32
      %dma_wait3A_208 = arith.constant 0 : i32
      %dma_wait3A_209 = tpu.memref_slice %arg12[%dma_wait3A_207, %dma_wait3A_208] : memref<100000x16xf32, #tpu.memory_space<vmem_shared>> -> memref<100000x16xf32, #tpu.memory_space<vmem_shared>>
      tpu.wait_indirect_dma semaphore(%run_scoped3A_199 : memref<!tpu.dma_semaphore, #tpu.memory_space<semaphore_mem>>) src(%arg8 : memref<128x16xf32, #tpu.memory_space<vmem>>) dst(%dma_wait3A_209 : memref<100000x16xf32, #tpu.memory_space<vmem_shared>>)
      tpu.yield
    }) : () -> ()
    %run_scoped3A_173 = arith.constant 1 : i32
    "tpu.region"() ({
      %run_scoped3A_199 = tpu.sem_alloc : memref<!tpu.dma_semaphore, #tpu.memory_space<semaphore_mem>>
      %dma_start3A = arith.constant 0 : i32
      %dma_start3A_200 = tpu.memref_slice %arg6[%run_scoped3A_173, %dma_start3A] : memref<8x128xi32, #tpu.memory_space<vmem>> -> memref<1x128xi32, #tpu.memory_space<vmem>>
      %dma_start3A_201 = tpu.memref_squeeze %dma_start3A_200 : memref<1x128xi32, #tpu.memory_space<vmem>> -> memref<128xi32, #tpu.memory_space<vmem>>
      %dma_start3A_202 = arith.constant 0 : i32
      %dma_start3A_203 = arith.constant 0 : i32
      %dma_start3A_204 = tpu.memref_slice %arg12[%dma_start3A_202, %dma_start3A_203] : memref<100000x16xf32, #tpu.memory_space<vmem_shared>> -> memref<100000x16xf32, #tpu.memory_space<vmem_shared>>
      tpu.enqueue_indirect_dma source(%arg8 : memref<128x16xf32, #tpu.memory_space<vmem>>) target(%dma_start3A_204 : memref<100000x16xf32, #tpu.memory_space<vmem_shared>>) offsets(%dma_start3A_201 : memref<128xi32, #tpu.memory_space<vmem>>) semaphore(%run_scoped3A_199 : memref<!tpu.dma_semaphore, #tpu.memory_space<semaphore_mem>>)
      %dma_wait3A = arith.constant 0 : i32
      %dma_wait3A_205 = tpu.memref_slice %arg6[%run_scoped3A_173, %dma_wait3A] : memref<8x128xi32, #tpu.memory_space<vmem>> -> memref<1x128xi32, #tpu.memory_space<vmem>>
      %dma_wait3A_206 = tpu.memref_squeeze %dma_wait3A_205 : memref<1x128xi32, #tpu.memory_space<vmem>> -> memref<128xi32, #tpu.memory_space<vmem>>
      %dma_wait3A_207 = arith.constant 0 : i32
      %dma_wait3A_208 = arith.constant 0 : i32
      %dma_wait3A_209 = tpu.memref_slice %arg12[%dma_wait3A_207, %dma_wait3A_208] : memref<100000x16xf32, #tpu.memory_space<vmem_shared>> -> memref<100000x16xf32, #tpu.memory_space<vmem_shared>>
      tpu.wait_indirect_dma semaphore(%run_scoped3A_199 : memref<!tpu.dma_semaphore, #tpu.memory_space<semaphore_mem>>) src(%arg8 : memref<128x16xf32, #tpu.memory_space<vmem>>) dst(%dma_wait3A_209 : memref<100000x16xf32, #tpu.memory_space<vmem_shared>>)
      tpu.yield
    }) : () -> ()
    %run_scoped3A_174 = arith.constant 2 : i32
    "tpu.region"() ({
      %run_scoped3A_199 = tpu.sem_alloc : memref<!tpu.dma_semaphore, #tpu.memory_space<semaphore_mem>>
      %dma_start3A = arith.constant 0 : i32
      %dma_start3A_200 = tpu.memref_slice %arg6[%run_scoped3A_174, %dma_start3A] : memref<8x128xi32, #tpu.memory_space<vmem>> -> memref<1x128xi32, #tpu.memory_space<vmem>>
      %dma_start3A_201 = tpu.memref_squeeze %dma_start3A_200 : memref<1x128xi32, #tpu.memory_space<vmem>> -> memref<128xi32, #tpu.memory_space<vmem>>
      %dma_start3A_202 = arith.constant 0 : i32
      %dma_start3A_203 = arith.constant 0 : i32
      %dma_start3A_204 = tpu.memref_slice %arg12[%dma_start3A_202, %dma_start3A_203] : memref<100000x16xf32, #tpu.memory_space<vmem_shared>> -> memref<100000x16xf32, #tpu.memory_space<vmem_shared>>
      tpu.enqueue_indirect_dma source(%arg8 : memref<128x16xf32, #tpu.memory_space<vmem>>) target(%dma_start3A_204 : memref<100000x16xf32, #tpu.memory_space<vmem_shared>>) offsets(%dma_start3A_201 : memref<128xi32, #tpu.memory_space<vmem>>) semaphore(%run_scoped3A_199 : memref<!tpu.dma_semaphore, #tpu.memory_space<semaphore_mem>>)
      %dma_wait3A = arith.constant 0 : i32
      %dma_wait3A_205 = tpu.memref_slice %arg6[%run_scoped3A_174, %dma_wait3A] : memref<8x128xi32, #tpu.memory_space<vmem>> -> memref<1x128xi32, #tpu.memory_space<vmem>>
      %dma_wait3A_206 = tpu.memref_squeeze %dma_wait3A_205 : memref<1x128xi32, #tpu.memory_space<vmem>> -> memref<128xi32, #tpu.memory_space<vmem>>
      %dma_wait3A_207 = arith.constant 0 : i32
      %dma_wait3A_208 = arith.constant 0 : i32
      %dma_wait3A_209 = tpu.memref_slice %arg12[%dma_wait3A_207, %dma_wait3A_208] : memref<100000x16xf32, #tpu.memory_space<vmem_shared>> -> memref<100000x16xf32, #tpu.memory_space<vmem_shared>>
      tpu.wait_indirect_dma semaphore(%run_scoped3A_199 : memref<!tpu.dma_semaphore, #tpu.memory_space<semaphore_mem>>) src(%arg8 : memref<128x16xf32, #tpu.memory_space<vmem>>) dst(%dma_wait3A_209 : memref<100000x16xf32, #tpu.memory_space<vmem_shared>>)
      tpu.yield
    }) : () -> ()
    %run_scoped3A_175 = arith.constant 3 : i32
    "tpu.region"() ({
      %run_scoped3A_199 = tpu.sem_alloc : memref<!tpu.dma_semaphore, #tpu.memory_space<semaphore_mem>>
      %dma_start3A = arith.constant 0 : i32
      %dma_start3A_200 = tpu.memref_slice %arg6[%run_scoped3A_175, %dma_start3A] : memref<8x128xi32, #tpu.memory_space<vmem>> -> memref<1x128xi32, #tpu.memory_space<vmem>>
      %dma_start3A_201 = tpu.memref_squeeze %dma_start3A_200 : memref<1x128xi32, #tpu.memory_space<vmem>> -> memref<128xi32, #tpu.memory_space<vmem>>
      %dma_start3A_202 = arith.constant 0 : i32
      %dma_start3A_203 = arith.constant 0 : i32
      %dma_start3A_204 = tpu.memref_slice %arg12[%dma_start3A_202, %dma_start3A_203] : memref<100000x16xf32, #tpu.memory_space<vmem_shared>> -> memref<100000x16xf32, #tpu.memory_space<vmem_shared>>
      tpu.enqueue_indirect_dma source(%arg8 : memref<128x16xf32, #tpu.memory_space<vmem>>) target(%dma_start3A_204 : memref<100000x16xf32, #tpu.memory_space<vmem_shared>>) offsets(%dma_start3A_201 : memref<128xi32, #tpu.memory_space<vmem>>) semaphore(%run_scoped3A_199 : memref<!tpu.dma_semaphore, #tpu.memory_space<semaphore_mem>>)
      %dma_wait3A = arith.constant 0 : i32
      %dma_wait3A_205 = tpu.memref_slice %arg6[%run_scoped3A_175, %dma_wait3A] : memref<8x128xi32, #tpu.memory_space<vmem>> -> memref<1x128xi32, #tpu.memory_space<vmem>>
      %dma_wait3A_206 = tpu.memref_squeeze %dma_wait3A_205 : memref<1x128xi32, #tpu.memory_space<vmem>> -> memref<128xi32, #tpu.memory_space<vmem>>
      %dma_wait3A_207 = arith.constant 0 : i32
      %dma_wait3A_208 = arith.constant 0 : i32
      %dma_wait3A_209 = tpu.memref_slice %arg12[%dma_wait3A_207, %dma_wait3A_208] : memref<100000x16xf32, #tpu.memory_space<vmem_shared>> -> memref<100000x16xf32, #tpu.memory_space<vmem_shared>>
      tpu.wait_indirect_dma semaphore(%run_scoped3A_199 : memref<!tpu.dma_semaphore, #tpu.memory_space<semaphore_mem>>) src(%arg8 : memref<128x16xf32, #tpu.memory_space<vmem>>) dst(%dma_wait3A_209 : memref<100000x16xf32, #tpu.memory_space<vmem_shared>>)
      tpu.yield
    }) : () -> ()
    %run_scoped3A_176 = arith.constant 4 : i32
    "tpu.region"() ({
      %run_scoped3A_199 = tpu.sem_alloc : memref<!tpu.dma_semaphore, #tpu.memory_space<semaphore_mem>>
      %dma_start3A = arith.constant 0 : i32
      %dma_start3A_200 = tpu.memref_slice %arg6[%run_scoped3A_176, %dma_start3A] : memref<8x128xi32, #tpu.memory_space<vmem>> -> memref<1x128xi32, #tpu.memory_space<vmem>>
      %dma_start3A_201 = tpu.memref_squeeze %dma_start3A_200 : memref<1x128xi32, #tpu.memory_space<vmem>> -> memref<128xi32, #tpu.memory_space<vmem>>
      %dma_start3A_202 = arith.constant 0 : i32
      %dma_start3A_203 = arith.constant 0 : i32
      %dma_start3A_204 = tpu.memref_slice %arg12[%dma_start3A_202, %dma_start3A_203] : memref<100000x16xf32, #tpu.memory_space<vmem_shared>> -> memref<100000x16xf32, #tpu.memory_space<vmem_shared>>
      tpu.enqueue_indirect_dma source(%arg8 : memref<128x16xf32, #tpu.memory_space<vmem>>) target(%dma_start3A_204 : memref<100000x16xf32, #tpu.memory_space<vmem_shared>>) offsets(%dma_start3A_201 : memref<128xi32, #tpu.memory_space<vmem>>) semaphore(%run_scoped3A_199 : memref<!tpu.dma_semaphore, #tpu.memory_space<semaphore_mem>>)
      %dma_wait3A = arith.constant 0 : i32
      %dma_wait3A_205 = tpu.memref_slice %arg6[%run_scoped3A_176, %dma_wait3A] : memref<8x128xi32, #tpu.memory_space<vmem>> -> memref<1x128xi32, #tpu.memory_space<vmem>>
      %dma_wait3A_206 = tpu.memref_squeeze %dma_wait3A_205 : memref<1x128xi32, #tpu.memory_space<vmem>> -> memref<128xi32, #tpu.memory_space<vmem>>
      %dma_wait3A_207 = arith.constant 0 : i32
      %dma_wait3A_208 = arith.constant 0 : i32
      %dma_wait3A_209 = tpu.memref_slice %arg12[%dma_wait3A_207, %dma_wait3A_208] : memref<100000x16xf32, #tpu.memory_space<vmem_shared>> -> memref<100000x16xf32, #tpu.memory_space<vmem_shared>>
      tpu.wait_indirect_dma semaphore(%run_scoped3A_199 : memref<!tpu.dma_semaphore, #tpu.memory_space<semaphore_mem>>) src(%arg8 : memref<128x16xf32, #tpu.memory_space<vmem>>) dst(%dma_wait3A_209 : memref<100000x16xf32, #tpu.memory_space<vmem_shared>>)
      tpu.yield
    }) : () -> ()
    %run_scoped3A_177 = arith.constant 5 : i32
    "tpu.region"() ({
      %run_scoped3A_199 = tpu.sem_alloc : memref<!tpu.dma_semaphore, #tpu.memory_space<semaphore_mem>>
      %dma_start3A = arith.constant 0 : i32
      %dma_start3A_200 = tpu.memref_slice %arg6[%run_scoped3A_177, %dma_start3A] : memref<8x128xi32, #tpu.memory_space<vmem>> -> memref<1x128xi32, #tpu.memory_space<vmem>>
      %dma_start3A_201 = tpu.memref_squeeze %dma_start3A_200 : memref<1x128xi32, #tpu.memory_space<vmem>> -> memref<128xi32, #tpu.memory_space<vmem>>
      %dma_start3A_202 = arith.constant 0 : i32
      %dma_start3A_203 = arith.constant 0 : i32
      %dma_start3A_204 = tpu.memref_slice %arg12[%dma_start3A_202, %dma_start3A_203] : memref<100000x16xf32, #tpu.memory_space<vmem_shared>> -> memref<100000x16xf32, #tpu.memory_space<vmem_shared>>
      tpu.enqueue_indirect_dma source(%arg8 : memref<128x16xf32, #tpu.memory_space<vmem>>) target(%dma_start3A_204 : memref<100000x16xf32, #tpu.memory_space<vmem_shared>>) offsets(%dma_start3A_201 : memref<128xi32, #tpu.memory_space<vmem>>) semaphore(%run_scoped3A_199 : memref<!tpu.dma_semaphore, #tpu.memory_space<semaphore_mem>>)
      %dma_wait3A = arith.constant 0 : i32
      %dma_wait3A_205 = tpu.memref_slice %arg6[%run_scoped3A_177, %dma_wait3A] : memref<8x128xi32, #tpu.memory_space<vmem>> -> memref<1x128xi32, #tpu.memory_space<vmem>>
      %dma_wait3A_206 = tpu.memref_squeeze %dma_wait3A_205 : memref<1x128xi32, #tpu.memory_space<vmem>> -> memref<128xi32, #tpu.memory_space<vmem>>
      %dma_wait3A_207 = arith.constant 0 : i32
      %dma_wait3A_208 = arith.constant 0 : i32
      %dma_wait3A_209 = tpu.memref_slice %arg12[%dma_wait3A_207, %dma_wait3A_208] : memref<100000x16xf32, #tpu.memory_space<vmem_shared>> -> memref<100000x16xf32, #tpu.memory_space<vmem_shared>>
      tpu.wait_indirect_dma semaphore(%run_scoped3A_199 : memref<!tpu.dma_semaphore, #tpu.memory_space<semaphore_mem>>) src(%arg8 : memref<128x16xf32, #tpu.memory_space<vmem>>) dst(%dma_wait3A_209 : memref<100000x16xf32, #tpu.memory_space<vmem_shared>>)
      tpu.yield
    }) : () -> ()
    %run_scoped3A_178 = arith.constant 6 : i32
    "tpu.region"() ({
      %run_scoped3A_199 = tpu.sem_alloc : memref<!tpu.dma_semaphore, #tpu.memory_space<semaphore_mem>>
      %dma_start3A = arith.constant 0 : i32
      %dma_start3A_200 = tpu.memref_slice %arg6[%run_scoped3A_178, %dma_start3A] : memref<8x128xi32, #tpu.memory_space<vmem>> -> memref<1x128xi32, #tpu.memory_space<vmem>>
      %dma_start3A_201 = tpu.memref_squeeze %dma_start3A_200 : memref<1x128xi32, #tpu.memory_space<vmem>> -> memref<128xi32, #tpu.memory_space<vmem>>
      %dma_start3A_202 = arith.constant 0 : i32
      %dma_start3A_203 = arith.constant 0 : i32
      %dma_start3A_204 = tpu.memref_slice %arg12[%dma_start3A_202, %dma_start3A_203] : memref<100000x16xf32, #tpu.memory_space<vmem_shared>> -> memref<100000x16xf32, #tpu.memory_space<vmem_shared>>
      tpu.enqueue_indirect_dma source(%arg8 : memref<128x16xf32, #tpu.memory_space<vmem>>) target(%dma_start3A_204 : memref<100000x16xf32, #tpu.memory_space<vmem_shared>>) offsets(%dma_start3A_201 : memref<128xi32, #tpu.memory_space<vmem>>) semaphore(%run_scoped3A_199 : memref<!tpu.dma_semaphore, #tpu.memory_space<semaphore_mem>>)
      %dma_wait3A = arith.constant 0 : i32
      %dma_wait3A_205 = tpu.memref_slice %arg6[%run_scoped3A_178, %dma_wait3A] : memref<8x128xi32, #tpu.memory_space<vmem>> -> memref<1x128xi32, #tpu.memory_space<vmem>>
      %dma_wait3A_206 = tpu.memref_squeeze %dma_wait3A_205 : memref<1x128xi32, #tpu.memory_space<vmem>> -> memref<128xi32, #tpu.memory_space<vmem>>
      %dma_wait3A_207 = arith.constant 0 : i32
      %dma_wait3A_208 = arith.constant 0 : i32
      %dma_wait3A_209 = tpu.memref_slice %arg12[%dma_wait3A_207, %dma_wait3A_208] : memref<100000x16xf32, #tpu.memory_space<vmem_shared>> -> memref<100000x16xf32, #tpu.memory_space<vmem_shared>>
      tpu.wait_indirect_dma semaphore(%run_scoped3A_199 : memref<!tpu.dma_semaphore, #tpu.memory_space<semaphore_mem>>) src(%arg8 : memref<128x16xf32, #tpu.memory_space<vmem>>) dst(%dma_wait3A_209 : memref<100000x16xf32, #tpu.memory_space<vmem_shared>>)
      tpu.yield
    }) : () -> ()
    %run_scoped3A_179 = arith.constant 7 : i32
    "tpu.region"() ({
      %run_scoped3A_199 = tpu.sem_alloc : memref<!tpu.dma_semaphore, #tpu.memory_space<semaphore_mem>>
      %dma_start3A = arith.constant 0 : i32
      %dma_start3A_200 = tpu.memref_slice %arg6[%run_scoped3A_179, %dma_start3A] : memref<8x128xi32, #tpu.memory_space<vmem>> -> memref<1x128xi32, #tpu.memory_space<vmem>>
      %dma_start3A_201 = tpu.memref_squeeze %dma_start3A_200 : memref<1x128xi32, #tpu.memory_space<vmem>> -> memref<128xi32, #tpu.memory_space<vmem>>
      %dma_start3A_202 = arith.constant 0 : i32
      %dma_start3A_203 = arith.constant 0 : i32
      %dma_start3A_204 = tpu.memref_slice %arg12[%dma_start3A_202, %dma_start3A_203] : memref<100000x16xf32, #tpu.memory_space<vmem_shared>> -> memref<100000x16xf32, #tpu.memory_space<vmem_shared>>
      tpu.enqueue_indirect_dma source(%arg8 : memref<128x16xf32, #tpu.memory_space<vmem>>) target(%dma_start3A_204 : memref<100000x16xf32, #tpu.memory_space<vmem_shared>>) offsets(%dma_start3A_201 : memref<128xi32, #tpu.memory_space<vmem>>) semaphore(%run_scoped3A_199 : memref<!tpu.dma_semaphore, #tpu.memory_space<semaphore_mem>>)
      %dma_wait3A = arith.constant 0 : i32
      %dma_wait3A_205 = tpu.memref_slice %arg6[%run_scoped3A_179, %dma_wait3A] : memref<8x128xi32, #tpu.memory_space<vmem>> -> memref<1x128xi32, #tpu.memory_space<vmem>>
      %dma_wait3A_206 = tpu.memref_squeeze %dma_wait3A_205 : memref<1x128xi32, #tpu.memory_space<vmem>> -> memref<128xi32, #tpu.memory_space<vmem>>
      %dma_wait3A_207 = arith.constant 0 : i32
      %dma_wait3A_208 = arith.constant 0 : i32
      %dma_wait3A_209 = tpu.memref_slice %arg12[%dma_wait3A_207, %dma_wait3A_208] : memref<100000x16xf32, #tpu.memory_space<vmem_shared>> -> memref<100000x16xf32, #tpu.memory_space<vmem_shared>>
      tpu.wait_indirect_dma semaphore(%run_scoped3A_199 : memref<!tpu.dma_semaphore, #tpu.memory_space<semaphore_mem>>) src(%arg8 : memref<128x16xf32, #tpu.memory_space<vmem>>) dst(%dma_wait3A_209 : memref<100000x16xf32, #tpu.memory_space<vmem_shared>>)
      tpu.yield
    }) : () -> ()
    %barrier3A_180 = arith.constant 0 : index
    tpu.barrier barrier_id(%barrier3A_180)
    "tpu.region"() ({
      %run_scoped3A_199 = tpu.sem_alloc : memref<!tpu.dma_semaphore, #tpu.memory_space<semaphore_mem>>
      %dma_start3A = tpu.memref_slice %arg2[%mul3A_0, %add3A_171] : memref<16384x64xf32, #tpu.memory_space<hbm>> -> memref<1024x16xf32, #tpu.memory_space<hbm>>
      %dma_start3A_200 = tpu.memref_slice %arg2[%mul3A_0, %add3A_171] : memref<16384x64xf32, #tpu.memory_space<hbm>> -> memref<1024x16xf32, #tpu.memory_space<hbm>>
      tpu.enqueue_dma source(%dma_start3A_200 : memref<1024x16xf32, #tpu.memory_space<hbm>>) target(%arg7 : memref<1024x16xf32, #tpu.memory_space<vmem>>) target_semaphore(%run_scoped3A_199 : memref<!tpu.dma_semaphore, #tpu.memory_space<semaphore_mem>>)
      %dma_wait3A = tpu.memref_slice %arg2[%mul3A_0, %add3A_171] : memref<16384x64xf32, #tpu.memory_space<hbm>> -> memref<1024x16xf32, #tpu.memory_space<hbm>>
      %dma_wait3A_201 = tpu.memref_slice %arg2[%mul3A_0, %add3A_171] : memref<16384x64xf32, #tpu.memory_space<hbm>> -> memref<1024x16xf32, #tpu.memory_space<hbm>>
      tpu.wait_dma2 semaphore(%run_scoped3A_199 : memref<!tpu.dma_semaphore, #tpu.memory_space<semaphore_mem>>) src(%dma_wait3A_201 : memref<1024x16xf32, #tpu.memory_space<hbm>>) dst(%arg7 : memref<1024x16xf32, #tpu.memory_space<vmem>>)
      tpu.yield
    }) : () -> ()
    %run_scoped3A_181 = arith.constant 0 : i32
    "tpu.region"() ({
      %run_scoped3A_199 = tpu.sem_alloc : memref<!tpu.dma_semaphore, #tpu.memory_space<semaphore_mem>>
      %dma_start3A = arith.constant 0 : i32
      %dma_start3A_200 = arith.constant 0 : i32
      %dma_start3A_201 = tpu.memref_slice %arg7[%dma_start3A, %dma_start3A_200] : memref<1024x16xf32, #tpu.memory_space<vmem>> -> memref<128x16xf32, #tpu.memory_space<vmem>>
      %dma_start3A_202 = arith.constant 0 : i32
      %dma_start3A_203 = tpu.memref_slice %arg6[%run_scoped3A_181, %dma_start3A_202] : memref<8x128xi32, #tpu.memory_space<vmem>> -> memref<1x128xi32, #tpu.memory_space<vmem>>
      %dma_start3A_204 = tpu.memref_squeeze %dma_start3A_203 : memref<1x128xi32, #tpu.memory_space<vmem>> -> memref<128xi32, #tpu.memory_space<vmem>>
      %dma_start3A_205 = arith.constant 0 : i32
      %dma_start3A_206 = arith.constant 0 : i32
      %dma_start3A_207 = tpu.memref_slice %arg12[%dma_start3A_205, %dma_start3A_206] : memref<100000x16xf32, #tpu.memory_space<vmem_shared>> -> memref<100000x16xf32, #tpu.memory_space<vmem_shared>>
      tpu.enqueue_indirect_dma source(%dma_start3A_201 : memref<128x16xf32, #tpu.memory_space<vmem>>) target(%dma_start3A_207 : memref<100000x16xf32, #tpu.memory_space<vmem_shared>>) offsets(%dma_start3A_204 : memref<128xi32, #tpu.memory_space<vmem>>) semaphore(%run_scoped3A_199 : memref<!tpu.dma_semaphore, #tpu.memory_space<semaphore_mem>>) {add = true}
      %dma_wait3A = arith.constant 0 : i32
      %dma_wait3A_208 = arith.constant 0 : i32
      %dma_wait3A_209 = tpu.memref_slice %arg7[%dma_wait3A, %dma_wait3A_208] : memref<1024x16xf32, #tpu.memory_space<vmem>> -> memref<128x16xf32, #tpu.memory_space<vmem>>
      %dma_wait3A_210 = arith.constant 0 : i32
      %dma_wait3A_211 = tpu.memref_slice %arg6[%run_scoped3A_181, %dma_wait3A_210] : memref<8x128xi32, #tpu.memory_space<vmem>> -> memref<1x128xi32, #tpu.memory_space<vmem>>
      %dma_wait3A_212 = tpu.memref_squeeze %dma_wait3A_211 : memref<1x128xi32, #tpu.memory_space<vmem>> -> memref<128xi32, #tpu.memory_space<vmem>>
      %dma_wait3A_213 = arith.constant 0 : i32
      %dma_wait3A_214 = arith.constant 0 : i32
      %dma_wait3A_215 = tpu.memref_slice %arg12[%dma_wait3A_213, %dma_wait3A_214] : memref<100000x16xf32, #tpu.memory_space<vmem_shared>> -> memref<100000x16xf32, #tpu.memory_space<vmem_shared>>
      tpu.wait_indirect_dma semaphore(%run_scoped3A_199 : memref<!tpu.dma_semaphore, #tpu.memory_space<semaphore_mem>>) src(%dma_wait3A_209 : memref<128x16xf32, #tpu.memory_space<vmem>>) dst(%dma_wait3A_215 : memref<100000x16xf32, #tpu.memory_space<vmem_shared>>)
      tpu.yield
    }) : () -> ()
    %run_scoped3A_182 = arith.constant 1 : i32
    "tpu.region"() ({
      %run_scoped3A_199 = tpu.sem_alloc : memref<!tpu.dma_semaphore, #tpu.memory_space<semaphore_mem>>
      %dma_start3A = arith.constant 128 : i32
      %dma_start3A_200 = arith.constant 0 : i32
      %dma_start3A_201 = tpu.memref_slice %arg7[%dma_start3A, %dma_start3A_200] : memref<1024x16xf32, #tpu.memory_space<vmem>> -> memref<128x16xf32, #tpu.memory_space<vmem>>
      %dma_start3A_202 = arith.constant 0 : i32
      %dma_start3A_203 = tpu.memref_slice %arg6[%run_scoped3A_182, %dma_start3A_202] : memref<8x128xi32, #tpu.memory_space<vmem>> -> memref<1x128xi32, #tpu.memory_space<vmem>>
      %dma_start3A_204 = tpu.memref_squeeze %dma_start3A_203 : memref<1x128xi32, #tpu.memory_space<vmem>> -> memref<128xi32, #tpu.memory_space<vmem>>
      %dma_start3A_205 = arith.constant 0 : i32
      %dma_start3A_206 = arith.constant 0 : i32
      %dma_start3A_207 = tpu.memref_slice %arg12[%dma_start3A_205, %dma_start3A_206] : memref<100000x16xf32, #tpu.memory_space<vmem_shared>> -> memref<100000x16xf32, #tpu.memory_space<vmem_shared>>
      tpu.enqueue_indirect_dma source(%dma_start3A_201 : memref<128x16xf32, #tpu.memory_space<vmem>>) target(%dma_start3A_207 : memref<100000x16xf32, #tpu.memory_space<vmem_shared>>) offsets(%dma_start3A_204 : memref<128xi32, #tpu.memory_space<vmem>>) semaphore(%run_scoped3A_199 : memref<!tpu.dma_semaphore, #tpu.memory_space<semaphore_mem>>) {add = true}
      %dma_wait3A = arith.constant 128 : i32
      %dma_wait3A_208 = arith.constant 0 : i32
      %dma_wait3A_209 = tpu.memref_slice %arg7[%dma_wait3A, %dma_wait3A_208] : memref<1024x16xf32, #tpu.memory_space<vmem>> -> memref<128x16xf32, #tpu.memory_space<vmem>>
      %dma_wait3A_210 = arith.constant 0 : i32
      %dma_wait3A_211 = tpu.memref_slice %arg6[%run_scoped3A_182, %dma_wait3A_210] : memref<8x128xi32, #tpu.memory_space<vmem>> -> memref<1x128xi32, #tpu.memory_space<vmem>>
      %dma_wait3A_212 = tpu.memref_squeeze %dma_wait3A_211 : memref<1x128xi32, #tpu.memory_space<vmem>> -> memref<128xi32, #tpu.memory_space<vmem>>
      %dma_wait3A_213 = arith.constant 0 : i32
      %dma_wait3A_214 = arith.constant 0 : i32
      %dma_wait3A_215 = tpu.memref_slice %arg12[%dma_wait3A_213, %dma_wait3A_214] : memref<100000x16xf32, #tpu.memory_space<vmem_shared>> -> memref<100000x16xf32, #tpu.memory_space<vmem_shared>>
      tpu.wait_indirect_dma semaphore(%run_scoped3A_199 : memref<!tpu.dma_semaphore, #tpu.memory_space<semaphore_mem>>) src(%dma_wait3A_209 : memref<128x16xf32, #tpu.memory_space<vmem>>) dst(%dma_wait3A_215 : memref<100000x16xf32, #tpu.memory_space<vmem_shared>>)
      tpu.yield
    }) : () -> ()
    %run_scoped3A_183 = arith.constant 2 : i32
    "tpu.region"() ({
      %run_scoped3A_199 = tpu.sem_alloc : memref<!tpu.dma_semaphore, #tpu.memory_space<semaphore_mem>>
      %dma_start3A = arith.constant 256 : i32
      %dma_start3A_200 = arith.constant 0 : i32
      %dma_start3A_201 = tpu.memref_slice %arg7[%dma_start3A, %dma_start3A_200] : memref<1024x16xf32, #tpu.memory_space<vmem>> -> memref<128x16xf32, #tpu.memory_space<vmem>>
      %dma_start3A_202 = arith.constant 0 : i32
      %dma_start3A_203 = tpu.memref_slice %arg6[%run_scoped3A_183, %dma_start3A_202] : memref<8x128xi32, #tpu.memory_space<vmem>> -> memref<1x128xi32, #tpu.memory_space<vmem>>
      %dma_start3A_204 = tpu.memref_squeeze %dma_start3A_203 : memref<1x128xi32, #tpu.memory_space<vmem>> -> memref<128xi32, #tpu.memory_space<vmem>>
      %dma_start3A_205 = arith.constant 0 : i32
      %dma_start3A_206 = arith.constant 0 : i32
      %dma_start3A_207 = tpu.memref_slice %arg12[%dma_start3A_205, %dma_start3A_206] : memref<100000x16xf32, #tpu.memory_space<vmem_shared>> -> memref<100000x16xf32, #tpu.memory_space<vmem_shared>>
      tpu.enqueue_indirect_dma source(%dma_start3A_201 : memref<128x16xf32, #tpu.memory_space<vmem>>) target(%dma_start3A_207 : memref<100000x16xf32, #tpu.memory_space<vmem_shared>>) offsets(%dma_start3A_204 : memref<128xi32, #tpu.memory_space<vmem>>) semaphore(%run_scoped3A_199 : memref<!tpu.dma_semaphore, #tpu.memory_space<semaphore_mem>>) {add = true}
      %dma_wait3A = arith.constant 256 : i32
      %dma_wait3A_208 = arith.constant 0 : i32
      %dma_wait3A_209 = tpu.memref_slice %arg7[%dma_wait3A, %dma_wait3A_208] : memref<1024x16xf32, #tpu.memory_space<vmem>> -> memref<128x16xf32, #tpu.memory_space<vmem>>
      %dma_wait3A_210 = arith.constant 0 : i32
      %dma_wait3A_211 = tpu.memref_slice %arg6[%run_scoped3A_183, %dma_wait3A_210] : memref<8x128xi32, #tpu.memory_space<vmem>> -> memref<1x128xi32, #tpu.memory_space<vmem>>
      %dma_wait3A_212 = tpu.memref_squeeze %dma_wait3A_211 : memref<1x128xi32, #tpu.memory_space<vmem>> -> memref<128xi32, #tpu.memory_space<vmem>>
      %dma_wait3A_213 = arith.constant 0 : i32
      %dma_wait3A_214 = arith.constant 0 : i32
      %dma_wait3A_215 = tpu.memref_slice %arg12[%dma_wait3A_213, %dma_wait3A_214] : memref<100000x16xf32, #tpu.memory_space<vmem_shared>> -> memref<100000x16xf32, #tpu.memory_space<vmem_shared>>
      tpu.wait_indirect_dma semaphore(%run_scoped3A_199 : memref<!tpu.dma_semaphore, #tpu.memory_space<semaphore_mem>>) src(%dma_wait3A_209 : memref<128x16xf32, #tpu.memory_space<vmem>>) dst(%dma_wait3A_215 : memref<100000x16xf32, #tpu.memory_space<vmem_shared>>)
      tpu.yield
    }) : () -> ()
    %run_scoped3A_184 = arith.constant 3 : i32
    "tpu.region"() ({
      %run_scoped3A_199 = tpu.sem_alloc : memref<!tpu.dma_semaphore, #tpu.memory_space<semaphore_mem>>
      %dma_start3A = arith.constant 384 : i32
      %dma_start3A_200 = arith.constant 0 : i32
      %dma_start3A_201 = tpu.memref_slice %arg7[%dma_start3A, %dma_start3A_200] : memref<1024x16xf32, #tpu.memory_space<vmem>> -> memref<128x16xf32, #tpu.memory_space<vmem>>
      %dma_start3A_202 = arith.constant 0 : i32
      %dma_start3A_203 = tpu.memref_slice %arg6[%run_scoped3A_184, %dma_start3A_202] : memref<8x128xi32, #tpu.memory_space<vmem>> -> memref<1x128xi32, #tpu.memory_space<vmem>>
      %dma_start3A_204 = tpu.memref_squeeze %dma_start3A_203 : memref<1x128xi32, #tpu.memory_space<vmem>> -> memref<128xi32, #tpu.memory_space<vmem>>
      %dma_start3A_205 = arith.constant 0 : i32
      %dma_start3A_206 = arith.constant 0 : i32
      %dma_start3A_207 = tpu.memref_slice %arg12[%dma_start3A_205, %dma_start3A_206] : memref<100000x16xf32, #tpu.memory_space<vmem_shared>> -> memref<100000x16xf32, #tpu.memory_space<vmem_shared>>
      tpu.enqueue_indirect_dma source(%dma_start3A_201 : memref<128x16xf32, #tpu.memory_space<vmem>>) target(%dma_start3A_207 : memref<100000x16xf32, #tpu.memory_space<vmem_shared>>) offsets(%dma_start3A_204 : memref<128xi32, #tpu.memory_space<vmem>>) semaphore(%run_scoped3A_199 : memref<!tpu.dma_semaphore, #tpu.memory_space<semaphore_mem>>) {add = true}
      %dma_wait3A = arith.constant 384 : i32
      %dma_wait3A_208 = arith.constant 0 : i32
      %dma_wait3A_209 = tpu.memref_slice %arg7[%dma_wait3A, %dma_wait3A_208] : memref<1024x16xf32, #tpu.memory_space<vmem>> -> memref<128x16xf32, #tpu.memory_space<vmem>>
      %dma_wait3A_210 = arith.constant 0 : i32
      %dma_wait3A_211 = tpu.memref_slice %arg6[%run_scoped3A_184, %dma_wait3A_210] : memref<8x128xi32, #tpu.memory_space<vmem>> -> memref<1x128xi32, #tpu.memory_space<vmem>>
      %dma_wait3A_212 = tpu.memref_squeeze %dma_wait3A_211 : memref<1x128xi32, #tpu.memory_space<vmem>> -> memref<128xi32, #tpu.memory_space<vmem>>
      %dma_wait3A_213 = arith.constant 0 : i32
      %dma_wait3A_214 = arith.constant 0 : i32
      %dma_wait3A_215 = tpu.memref_slice %arg12[%dma_wait3A_213, %dma_wait3A_214] : memref<100000x16xf32, #tpu.memory_space<vmem_shared>> -> memref<100000x16xf32, #tpu.memory_space<vmem_shared>>
      tpu.wait_indirect_dma semaphore(%run_scoped3A_199 : memref<!tpu.dma_semaphore, #tpu.memory_space<semaphore_mem>>) src(%dma_wait3A_209 : memref<128x16xf32, #tpu.memory_space<vmem>>) dst(%dma_wait3A_215 : memref<100000x16xf32, #tpu.memory_space<vmem_shared>>)
      tpu.yield
    }) : () -> ()
    %run_scoped3A_185 = arith.constant 4 : i32
    "tpu.region"() ({
      %run_scoped3A_199 = tpu.sem_alloc : memref<!tpu.dma_semaphore, #tpu.memory_space<semaphore_mem>>
      %dma_start3A = arith.constant 512 : i32
      %dma_start3A_200 = arith.constant 0 : i32
      %dma_start3A_201 = tpu.memref_slice %arg7[%dma_start3A, %dma_start3A_200] : memref<1024x16xf32, #tpu.memory_space<vmem>> -> memref<128x16xf32, #tpu.memory_space<vmem>>
      %dma_start3A_202 = arith.constant 0 : i32
      %dma_start3A_203 = tpu.memref_slice %arg6[%run_scoped3A_185, %dma_start3A_202] : memref<8x128xi32, #tpu.memory_space<vmem>> -> memref<1x128xi32, #tpu.memory_space<vmem>>
      %dma_start3A_204 = tpu.memref_squeeze %dma_start3A_203 : memref<1x128xi32, #tpu.memory_space<vmem>> -> memref<128xi32, #tpu.memory_space<vmem>>
      %dma_start3A_205 = arith.constant 0 : i32
      %dma_start3A_206 = arith.constant 0 : i32
      %dma_start3A_207 = tpu.memref_slice %arg12[%dma_start3A_205, %dma_start3A_206] : memref<100000x16xf32, #tpu.memory_space<vmem_shared>> -> memref<100000x16xf32, #tpu.memory_space<vmem_shared>>
      tpu.enqueue_indirect_dma source(%dma_start3A_201 : memref<128x16xf32, #tpu.memory_space<vmem>>) target(%dma_start3A_207 : memref<100000x16xf32, #tpu.memory_space<vmem_shared>>) offsets(%dma_start3A_204 : memref<128xi32, #tpu.memory_space<vmem>>) semaphore(%run_scoped3A_199 : memref<!tpu.dma_semaphore, #tpu.memory_space<semaphore_mem>>) {add = true}
      %dma_wait3A = arith.constant 512 : i32
      %dma_wait3A_208 = arith.constant 0 : i32
      %dma_wait3A_209 = tpu.memref_slice %arg7[%dma_wait3A, %dma_wait3A_208] : memref<1024x16xf32, #tpu.memory_space<vmem>> -> memref<128x16xf32, #tpu.memory_space<vmem>>
      %dma_wait3A_210 = arith.constant 0 : i32
      %dma_wait3A_211 = tpu.memref_slice %arg6[%run_scoped3A_185, %dma_wait3A_210] : memref<8x128xi32, #tpu.memory_space<vmem>> -> memref<1x128xi32, #tpu.memory_space<vmem>>
      %dma_wait3A_212 = tpu.memref_squeeze %dma_wait3A_211 : memref<1x128xi32, #tpu.memory_space<vmem>> -> memref<128xi32, #tpu.memory_space<vmem>>
      %dma_wait3A_213 = arith.constant 0 : i32
      %dma_wait3A_214 = arith.constant 0 : i32
      %dma_wait3A_215 = tpu.memref_slice %arg12[%dma_wait3A_213, %dma_wait3A_214] : memref<100000x16xf32, #tpu.memory_space<vmem_shared>> -> memref<100000x16xf32, #tpu.memory_space<vmem_shared>>
      tpu.wait_indirect_dma semaphore(%run_scoped3A_199 : memref<!tpu.dma_semaphore, #tpu.memory_space<semaphore_mem>>) src(%dma_wait3A_209 : memref<128x16xf32, #tpu.memory_space<vmem>>) dst(%dma_wait3A_215 : memref<100000x16xf32, #tpu.memory_space<vmem_shared>>)
      tpu.yield
    }) : () -> ()
    %run_scoped3A_186 = arith.constant 5 : i32
    "tpu.region"() ({
      %run_scoped3A_199 = tpu.sem_alloc : memref<!tpu.dma_semaphore, #tpu.memory_space<semaphore_mem>>
      %dma_start3A = arith.constant 640 : i32
      %dma_start3A_200 = arith.constant 0 : i32
      %dma_start3A_201 = tpu.memref_slice %arg7[%dma_start3A, %dma_start3A_200] : memref<1024x16xf32, #tpu.memory_space<vmem>> -> memref<128x16xf32, #tpu.memory_space<vmem>>
      %dma_start3A_202 = arith.constant 0 : i32
      %dma_start3A_203 = tpu.memref_slice %arg6[%run_scoped3A_186, %dma_start3A_202] : memref<8x128xi32, #tpu.memory_space<vmem>> -> memref<1x128xi32, #tpu.memory_space<vmem>>
      %dma_start3A_204 = tpu.memref_squeeze %dma_start3A_203 : memref<1x128xi32, #tpu.memory_space<vmem>> -> memref<128xi32, #tpu.memory_space<vmem>>
      %dma_start3A_205 = arith.constant 0 : i32
      %dma_start3A_206 = arith.constant 0 : i32
      %dma_start3A_207 = tpu.memref_slice %arg12[%dma_start3A_205, %dma_start3A_206] : memref<100000x16xf32, #tpu.memory_space<vmem_shared>> -> memref<100000x16xf32, #tpu.memory_space<vmem_shared>>
      tpu.enqueue_indirect_dma source(%dma_start3A_201 : memref<128x16xf32, #tpu.memory_space<vmem>>) target(%dma_start3A_207 : memref<100000x16xf32, #tpu.memory_space<vmem_shared>>) offsets(%dma_start3A_204 : memref<128xi32, #tpu.memory_space<vmem>>) semaphore(%run_scoped3A_199 : memref<!tpu.dma_semaphore, #tpu.memory_space<semaphore_mem>>) {add = true}
      %dma_wait3A = arith.constant 640 : i32
      %dma_wait3A_208 = arith.constant 0 : i32
      %dma_wait3A_209 = tpu.memref_slice %arg7[%dma_wait3A, %dma_wait3A_208] : memref<1024x16xf32, #tpu.memory_space<vmem>> -> memref<128x16xf32, #tpu.memory_space<vmem>>
      %dma_wait3A_210 = arith.constant 0 : i32
      %dma_wait3A_211 = tpu.memref_slice %arg6[%run_scoped3A_186, %dma_wait3A_210] : memref<8x128xi32, #tpu.memory_space<vmem>> -> memref<1x128xi32, #tpu.memory_space<vmem>>
      %dma_wait3A_212 = tpu.memref_squeeze %dma_wait3A_211 : memref<1x128xi32, #tpu.memory_space<vmem>> -> memref<128xi32, #tpu.memory_space<vmem>>
      %dma_wait3A_213 = arith.constant 0 : i32
      %dma_wait3A_214 = arith.constant 0 : i32
      %dma_wait3A_215 = tpu.memref_slice %arg12[%dma_wait3A_213, %dma_wait3A_214] : memref<100000x16xf32, #tpu.memory_space<vmem_shared>> -> memref<100000x16xf32, #tpu.memory_space<vmem_shared>>
      tpu.wait_indirect_dma semaphore(%run_scoped3A_199 : memref<!tpu.dma_semaphore, #tpu.memory_space<semaphore_mem>>) src(%dma_wait3A_209 : memref<128x16xf32, #tpu.memory_space<vmem>>) dst(%dma_wait3A_215 : memref<100000x16xf32, #tpu.memory_space<vmem_shared>>)
      tpu.yield
    }) : () -> ()
    %run_scoped3A_187 = arith.constant 6 : i32
    "tpu.region"() ({
      %run_scoped3A_199 = tpu.sem_alloc : memref<!tpu.dma_semaphore, #tpu.memory_space<semaphore_mem>>
      %dma_start3A = arith.constant 768 : i32
      %dma_start3A_200 = arith.constant 0 : i32
      %dma_start3A_201 = tpu.memref_slice %arg7[%dma_start3A, %dma_start3A_200] : memref<1024x16xf32, #tpu.memory_space<vmem>> -> memref<128x16xf32, #tpu.memory_space<vmem>>
      %dma_start3A_202 = arith.constant 0 : i32
      %dma_start3A_203 = tpu.memref_slice %arg6[%run_scoped3A_187, %dma_start3A_202] : memref<8x128xi32, #tpu.memory_space<vmem>> -> memref<1x128xi32, #tpu.memory_space<vmem>>
      %dma_start3A_204 = tpu.memref_squeeze %dma_start3A_203 : memref<1x128xi32, #tpu.memory_space<vmem>> -> memref<128xi32, #tpu.memory_space<vmem>>
      %dma_start3A_205 = arith.constant 0 : i32
      %dma_start3A_206 = arith.constant 0 : i32
      %dma_start3A_207 = tpu.memref_slice %arg12[%dma_start3A_205, %dma_start3A_206] : memref<100000x16xf32, #tpu.memory_space<vmem_shared>> -> memref<100000x16xf32, #tpu.memory_space<vmem_shared>>
      tpu.enqueue_indirect_dma source(%dma_start3A_201 : memref<128x16xf32, #tpu.memory_space<vmem>>) target(%dma_start3A_207 : memref<100000x16xf32, #tpu.memory_space<vmem_shared>>) offsets(%dma_start3A_204 : memref<128xi32, #tpu.memory_space<vmem>>) semaphore(%run_scoped3A_199 : memref<!tpu.dma_semaphore, #tpu.memory_space<semaphore_mem>>) {add = true}
      %dma_wait3A = arith.constant 768 : i32
      %dma_wait3A_208 = arith.constant 0 : i32
      %dma_wait3A_209 = tpu.memref_slice %arg7[%dma_wait3A, %dma_wait3A_208] : memref<1024x16xf32, #tpu.memory_space<vmem>> -> memref<128x16xf32, #tpu.memory_space<vmem>>
      %dma_wait3A_210 = arith.constant 0 : i32
      %dma_wait3A_211 = tpu.memref_slice %arg6[%run_scoped3A_187, %dma_wait3A_210] : memref<8x128xi32, #tpu.memory_space<vmem>> -> memref<1x128xi32, #tpu.memory_space<vmem>>
      %dma_wait3A_212 = tpu.memref_squeeze %dma_wait3A_211 : memref<1x128xi32, #tpu.memory_space<vmem>> -> memref<128xi32, #tpu.memory_space<vmem>>
      %dma_wait3A_213 = arith.constant 0 : i32
      %dma_wait3A_214 = arith.constant 0 : i32
      %dma_wait3A_215 = tpu.memref_slice %arg12[%dma_wait3A_213, %dma_wait3A_214] : memref<100000x16xf32, #tpu.memory_space<vmem_shared>> -> memref<100000x16xf32, #tpu.memory_space<vmem_shared>>
      tpu.wait_indirect_dma semaphore(%run_scoped3A_199 : memref<!tpu.dma_semaphore, #tpu.memory_space<semaphore_mem>>) src(%dma_wait3A_209 : memref<128x16xf32, #tpu.memory_space<vmem>>) dst(%dma_wait3A_215 : memref<100000x16xf32, #tpu.memory_space<vmem_shared>>)
      tpu.yield
    }) : () -> ()
    %run_scoped3A_188 = arith.constant 7 : i32
    "tpu.region"() ({
      %run_scoped3A_199 = tpu.sem_alloc : memref<!tpu.dma_semaphore, #tpu.memory_space<semaphore_mem>>
      %dma_start3A = arith.constant 896 : i32
      %dma_start3A_200 = arith.constant 0 : i32
      %dma_start3A_201 = tpu.memref_slice %arg7[%dma_start3A, %dma_start3A_200] : memref<1024x16xf32, #tpu.memory_space<vmem>> -> memref<128x16xf32, #tpu.memory_space<vmem>>
      %dma_start3A_202 = arith.constant 0 : i32
      %dma_start3A_203 = tpu.memref_slice %arg6[%run_scoped3A_188, %dma_start3A_202] : memref<8x128xi32, #tpu.memory_space<vmem>> -> memref<1x128xi32, #tpu.memory_space<vmem>>
      %dma_start3A_204 = tpu.memref_squeeze %dma_start3A_203 : memref<1x128xi32, #tpu.memory_space<vmem>> -> memref<128xi32, #tpu.memory_space<vmem>>
      %dma_start3A_205 = arith.constant 0 : i32
      %dma_start3A_206 = arith.constant 0 : i32
      %dma_start3A_207 = tpu.memref_slice %arg12[%dma_start3A_205, %dma_start3A_206] : memref<100000x16xf32, #tpu.memory_space<vmem_shared>> -> memref<100000x16xf32, #tpu.memory_space<vmem_shared>>
      tpu.enqueue_indirect_dma source(%dma_start3A_201 : memref<128x16xf32, #tpu.memory_space<vmem>>) target(%dma_start3A_207 : memref<100000x16xf32, #tpu.memory_space<vmem_shared>>) offsets(%dma_start3A_204 : memref<128xi32, #tpu.memory_space<vmem>>) semaphore(%run_scoped3A_199 : memref<!tpu.dma_semaphore, #tpu.memory_space<semaphore_mem>>) {add = true}
      %dma_wait3A = arith.constant 896 : i32
      %dma_wait3A_208 = arith.constant 0 : i32
      %dma_wait3A_209 = tpu.memref_slice %arg7[%dma_wait3A, %dma_wait3A_208] : memref<1024x16xf32, #tpu.memory_space<vmem>> -> memref<128x16xf32, #tpu.memory_space<vmem>>
      %dma_wait3A_210 = arith.constant 0 : i32
      %dma_wait3A_211 = tpu.memref_slice %arg6[%run_scoped3A_188, %dma_wait3A_210] : memref<8x128xi32, #tpu.memory_space<vmem>> -> memref<1x128xi32, #tpu.memory_space<vmem>>
      %dma_wait3A_212 = tpu.memref_squeeze %dma_wait3A_211 : memref<1x128xi32, #tpu.memory_space<vmem>> -> memref<128xi32, #tpu.memory_space<vmem>>
      %dma_wait3A_213 = arith.constant 0 : i32
      %dma_wait3A_214 = arith.constant 0 : i32
      %dma_wait3A_215 = tpu.memref_slice %arg12[%dma_wait3A_213, %dma_wait3A_214] : memref<100000x16xf32, #tpu.memory_space<vmem_shared>> -> memref<100000x16xf32, #tpu.memory_space<vmem_shared>>
      tpu.wait_indirect_dma semaphore(%run_scoped3A_199 : memref<!tpu.dma_semaphore, #tpu.memory_space<semaphore_mem>>) src(%dma_wait3A_209 : memref<128x16xf32, #tpu.memory_space<vmem>>) dst(%dma_wait3A_215 : memref<100000x16xf32, #tpu.memory_space<vmem_shared>>)
      tpu.yield
    }) : () -> ()
    %barrier3A_189 = arith.constant 0 : index
    tpu.barrier barrier_id(%barrier3A_189)
    %run_scoped3A_190 = arith.constant 0 : i32
    "tpu.region"() ({
      %run_scoped3A_199 = tpu.sem_alloc : memref<!tpu.dma_semaphore, #tpu.memory_space<semaphore_mem>>
      %dma_start3A = arith.constant 0 : i32
      %dma_start3A_200 = arith.constant 0 : i32
      %dma_start3A_201 = tpu.memref_slice %arg7[%dma_start3A, %dma_start3A_200] : memref<1024x16xf32, #tpu.memory_space<vmem>> -> memref<128x16xf32, #tpu.memory_space<vmem>>
      %dma_start3A_202 = arith.constant 0 : i32
      %dma_start3A_203 = tpu.memref_slice %arg6[%run_scoped3A_190, %dma_start3A_202] : memref<8x128xi32, #tpu.memory_space<vmem>> -> memref<1x128xi32, #tpu.memory_space<vmem>>
      %dma_start3A_204 = tpu.memref_squeeze %dma_start3A_203 : memref<1x128xi32, #tpu.memory_space<vmem>> -> memref<128xi32, #tpu.memory_space<vmem>>
      %dma_start3A_205 = arith.constant 0 : i32
      %dma_start3A_206 = arith.constant 0 : i32
      %dma_start3A_207 = tpu.memref_slice %arg12[%dma_start3A_205, %dma_start3A_206] : memref<100000x16xf32, #tpu.memory_space<vmem_shared>> -> memref<100000x16xf32, #tpu.memory_space<vmem_shared>>
      tpu.enqueue_indirect_dma source(%dma_start3A_207 : memref<100000x16xf32, #tpu.memory_space<vmem_shared>>) target(%dma_start3A_201 : memref<128x16xf32, #tpu.memory_space<vmem>>) offsets(%dma_start3A_204 : memref<128xi32, #tpu.memory_space<vmem>>) semaphore(%run_scoped3A_199 : memref<!tpu.dma_semaphore, #tpu.memory_space<semaphore_mem>>)
      %dma_wait3A = arith.constant 0 : i32
      %dma_wait3A_208 = arith.constant 0 : i32
      %dma_wait3A_209 = tpu.memref_slice %arg7[%dma_wait3A, %dma_wait3A_208] : memref<1024x16xf32, #tpu.memory_space<vmem>> -> memref<128x16xf32, #tpu.memory_space<vmem>>
      %dma_wait3A_210 = arith.constant 0 : i32
      %dma_wait3A_211 = tpu.memref_slice %arg6[%run_scoped3A_190, %dma_wait3A_210] : memref<8x128xi32, #tpu.memory_space<vmem>> -> memref<1x128xi32, #tpu.memory_space<vmem>>
      %dma_wait3A_212 = tpu.memref_squeeze %dma_wait3A_211 : memref<1x128xi32, #tpu.memory_space<vmem>> -> memref<128xi32, #tpu.memory_space<vmem>>
      %dma_wait3A_213 = arith.constant 0 : i32
      %dma_wait3A_214 = arith.constant 0 : i32
      %dma_wait3A_215 = tpu.memref_slice %arg12[%dma_wait3A_213, %dma_wait3A_214] : memref<100000x16xf32, #tpu.memory_space<vmem_shared>> -> memref<100000x16xf32, #tpu.memory_space<vmem_shared>>
      tpu.wait_indirect_dma semaphore(%run_scoped3A_199 : memref<!tpu.dma_semaphore, #tpu.memory_space<semaphore_mem>>) src(%dma_wait3A_215 : memref<100000x16xf32, #tpu.memory_space<vmem_shared>>) dst(%dma_wait3A_209 : memref<128x16xf32, #tpu.memory_space<vmem>>)
      tpu.yield
    }) : () -> ()
    %run_scoped3A_191 = arith.constant 1 : i32
    "tpu.region"() ({
      %run_scoped3A_199 = tpu.sem_alloc : memref<!tpu.dma_semaphore, #tpu.memory_space<semaphore_mem>>
      %dma_start3A = arith.constant 128 : i32
      %dma_start3A_200 = arith.constant 0 : i32
      %dma_start3A_201 = tpu.memref_slice %arg7[%dma_start3A, %dma_start3A_200] : memref<1024x16xf32, #tpu.memory_space<vmem>> -> memref<128x16xf32, #tpu.memory_space<vmem>>
      %dma_start3A_202 = arith.constant 0 : i32
      %dma_start3A_203 = tpu.memref_slice %arg6[%run_scoped3A_191, %dma_start3A_202] : memref<8x128xi32, #tpu.memory_space<vmem>> -> memref<1x128xi32, #tpu.memory_space<vmem>>
      %dma_start3A_204 = tpu.memref_squeeze %dma_start3A_203 : memref<1x128xi32, #tpu.memory_space<vmem>> -> memref<128xi32, #tpu.memory_space<vmem>>
      %dma_start3A_205 = arith.constant 0 : i32
      %dma_start3A_206 = arith.constant 0 : i32
      %dma_start3A_207 = tpu.memref_slice %arg12[%dma_start3A_205, %dma_start3A_206] : memref<100000x16xf32, #tpu.memory_space<vmem_shared>> -> memref<100000x16xf32, #tpu.memory_space<vmem_shared>>
      tpu.enqueue_indirect_dma source(%dma_start3A_207 : memref<100000x16xf32, #tpu.memory_space<vmem_shared>>) target(%dma_start3A_201 : memref<128x16xf32, #tpu.memory_space<vmem>>) offsets(%dma_start3A_204 : memref<128xi32, #tpu.memory_space<vmem>>) semaphore(%run_scoped3A_199 : memref<!tpu.dma_semaphore, #tpu.memory_space<semaphore_mem>>)
      %dma_wait3A = arith.constant 128 : i32
      %dma_wait3A_208 = arith.constant 0 : i32
      %dma_wait3A_209 = tpu.memref_slice %arg7[%dma_wait3A, %dma_wait3A_208] : memref<1024x16xf32, #tpu.memory_space<vmem>> -> memref<128x16xf32, #tpu.memory_space<vmem>>
      %dma_wait3A_210 = arith.constant 0 : i32
      %dma_wait3A_211 = tpu.memref_slice %arg6[%run_scoped3A_191, %dma_wait3A_210] : memref<8x128xi32, #tpu.memory_space<vmem>> -> memref<1x128xi32, #tpu.memory_space<vmem>>
      %dma_wait3A_212 = tpu.memref_squeeze %dma_wait3A_211 : memref<1x128xi32, #tpu.memory_space<vmem>> -> memref<128xi32, #tpu.memory_space<vmem>>
      %dma_wait3A_213 = arith.constant 0 : i32
      %dma_wait3A_214 = arith.constant 0 : i32
      %dma_wait3A_215 = tpu.memref_slice %arg12[%dma_wait3A_213, %dma_wait3A_214] : memref<100000x16xf32, #tpu.memory_space<vmem_shared>> -> memref<100000x16xf32, #tpu.memory_space<vmem_shared>>
      tpu.wait_indirect_dma semaphore(%run_scoped3A_199 : memref<!tpu.dma_semaphore, #tpu.memory_space<semaphore_mem>>) src(%dma_wait3A_215 : memref<100000x16xf32, #tpu.memory_space<vmem_shared>>) dst(%dma_wait3A_209 : memref<128x16xf32, #tpu.memory_space<vmem>>)
      tpu.yield
    }) : () -> ()
    %run_scoped3A_192 = arith.constant 2 : i32
    "tpu.region"() ({
      %run_scoped3A_199 = tpu.sem_alloc : memref<!tpu.dma_semaphore, #tpu.memory_space<semaphore_mem>>
      %dma_start3A = arith.constant 256 : i32
      %dma_start3A_200 = arith.constant 0 : i32
      %dma_start3A_201 = tpu.memref_slice %arg7[%dma_start3A, %dma_start3A_200] : memref<1024x16xf32, #tpu.memory_space<vmem>> -> memref<128x16xf32, #tpu.memory_space<vmem>>
      %dma_start3A_202 = arith.constant 0 : i32
      %dma_start3A_203 = tpu.memref_slice %arg6[%run_scoped3A_192, %dma_start3A_202] : memref<8x128xi32, #tpu.memory_space<vmem>> -> memref<1x128xi32, #tpu.memory_space<vmem>>
      %dma_start3A_204 = tpu.memref_squeeze %dma_start3A_203 : memref<1x128xi32, #tpu.memory_space<vmem>> -> memref<128xi32, #tpu.memory_space<vmem>>
      %dma_start3A_205 = arith.constant 0 : i32
      %dma_start3A_206 = arith.constant 0 : i32
      %dma_start3A_207 = tpu.memref_slice %arg12[%dma_start3A_205, %dma_start3A_206] : memref<100000x16xf32, #tpu.memory_space<vmem_shared>> -> memref<100000x16xf32, #tpu.memory_space<vmem_shared>>
      tpu.enqueue_indirect_dma source(%dma_start3A_207 : memref<100000x16xf32, #tpu.memory_space<vmem_shared>>) target(%dma_start3A_201 : memref<128x16xf32, #tpu.memory_space<vmem>>) offsets(%dma_start3A_204 : memref<128xi32, #tpu.memory_space<vmem>>) semaphore(%run_scoped3A_199 : memref<!tpu.dma_semaphore, #tpu.memory_space<semaphore_mem>>)
      %dma_wait3A = arith.constant 256 : i32
      %dma_wait3A_208 = arith.constant 0 : i32
      %dma_wait3A_209 = tpu.memref_slice %arg7[%dma_wait3A, %dma_wait3A_208] : memref<1024x16xf32, #tpu.memory_space<vmem>> -> memref<128x16xf32, #tpu.memory_space<vmem>>
      %dma_wait3A_210 = arith.constant 0 : i32
      %dma_wait3A_211 = tpu.memref_slice %arg6[%run_scoped3A_192, %dma_wait3A_210] : memref<8x128xi32, #tpu.memory_space<vmem>> -> memref<1x128xi32, #tpu.memory_space<vmem>>
      %dma_wait3A_212 = tpu.memref_squeeze %dma_wait3A_211 : memref<1x128xi32, #tpu.memory_space<vmem>> -> memref<128xi32, #tpu.memory_space<vmem>>
      %dma_wait3A_213 = arith.constant 0 : i32
      %dma_wait3A_214 = arith.constant 0 : i32
      %dma_wait3A_215 = tpu.memref_slice %arg12[%dma_wait3A_213, %dma_wait3A_214] : memref<100000x16xf32, #tpu.memory_space<vmem_shared>> -> memref<100000x16xf32, #tpu.memory_space<vmem_shared>>
      tpu.wait_indirect_dma semaphore(%run_scoped3A_199 : memref<!tpu.dma_semaphore, #tpu.memory_space<semaphore_mem>>) src(%dma_wait3A_215 : memref<100000x16xf32, #tpu.memory_space<vmem_shared>>) dst(%dma_wait3A_209 : memref<128x16xf32, #tpu.memory_space<vmem>>)
      tpu.yield
    }) : () -> ()
    %run_scoped3A_193 = arith.constant 3 : i32
    "tpu.region"() ({
      %run_scoped3A_199 = tpu.sem_alloc : memref<!tpu.dma_semaphore, #tpu.memory_space<semaphore_mem>>
      %dma_start3A = arith.constant 384 : i32
      %dma_start3A_200 = arith.constant 0 : i32
      %dma_start3A_201 = tpu.memref_slice %arg7[%dma_start3A, %dma_start3A_200] : memref<1024x16xf32, #tpu.memory_space<vmem>> -> memref<128x16xf32, #tpu.memory_space<vmem>>
      %dma_start3A_202 = arith.constant 0 : i32
      %dma_start3A_203 = tpu.memref_slice %arg6[%run_scoped3A_193, %dma_start3A_202] : memref<8x128xi32, #tpu.memory_space<vmem>> -> memref<1x128xi32, #tpu.memory_space<vmem>>
      %dma_start3A_204 = tpu.memref_squeeze %dma_start3A_203 : memref<1x128xi32, #tpu.memory_space<vmem>> -> memref<128xi32, #tpu.memory_space<vmem>>
      %dma_start3A_205 = arith.constant 0 : i32
      %dma_start3A_206 = arith.constant 0 : i32
      %dma_start3A_207 = tpu.memref_slice %arg12[%dma_start3A_205, %dma_start3A_206] : memref<100000x16xf32, #tpu.memory_space<vmem_shared>> -> memref<100000x16xf32, #tpu.memory_space<vmem_shared>>
      tpu.enqueue_indirect_dma source(%dma_start3A_207 : memref<100000x16xf32, #tpu.memory_space<vmem_shared>>) target(%dma_start3A_201 : memref<128x16xf32, #tpu.memory_space<vmem>>) offsets(%dma_start3A_204 : memref<128xi32, #tpu.memory_space<vmem>>) semaphore(%run_scoped3A_199 : memref<!tpu.dma_semaphore, #tpu.memory_space<semaphore_mem>>)
      %dma_wait3A = arith.constant 384 : i32
      %dma_wait3A_208 = arith.constant 0 : i32
      %dma_wait3A_209 = tpu.memref_slice %arg7[%dma_wait3A, %dma_wait3A_208] : memref<1024x16xf32, #tpu.memory_space<vmem>> -> memref<128x16xf32, #tpu.memory_space<vmem>>
      %dma_wait3A_210 = arith.constant 0 : i32
      %dma_wait3A_211 = tpu.memref_slice %arg6[%run_scoped3A_193, %dma_wait3A_210] : memref<8x128xi32, #tpu.memory_space<vmem>> -> memref<1x128xi32, #tpu.memory_space<vmem>>
      %dma_wait3A_212 = tpu.memref_squeeze %dma_wait3A_211 : memref<1x128xi32, #tpu.memory_space<vmem>> -> memref<128xi32, #tpu.memory_space<vmem>>
      %dma_wait3A_213 = arith.constant 0 : i32
      %dma_wait3A_214 = arith.constant 0 : i32
      %dma_wait3A_215 = tpu.memref_slice %arg12[%dma_wait3A_213, %dma_wait3A_214] : memref<100000x16xf32, #tpu.memory_space<vmem_shared>> -> memref<100000x16xf32, #tpu.memory_space<vmem_shared>>
      tpu.wait_indirect_dma semaphore(%run_scoped3A_199 : memref<!tpu.dma_semaphore, #tpu.memory_space<semaphore_mem>>) src(%dma_wait3A_215 : memref<100000x16xf32, #tpu.memory_space<vmem_shared>>) dst(%dma_wait3A_209 : memref<128x16xf32, #tpu.memory_space<vmem>>)
      tpu.yield
    }) : () -> ()
    %run_scoped3A_194 = arith.constant 4 : i32
    "tpu.region"() ({
      %run_scoped3A_199 = tpu.sem_alloc : memref<!tpu.dma_semaphore, #tpu.memory_space<semaphore_mem>>
      %dma_start3A = arith.constant 512 : i32
      %dma_start3A_200 = arith.constant 0 : i32
      %dma_start3A_201 = tpu.memref_slice %arg7[%dma_start3A, %dma_start3A_200] : memref<1024x16xf32, #tpu.memory_space<vmem>> -> memref<128x16xf32, #tpu.memory_space<vmem>>
      %dma_start3A_202 = arith.constant 0 : i32
      %dma_start3A_203 = tpu.memref_slice %arg6[%run_scoped3A_194, %dma_start3A_202] : memref<8x128xi32, #tpu.memory_space<vmem>> -> memref<1x128xi32, #tpu.memory_space<vmem>>
      %dma_start3A_204 = tpu.memref_squeeze %dma_start3A_203 : memref<1x128xi32, #tpu.memory_space<vmem>> -> memref<128xi32, #tpu.memory_space<vmem>>
      %dma_start3A_205 = arith.constant 0 : i32
      %dma_start3A_206 = arith.constant 0 : i32
      %dma_start3A_207 = tpu.memref_slice %arg12[%dma_start3A_205, %dma_start3A_206] : memref<100000x16xf32, #tpu.memory_space<vmem_shared>> -> memref<100000x16xf32, #tpu.memory_space<vmem_shared>>
      tpu.enqueue_indirect_dma source(%dma_start3A_207 : memref<100000x16xf32, #tpu.memory_space<vmem_shared>>) target(%dma_start3A_201 : memref<128x16xf32, #tpu.memory_space<vmem>>) offsets(%dma_start3A_204 : memref<128xi32, #tpu.memory_space<vmem>>) semaphore(%run_scoped3A_199 : memref<!tpu.dma_semaphore, #tpu.memory_space<semaphore_mem>>)
      %dma_wait3A = arith.constant 512 : i32
      %dma_wait3A_208 = arith.constant 0 : i32
      %dma_wait3A_209 = tpu.memref_slice %arg7[%dma_wait3A, %dma_wait3A_208] : memref<1024x16xf32, #tpu.memory_space<vmem>> -> memref<128x16xf32, #tpu.memory_space<vmem>>
      %dma_wait3A_210 = arith.constant 0 : i32
      %dma_wait3A_211 = tpu.memref_slice %arg6[%run_scoped3A_194, %dma_wait3A_210] : memref<8x128xi32, #tpu.memory_space<vmem>> -> memref<1x128xi32, #tpu.memory_space<vmem>>
      %dma_wait3A_212 = tpu.memref_squeeze %dma_wait3A_211 : memref<1x128xi32, #tpu.memory_space<vmem>> -> memref<128xi32, #tpu.memory_space<vmem>>
      %dma_wait3A_213 = arith.constant 0 : i32
      %dma_wait3A_214 = arith.constant 0 : i32
      %dma_wait3A_215 = tpu.memref_slice %arg12[%dma_wait3A_213, %dma_wait3A_214] : memref<100000x16xf32, #tpu.memory_space<vmem_shared>> -> memref<100000x16xf32, #tpu.memory_space<vmem_shared>>
      tpu.wait_indirect_dma semaphore(%run_scoped3A_199 : memref<!tpu.dma_semaphore, #tpu.memory_space<semaphore_mem>>) src(%dma_wait3A_215 : memref<100000x16xf32, #tpu.memory_space<vmem_shared>>) dst(%dma_wait3A_209 : memref<128x16xf32, #tpu.memory_space<vmem>>)
      tpu.yield
    }) : () -> ()
    %run_scoped3A_195 = arith.constant 5 : i32
    "tpu.region"() ({
      %run_scoped3A_199 = tpu.sem_alloc : memref<!tpu.dma_semaphore, #tpu.memory_space<semaphore_mem>>
      %dma_start3A = arith.constant 640 : i32
      %dma_start3A_200 = arith.constant 0 : i32
      %dma_start3A_201 = tpu.memref_slice %arg7[%dma_start3A, %dma_start3A_200] : memref<1024x16xf32, #tpu.memory_space<vmem>> -> memref<128x16xf32, #tpu.memory_space<vmem>>
      %dma_start3A_202 = arith.constant 0 : i32
      %dma_start3A_203 = tpu.memref_slice %arg6[%run_scoped3A_195, %dma_start3A_202] : memref<8x128xi32, #tpu.memory_space<vmem>> -> memref<1x128xi32, #tpu.memory_space<vmem>>
      %dma_start3A_204 = tpu.memref_squeeze %dma_start3A_203 : memref<1x128xi32, #tpu.memory_space<vmem>> -> memref<128xi32, #tpu.memory_space<vmem>>
      %dma_start3A_205 = arith.constant 0 : i32
      %dma_start3A_206 = arith.constant 0 : i32
      %dma_start3A_207 = tpu.memref_slice %arg12[%dma_start3A_205, %dma_start3A_206] : memref<100000x16xf32, #tpu.memory_space<vmem_shared>> -> memref<100000x16xf32, #tpu.memory_space<vmem_shared>>
      tpu.enqueue_indirect_dma source(%dma_start3A_207 : memref<100000x16xf32, #tpu.memory_space<vmem_shared>>) target(%dma_start3A_201 : memref<128x16xf32, #tpu.memory_space<vmem>>) offsets(%dma_start3A_204 : memref<128xi32, #tpu.memory_space<vmem>>) semaphore(%run_scoped3A_199 : memref<!tpu.dma_semaphore, #tpu.memory_space<semaphore_mem>>)
      %dma_wait3A = arith.constant 640 : i32
      %dma_wait3A_208 = arith.constant 0 : i32
      %dma_wait3A_209 = tpu.memref_slice %arg7[%dma_wait3A, %dma_wait3A_208] : memref<1024x16xf32, #tpu.memory_space<vmem>> -> memref<128x16xf32, #tpu.memory_space<vmem>>
      %dma_wait3A_210 = arith.constant 0 : i32
      %dma_wait3A_211 = tpu.memref_slice %arg6[%run_scoped3A_195, %dma_wait3A_210] : memref<8x128xi32, #tpu.memory_space<vmem>> -> memref<1x128xi32, #tpu.memory_space<vmem>>
      %dma_wait3A_212 = tpu.memref_squeeze %dma_wait3A_211 : memref<1x128xi32, #tpu.memory_space<vmem>> -> memref<128xi32, #tpu.memory_space<vmem>>
      %dma_wait3A_213 = arith.constant 0 : i32
      %dma_wait3A_214 = arith.constant 0 : i32
      %dma_wait3A_215 = tpu.memref_slice %arg12[%dma_wait3A_213, %dma_wait3A_214] : memref<100000x16xf32, #tpu.memory_space<vmem_shared>> -> memref<100000x16xf32, #tpu.memory_space<vmem_shared>>
      tpu.wait_indirect_dma semaphore(%run_scoped3A_199 : memref<!tpu.dma_semaphore, #tpu.memory_space<semaphore_mem>>) src(%dma_wait3A_215 : memref<100000x16xf32, #tpu.memory_space<vmem_shared>>) dst(%dma_wait3A_209 : memref<128x16xf32, #tpu.memory_space<vmem>>)
      tpu.yield
    }) : () -> ()
    %run_scoped3A_196 = arith.constant 6 : i32
    "tpu.region"() ({
      %run_scoped3A_199 = tpu.sem_alloc : memref<!tpu.dma_semaphore, #tpu.memory_space<semaphore_mem>>
      %dma_start3A = arith.constant 768 : i32
      %dma_start3A_200 = arith.constant 0 : i32
      %dma_start3A_201 = tpu.memref_slice %arg7[%dma_start3A, %dma_start3A_200] : memref<1024x16xf32, #tpu.memory_space<vmem>> -> memref<128x16xf32, #tpu.memory_space<vmem>>
      %dma_start3A_202 = arith.constant 0 : i32
      %dma_start3A_203 = tpu.memref_slice %arg6[%run_scoped3A_196, %dma_start3A_202] : memref<8x128xi32, #tpu.memory_space<vmem>> -> memref<1x128xi32, #tpu.memory_space<vmem>>
      %dma_start3A_204 = tpu.memref_squeeze %dma_start3A_203 : memref<1x128xi32, #tpu.memory_space<vmem>> -> memref<128xi32, #tpu.memory_space<vmem>>
      %dma_start3A_205 = arith.constant 0 : i32
      %dma_start3A_206 = arith.constant 0 : i32
      %dma_start3A_207 = tpu.memref_slice %arg12[%dma_start3A_205, %dma_start3A_206] : memref<100000x16xf32, #tpu.memory_space<vmem_shared>> -> memref<100000x16xf32, #tpu.memory_space<vmem_shared>>
      tpu.enqueue_indirect_dma source(%dma_start3A_207 : memref<100000x16xf32, #tpu.memory_space<vmem_shared>>) target(%dma_start3A_201 : memref<128x16xf32, #tpu.memory_space<vmem>>) offsets(%dma_start3A_204 : memref<128xi32, #tpu.memory_space<vmem>>) semaphore(%run_scoped3A_199 : memref<!tpu.dma_semaphore, #tpu.memory_space<semaphore_mem>>)
      %dma_wait3A = arith.constant 768 : i32
      %dma_wait3A_208 = arith.constant 0 : i32
      %dma_wait3A_209 = tpu.memref_slice %arg7[%dma_wait3A, %dma_wait3A_208] : memref<1024x16xf32, #tpu.memory_space<vmem>> -> memref<128x16xf32, #tpu.memory_space<vmem>>
      %dma_wait3A_210 = arith.constant 0 : i32
      %dma_wait3A_211 = tpu.memref_slice %arg6[%run_scoped3A_196, %dma_wait3A_210] : memref<8x128xi32, #tpu.memory_space<vmem>> -> memref<1x128xi32, #tpu.memory_space<vmem>>
      %dma_wait3A_212 = tpu.memref_squeeze %dma_wait3A_211 : memref<1x128xi32, #tpu.memory_space<vmem>> -> memref<128xi32, #tpu.memory_space<vmem>>
      %dma_wait3A_213 = arith.constant 0 : i32
      %dma_wait3A_214 = arith.constant 0 : i32
      %dma_wait3A_215 = tpu.memref_slice %arg12[%dma_wait3A_213, %dma_wait3A_214] : memref<100000x16xf32, #tpu.memory_space<vmem_shared>> -> memref<100000x16xf32, #tpu.memory_space<vmem_shared>>
      tpu.wait_indirect_dma semaphore(%run_scoped3A_199 : memref<!tpu.dma_semaphore, #tpu.memory_space<semaphore_mem>>) src(%dma_wait3A_215 : memref<100000x16xf32, #tpu.memory_space<vmem_shared>>) dst(%dma_wait3A_209 : memref<128x16xf32, #tpu.memory_space<vmem>>)
      tpu.yield
    }) : () -> ()
    %run_scoped3A_197 = arith.constant 7 : i32
    "tpu.region"() ({
      %run_scoped3A_199 = tpu.sem_alloc : memref<!tpu.dma_semaphore, #tpu.memory_space<semaphore_mem>>
      %dma_start3A = arith.constant 896 : i32
      %dma_start3A_200 = arith.constant 0 : i32
      %dma_start3A_201 = tpu.memref_slice %arg7[%dma_start3A, %dma_start3A_200] : memref<1024x16xf32, #tpu.memory_space<vmem>> -> memref<128x16xf32, #tpu.memory_space<vmem>>
      %dma_start3A_202 = arith.constant 0 : i32
      %dma_start3A_203 = tpu.memref_slice %arg6[%run_scoped3A_197, %dma_start3A_202] : memref<8x128xi32, #tpu.memory_space<vmem>> -> memref<1x128xi32, #tpu.memory_space<vmem>>
      %dma_start3A_204 = tpu.memref_squeeze %dma_start3A_203 : memref<1x128xi32, #tpu.memory_space<vmem>> -> memref<128xi32, #tpu.memory_space<vmem>>
      %dma_start3A_205 = arith.constant 0 : i32
      %dma_start3A_206 = arith.constant 0 : i32
      %dma_start3A_207 = tpu.memref_slice %arg12[%dma_start3A_205, %dma_start3A_206] : memref<100000x16xf32, #tpu.memory_space<vmem_shared>> -> memref<100000x16xf32, #tpu.memory_space<vmem_shared>>
      tpu.enqueue_indirect_dma source(%dma_start3A_207 : memref<100000x16xf32, #tpu.memory_space<vmem_shared>>) target(%dma_start3A_201 : memref<128x16xf32, #tpu.memory_space<vmem>>) offsets(%dma_start3A_204 : memref<128xi32, #tpu.memory_space<vmem>>) semaphore(%run_scoped3A_199 : memref<!tpu.dma_semaphore, #tpu.memory_space<semaphore_mem>>)
      %dma_wait3A = arith.constant 896 : i32
      %dma_wait3A_208 = arith.constant 0 : i32
      %dma_wait3A_209 = tpu.memref_slice %arg7[%dma_wait3A, %dma_wait3A_208] : memref<1024x16xf32, #tpu.memory_space<vmem>> -> memref<128x16xf32, #tpu.memory_space<vmem>>
      %dma_wait3A_210 = arith.constant 0 : i32
      %dma_wait3A_211 = tpu.memref_slice %arg6[%run_scoped3A_197, %dma_wait3A_210] : memref<8x128xi32, #tpu.memory_space<vmem>> -> memref<1x128xi32, #tpu.memory_space<vmem>>
      %dma_wait3A_212 = tpu.memref_squeeze %dma_wait3A_211 : memref<1x128xi32, #tpu.memory_space<vmem>> -> memref<128xi32, #tpu.memory_space<vmem>>
      %dma_wait3A_213 = arith.constant 0 : i32
      %dma_wait3A_214 = arith.constant 0 : i32
      %dma_wait3A_215 = tpu.memref_slice %arg12[%dma_wait3A_213, %dma_wait3A_214] : memref<100000x16xf32, #tpu.memory_space<vmem_shared>> -> memref<100000x16xf32, #tpu.memory_space<vmem_shared>>
      tpu.wait_indirect_dma semaphore(%run_scoped3A_199 : memref<!tpu.dma_semaphore, #tpu.memory_space<semaphore_mem>>) src(%dma_wait3A_215 : memref<100000x16xf32, #tpu.memory_space<vmem_shared>>) dst(%dma_wait3A_209 : memref<128x16xf32, #tpu.memory_space<vmem>>)
      tpu.yield
    }) : () -> ()
    "tpu.region"() ({
      %run_scoped3A_199 = tpu.sem_alloc : memref<!tpu.dma_semaphore, #tpu.memory_space<semaphore_mem>>
      %dma_start3A = tpu.memref_slice %arg4[%mul3A_0, %add3A_171] : memref<16384x64xf32, #tpu.memory_space<hbm>> -> memref<1024x16xf32, #tpu.memory_space<hbm>>
      %dma_start3A_200 = tpu.memref_slice %arg4[%mul3A_0, %add3A_171] : memref<16384x64xf32, #tpu.memory_space<hbm>> -> memref<1024x16xf32, #tpu.memory_space<hbm>>
      tpu.enqueue_dma source(%arg7 : memref<1024x16xf32, #tpu.memory_space<vmem>>) target(%dma_start3A_200 : memref<1024x16xf32, #tpu.memory_space<hbm>>) target_semaphore(%run_scoped3A_199 : memref<!tpu.dma_semaphore, #tpu.memory_space<semaphore_mem>>)
      %dma_wait3A = tpu.memref_slice %arg4[%mul3A_0, %add3A_171] : memref<16384x64xf32, #tpu.memory_space<hbm>> -> memref<1024x16xf32, #tpu.memory_space<hbm>>
      %dma_wait3A_201 = tpu.memref_slice %arg4[%mul3A_0, %add3A_171] : memref<16384x64xf32, #tpu.memory_space<hbm>> -> memref<1024x16xf32, #tpu.memory_space<hbm>>
      tpu.wait_dma2 semaphore(%run_scoped3A_199 : memref<!tpu.dma_semaphore, #tpu.memory_space<semaphore_mem>>) src(%arg7 : memref<1024x16xf32, #tpu.memory_space<vmem>>) dst(%dma_wait3A_201 : memref<1024x16xf32, #tpu.memory_space<hbm>>)
      tpu.yield
    }) : () -> ()
    %barrier3A_198 = arith.constant 0 : index
    tpu.barrier barrier_id(%barrier3A_198)
    return
  }
}

#map = affine_map<(d0, d1) -> (0, 0)>
#map1 = affine_map<(d0, d1) -> (0)>
module attributes {stable_mosaic.version = 14 : i64} {
  func.func @_scatter_body(%arg0: i32, %arg1: i32, %arg2: memref<100000x64xf32, #tpu.memory_space<hbm>>, %arg3: memref<16384xi32, #tpu.memory_space<hbm>>, %arg4: memref<16384x64xf32, #tpu.memory_space<hbm>>, %arg5: memref<100000x64xf32, #tpu.memory_space<hbm>>, %arg6: memref<512xi32, #tpu.memory_space<vmem>>, %arg7: memref<512x64xf32, #tpu.memory_space<vmem>>, %arg8: memref<!tpu.dma_semaphore, #tpu.memory_space<semaphore_mem>>) attributes {dimension_semantics = [#tpu.dimension_semantics<core_parallel>, #tpu.dimension_semantics<subcore_parallel>], iteration_bounds = array<i64: 2, 16>, scalar_prefetch = 0 : i64, scratch_operands = 3 : i64, tpu.core_type = #tpu.core_type<sc_vector_subcore>, window_params = [{transform_indices = #map}, {transform_indices = #map1}, {transform_indices = #map}, {transform_indices = #map}]} {
    %mul3A = arith.constant 2 : i32
    %mul3A_0 = arith.muli %arg1, %mul3A : i32
    %add3A = arith.addi %mul3A_0, %arg0 : i32
    %mul3A_1 = arith.constant 512 : i32
    %mul3A_2 = arith.muli %add3A, %mul3A_1 : i32
    "tpu.region"() ({
      %run_scoped3A = tpu.sem_alloc : memref<!tpu.dma_semaphore, #tpu.memory_space<semaphore_mem>>
      %dma_start3A = tpu.memref_slice %arg3[%mul3A_2] : memref<16384xi32, #tpu.memory_space<hbm>> -> memref<512xi32, #tpu.memory_space<hbm>>
      %dma_start3A_11 = tpu.memref_slice %arg3[%mul3A_2] : memref<16384xi32, #tpu.memory_space<hbm>> -> memref<512xi32, #tpu.memory_space<hbm>>
      tpu.enqueue_dma source(%dma_start3A_11 : memref<512xi32, #tpu.memory_space<hbm>>) target(%arg6 : memref<512xi32, #tpu.memory_space<vmem>>) target_semaphore(%run_scoped3A : memref<!tpu.dma_semaphore, #tpu.memory_space<semaphore_mem>>)
      %dma_wait3A_12 = tpu.memref_slice %arg3[%mul3A_2] : memref<16384xi32, #tpu.memory_space<hbm>> -> memref<512xi32, #tpu.memory_space<hbm>>
      %dma_wait3A_13 = tpu.memref_slice %arg3[%mul3A_2] : memref<16384xi32, #tpu.memory_space<hbm>> -> memref<512xi32, #tpu.memory_space<hbm>>
      tpu.wait_dma2 semaphore(%run_scoped3A : memref<!tpu.dma_semaphore, #tpu.memory_space<semaphore_mem>>) src(%dma_wait3A_13 : memref<512xi32, #tpu.memory_space<hbm>>) dst(%arg6 : memref<512xi32, #tpu.memory_space<vmem>>)
      tpu.yield
    }) : () -> ()
    "tpu.region"() ({
      %run_scoped3A = tpu.sem_alloc : memref<!tpu.dma_semaphore, #tpu.memory_space<semaphore_mem>>
      %dma_start3A = arith.constant 0 : i32
      %dma_start3A_11 = tpu.memref_slice %arg4[%mul3A_2, %dma_start3A] : memref<16384x64xf32, #tpu.memory_space<hbm>> -> memref<512x64xf32, #tpu.memory_space<hbm>>
      %dma_start3A_12 = arith.constant 0 : i32
      %dma_start3A_13 = tpu.memref_slice %arg4[%mul3A_2, %dma_start3A_12] : memref<16384x64xf32, #tpu.memory_space<hbm>> -> memref<512x64xf32, #tpu.memory_space<hbm>>
      tpu.enqueue_dma source(%dma_start3A_13 : memref<512x64xf32, #tpu.memory_space<hbm>>) target(%arg7 : memref<512x64xf32, #tpu.memory_space<vmem>>) target_semaphore(%run_scoped3A : memref<!tpu.dma_semaphore, #tpu.memory_space<semaphore_mem>>)
      %dma_wait3A_14 = arith.constant 0 : i32
      %dma_wait3A_15 = tpu.memref_slice %arg4[%mul3A_2, %dma_wait3A_14] : memref<16384x64xf32, #tpu.memory_space<hbm>> -> memref<512x64xf32, #tpu.memory_space<hbm>>
      %dma_wait3A_16 = arith.constant 0 : i32
      %dma_wait3A_17 = tpu.memref_slice %arg4[%mul3A_2, %dma_wait3A_16] : memref<16384x64xf32, #tpu.memory_space<hbm>> -> memref<512x64xf32, #tpu.memory_space<hbm>>
      tpu.wait_dma2 semaphore(%run_scoped3A : memref<!tpu.dma_semaphore, #tpu.memory_space<semaphore_mem>>) src(%dma_wait3A_17 : memref<512x64xf32, #tpu.memory_space<hbm>>) dst(%arg7 : memref<512x64xf32, #tpu.memory_space<vmem>>)
      tpu.yield
    }) : () -> ()
    %scan3A = arith.constant 0 : i32
    %scan3A_3 = arith.constant 0 : i32
    %scan3A_4 = arith.constant 512 : i32
    %scan3A_5 = arith.addi %scan3A_3, %scan3A_4 : i32
    %scan3A_6 = arith.constant 1 : i32
    scf.for %scan3A_11 = %scan3A_3 to %scan3A_5 step %scan3A_6  : i32 {
      %broadcast_in_dim3A = vector.broadcast %scan3A_11 : i32 to vector<16xi32>
      %gather3A = tpu.vector_load_idx %arg6[%broadcast_in_dim3A] : memref<512xi32, #tpu.memory_space<vmem>>[vector<16xi32>], vector<16xi32>,
      %reduce_max3A = arith.constant true
      %reduce_max3A_12 = vector.broadcast %reduce_max3A : i1 to vector<16xi1>
      %reduce_max3A_13 = arith.constant -2147483648 : i32
      %reduce_max3A_14 = vector.broadcast %reduce_max3A_13 : i32 to vector<16xi32>
      %reduce_max3A_15 = arith.xori %gather3A, %reduce_max3A_14 : vector<16xi32>
      %reduce_max3A_16 = tpu.scan <max>, %reduce_max3A_15 masked %reduce_max3A_12 : vector<16xi32>, vector<16xi1> -> vector<16xi32>
      %reduce_max3A_17 = arith.xori %reduce_max3A_16, %reduce_max3A_14 : vector<16xi32>
      %reduce_max3A_18 = vector.extract %reduce_max3A_17[15] : i32 from vector<16xi32>
      %dma_start3A = arith.constant 0 : i32
      %dma_start3A_19 = tpu.memref_slice %arg7[%scan3A_11, %dma_start3A] : memref<512x64xf32, #tpu.memory_space<vmem>> -> memref<1x64xf32, #tpu.memory_space<vmem>>
      %dma_start3A_20 = arith.constant 0 : i32
      %dma_start3A_21 = tpu.memref_slice %arg5[%reduce_max3A_18, %dma_start3A_20] : memref<100000x64xf32, #tpu.memory_space<hbm>> -> memref<1x64xf32, #tpu.memory_space<hbm>>
      %dma_start3A_22 = arith.constant 0 : i32
      %dma_start3A_23 = tpu.memref_slice %arg5[%reduce_max3A_18, %dma_start3A_22] : memref<100000x64xf32, #tpu.memory_space<hbm>> -> memref<1x64xf32, #tpu.memory_space<hbm>>
      %dma_start3A_24 = arith.constant 0 : i32
      %dma_start3A_25 = tpu.memref_slice %arg7[%scan3A_11, %dma_start3A_24] : memref<512x64xf32, #tpu.memory_space<vmem>> -> memref<1x64xf32, #tpu.memory_space<vmem>>
      tpu.enqueue_dma source(%dma_start3A_25 : memref<1x64xf32, #tpu.memory_space<vmem>>) target(%dma_start3A_23 : memref<1x64xf32, #tpu.memory_space<hbm>>) target_semaphore(%arg8 : memref<!tpu.dma_semaphore, #tpu.memory_space<semaphore_mem>>)
    }
    %scan3A_7 = arith.constant 512 : i32
    %dma_wait3A = arith.constant 0 : i32
    %dma_wait3A_8 = tpu.memref_slice %arg4[%mul3A_2, %dma_wait3A] : memref<16384x64xf32, #tpu.memory_space<hbm>> -> memref<512x64xf32, #tpu.memory_space<hbm>>
    %dma_wait3A_9 = arith.constant 0 : i32
    %dma_wait3A_10 = tpu.memref_slice %arg4[%mul3A_2, %dma_wait3A_9] : memref<16384x64xf32, #tpu.memory_space<hbm>> -> memref<512x64xf32, #tpu.memory_space<hbm>>
    tpu.wait_dma2 semaphore(%arg8 : memref<!tpu.dma_semaphore, #tpu.memory_space<semaphore_mem>>) src(%dma_wait3A_10 : memref<512x64xf32, #tpu.memory_space<hbm>>) dst(%arg7 : memref<512x64xf32, #tpu.memory_space<vmem>>)
    return
  }
}

#map = affine_map<(d0, d1) -> (0, 0)>
#map1 = affine_map<(d0, d1) -> (0)>
module attributes {stable_mosaic.version = 14 : i64} {
  func.func @_gather_body(%arg0: i32, %arg1: i32, %arg2: memref<100000x64xf32, #tpu.memory_space<hbm>>, %arg3: memref<16384xi32, #tpu.memory_space<hbm>>, %arg4: memref<16384x64xf32, #tpu.memory_space<hbm>>, %arg5: memref<512xi32, #tpu.memory_space<vmem>>, %arg6: memref<512x64xf32, #tpu.memory_space<vmem>>, %arg7: memref<!tpu.dma_semaphore, #tpu.memory_space<semaphore_mem>>) attributes {dimension_semantics = [#tpu.dimension_semantics<core_parallel>, #tpu.dimension_semantics<subcore_parallel>], iteration_bounds = array<i64: 2, 16>, scalar_prefetch = 0 : i64, scratch_operands = 3 : i64, tpu.core_type = #tpu.core_type<sc_vector_subcore>, window_params = [{transform_indices = #map}, {transform_indices = #map1}, {transform_indices = #map}]} {
    %mul3A = arith.constant 2 : i32
    %mul3A_0 = arith.muli %arg1, %mul3A : i32
    %add3A = arith.addi %mul3A_0, %arg0 : i32
    %mul3A_1 = arith.constant 512 : i32
    %mul3A_2 = arith.muli %add3A, %mul3A_1 : i32
    "tpu.region"() ({
      %run_scoped3A = tpu.sem_alloc : memref<!tpu.dma_semaphore, #tpu.memory_space<semaphore_mem>>
      %dma_start3A = tpu.memref_slice %arg3[%mul3A_2] : memref<16384xi32, #tpu.memory_space<hbm>> -> memref<512xi32, #tpu.memory_space<hbm>>
      %dma_start3A_13 = tpu.memref_slice %arg3[%mul3A_2] : memref<16384xi32, #tpu.memory_space<hbm>> -> memref<512xi32, #tpu.memory_space<hbm>>
      tpu.enqueue_dma source(%dma_start3A_13 : memref<512xi32, #tpu.memory_space<hbm>>) target(%arg5 : memref<512xi32, #tpu.memory_space<vmem>>) target_semaphore(%run_scoped3A : memref<!tpu.dma_semaphore, #tpu.memory_space<semaphore_mem>>)
      %dma_wait3A_14 = tpu.memref_slice %arg3[%mul3A_2] : memref<16384xi32, #tpu.memory_space<hbm>> -> memref<512xi32, #tpu.memory_space<hbm>>
      %dma_wait3A_15 = tpu.memref_slice %arg3[%mul3A_2] : memref<16384xi32, #tpu.memory_space<hbm>> -> memref<512xi32, #tpu.memory_space<hbm>>
      tpu.wait_dma2 semaphore(%run_scoped3A : memref<!tpu.dma_semaphore, #tpu.memory_space<semaphore_mem>>) src(%dma_wait3A_15 : memref<512xi32, #tpu.memory_space<hbm>>) dst(%arg5 : memref<512xi32, #tpu.memory_space<vmem>>)
      tpu.yield
    }) : () -> ()
    %scan3A = arith.constant 0 : i32
    %scan3A_3 = arith.constant 0 : i32
    %scan3A_4 = arith.constant 512 : i32
    %scan3A_5 = arith.addi %scan3A_3, %scan3A_4 : i32
    %scan3A_6 = arith.constant 1 : i32
    scf.for %scan3A_13 = %scan3A_3 to %scan3A_5 step %scan3A_6  : i32 {
      %broadcast_in_dim3A = vector.broadcast %scan3A_13 : i32 to vector<16xi32>
      %gather3A = tpu.vector_load_idx %arg5[%broadcast_in_dim3A] : memref<512xi32, #tpu.memory_space<vmem>>[vector<16xi32>], vector<16xi32>,
      %reduce_max3A = arith.constant true
      %reduce_max3A_14 = vector.broadcast %reduce_max3A : i1 to vector<16xi1>
      %reduce_max3A_15 = arith.constant -2147483648 : i32
      %reduce_max3A_16 = vector.broadcast %reduce_max3A_15 : i32 to vector<16xi32>
      %reduce_max3A_17 = arith.xori %gather3A, %reduce_max3A_16 : vector<16xi32>
      %reduce_max3A_18 = tpu.scan <max>, %reduce_max3A_17 masked %reduce_max3A_14 : vector<16xi32>, vector<16xi1> -> vector<16xi32>
      %reduce_max3A_19 = arith.xori %reduce_max3A_18, %reduce_max3A_16 : vector<16xi32>
      %reduce_max3A_20 = vector.extract %reduce_max3A_19[15] : i32 from vector<16xi32>
      %dma_start3A = arith.constant 0 : i32
      %dma_start3A_21 = tpu.memref_slice %arg6[%scan3A_13, %dma_start3A] : memref<512x64xf32, #tpu.memory_space<vmem>> -> memref<1x64xf32, #tpu.memory_space<vmem>>
      %dma_start3A_22 = arith.constant 0 : i32
      %dma_start3A_23 = tpu.memref_slice %arg2[%reduce_max3A_20, %dma_start3A_22] : memref<100000x64xf32, #tpu.memory_space<hbm>> -> memref<1x64xf32, #tpu.memory_space<hbm>>
      %dma_start3A_24 = arith.constant 0 : i32
      %dma_start3A_25 = tpu.memref_slice %arg6[%scan3A_13, %dma_start3A_24] : memref<512x64xf32, #tpu.memory_space<vmem>> -> memref<1x64xf32, #tpu.memory_space<vmem>>
      %dma_start3A_26 = arith.constant 0 : i32
      %dma_start3A_27 = tpu.memref_slice %arg2[%reduce_max3A_20, %dma_start3A_26] : memref<100000x64xf32, #tpu.memory_space<hbm>> -> memref<1x64xf32, #tpu.memory_space<hbm>>
      tpu.enqueue_dma source(%dma_start3A_27 : memref<1x64xf32, #tpu.memory_space<hbm>>) target(%dma_start3A_25 : memref<1x64xf32, #tpu.memory_space<vmem>>) target_semaphore(%arg7 : memref<!tpu.dma_semaphore, #tpu.memory_space<semaphore_mem>>)
    }
    %scan3A_7 = arith.constant 512 : i32
    %dma_wait3A = arith.constant 0 : i32
    %dma_wait3A_8 = arith.constant 0 : i32
    %dma_wait3A_9 = tpu.memref_slice %arg2[%dma_wait3A, %dma_wait3A_8] : memref<100000x64xf32, #tpu.memory_space<hbm>> -> memref<512x64xf32, #tpu.memory_space<hbm>>
    %dma_wait3A_10 = arith.constant 0 : i32
    %dma_wait3A_11 = arith.constant 0 : i32
    %dma_wait3A_12 = tpu.memref_slice %arg2[%dma_wait3A_10, %dma_wait3A_11] : memref<100000x64xf32, #tpu.memory_space<hbm>> -> memref<512x64xf32, #tpu.memory_space<hbm>>
    tpu.wait_dma2 semaphore(%arg7 : memref<!tpu.dma_semaphore, #tpu.memory_space<semaphore_mem>>) src(%dma_wait3A_12 : memref<512x64xf32, #tpu.memory_space<hbm>>) dst(%arg6 : memref<512x64xf32, #tpu.memory_space<vmem>>)
    "tpu.region"() ({
      %run_scoped3A = tpu.sem_alloc : memref<!tpu.dma_semaphore, #tpu.memory_space<semaphore_mem>>
      %dma_start3A = arith.constant 0 : i32
      %dma_start3A_13 = tpu.memref_slice %arg4[%mul3A_2, %dma_start3A] : memref<16384x64xf32, #tpu.memory_space<hbm>> -> memref<512x64xf32, #tpu.memory_space<hbm>>
      %dma_start3A_14 = arith.constant 0 : i32
      %dma_start3A_15 = tpu.memref_slice %arg4[%mul3A_2, %dma_start3A_14] : memref<16384x64xf32, #tpu.memory_space<hbm>> -> memref<512x64xf32, #tpu.memory_space<hbm>>
      tpu.enqueue_dma source(%arg6 : memref<512x64xf32, #tpu.memory_space<vmem>>) target(%dma_start3A_15 : memref<512x64xf32, #tpu.memory_space<hbm>>) target_semaphore(%run_scoped3A : memref<!tpu.dma_semaphore, #tpu.memory_space<semaphore_mem>>)
      %dma_wait3A_16 = arith.constant 0 : i32
      %dma_wait3A_17 = tpu.memref_slice %arg4[%mul3A_2, %dma_wait3A_16] : memref<16384x64xf32, #tpu.memory_space<hbm>> -> memref<512x64xf32, #tpu.memory_space<hbm>>
      %dma_wait3A_18 = arith.constant 0 : i32
      %dma_wait3A_19 = tpu.memref_slice %arg4[%mul3A_2, %dma_wait3A_18] : memref<16384x64xf32, #tpu.memory_space<hbm>> -> memref<512x64xf32, #tpu.memory_space<hbm>>
      tpu.wait_dma2 semaphore(%run_scoped3A : memref<!tpu.dma_semaphore, #tpu.memory_space<semaphore_mem>>) src(%arg6 : memref<512x64xf32, #tpu.memory_space<vmem>>) dst(%dma_wait3A_19 : memref<512x64xf32, #tpu.memory_space<hbm>>)
      tpu.yield
    }) : () -> ()
    return
  }
}

module attributes {stable_mosaic.version = 14 : i64} {
  func.func @_norm_body(%arg0: memref<16384x64xf32, #tpu.memory_space<vmem>>, %arg1: memref<16384x64xf32, #tpu.memory_space<vmem>>) attributes {dimension_semantics = [], scalar_prefetch = 0 : i64, scratch_operands = 0 : i64, tpu.core_type = #tpu.core_type<tc>} {
    %get3A = arith.constant 0 : index
    %get3A_0 = arith.constant 0 : index
    %get3A_1 = vector.load %arg0[%get3A, %get3A_0] : memref<16384x64xf32, #tpu.memory_space<vmem>>, vector<16384x64xf32>
    %mul3A = arith.mulf %get3A_1, %get3A_1 : vector<16384x64xf32>
    %reduce_sum3A = arith.constant dense<0.000000e+00> : vector<16384xf32>
    %reduce_sum3A_2 = vector.multi_reduction <add>, %mul3A, %reduce_sum3A [1] : vector<16384x64xf32> to vector<16384xf32>
    %broadcast_in_dim3A = vector.shape_cast %reduce_sum3A_2 : vector<16384xf32> to vector<16384x1xf32>
    %sqrt3A = math.sqrt %broadcast_in_dim3A : vector<16384x1xf32>
    %max3A = arith.constant 9.99999996E-13 : f32
    %max3A_3 = vector.broadcast %max3A : f32 to vector<16384x1xf32>
    %max3A_4 = arith.maximumf %sqrt3A, %max3A_3 : vector<16384x1xf32>
    %div3A = vector.broadcast %max3A_4 : vector<16384x1xf32> to vector<16384x64xf32>
    %div3A_5 = arith.divf %get3A_1, %div3A : vector<16384x64xf32>
    %swap3A = arith.constant 0 : index
    %swap3A_6 = arith.constant 0 : index
    %swap3A_7 = vector.load %arg1[%swap3A, %swap3A_6] : memref<16384x64xf32, #tpu.memory_space<vmem>>, vector<16384x64xf32>
    tpu.vector_store %arg1[%swap3A, %swap3A_6], %div3A_5 {strides = array<i32>} : memref<16384x64xf32, #tpu.memory_space<vmem>>, vector<16384x64xf32>,
    return
  }
}

module attributes {stable_mosaic.version = 14 : i64} {
  func.func @_epi_body(%arg0: memref<16384x64xf32, #tpu.memory_space<vmem>>, %arg1: memref<16384x64xf32, #tpu.memory_space<vmem>>, %arg2: memref<16384x64xf32, #tpu.memory_space<vmem>>, %arg3: memref<16384x1xf32, #tpu.memory_space<vmem>>, %arg4: memref<16384x64xf32, #tpu.memory_space<vmem>>, %arg5: memref<1x1xf32, #tpu.memory_space<vmem>>) attributes {dimension_semantics = [], scalar_prefetch = 0 : i64, scratch_operands = 0 : i64, tpu.core_type = #tpu.core_type<tc>} {
    %get3A = arith.constant 0 : index
    %get3A_0 = arith.constant 0 : index
    %get3A_1 = vector.load %arg1[%get3A, %get3A_0] : memref<16384x64xf32, #tpu.memory_space<vmem>>, vector<16384x64xf32>
    %get3A_2 = arith.constant 0 : index
    %get3A_3 = arith.constant 0 : index
    %get3A_4 = vector.load %arg2[%get3A_2, %get3A_3] : memref<16384x64xf32, #tpu.memory_space<vmem>>, vector<16384x64xf32>
    %get3A_5 = arith.constant 0 : index
    %get3A_6 = arith.constant 0 : index
    %get3A_7 = vector.load %arg3[%get3A_5, %get3A_6] : memref<16384x1xf32, #tpu.memory_space<vmem>>, vector<16384x1xf32>
    %div3A = vector.broadcast %get3A_7 : vector<16384x1xf32> to vector<16384x64xf32>
    %div3A_8 = arith.divf %get3A_4, %div3A : vector<16384x64xf32>
    %mul3A = arith.constant 5.000000e-01 : f32
    %mul3A_9 = vector.broadcast %mul3A : f32 to vector<16384x64xf32>
    %mul3A_10 = arith.mulf %mul3A_9, %get3A_1 : vector<16384x64xf32>
    %mul3A_11 = arith.constant 5.000000e-01 : f32
    %mul3A_12 = vector.broadcast %mul3A_11 : f32 to vector<16384x64xf32>
    %mul3A_13 = arith.mulf %mul3A_12, %div3A_8 : vector<16384x64xf32>
    %add3A = arith.addf %mul3A_10, %mul3A_13 : vector<16384x64xf32>
    %swap3A = arith.constant 0 : index
    %swap3A_14 = arith.constant 0 : index
    %swap3A_15 = vector.load %arg4[%swap3A, %swap3A_14] : memref<16384x64xf32, #tpu.memory_space<vmem>>, vector<16384x64xf32>
    tpu.vector_store %arg4[%swap3A, %swap3A_14], %add3A {strides = array<i32>} : memref<16384x64xf32, #tpu.memory_space<vmem>>, vector<16384x64xf32>,
    %mul3A_16 = arith.mulf %get3A_1, %get3A_1 : vector<16384x64xf32>
    %reduce_sum3A = arith.constant dense<0.000000e+00> : vector<16384xf32>
    %reduce_sum3A_17 = vector.multi_reduction <add>, %mul3A_16, %reduce_sum3A [1] : vector<16384x64xf32> to vector<16384xf32>
    %broadcast_in_dim3A = vector.shape_cast %reduce_sum3A_17 : vector<16384xf32> to vector<16384x1xf32>
    %sqrt3A = math.sqrt %broadcast_in_dim3A : vector<16384x1xf32>
    %max3A = arith.constant 9.99999996E-13 : f32
    %max3A_18 = vector.broadcast %max3A : f32 to vector<16384x1xf32>
    %max3A_19 = arith.maximumf %sqrt3A, %max3A_18 : vector<16384x1xf32>
    %div3A_20 = vector.broadcast %max3A_19 : vector<16384x1xf32> to vector<16384x64xf32>
    %div3A_21 = arith.divf %get3A_1, %div3A_20 : vector<16384x64xf32>
    %get3A_22 = arith.constant 0 : index
    %get3A_23 = arith.constant 0 : index
    %get3A_24 = vector.load %arg0[%get3A_22, %get3A_23] : memref<16384x64xf32, #tpu.memory_space<vmem>>, vector<16384x64xf32>
    %sub3A = arith.subf %get3A_24, %div3A_21 : vector<16384x64xf32>
    %mul3A_25 = arith.mulf %sub3A, %sub3A : vector<16384x64xf32>
    %reduce_sum3A_26 = vector.shape_cast %mul3A_25 : vector<16384x64xf32> to vector<1x16384x64xf32>
    %reduce_sum3A_27 = arith.constant dense<0.000000e+00> : vector<1xf32>
    %reduce_sum3A_28 = vector.multi_reduction <add>, %reduce_sum3A_26, %reduce_sum3A_27 [1, 2] : vector<1x16384x64xf32> to vector<1xf32>
    %reduce_sum3A_29 = vector.shape_cast %reduce_sum3A_28 : vector<1xf32> to vector<1x1x1xf32>
    %reduce_sum3A_30 = vector.extract %reduce_sum3A_29[0, 0, 0] : f32 from vector<1x1x1xf32>
    %broadcast_in_dim3A_31 = vector.broadcast %reduce_sum3A_30 : f32 to vector<1x1xf32>
    %swap3A_32 = arith.constant 0 : index
    %swap3A_33 = arith.constant 0 : index
    %swap3A_34 = vector.load %arg5[%swap3A_32, %swap3A_33] : memref<1x1xf32, #tpu.memory_space<vmem>>, vector<1x1xf32>
    tpu.vector_store %arg5[%swap3A_32, %swap3A_33], %broadcast_in_dim3A_31 {strides = array<i32>} : memref<1x1xf32, #tpu.memory_space<vmem>>, vector<1x1xf32>,
    return
  }
}

</mosaic_0001>

<sc_bundles>
// kernel: kernel.10.cloned.1.call-start
scs
__scs_entry_jumppad:
0x0: {  	(pc) =	sbr.rel $0x88, $3  }
0x1: {  	(tag) =	ssettag $0x0;
	lr =	simm.s32 $0x1  }
0x2: {  	[smem:$0x3F9E] =	sst lr;
	_ =	strace $0xD0000000  }
0x3: {  	_ = 	snop  }
0x4: {  	_ = 	snop  }
0x5: {  	_ = 	snop  }
0x6: {  	_ = 	snop  }
0x7: {  	_ = 	snop  }
__scs_overlays_trampoline_lowered:
0x8: {  	[smem:$0x3FAD] =	sst s0  }
0x9: {  	[smem:$0x3FAE] =	sst s1  }
0xa: {  	[smem:$0x3FAF] =	sst s2  }
0xb: {  	[smem:$0x3FB0] =	sst s3  }
0xc: {  	[smem:$0x3FB1] =	sst s4  }
0xd: {  	[smem:$0x3FB2] =	sst s5  }
0xe: {  	[smem:$0x3FB3] =	sst s6  }
0xf: {  	[smem:$0x3FB4] =	sst s7  }
0x10: {  	[smem:$0x3FB5] =	sst s8  }
0x11: {  	[smem:$0x3FB6] =	sst s9;
	s0 =	simm.s32 @!p0 $0x0  }
0x12: {  	s1 =	sld [smem:$0x3F9C];
	s0 =	simm.s32 @p0 $0x1  }
0x13: {  	[smem:$0x3FB7] =	sst s0;
	s0 =	simm.s32 @!p1 $0x0  }
0x14: {  	s2 =	sld [smem:$0x3F9B];
	s0 =	simm.s32 @p1 $0x1  }
0x15: {  	[smem:$0x3FB8] =	sst s0;
	s0 =	simm.s32 @!p2 $0x0  }
0x16: {  	s3 =	sld [smem:$0x3FDB];
	s0 =	simm.s32 @p2 $0x1  }
0x17: {  	s4 =	simm.s32 $0x1BF5;
	[smem:$0x3FBA] =	sst s0  }
0x18: {  	s0 =	sld [smem:$0x3F9D];
	_ =	swait.ge [sflag:s4], $0x0  }
0x19: {  	s7 =	sld [smem:$0x3F9E]  }
0x1a: {  	s8 =	sadd.s32 $0xFFFFE003, lr  }
0x1b: {  	s9 =	sadd.s32 $0xFFFFFEF7, lr;
	s5 =	simm.s32 $0xFFFFFFFF;
	p2 =	slt.u32 s8, $0xFFFFF086  }
0x1c: {  	p1 =	slt.u32 s9, $0xF7A;
	s5 =	simm.s32 @!p2 $0x0  }
0x1d: {  	s5 =	simm.s32 @p1 $0x1;
	p0 =	seq.s32 s7, s2  }
0x1e: {  	s7 =	smul.u32 @!p0 $0xF7A, s2;
	p2 =	seq.s32 @!p0 s5, $0x0  }
0x1f: {  	s9 =	smul.u32 $0xF7A, s1;
	s8 =	simm.s32 @!p0 $0x1BF5;
	p2 =	por !p2, p0  }
0x20: {  	[sflag:s8] =	ssyncset.s32 @!p0 $0xFFFFF086;
	s6 =	sadd.s32 @!p0 s3, s7;
	s7 =	simm.s32 @!p0 $0x108  }
0x21: {  	s3 =	sadd.s32 s3, s9;
	s6 =	sadd.s32 @!p0 $0x88, s6;
	s7 =	simm.s32 @p2 $0x1082  }
0x22: {  	[simem:s7], [sflag:s8] =	dma.local @!p0 [hbm:s6], $0xF7A  }
0x23: {  	s9 =	sor.u32 $0xD0000000, s2;
	s6 =	simm.s32 $0x108;
	_ =	swait.ge @!p0 [sflag:s8], $0x0  }
0x24: {  	s3 =	sadd.s32 $0x88, s3;
	s6 =	simm.s32 @!p1 $0x1082;
	[sflag:s4] =	ssyncset.s32 $0xFFFFF086  }
0x25: {  	[simem:s6], [sflag:s4] =	dma.local [hbm:s3], $0xF7A  }
0x26: {  	[smem:$0x3F9E] =	sst s1;
	(tag) =	ssettag s2;
	_ =	strace s9  }
0x27: {  	s1 =	sld [smem:$0x3FAE]  }
0x28: {  	s2 =	sld [smem:$0x3FAF]  }
0x29: {  	s4 =	sld [smem:$0x3FB1]  }
0x2a: {  	p0 =	seq.s32 s5, $0x0;
	s5 =	sld [smem:$0x3FB2]  }
0x2b: {  	s6 =	sld [smem:$0x3FB3]  }
0x2c: {  	s7 =	sld [smem:$0x3FB4]  }
0x2d: {  	s3 =	simm.s32 $0x108;
	s8 =	sld [smem:$0x3FB5]  }
0x2e: {  	s3 =	simm.s32 @!p0 $0x1082;
	s9 =	sld [smem:$0x3FB6]  }
0x2f: {  	lr =	sadd.s32 s0, s3;
	s0 =	sld [smem:$0x3FAD]  }
0x30: {  	s3 =	sld [smem:$0x3FB0]  }
0x31: {  	[smem:$0x3FB9] =	sst s10  }
0x32: {  	s10 =	sld [smem:$0x3FB7];
	_ =	sdelay $0x3  }
0x33: {  	p0 =	seq.s32 s10, $0x1;
	s10 =	sld [smem:$0x3FB9];
	_ =	sdelay $0x3  }
0x34: {  	[smem:$0x3FB9] =	sst s10  }
0x35: {  	s10 =	sld [smem:$0x3FB8];
	_ =	sdelay $0x3  }
0x36: {  	p1 =	seq.s32 s10, $0x1;
	s10 =	sld [smem:$0x3FB9];
	_ =	sdelay $0x3  }
0x37: {  	[smem:$0x3FB9] =	sst s10  }
0x38: {  	s10 =	sld [smem:$0x3FBA]  }
0x39: {  	_ = 	snop;
	(pc) =	sbr.ind lr, $3  }
0x3a: {  	_ = 	snop  }
0x3b: {  	_ = 	snop  }
0x3c: {  	p2 =	seq.s32 s10, $0x1;
	s10 =	sld [smem:$0x3FB9]  }
0x3d: {  	_ =	shalt  }
0x3e: {  	_ =	shalt  }
0x3f: {  	_ =	shalt  }
0x40: {  	_ =	shalt  }
0x41: {  	_ =	shalt  }
0x42: {  	_ =	shalt  }
0x43: {  	_ =	shalt  }
0x44: {  	_ =	shalt  }
0x45: {  	_ =	shalt  }
0x46: {  	_ =	shalt  }
0x47: {  	_ =	shalt  }
0x48: {  	_ =	shalt  }
0x49: {  	_ =	shalt  }
0x4a: {  	_ =	shalt  }
0x4b: {  	_ =	shalt  }
0x4c: {  	_ =	shalt  }
0x4d: {  	_ =	shalt  }
0x4e: {  	_ =	shalt  }
0x4f: {  	_ =	shalt  }
0x50: {  	_ =	shalt  }
0x51: {  	_ =	shalt  }
0x52: {  	_ =	shalt  }
0x53: {  	_ =	shalt  }
0x54: {  	_ =	shalt  }
0x55: {  	_ =	shalt  }
0x56: {  	_ =	shalt  }
0x57: {  	_ =	shalt  }
0x58: {  	_ =	shalt  }
0x59: {  	_ =	shalt  }
0x5a: {  	_ =	shalt  }
0x5b: {  	_ =	shalt  }
0x5c: {  	_ =	shalt  }
0x5d: {  	_ =	shalt  }
0x5e: {  	_ =	shalt  }
0x5f: {  	_ =	shalt  }
0x60: {  	_ =	shalt  }
0x61: {  	_ =	shalt  }
0x62: {  	_ =	shalt  }
0x63: {  	_ =	shalt  }
0x64: {  	_ =	shalt  }
0x65: {  	_ =	shalt  }
0x66: {  	_ =	shalt  }
0x67: {  	_ =	shalt  }
0x68: {  	_ =	shalt  }
0x69: {  	_ =	shalt  }
0x6a: {  	_ =	shalt  }
0x6b: {  	_ =	shalt  }
0x6c: {  	_ =	shalt  }
0x6d: {  	_ =	shalt  }
0x6e: {  	_ =	shalt  }
0x6f: {  	_ =	shalt  }
0x70: {  	_ =	shalt  }
0x71: {  	_ =	shalt  }
0x72: {  	_ =	shalt  }
0x73: {  	_ =	shalt  }
0x74: {  	_ =	shalt  }
0x75: {  	_ =	shalt  }
0x76: {  	_ =	shalt  }
0x77: {  	_ =	shalt  }
0x78: {  	_ =	shalt  }
0x79: {  	_ =	shalt  }
0x7a: {  	_ =	shalt  }
0x7b: {  	_ =	shalt  }
0x7c: {  	_ =	shalt  }
0x7d: {  	_ =	shalt  }
0x7e: {  	_ =	shalt  }
0x7f: {  	_ =	shalt  }
0x80: {  	_ =	shalt  }
0x81: {  	_ =	shalt  }
0x82: {  	_ =	shalt  }
0x83: {  	_ =	shalt  }
0x84: {  	_ =	shalt  }
0x85: {  	_ =	shalt  }
0x86: {  	_ =	shalt  }
0x87: {  	_ =	shalt  }
.Lfunc_end0:
.L_simem_size_0:
called_computation.1_lowered:
.L_overlay_start_0:
0x88: {  	s2 =	sld [smem:$0x3FD9]  }
0x89: {  	s3 =	sld [smem:$0x3FFE];
	_ =	sdelay $0x1  }
0x8a: {  	s1 =	srdreg.scid  }
0x8b: {  	s0 =	sand.u32 $0x1, s1  }
0x8c: {  	s14 =	sshll.u32 s0, $0xA;
	s2 =	sadd.s32 s3, s2  }
0x8d: {  	s2 =	sadd.s32 s2, s14  }
0x8e: {  	[smem:$0x3FC5] =	sst s2  }
0x8f: {  	_ = 	snop  }
0x90: {  	s2 =	sld [smem:$0x3FD0];
	_ =	sdelay $0x2  }
0x91: {  	s4 =	simm.s32 $0xB;
	s5 =	simm.s32 $0x10;
	s15 =	sld [smem:$0x3FC8]  }
0x92: {  	[smem:s5], [sflag:s4] =	dma.local [hbm:s2], $0x1  }
0x93: {  	_ =	swait.eq [sflag:s4], $0x1  }
0x94: {  	[sflag:s4] =	ssyncset.done $0x0  }
0x95: {  	[sflag:s4] =	ssyncadd.s32 $0xFFFFFFFF  }
0x96: {  	s16 =	sld [smem:$0x11];
	(tm) =	ssettm $0x1  }
0x97: {  	s17 =	sld [smem:$0x3FFB];
	_ =	sdelay $0x3  }
0x98: {  	_ =	strace s17  }
0x99: {  	s4 =	sld [smem:$0x3FFC];
	_ =	sdelay $0x3  }
0x9a: {  	_ =	strace s4  }
0x9b: {  	s4 =	sld [smem:$0x3FFD];
	_ =	sdelay $0x3  }
0x9c: {  	_ =	strace s4  }
0x9d: {  	_ =	strace $0x8FFFFFFF  }
0x9e: {  	s18 =	sld [smem:$0x3FDB];
	_ =	sdelay $0x1  }
0x9f: {  	s19 =	simm.s32 $_scs_section_size  }
0xa0: {  	s6 =	simm.s32 $_size__tile_overlayer_lowered;
	s7 =	simm.s32 $_tile_overlayer_lowered  }
0xa1: {  	s22 =	simm.s32 $0x1BFF;
	s21 =	sshll.u32 s7, $0x1;
	s4 =	sadd.s32 s19, s18  }
0xa2: {  	s8 =	simm.s32 $0x0;
	s20 =	sshll.u32 s6, $0x1;
	s6 =	sadd.s32 s21, s4  }
0xa3: {  	[timem:s8], [sflag:s22] =	dma.local [hbm:s6], s20  }
0xa4: {  	_ =	swait.ge [sflag:s22], s20  }
0xa5: {  	s5 =	ssub.s32 $0x0, s20;
	[sflag:s22] =	ssyncset.done $0x0  }
0xa6: {  	[sflag:s22] =	ssyncadd.s32 s5;
	_ =	sdelay $0x1  }
0xa7: {  	s23 =	simm.s32 $0x1B8B  }
0xa8: {  	_ =	swait.ge [sflag:s23], $0x1  }
0xa9: {  	[sflag:s23] =	ssyncset.done $0x0  }
0xaa: {  	s25 =	simm.s32 $0x1B8E;
	s24 =	sld [smem:$0x3FFE];
	[sflag:s23] =	ssyncadd.s32 $0xFFFFFFFF  }
0xab: {  	s26 =	simm.s32 $execute0_lowered;
	[smem:$0x3FD2] =	sst s25  }
0xac: {  	s6 =	sshll.u32 s26, $0x1;
	_ =	strace $0x80000046;
	[dreg:$0x1] =	wrdreg $0xFFFFFFFF  }
0xad: {  	s28 =	simm.s32 $_size_execute0_lowered;
	s4 =	sadd.s32 s4, s6;
	[dreg:$0x0] =	wrdreg $0x0  }
0xae: {  	s6 =	sshll.u32 s28, $0x1;
	[dreg:$0x2] =	wrdreg s4  }
0xaf: {  	[dreg:$0x3] =	wrdreg s6  }
0xb0: {  	[dreg:$0x4] =	wrdreg $0xC0  }
0xb1: {  	_ =	task [dreg:s8], $0x5FFFF  }
0xb2: {  	[dreg:$0x1] =	wrdreg $0xFFFFFFFF  }
0xb3: {  	[dreg:$0x0] =	wrdreg $0x60  }
0xb4: {  	[dreg:$0x2] =	wrdreg s16  }
0xb5: {  	[dreg:$0x3] =	wrdreg s15  }
0xb6: {  	[dreg:$0x4] =	wrdreg s24  }
0xb7: {  	[dreg:$0x5] =	wrdreg $0x51000  }
0xb8: {  	[dreg:$0x6] =	wrdreg $0x1D7A00  }
0xb9: {  	[dreg:$0x7] =	wrdreg $0xA  }
0xba: {  	_ =	task.clear_ibuf [dreg:s8], $0x8FFFF;
	_ =	strace $0x90000046  }
0xbb: {  	s29 =	simm.s32 $0xA;
	_ =	strace $0x80000048  }
0xbc: {  	_ =	swait.ge [sflag:s29], $0x1  }
0xbd: {  	[sflag:s29] =	ssyncadd.s32 $0xFFFFFFFF  }
0xbe: {  	_ =	strace $0x90000048  }
0xbf: {  	_ =	sfence  }
0xc0: {  	s30 =	sld [smem:$0x0];
	_ =	sdelay $0x2  }
0xc1: {  	s31 =	sshll.u32 s1, $0xD;
	s1 =	sshrl.u32 s1, $0x2  }
0xc2: {  	s3 =	sand.u32 $0x4000, s31;
	s1 =	sadd.s32 s1, s30  }
0xc3: {  	s0 =	sor.u32 s3, s0;
	s1 =	sshll.u32 s1, $0x11  }
0xc4: {  	s0 =	sor.u32 s1, s0  }
0xc5: {  	s0 =	sadd.s32 $0x8F2B, s0  }
0xc6: {  	[sflag:s0] =	ssyncadd.remote.s32 $0x1  }
0xc7: {  	_ =	sfence.sel $0xFFFF  }
0xc8: {  	[dreg:$0x0] =	wrdreg $0xFFFFFFFF;
	(pc) =	sbr.abs _section_cstart, $3  }
0xc9: {  	[dreg:$0x1] =	wrdreg $0xFFFFFFFF  }
0xca: {  	_ =	task.clear_ibuf [dreg:s8], $0x2FFFF;
	_ =	strace $0x9FFFFFFF  }
0xcb: {  	(tm) =	ssettm $0x7FFFFFFF  }
tec
execute0_lowered:
.L_overlay_start_1:
0x0: {  	(tag) =	ssettag $0x1  }
0x1: {  	s0 =	rddreg [dreg:$0x0]  }
0x2: {  	s3 =	rddreg [dreg:$0x1]  }
0x3: {  	s5 =	rddreg [dreg:$0x2]  }
0x4: {  	s1 =	rddreg [dreg:$0x3]  }
0x5: {  	s2 =	rddreg [dreg:$0x4];
	s4 =	simm.s32 $0x0  }
0x6: {  	s6 =	srdreg.scid;
	s11 =	stileid.u32;
	s13 =	simm.s32 $0x300  }
0x7: {  	s14 =	simm.s32 $0x380;
	s28 =	simm.s32 $0x4400;
	s31 =	simm.s32 $0x400  }
0x8: {  	[smem:$0x7FF] =	sst s4;
	s6 =	sand.u32 $0x1, s6;
	s8 =	sshll.u32 s11, $0x7  }
0x9: {  	s7 =	sadd.s32 $0x1600, s5;
	_ =	strace $0x80000047;
	s12 =	sadd.s32 s3, s8  }
0xa: {  	s5 =	sadd.s32 s8, s5;
	s8 =	sadd.s32 $0x10, s12;
	[dreg:$0x6] =	wrdreg s12  }
0xb: {  	s19 =	sshll.u32 s11, $0xD;
	s16 =	sadd.s32 $0x20, s12;
	[dreg:$0x7] =	wrdreg s8  }
0xc: {  	s11 =	simm.s32 $0x0;
	s17 =	sadd.s32 $0x30, s12;
	[dreg:$0x8] =	wrdreg s16  }
0xd: {  	s9 =	ssub.s32 $0x2, s6;
	s20 =	sadd.s32 $0x40, s12;
	[dreg:$0x9] =	wrdreg s17  }
0xe: {  	s18 =	sshll.u32 s6, $0x2;
	s21 =	sadd.s32 $0x50, s12;
	[dreg:$0xa] =	wrdreg s20  }
0xf: {  	p0 =	sne.s32 s6, $0x0;
	s22 =	sadd.s32 $0x60, s12;
	[dreg:$0xb] =	wrdreg s21  }
0x10: {  	s10 =	sshrl.u32 s9, $0x1;
	s23 =	sadd.s32 $0x70, s12;
	[dreg:$0xc] =	wrdreg s22  }
0x11: {  	s5 =	sadd.s32 $0x21600, s5;
	s15 =	ssub.s32 s9, s10;
	[dreg:$0xd] =	wrdreg s23  }
0x12: {  	s8 =	sor.u32 s18, s19;
	[dreg:$0x10] =	wrdreg s5;
	s19 =	simm.s32 $0x1  }
0x13: {  	s20 =	simm.s32 $0x80;
	s9 =	simm.s32 $0x200;
	s10 =	simm.s32 $0x280  }
0x14: {  	s22 =	simm.s32 $0x100;
	s23 =	simm.s32 $0x180;
	s24 =	sadd.s32 s0, s8  }
0x15: {  	s21 =	simm.s32 $0x2C00;
	s25 =	sadd.s32 s7, s8;
	[dreg:$0xe] =	wrdreg s24  }
0x16: {  	s26 =	sor.u32 $0x2, s8;
	s30 =	smax.u32 s15, $0x1;
	[dreg:$0xf] =	wrdreg s25  }
0x17: {  	s8 =	simm.s32 $0x180;
	s0 =	sadd.s32 s0, s26;
	[dreg:$0x13] =	wrdreg s30  }
0x18: {  	s29 =	sadd.s32 s7, s26;
	s7 =	simm.s32 $0x100;
	[dreg:$0x11] =	wrdreg s0  }
0x19: {  	v0 =	vimm.f32 $0.0e+00;
	v1 =	vimm.f32 $1.000000000e+00;
	s24 =	simm.s32 $0x200;
	s25 =	simm.s32 $0x280;
	[dreg:$0x12] =	wrdreg s29  }
.LBB2_1:
0x1a: {  	s0 =	rddreg [dreg:$0x6]  }
0x1b: {  	[tilespmem:s4], [sflag:$0x1] =	stream.linear.gather [hbm4b:s0+s4], $0x80, $0x38;
	[tilespmem:$0x1F010] =	vst v63  }
0x1c: {  	_ =	swait.ge [sflag:s19], $0x80  }
0x1d: {  	[sflag:s19] =	ssyncset.done $0x0  }
0x1e: {  	s15 =	rddreg [dreg:$0x7];
	[sflag:s19] =	ssyncadd.s32 $0xFFFFFF80  }
0x1f: {  	[tilespmem:s20], [sflag:$0x1] =	stream.linear.gather [hbm4b:s15+s4], $0x80, $0x38;
	[tilespmem:$0x1F010] =	vst v63  }
0x20: {  	_ =	swait.ge [sflag:s19], $0x80  }
0x21: {  	[sflag:s19] =	ssyncset.done $0x0  }
0x22: {  	s16 =	rddreg [dreg:$0x8];
	[sflag:s19] =	ssyncadd.s32 $0xFFFFFF80  }
0x23: {  	[tilespmem:s7], [sflag:$0x1] =	stream.linear.gather [hbm4b:s16+s4], $0x80, $0x38;
	[tilespmem:$0x1F010] =	vst v63  }
0x24: {  	_ =	swait.ge [sflag:s19], $0x80  }
0x25: {  	[sflag:s19] =	ssyncset.done $0x0  }
0x26: {  	s17 =	rddreg [dreg:$0x9];
	[sflag:s19] =	ssyncadd.s32 $0xFFFFFF80  }
0x27: {  	[tilespmem:s8], [sflag:$0x1] =	stream.linear.gather [hbm4b:s17+s4], $0x80, $0x38;
	[tilespmem:$0x1F010] =	vst v63  }
0x28: {  	_ =	swait.ge [sflag:s19], $0x80  }
0x29: {  	[sflag:s19] =	ssyncset.done $0x0  }
0x2a: {  	s18 =	rddreg [dreg:$0xa];
	[sflag:s19] =	ssyncadd.s32 $0xFFFFFF80  }
0x2b: {  	[tilespmem:s9], [sflag:$0x1] =	stream.linear.gather [hbm4b:s18+s4], $0x80, $0x38;
	[tilespmem:$0x1F010] =	vst v63  }
0x2c: {  	_ =	swait.ge [sflag:s19], $0x80  }
0x2d: {  	[sflag:s19] =	ssyncset.done $0x0  }
0x2e: {  	s26 =	rddreg [dreg:$0xb];
	[sflag:s19] =	ssyncadd.s32 $0xFFFFFF80  }
0x2f: {  	[tilespmem:s10], [sflag:$0x1] =	stream.linear.gather [hbm4b:s26+s4], $0x80, $0x38;
	[tilespmem:$0x1F010] =	vst v63  }
0x30: {  	_ =	swait.ge [sflag:s19], $0x80  }
0x31: {  	[sflag:s19] =	ssyncset.done $0x0  }
0x32: {  	s29 =	rddreg [dreg:$0xc];
	[sflag:s19] =	ssyncadd.s32 $0xFFFFFF80  }
0x33: {  	[tilespmem:s13], [sflag:$0x1] =	stream.linear.gather [hbm4b:s29+s4], $0x80, $0x38;
	[tilespmem:$0x1F010] =	vst v63  }
0x34: {  	_ =	swait.ge [sflag:s19], $0x80  }
0x35: {  	[sflag:s19] =	ssyncset.done $0x0  }
0x36: {  	s30 =	rddreg [dreg:$0xd];
	[sflag:s19] =	ssyncadd.s32 $0xFFFFFF80  }
0x37: {  	[tilespmem:s14], [sflag:$0x1] =	stream.linear.gather [hbm4b:s30+s4], $0x80, $0x38;
	[tilespmem:$0x1F010] =	vst v63  }
0x38: {  	_ =	swait.ge [sflag:s19], $0x80  }
0x39: {  	[sflag:s19] =	ssyncset.done $0x0  }
0x3a: {  	s5 =	simm.s32 $0x40;
	s12 =	simm.s32 $0x0;
	[sflag:s19] =	ssyncadd.s32 $0xFFFFFF80  }
.LBB2_2:
0x3b: {  	p1 =	sne.s32 s5, $0x1FC0;
	[tilespmem:s12+$0x4400] =	vst v0;
	s12 =	smov.u32 s5;
	s5 =	sadd.s32 $0x40, s5  }
.Ltmp0:
0x3c: {  	(pc) =	sbr.rel @p1 .LBB2_2-.Ltmp0, $2  }
0x3d: {  	_ =	sdelay $0x2  }
0x3e: {  	s12 =	sshra.s32 s12, $0x2  }
0x3f: {  	[tilespmem:s12+$0x4400] =	vst v0  }
0x40: {  	[tilespmem:$0x4C00] =	vst v0  }
0x41: {  	[tilespmem:$0x4C80] =	vst v1  }
0x42: {  	[tilespmem:$0x4C10] =	vst v0  }
0x43: {  	[tilespmem:$0x4C90] =	vst v1  }
0x44: {  	[tilespmem:$0x4C20] =	vst v0  }
0x45: {  	[tilespmem:$0x4CA0] =	vst v1  }
0x46: {  	[tilespmem:$0x4C30] =	vst v0  }
0x47: {  	[tilespmem:$0x4CB0] =	vst v1  }
0x48: {  	[tilespmem:$0x4C40] =	vst v0  }
0x49: {  	[tilespmem:$0x4CC0] =	vst v1  }
0x4a: {  	[tilespmem:$0x4C50] =	vst v0  }
0x4b: {  	[tilespmem:$0x4CD0] =	vst v1  }
0x4c: {  	[tilespmem:$0x4C60] =	vst v0  }
0x4d: {  	[tilespmem:$0x4CE0] =	vst v1  }
0x4e: {  	[tilespmem:$0x4C70] =	vst v0  }
0x4f: {  	[tilespmem:$0x4CF0] =	vst v1  }
0x50: {  	[spmem:s1] =	stream.indirect.scatter [tilespmem:s28], [sflag:$0x1], $0x10, s4, s20, $0xb8;
	[tilespmem:$0x1F010] =	vst v63  }
0x51: {  	_ =	swait.ge [sflag:s19], $0x800  }
0x52: {  	[sflag:s19] =	ssyncset.done $0x0  }
0x53: {  	[sflag:s19] =	ssyncadd.s32 $0xFFFFF800  }
0x54: {  	[spmem:s1] =	stream.indirect.scatter [tilespmem:s28], [sflag:$0x1], $0x10, s20, s20, $0xb8;
	[tilespmem:$0x1F010] =	vst v63  }
0x55: {  	_ =	swait.ge [sflag:s19], $0x800  }
0x56: {  	[sflag:s19] =	ssyncset.done $0x0  }
0x57: {  	[sflag:s19] =	ssyncadd.s32 $0xFFFFF800  }
0x58: {  	[spmem:s1] =	stream.indirect.scatter [tilespmem:s28], [sflag:$0x1], $0x10, s7, s20, $0xb8;
	[tilespmem:$0x1F010] =	vst v63  }
0x59: {  	_ =	swait.ge [sflag:s19], $0x800  }
0x5a: {  	[sflag:s19] =	ssyncset.done $0x0  }
0x5b: {  	[sflag:s19] =	ssyncadd.s32 $0xFFFFF800  }
0x5c: {  	[spmem:s1] =	stream.indirect.scatter [tilespmem:s28], [sflag:$0x1], $0x10, s8, s20, $0xb8;
	[tilespmem:$0x1F010] =	vst v63  }
0x5d: {  	_ =	swait.ge [sflag:s19], $0x800  }
0x5e: {  	[sflag:s19] =	ssyncset.done $0x0  }
0x5f: {  	[sflag:s19] =	ssyncadd.s32 $0xFFFFF800  }
0x60: {  	[spmem:s1] =	stream.indirect.scatter [tilespmem:s28], [sflag:$0x1], $0x10, s9, s20, $0xb8;
	[tilespmem:$0x1F010] =	vst v63  }
0x61: {  	_ =	swait.ge [sflag:s19], $0x800  }
0x62: {  	[sflag:s19] =	ssyncset.done $0x0  }
0x63: {  	[sflag:s19] =	ssyncadd.s32 $0xFFFFF800  }
0x64: {  	[spmem:s1] =	stream.indirect.scatter [tilespmem:s28], [sflag:$0x1], $0x10, s10, s20, $0xb8;
	[tilespmem:$0x1F010] =	vst v63  }
0x65: {  	_ =	swait.ge [sflag:s19], $0x800  }
0x66: {  	[sflag:s19] =	ssyncset.done $0x0  }
0x67: {  	[sflag:s19] =	ssyncadd.s32 $0xFFFFF800  }
0x68: {  	[spmem:s1] =	stream.indirect.scatter [tilespmem:s28], [sflag:$0x1], $0x10, s13, s20, $0xb8;
	[tilespmem:$0x1F010] =	vst v63  }
0x69: {  	_ =	swait.ge [sflag:s19], $0x800  }
0x6a: {  	[sflag:s19] =	ssyncset.done $0x0  }
0x6b: {  	[sflag:s19] =	ssyncadd.s32 $0xFFFFF800  }
0x6c: {  	[spmem:s1] =	stream.indirect.scatter [tilespmem:s28], [sflag:$0x1], $0x10, s14, s20, $0xb8;
	[tilespmem:$0x1F010] =	vst v63  }
0x6d: {  	_ =	swait.ge [sflag:s19], $0x800  }
0x6e: {  	s12 =	simm.s32 @!p0 $0x0;
	s30 =	simm.s32 @!p0 $0x4C00;
	[sflag:s19] =	ssyncset.done $0x0  }
0x6f: {  	s13 =	simm.s32 @!p0 $0x1;
	s14 =	simm.s32 @!p0 $0x80;
	[sflag:s19] =	ssyncadd.s32 $0xFFFFF800  }
0x70: {  	[spmem:s2] =	stream.indirect.scatter @!p0 [tilespmem:s30], [sflag:$0x1], $0x1, s12, s14, $0xb8;
	[tilespmem:$0x1F010] =	vst v63  }
0x71: {  	_ =	swait.ge @!p0 [sflag:s13], $0x80  }
0x72: {  	[sflag:s13] =	ssyncset.done @!p0 $0x0  }
0x73: {  	[sflag:s13] =	ssyncadd.s32 @!p0 $0xFFFFFF80  }
0x74: {  	[spmem:s2] =	stream.indirect.scatter @!p0 [tilespmem:s30], [sflag:$0x1], $0x1, s14, s14, $0xb8;
	[tilespmem:$0x1F010] =	vst v63  }
0x75: {  	_ =	swait.ge @!p0 [sflag:s13], $0x80  }
0x76: {  	[sflag:s13] =	ssyncset.done @!p0 $0x0  }
0x77: {  	s15 =	simm.s32 @!p0 $0x100;
	[sflag:s13] =	ssyncadd.s32 @!p0 $0xFFFFFF80  }
0x78: {  	[spmem:s2] =	stream.indirect.scatter @!p0 [tilespmem:s30], [sflag:$0x1], $0x1, s15, s14, $0xb8;
	[tilespmem:$0x1F010] =	vst v63  }
0x79: {  	_ =	swait.ge @!p0 [sflag:s13], $0x80  }
0x7a: {  	[sflag:s13] =	ssyncset.done @!p0 $0x0  }
0x7b: {  	s16 =	simm.s32 @!p0 $0x180;
	[sflag:s13] =	ssyncadd.s32 @!p0 $0xFFFFFF80  }
0x7c: {  	[spmem:s2] =	stream.indirect.scatter @!p0 [tilespmem:s30], [sflag:$0x1], $0x1, s16, s14, $0xb8;
	[tilespmem:$0x1F010] =	vst v63  }
0x7d: {  	_ =	swait.ge @!p0 [sflag:s13], $0x80  }
0x7e: {  	[sflag:s13] =	ssyncset.done @!p0 $0x0  }
0x7f: {  	s17 =	simm.s32 @!p0 $0x200;
	[sflag:s13] =	ssyncadd.s32 @!p0 $0xFFFFFF80  }
0x80: {  	[spmem:s2] =	stream.indirect.scatter @!p0 [tilespmem:s30], [sflag:$0x1], $0x1, s17, s14, $0xb8;
	[tilespmem:$0x1F010] =	vst v63  }
0x81: {  	_ =	swait.ge @!p0 [sflag:s13], $0x80  }
0x82: {  	[sflag:s13] =	ssyncset.done @!p0 $0x0  }
0x83: {  	s18 =	simm.s32 @!p0 $0x280;
	[sflag:s13] =	ssyncadd.s32 @!p0 $0xFFFFFF80  }
0x84: {  	[spmem:s2] =	stream.indirect.scatter @!p0 [tilespmem:s30], [sflag:$0x1], $0x1, s18, s14, $0xb8;
	[tilespmem:$0x1F010] =	vst v63  }
0x85: {  	_ =	swait.ge @!p0 [sflag:s13], $0x80  }
0x86: {  	[sflag:s13] =	ssyncset.done @!p0 $0x0  }
0x87: {  	s5 =	simm.s32 @!p0 $0x300;
	[sflag:s13] =	ssyncadd.s32 @!p0 $0xFFFFFF80  }
0x88: {  	[spmem:s2] =	stream.indirect.scatter @!p0 [tilespmem:s30], [sflag:$0x1], $0x1, s5, s14, $0xb8;
	[tilespmem:$0x1F010] =	vst v63  }
0x89: {  	_ =	swait.ge @!p0 [sflag:s13], $0x80  }
0x8a: {  	[sflag:s13] =	ssyncset.done @!p0 $0x0  }
0x8b: {  	s29 =	simm.s32 @!p0 $0x380;
	[sflag:s13] =	ssyncadd.s32 @!p0 $0xFFFFFF80  }
0x8c: {  	[spmem:s2] =	stream.indirect.scatter @!p0 [tilespmem:s30], [sflag:$0x1], $0x1, s29, s14, $0xb8;
	[tilespmem:$0x1F010] =	vst v63  }
0x8d: {  	_ =	swait.ge @!p0 [sflag:s13], $0x80  }
0x8e: {  	[sflag:s13] =	ssyncset.done @!p0 $0x0  }
0x8f: {  	[sflag:s13] =	ssyncadd.s32 @!p0 $0xFFFFFF80  }
0x90: {  	[bflag:$0x0] =	sbarrier.arrive $0xFFFF  }
0x91: {  	s3 =	simm.s32 $0x10;
	s6 =	simm.s32 $0x40;
	s0 =	rddreg [dreg:$0xe]  }
0x92: {  	[tilespmem:s31], [sflag:$0x1] =	stream.strided.gather [hbm4b:s0+s3], $0x4000, s6, s3, $0x38;
	[tilespmem:$0x1F010] =	vst v63  }
0x93: {  	_ =	swait.ge [sflag:s19], $0x4000  }
0x94: {  	[sflag:s19] =	ssyncset.done $0x0  }
0x95: {  	[sflag:s19] =	ssyncadd.s32 $0xFFFFC000  }
0x96: {  	[spmem:s1] =	stream.indirect.scatter.add.f32 [tilespmem:s31], [sflag:$0x1], $0x10, s4, s20, $0xb8;
	[tilespmem:$0x1F010] =	vst v63  }
0x97: {  	_ =	swait.ge [sflag:s19], $0x800  }
0x98: {  	[sflag:s19] =	ssyncset.done $0x0  }
0x99: {  	s7 =	simm.s32 $0xC00;
	[sflag:s19] =	ssyncadd.s32 $0xFFFFF800  }
0x9a: {  	[spmem:s1] =	stream.indirect.scatter.add.f32 [tilespmem:s7], [sflag:$0x1], $0x10, s20, s20, $0xb8;
	[tilespmem:$0x1F010] =	vst v63  }
0x9b: {  	_ =	swait.ge [sflag:s19], $0x800  }
0x9c: {  	[sflag:s19] =	ssyncset.done $0x0  }
0x9d: {  	s8 =	simm.s32 $0x1400;
	[sflag:s19] =	ssyncadd.s32 $0xFFFFF800  }
0x9e: {  	[spmem:s1] =	stream.indirect.scatter.add.f32 [tilespmem:s8], [sflag:$0x1], $0x10, s22, s20, $0xb8;
	[tilespmem:$0x1F010] =	vst v63  }
0x9f: {  	_ =	swait.ge [sflag:s19], $0x800  }
0xa0: {  	[sflag:s19] =	ssyncset.done $0x0  }
0xa1: {  	s9 =	simm.s32 $0x1C00;
	[sflag:s19] =	ssyncadd.s32 $0xFFFFF800  }
0xa2: {  	[spmem:s1] =	stream.indirect.scatter.add.f32 [tilespmem:s9], [sflag:$0x1], $0x10, s23, s20, $0xb8;
	[tilespmem:$0x1F010] =	vst v63  }
0xa3: {  	_ =	swait.ge [sflag:s19], $0x800  }
0xa4: {  	[sflag:s19] =	ssyncset.done $0x0  }
0xa5: {  	s10 =	simm.s32 $0x2400;
	[sflag:s19] =	ssyncadd.s32 $0xFFFFF800  }
0xa6: {  	[spmem:s1] =	stream.indirect.scatter.add.f32 [tilespmem:s10], [sflag:$0x1], $0x10, s24, s20, $0xb8;
	[tilespmem:$0x1F010] =	vst v63  }
0xa7: {  	_ =	swait.ge [sflag:s19], $0x800  }
0xa8: {  	[sflag:s19] =	ssyncset.done $0x0  }
0xa9: {  	[sflag:s19] =	ssyncadd.s32 $0xFFFFF800  }
0xaa: {  	[spmem:s1] =	stream.indirect.scatter.add.f32 [tilespmem:s21], [sflag:$0x1], $0x10, s25, s20, $0xb8;
	[tilespmem:$0x1F010] =	vst v63  }
0xab: {  	_ =	swait.ge [sflag:s19], $0x800  }
0xac: {  	[sflag:s19] =	ssyncset.done $0x0  }
0xad: {  	s26 =	simm.s32 $0x300;
	s3 =	simm.s32 $0x3400;
	[sflag:s19] =	ssyncadd.s32 $0xFFFFF800  }
0xae: {  	[spmem:s1] =	stream.indirect.scatter.add.f32 [tilespmem:s3], [sflag:$0x1], $0x10, s26, s20, $0xb8;
	[tilespmem:$0x1F010] =	vst v63  }
0xaf: {  	_ =	swait.ge [sflag:s19], $0x800  }
0xb0: {  	[sflag:s19] =	ssyncset.done $0x0  }
0xb1: {  	s30 =	simm.s32 $0x380;
	s6 =	simm.s32 $0x3C00;
	[sflag:s19] =	ssyncadd.s32 $0xFFFFF800  }
0xb2: {  	[spmem:s1] =	stream.indirect.scatter.add.f32 [tilespmem:s6], [sflag:$0x1], $0x10, s30, s20, $0xb8;
	[tilespmem:$0x1F010] =	vst v63  }
0xb3: {  	_ =	swait.ge [sflag:s19], $0x800  }
0xb4: {  	[sflag:s19] =	ssyncset.done $0x0  }
0xb5: {  	s30 =	simm.s32 @!p0 $0x4C80;
	[sflag:s19] =	ssyncadd.s32 $0xFFFFF800  }
0xb6: {  	[spmem:s2] =	stream.indirect.scatter.add.f32 @!p0 [tilespmem:s30], [sflag:$0x1], $0x1, s12, s14, $0xb8;
	[tilespmem:$0x1F010] =	vst v63  }
0xb7: {  	_ =	swait.ge @!p0 [sflag:s13], $0x80  }
0xb8: {  	[sflag:s13] =	ssyncset.done @!p0 $0x0  }
0xb9: {  	[sflag:s13] =	ssyncadd.s32 @!p0 $0xFFFFFF80  }
0xba: {  	[spmem:s2] =	stream.indirect.scatter.add.f32 @!p0 [tilespmem:s30], [sflag:$0x1], $0x1, s14, s14, $0xb8;
	[tilespmem:$0x1F010] =	vst v63  }
0xbb: {  	_ =	swait.ge @!p0 [sflag:s13], $0x80  }
0xbc: {  	[sflag:s13] =	ssyncset.done @!p0 $0x0  }
0xbd: {  	[sflag:s13] =	ssyncadd.s32 @!p0 $0xFFFFFF80  }
0xbe: {  	[spmem:s2] =	stream.indirect.scatter.add.f32 @!p0 [tilespmem:s30], [sflag:$0x1], $0x1, s15, s14, $0xb8;
	[tilespmem:$0x1F010] =	vst v63  }
0xbf: {  	_ =	swait.ge @!p0 [sflag:s13], $0x80  }
0xc0: {  	[sflag:s13] =	ssyncset.done @!p0 $0x0  }
0xc1: {  	[sflag:s13] =	ssyncadd.s32 @!p0 $0xFFFFFF80  }
0xc2: {  	[spmem:s2] =	stream.indirect.scatter.add.f32 @!p0 [tilespmem:s30], [sflag:$0x1], $0x1, s16, s14, $0xb8;
	[tilespmem:$0x1F010] =	vst v63  }
0xc3: {  	_ =	swait.ge @!p0 [sflag:s13], $0x80  }
0xc4: {  	[sflag:s13] =	ssyncset.done @!p0 $0x0  }
0xc5: {  	[sflag:s13] =	ssyncadd.s32 @!p0 $0xFFFFFF80  }
0xc6: {  	[spmem:s2] =	stream.indirect.scatter.add.f32 @!p0 [tilespmem:s30], [sflag:$0x1], $0x1, s17, s14, $0xb8;
	[tilespmem:$0x1F010] =	vst v63  }
0xc7: {  	_ =	swait.ge @!p0 [sflag:s13], $0x80  }
0xc8: {  	[sflag:s13] =	ssyncset.done @!p0 $0x0  }
0xc9: {  	[sflag:s13] =	ssyncadd.s32 @!p0 $0xFFFFFF80  }
0xca: {  	[spmem:s2] =	stream.indirect.scatter.add.f32 @!p0 [tilespmem:s30], [sflag:$0x1], $0x1, s18, s14, $0xb8;
	[tilespmem:$0x1F010] =	vst v63  }
0xcb: {  	_ =	swait.ge @!p0 [sflag:s13], $0x80  }
0xcc: {  	[sflag:s13] =	ssyncset.done @!p0 $0x0  }
0xcd: {  	[sflag:s13] =	ssyncadd.s32 @!p0 $0xFFFFFF80  }
0xce: {  	[spmem:s2] =	stream.indirect.scatter.add.f32 @!p0 [tilespmem:s30], [sflag:$0x1], $0x1, s5, s14, $0xb8;
	[tilespmem:$0x1F010] =	vst v63  }
0xcf: {  	_ =	swait.ge @!p0 [sflag:s13], $0x80  }
0xd0: {  	[sflag:s13] =	ssyncset.done @!p0 $0x0  }
0xd1: {  	[sflag:s13] =	ssyncadd.s32 @!p0 $0xFFFFFF80  }
0xd2: {  	[spmem:s2] =	stream.indirect.scatter.add.f32 @!p0 [tilespmem:s30], [sflag:$0x1], $0x1, s29, s14, $0xb8;
	[tilespmem:$0x1F010] =	vst v63  }
0xd3: {  	_ =	swait.ge @!p0 [sflag:s13], $0x80  }
0xd4: {  	[sflag:s13] =	ssyncset.done @!p0 $0x0  }
0xd5: {  	[sflag:s13] =	ssyncadd.s32 @!p0 $0xFFFFFF80  }
0xd6: {  	[bflag:$0x0] =	sbarrier.arrive $0xFFFF  }
0xd7: {  	[tilespmem:s31], [sflag:$0x1] =	stream.indirect.gather [spmem:s1], $0x10, s4, s20, $0xb8;
	[tilespmem:$0x1F010] =	vst v63  }
0xd8: {  	_ =	swait.ge [sflag:s19], $0x800  }
0xd9: {  	[sflag:s19] =	ssyncset.done $0x0  }
0xda: {  	[sflag:s19] =	ssyncadd.s32 $0xFFFFF800  }
0xdb: {  	[tilespmem:s7], [sflag:$0x1] =	stream.indirect.gather [spmem:s1], $0x10, s20, s20, $0xb8;
	[tilespmem:$0x1F010] =	vst v63  }
0xdc: {  	_ =	swait.ge [sflag:s19], $0x800  }
0xdd: {  	[sflag:s19] =	ssyncset.done $0x0  }
0xde: {  	[sflag:s19] =	ssyncadd.s32 $0xFFFFF800  }
0xdf: {  	[tilespmem:s8], [sflag:$0x1] =	stream.indirect.gather [spmem:s1], $0x10, s22, s20, $0xb8;
	[tilespmem:$0x1F010] =	vst v63  }
0xe0: {  	_ =	swait.ge [sflag:s19], $0x800  }
0xe1: {  	[sflag:s19] =	ssyncset.done $0x0  }
0xe2: {  	[sflag:s19] =	ssyncadd.s32 $0xFFFFF800  }
0xe3: {  	[tilespmem:s9], [sflag:$0x1] =	stream.indirect.gather [spmem:s1], $0x10, s23, s20, $0xb8;
	[tilespmem:$0x1F010] =	vst v63  }
0xe4: {  	_ =	swait.ge [sflag:s19], $0x800  }
0xe5: {  	[sflag:s19] =	ssyncset.done $0x0  }
0xe6: {  	[sflag:s19] =	ssyncadd.s32 $0xFFFFF800  }
0xe7: {  	[tilespmem:s10], [sflag:$0x1] =	stream.indirect.gather [spmem:s1], $0x10, s24, s20, $0xb8;
	[tilespmem:$0x1F010] =	vst v63  }
0xe8: {  	_ =	swait.ge [sflag:s19], $0x800  }
0xe9: {  	[sflag:s19] =	ssyncset.done $0x0  }
0xea: {  	[sflag:s19] =	ssyncadd.s32 $0xFFFFF800  }
0xeb: {  	[tilespmem:s21], [sflag:$0x1] =	stream.indirect.gather [spmem:s1], $0x10, s25, s20, $0xb8;
	[tilespmem:$0x1F010] =	vst v63  }
0xec: {  	_ =	swait.ge [sflag:s19], $0x800  }
0xed: {  	[sflag:s19] =	ssyncset.done $0x0  }
0xee: {  	[sflag:s19] =	ssyncadd.s32 $0xFFFFF800  }
0xef: {  	[tilespmem:s3], [sflag:$0x1] =	stream.indirect.gather [spmem:s1], $0x10, s26, s20, $0xb8;
	[tilespmem:$0x1F010] =	vst v63  }
0xf0: {  	_ =	swait.ge [sflag:s19], $0x800  }
0xf1: {  	[sflag:s19] =	ssyncset.done $0x0  }
0xf2: {  	s30 =	simm.s32 $0x380;
	[sflag:s19] =	ssyncadd.s32 $0xFFFFF800  }
0xf3: {  	[tilespmem:s6], [sflag:$0x1] =	stream.indirect.gather [spmem:s1], $0x10, s30, s20, $0xb8;
	[tilespmem:$0x1F010] =	vst v63  }
0xf4: {  	_ =	swait.ge [sflag:s19], $0x800  }
0xf5: {  	s26 =	simm.s32 $0x40;
	[sflag:s19] =	ssyncset.done $0x0  }
0xf6: {  	s30 =	simm.s32 $0x10;
	s0 =	rddreg [dreg:$0xf];
	[sflag:s19] =	ssyncadd.s32 $0xFFFFF800  }
0xf7: {  	[hbm4b:s0+s30] =	stream.strided.scatter [tilespmem:s31], [sflag:$0x1], $0x4000, s26, s30, $0x38;
	[tilespmem:$0x1F010] =	vst v63  }
0xf8: {  	_ =	swait.ge [sflag:s19], $0x4000  }
0xf9: {  	[sflag:s19] =	ssyncset.done $0x0  }
0xfa: {  	s30 =	simm.s32 @!p0 $0x4D00;
	[sflag:s19] =	ssyncadd.s32 $0xFFFFC000  }
0xfb: {  	[tilespmem:s30], [sflag:$0x1] =	stream.indirect.gather @!p0 [spmem:s2], $0x1, s12, s14, $0xb8;
	[tilespmem:$0x1F010] =	vst v63  }
0xfc: {  	_ =	swait.ge @!p0 [sflag:s13], $0x80  }
0xfd: {  	[sflag:s13] =	ssyncset.done @!p0 $0x0  }
0xfe: {  	s0 =	simm.s32 @!p0 $0x4D80;
	[sflag:s13] =	ssyncadd.s32 @!p0 $0xFFFFFF80  }
0xff: {  	[tilespmem:s0], [sflag:$0x1] =	stream.indirect.gather @!p0 [spmem:s2], $0x1, s14, s14, $0xb8;
	[tilespmem:$0x1F010] =	vst v63  }
0x100: {  	_ =	swait.ge @!p0 [sflag:s13], $0x80  }
0x101: {  	[sflag:s13] =	ssyncset.done @!p0 $0x0  }
0x102: {  	s0 =	simm.s32 @!p0 $0x4E00;
	[sflag:s13] =	ssyncadd.s32 @!p0 $0xFFFFFF80  }
0x103: {  	[tilespmem:s0], [sflag:$0x1] =	stream.indirect.gather @!p0 [spmem:s2], $0x1, s15, s14, $0xb8;
	[tilespmem:$0x1F010] =	vst v63  }
0x104: {  	_ =	swait.ge @!p0 [sflag:s13], $0x80  }
0x105: {  	[sflag:s13] =	ssyncset.done @!p0 $0x0  }
0x106: {  	s0 =	simm.s32 @!p0 $0x4E80;
	[sflag:s13] =	ssyncadd.s32 @!p0 $0xFFFFFF80  }
0x107: {  	[tilespmem:s0], [sflag:$0x1] =	stream.indirect.gather @!p0 [spmem:s2], $0x1, s16, s14, $0xb8;
	[tilespmem:$0x1F010] =	vst v63  }
0x108: {  	_ =	swait.ge @!p0 [sflag:s13], $0x80  }
0x109: {  	[sflag:s13] =	ssyncset.done @!p0 $0x0  }
0x10a: {  	s0 =	simm.s32 @!p0 $0x4F00;
	[sflag:s13] =	ssyncadd.s32 @!p0 $0xFFFFFF80  }
0x10b: {  	[tilespmem:s0], [sflag:$0x1] =	stream.indirect.gather @!p0 [spmem:s2], $0x1, s17, s14, $0xb8;
	[tilespmem:$0x1F010] =	vst v63  }
0x10c: {  	_ =	swait.ge @!p0 [sflag:s13], $0x80  }
0x10d: {  	[sflag:s13] =	ssyncset.done @!p0 $0x0  }
0x10e: {  	s0 =	simm.s32 @!p0 $0x4F80;
	[sflag:s13] =	ssyncadd.s32 @!p0 $0xFFFFFF80  }
0x10f: {  	[tilespmem:s0], [sflag:$0x1] =	stream.indirect.gather @!p0 [spmem:s2], $0x1, s18, s14, $0xb8;
	[tilespmem:$0x1F010] =	vst v63  }
0x110: {  	_ =	swait.ge @!p0 [sflag:s13], $0x80  }
0x111: {  	[sflag:s13] =	ssyncset.done @!p0 $0x0  }
0x112: {  	s0 =	simm.s32 @!p0 $0x5000;
	[sflag:s13] =	ssyncadd.s32 @!p0 $0xFFFFFF80  }
0x113: {  	[tilespmem:s0], [sflag:$0x1] =	stream.indirect.gather @!p0 [spmem:s2], $0x1, s5, s14, $0xb8;
	[tilespmem:$0x1F010] =	vst v63  }
0x114: {  	_ =	swait.ge @!p0 [sflag:s13], $0x80  }
0x115: {  	[sflag:s13] =	ssyncset.done @!p0 $0x0  }
0x116: {  	s0 =	simm.s32 @!p0 $0x5080;
	[sflag:s13] =	ssyncadd.s32 @!p0 $0xFFFFFF80  }
0x117: {  	[tilespmem:s0], [sflag:$0x1] =	stream.indirect.gather @!p0 [spmem:s2], $0x1, s29, s14, $0xb8;
	[tilespmem:$0x1F010] =	vst v63  }
0x118: {  	_ =	swait.ge @!p0 [sflag:s13], $0x80  }
0x119: {  	[sflag:s13] =	ssyncset.done @!p0 $0x0  }
0x11a: {  	s0 =	rddreg [dreg:$0x10];
	[sflag:s13] =	ssyncadd.s32 @!p0 $0xFFFFFF80  }
0x11b: {  	[hbm4b:s0+s12] =	stream.linear.scatter @!p0 [tilespmem:s30], [sflag:$0x1], $0x400, $0x38;
	[tilespmem:$0x1F010] =	vst v63  }
0x11c: {  	_ =	swait.ge @!p0 [sflag:s13], $0x400  }
0x11d: {  	[sflag:s13] =	ssyncset.done @!p0 $0x0  }
0x11e: {  	[sflag:s13] =	ssyncadd.s32 @!p0 $0xFFFFFC00  }
0x11f: {  	[bflag:$0x0] =	sbarrier.arrive $0xFFFF  }
0x120: {  	[spmem:s1] =	stream.indirect.scatter [tilespmem:s28], [sflag:$0x1], $0x10, s4, s20, $0xb8;
	[tilespmem:$0x1F010] =	vst v63  }
0x121: {  	_ =	swait.ge [sflag:s19], $0x800  }
0x122: {  	[sflag:s19] =	ssyncset.done $0x0  }
0x123: {  	[sflag:s19] =	ssyncadd.s32 $0xFFFFF800  }
0x124: {  	[spmem:s1] =	stream.indirect.scatter [tilespmem:s28], [sflag:$0x1], $0x10, s20, s20, $0xb8;
	[tilespmem:$0x1F010] =	vst v63  }
0x125: {  	_ =	swait.ge [sflag:s19], $0x800  }
0x126: {  	[sflag:s19] =	ssyncset.done $0x0  }
0x127: {  	[sflag:s19] =	ssyncadd.s32 $0xFFFFF800  }
0x128: {  	[spmem:s1] =	stream.indirect.scatter [tilespmem:s28], [sflag:$0x1], $0x10, s22, s20, $0xb8;
	[tilespmem:$0x1F010] =	vst v63  }
0x129: {  	_ =	swait.ge [sflag:s19], $0x800  }
0x12a: {  	[sflag:s19] =	ssyncset.done $0x0  }
0x12b: {  	[sflag:s19] =	ssyncadd.s32 $0xFFFFF800  }
0x12c: {  	[spmem:s1] =	stream.indirect.scatter [tilespmem:s28], [sflag:$0x1], $0x10, s23, s20, $0xb8;
	[tilespmem:$0x1F010] =	vst v63  }
0x12d: {  	_ =	swait.ge [sflag:s19], $0x800  }
0x12e: {  	[sflag:s19] =	ssyncset.done $0x0  }
0x12f: {  	[sflag:s19] =	ssyncadd.s32 $0xFFFFF800  }
0x130: {  	[spmem:s1] =	stream.indirect.scatter [tilespmem:s28], [sflag:$0x1], $0x10, s24, s20, $0xb8;
	[tilespmem:$0x1F010] =	vst v63  }
0x131: {  	_ =	swait.ge [sflag:s19], $0x800  }
0x132: {  	[sflag:s19] =	ssyncset.done $0x0  }
0x133: {  	[sflag:s19] =	ssyncadd.s32 $0xFFFFF800  }
0x134: {  	[spmem:s1] =	stream.indirect.scatter [tilespmem:s28], [sflag:$0x1], $0x10, s25, s20, $0xb8;
	[tilespmem:$0x1F010] =	vst v63  }
0x135: {  	_ =	swait.ge [sflag:s19], $0x800  }
0x136: {  	[sflag:s19] =	ssyncset.done $0x0  }
0x137: {  	s13 =	simm.s32 $0x300;
	[sflag:s19] =	ssyncadd.s32 $0xFFFFF800  }
0x138: {  	[spmem:s1] =	stream.indirect.scatter [tilespmem:s28], [sflag:$0x1], $0x10, s13, s20, $0xb8;
	[tilespmem:$0x1F010] =	vst v63  }
0x139: {  	_ =	swait.ge [sflag:s19], $0x800  }
0x13a: {  	[sflag:s19] =	ssyncset.done $0x0  }
0x13b: {  	s14 =	simm.s32 $0x380;
	[sflag:s19] =	ssyncadd.s32 $0xFFFFF800  }
0x13c: {  	[spmem:s1] =	stream.indirect.scatter [tilespmem:s28], [sflag:$0x1], $0x10, s14, s20, $0xb8;
	[tilespmem:$0x1F010] =	vst v63  }
0x13d: {  	_ =	swait.ge [sflag:s19], $0x800  }
0x13e: {  	[sflag:s19] =	ssyncset.done $0x0  }
0x13f: {  	[sflag:s19] =	ssyncadd.s32 $0xFFFFF800  }
0x140: {  	[bflag:$0x0] =	sbarrier.arrive $0xFFFF  }
0x141: {  	s26 =	simm.s32 $0x10;
	s18 =	simm.s32 $0x40;
	s17 =	rddreg [dreg:$0x11]  }
0x142: {  	[tilespmem:s31], [sflag:$0x1] =	stream.strided.gather [hbm4b:s17+s26], $0x4000, s18, s26, $0x38;
	[tilespmem:$0x1F010] =	vst v63  }
0x143: {  	_ =	swait.ge [sflag:s19], $0x4000  }
0x144: {  	[sflag:s19] =	ssyncset.done $0x0  }
0x145: {  	[sflag:s19] =	ssyncadd.s32 $0xFFFFC000  }
0x146: {  	[spmem:s1] =	stream.indirect.scatter.add.f32 [tilespmem:s31], [sflag:$0x1], $0x10, s4, s20, $0xb8;
	[tilespmem:$0x1F010] =	vst v63  }
0x147: {  	_ =	swait.ge [sflag:s19], $0x800  }
0x148: {  	[sflag:s19] =	ssyncset.done $0x0  }
0x149: {  	[sflag:s19] =	ssyncadd.s32 $0xFFFFF800  }
0x14a: {  	[spmem:s1] =	stream.indirect.scatter.add.f32 [tilespmem:s7], [sflag:$0x1], $0x10, s20, s20, $0xb8;
	[tilespmem:$0x1F010] =	vst v63  }
0x14b: {  	_ =	swait.ge [sflag:s19], $0x800  }
0x14c: {  	[sflag:s19] =	ssyncset.done $0x0  }
0x14d: {  	[sflag:s19] =	ssyncadd.s32 $0xFFFFF800  }
0x14e: {  	[spmem:s1] =	stream.indirect.scatter.add.f32 [tilespmem:s8], [sflag:$0x1], $0x10, s22, s20, $0xb8;
	[tilespmem:$0x1F010] =	vst v63  }
0x14f: {  	_ =	swait.ge [sflag:s19], $0x800  }
0x150: {  	[sflag:s19] =	ssyncset.done $0x0  }
0x151: {  	[sflag:s19] =	ssyncadd.s32 $0xFFFFF800  }
0x152: {  	[spmem:s1] =	stream.indirect.scatter.add.f32 [tilespmem:s9], [sflag:$0x1], $0x10, s23, s20, $0xb8;
	[tilespmem:$0x1F010] =	vst v63  }
0x153: {  	_ =	swait.ge [sflag:s19], $0x800  }
0x154: {  	[sflag:s19] =	ssyncset.done $0x0  }
0x155: {  	[sflag:s19] =	ssyncadd.s32 $0xFFFFF800  }
0x156: {  	[spmem:s1] =	stream.indirect.scatter.add.f32 [tilespmem:s10], [sflag:$0x1], $0x10, s24, s20, $0xb8;
	[tilespmem:$0x1F010] =	vst v63  }
0x157: {  	_ =	swait.ge [sflag:s19], $0x800  }
0x158: {  	[sflag:s19] =	ssyncset.done $0x0  }
0x159: {  	[sflag:s19] =	ssyncadd.s32 $0xFFFFF800  }
0x15a: {  	[spmem:s1] =	stream.indirect.scatter.add.f32 [tilespmem:s21], [sflag:$0x1], $0x10, s25, s20, $0xb8;
	[tilespmem:$0x1F010] =	vst v63  }
0x15b: {  	_ =	swait.ge [sflag:s19], $0x800  }
0x15c: {  	[sflag:s19] =	ssyncset.done $0x0  }
0x15d: {  	[sflag:s19] =	ssyncadd.s32 $0xFFFFF800  }
0x15e: {  	[spmem:s1] =	stream.indirect.scatter.add.f32 [tilespmem:s3], [sflag:$0x1], $0x10, s13, s20, $0xb8;
	[tilespmem:$0x1F010] =	vst v63  }
0x15f: {  	_ =	swait.ge [sflag:s19], $0x800  }
0x160: {  	[sflag:s19] =	ssyncset.done $0x0  }
0x161: {  	[sflag:s19] =	ssyncadd.s32 $0xFFFFF800  }
0x162: {  	[spmem:s1] =	stream.indirect.scatter.add.f32 [tilespmem:s6], [sflag:$0x1], $0x10, s14, s20, $0xb8;
	[tilespmem:$0x1F010] =	vst v63  }
0x163: {  	_ =	swait.ge [sflag:s19], $0x800  }
0x164: {  	[sflag:s19] =	ssyncset.done $0x0  }
0x165: {  	[sflag:s19] =	ssyncadd.s32 $0xFFFFF800  }
0x166: {  	[bflag:$0x0] =	sbarrier.arrive $0xFFFF  }
0x167: {  	[tilespmem:s31], [sflag:$0x1] =	stream.indirect.gather [spmem:s1], $0x10, s4, s20, $0xb8;
	[tilespmem:$0x1F010] =	vst v63  }
0x168: {  	_ =	swait.ge [sflag:s19], $0x800  }
0x169: {  	[sflag:s19] =	ssyncset.done $0x0  }
0x16a: {  	[sflag:s19] =	ssyncadd.s32 $0xFFFFF800  }
0x16b: {  	[tilespmem:s7], [sflag:$0x1] =	stream.indirect.gather [spmem:s1], $0x10, s20, s20, $0xb8;
	[tilespmem:$0x1F010] =	vst v63  }
0x16c: {  	_ =	swait.ge [sflag:s19], $0x800  }
0x16d: {  	[sflag:s19] =	ssyncset.done $0x0  }
0x16e: {  	s7 =	simm.s32 $0x100;
	[sflag:s19] =	ssyncadd.s32 $0xFFFFF800  }
0x16f: {  	[tilespmem:s8], [sflag:$0x1] =	stream.indirect.gather [spmem:s1], $0x10, s7, s20, $0xb8;
	[tilespmem:$0x1F010] =	vst v63  }
0x170: {  	_ =	swait.ge [sflag:s19], $0x800  }
0x171: {  	[sflag:s19] =	ssyncset.done $0x0  }
0x172: {  	s8 =	simm.s32 $0x180;
	[sflag:s19] =	ssyncadd.s32 $0xFFFFF800  }
0x173: {  	[tilespmem:s9], [sflag:$0x1] =	stream.indirect.gather [spmem:s1], $0x10, s8, s20, $0xb8;
	[tilespmem:$0x1F010] =	vst v63  }
0x174: {  	_ =	swait.ge [sflag:s19], $0x800  }
0x175: {  	[sflag:s19] =	ssyncset.done $0x0  }
0x176: {  	s9 =	simm.s32 $0x200;
	[sflag:s19] =	ssyncadd.s32 $0xFFFFF800  }
0x177: {  	[tilespmem:s10], [sflag:$0x1] =	stream.indirect.gather [spmem:s1], $0x10, s9, s20, $0xb8;
	[tilespmem:$0x1F010] =	vst v63  }
0x178: {  	_ =	swait.ge [sflag:s19], $0x800  }
0x179: {  	[sflag:s19] =	ssyncset.done $0x0  }
0x17a: {  	s10 =	simm.s32 $0x280;
	[sflag:s19] =	ssyncadd.s32 $0xFFFFF800  }
0x17b: {  	[tilespmem:s21], [sflag:$0x1] =	stream.indirect.gather [spmem:s1], $0x10, s10, s20, $0xb8;
	[tilespmem:$0x1F010] =	vst v63  }
0x17c: {  	_ =	swait.ge [sflag:s19], $0x800  }
0x17d: {  	[sflag:s19] =	ssyncset.done $0x0  }
0x17e: {  	[sflag:s19] =	ssyncadd.s32 $0xFFFFF800  }
0x17f: {  	[tilespmem:s3], [sflag:$0x1] =	stream.indirect.gather [spmem:s1], $0x10, s13, s20, $0xb8;
	[tilespmem:$0x1F010] =	vst v63  }
0x180: {  	_ =	swait.ge [sflag:s19], $0x800  }
0x181: {  	[sflag:s19] =	ssyncset.done $0x0  }
0x182: {  	[sflag:s19] =	ssyncadd.s32 $0xFFFFF800  }
0x183: {  	[tilespmem:s6], [sflag:$0x1] =	stream.indirect.gather [spmem:s1], $0x10, s14, s20, $0xb8;
	[tilespmem:$0x1F010] =	vst v63  }
0x184: {  	_ =	swait.ge [sflag:s19], $0x800  }
0x185: {  	[sflag:s19] =	ssyncset.done $0x0  }
0x186: {  	s29 =	rddreg [dreg:$0x12];
	[sflag:s19] =	ssyncadd.s32 $0xFFFFF800  }
0x187: {  	[hbm4b:s29+s26] =	stream.strided.scatter [tilespmem:s31], [sflag:$0x1], $0x4000, s18, s26, $0x38;
	[tilespmem:$0x1F010] =	vst v63  }
0x188: {  	_ =	swait.ge [sflag:s19], $0x4000  }
0x189: {  	s11 =	sadd.s32 $0x1, s11;
	s30 =	rddreg [dreg:$0x13]  }
0x18a: {  	p1 =	sne.s32 s11, s30  }
.Ltmp1:
0x18b: {  	_ = 	snop;
	(pc) =	sbr.rel @p1 .LBB2_1-.Ltmp1, $3  }
0x18c: {  	[sflag:s19] =	ssyncset.done $0x0  }
0x18d: {  	[sflag:s19] =	ssyncadd.s32 $0xFFFFC000  }
0x18e: {  	[bflag:$0x0] =	sbarrier.arrive $0xFFFF;
	_ =	sdelay $0x1  }
0x18f: {  	_ =	sfence.sel $0x180000  }
0x190: {  	[bflag:$0x0] =	sbarrier.arrive $0xFFFF  }
0x191: {  	_ =	strace $0x90000047  }
0x192: {  	s0 =	stileid.u32;
	[bflag:$0x2] =	sbarrier.arrive $0xFFFF  }
0x193: {  	p0 =	sne.s32 s0, $0x0;
	s0 =	rddreg [dreg:$0x5]  }
0x194: {  	s0 =	sadd.s32 @!p0 $0x100000, s0  }
0x195: {  	[sflag:s0] =	ssyncadd.tile.s32 @!p0 $0x1;
	_ =	shalt  }
.Lfunc_end2:
_tile_overlayer_lowered:
.L_overlay_start_2:
0x196: {  	(tag) =	ssettag $0x2  }
0x197: {  	s0 =	rddreg [dreg:$0x0];
	s2 =	stileid.u32  }
0x198: {  	s1 =	rddreg [dreg:$0x1];
	p0 =	sne.s32 s2, $0x0  }
0x199: {  	s3 =	rddreg [dreg:$0x2];
	[bflag:$0x3] =	sbarrier.arrive $0xFFFF;
	s2 =	simm.s32 @!p0 $0x1C01  }
0x19a: {  	[timem:s3], [sflag:s2] =	dma.local @!p0 [hbm:s0], s1  }
0x19b: {  	s0 =	simm.s32 @!p0 $0x1  }
0x19c: {  	_ =	swait.ge @!p0 [sflag:s0], s1  }
0x19d: {  	s1 =	ssub.s32 @!p0 $0x0, s1;
	[sflag:s0] =	ssyncset.done @!p0 $0x0  }
0x19e: {  	[sflag:s0] =	ssyncadd.s32 @!p0 s1  }
0x19f: {  	[bflag:$0x3] =	sbarrier.arrive $0xFFFF  }
0x1a0: {  	_ =	shalt  }

// kernel: kernel.13.cloned.1.call-start
scs
__scs_entry_jumppad:
0x0: {  	(pc) =	sbr.rel $0x88, $3  }
0x1: {  	(tag) =	ssettag $0x0;
	lr =	simm.s32 $0x1  }
0x2: {  	[smem:$0x3F9E] =	sst lr;
	_ =	strace $0xD0000000  }
0x3: {  	_ = 	snop  }
0x4: {  	_ = 	snop  }
0x5: {  	_ = 	snop  }
0x6: {  	_ = 	snop  }
0x7: {  	_ = 	snop  }
__scs_overlays_trampoline_lowered:
0x8: {  	[smem:$0x3FAD] =	sst s0  }
0x9: {  	[smem:$0x3FAE] =	sst s1  }
0xa: {  	[smem:$0x3FAF] =	sst s2  }
0xb: {  	[smem:$0x3FB0] =	sst s3  }
0xc: {  	[smem:$0x3FB1] =	sst s4  }
0xd: {  	[smem:$0x3FB2] =	sst s5  }
0xe: {  	[smem:$0x3FB3] =	sst s6  }
0xf: {  	[smem:$0x3FB4] =	sst s7  }
0x10: {  	[smem:$0x3FB5] =	sst s8  }
0x11: {  	[smem:$0x3FB6] =	sst s9;
	s0 =	simm.s32 @!p0 $0x0  }
0x12: {  	s1 =	sld [smem:$0x3F9C];
	s0 =	simm.s32 @p0 $0x1  }
0x13: {  	[smem:$0x3FB7] =	sst s0;
	s0 =	simm.s32 @!p1 $0x0  }
0x14: {  	s2 =	sld [smem:$0x3F9B];
	s0 =	simm.s32 @p1 $0x1  }
0x15: {  	[smem:$0x3FB8] =	sst s0;
	s0 =	simm.s32 @!p2 $0x0  }
0x16: {  	s3 =	sld [smem:$0x3FDB];
	s0 =	simm.s32 @p2 $0x1  }
0x17: {  	s4 =	simm.s32 $0x1BF5;
	[smem:$0x3FBA] =	sst s0  }
0x18: {  	s0 =	sld [smem:$0x3F9D];
	_ =	swait.ge [sflag:s4], $0x0  }
0x19: {  	s7 =	sld [smem:$0x3F9E]  }
0x1a: {  	s8 =	sadd.s32 $0xFFFFE003, lr  }
0x1b: {  	s9 =	sadd.s32 $0xFFFFFEF7, lr;
	s5 =	simm.s32 $0xFFFFFFFF;
	p2 =	slt.u32 s8, $0xFFFFF086  }
0x1c: {  	p1 =	slt.u32 s9, $0xF7A;
	s5 =	simm.s32 @!p2 $0x0  }
0x1d: {  	s5 =	simm.s32 @p1 $0x1;
	p0 =	seq.s32 s7, s2  }
0x1e: {  	s7 =	smul.u32 @!p0 $0xF7A, s2;
	p2 =	seq.s32 @!p0 s5, $0x0  }
0x1f: {  	s9 =	smul.u32 $0xF7A, s1;
	s8 =	simm.s32 @!p0 $0x1BF5;
	p2 =	por !p2, p0  }
0x20: {  	[sflag:s8] =	ssyncset.s32 @!p0 $0xFFFFF086;
	s6 =	sadd.s32 @!p0 s3, s7;
	s7 =	simm.s32 @!p0 $0x108  }
0x21: {  	s3 =	sadd.s32 s3, s9;
	s6 =	sadd.s32 @!p0 $0x88, s6;
	s7 =	simm.s32 @p2 $0x1082  }
0x22: {  	[simem:s7], [sflag:s8] =	dma.local @!p0 [hbm:s6], $0xF7A  }
0x23: {  	s9 =	sor.u32 $0xD0000000, s2;
	s6 =	simm.s32 $0x108;
	_ =	swait.ge @!p0 [sflag:s8], $0x0  }
0x24: {  	s3 =	sadd.s32 $0x88, s3;
	s6 =	simm.s32 @!p1 $0x1082;
	[sflag:s4] =	ssyncset.s32 $0xFFFFF086  }
0x25: {  	[simem:s6], [sflag:s4] =	dma.local [hbm:s3], $0xF7A  }
0x26: {  	[smem:$0x3F9E] =	sst s1;
	(tag) =	ssettag s2;
	_ =	strace s9  }
0x27: {  	s1 =	sld [smem:$0x3FAE]  }
0x28: {  	s2 =	sld [smem:$0x3FAF]  }
0x29: {  	s4 =	sld [smem:$0x3FB1]  }
0x2a: {  	p0 =	seq.s32 s5, $0x0;
	s5 =	sld [smem:$0x3FB2]  }
0x2b: {  	s6 =	sld [smem:$0x3FB3]  }
0x2c: {  	s7 =	sld [smem:$0x3FB4]  }
0x2d: {  	s3 =	simm.s32 $0x108;
	s8 =	sld [smem:$0x3FB5]  }
0x2e: {  	s3 =	simm.s32 @!p0 $0x1082;
	s9 =	sld [smem:$0x3FB6]  }
0x2f: {  	lr =	sadd.s32 s0, s3;
	s0 =	sld [smem:$0x3FAD]  }
0x30: {  	s3 =	sld [smem:$0x3FB0]  }
0x31: {  	[smem:$0x3FB9] =	sst s10  }
0x32: {  	s10 =	sld [smem:$0x3FB7];
	_ =	sdelay $0x3  }
0x33: {  	p0 =	seq.s32 s10, $0x1;
	s10 =	sld [smem:$0x3FB9];
	_ =	sdelay $0x3  }
0x34: {  	[smem:$0x3FB9] =	sst s10  }
0x35: {  	s10 =	sld [smem:$0x3FB8];
	_ =	sdelay $0x3  }
0x36: {  	p1 =	seq.s32 s10, $0x1;
	s10 =	sld [smem:$0x3FB9];
	_ =	sdelay $0x3  }
0x37: {  	[smem:$0x3FB9] =	sst s10  }
0x38: {  	s10 =	sld [smem:$0x3FBA]  }
0x39: {  	_ = 	snop;
	(pc) =	sbr.ind lr, $3  }
0x3a: {  	_ = 	snop  }
0x3b: {  	_ = 	snop  }
0x3c: {  	p2 =	seq.s32 s10, $0x1;
	s10 =	sld [smem:$0x3FB9]  }
0x3d: {  	_ =	shalt  }
0x3e: {  	_ =	shalt  }
0x3f: {  	_ =	shalt  }
0x40: {  	_ =	shalt  }
0x41: {  	_ =	shalt  }
0x42: {  	_ =	shalt  }
0x43: {  	_ =	shalt  }
0x44: {  	_ =	shalt  }
0x45: {  	_ =	shalt  }
0x46: {  	_ =	shalt  }
0x47: {  	_ =	shalt  }
0x48: {  	_ =	shalt  }
0x49: {  	_ =	shalt  }
0x4a: {  	_ =	shalt  }
0x4b: {  	_ =	shalt  }
0x4c: {  	_ =	shalt  }
0x4d: {  	_ =	shalt  }
0x4e: {  	_ =	shalt  }
0x4f: {  	_ =	shalt  }
0x50: {  	_ =	shalt  }
0x51: {  	_ =	shalt  }
0x52: {  	_ =	shalt  }
0x53: {  	_ =	shalt  }
0x54: {  	_ =	shalt  }
0x55: {  	_ =	shalt  }
0x56: {  	_ =	shalt  }
0x57: {  	_ =	shalt  }
0x58: {  	_ =	shalt  }
0x59: {  	_ =	shalt  }
0x5a: {  	_ =	shalt  }
0x5b: {  	_ =	shalt  }
0x5c: {  	_ =	shalt  }
0x5d: {  	_ =	shalt  }
0x5e: {  	_ =	shalt  }
0x5f: {  	_ =	shalt  }
0x60: {  	_ =	shalt  }
0x61: {  	_ =	shalt  }
0x62: {  	_ =	shalt  }
0x63: {  	_ =	shalt  }
0x64: {  	_ =	shalt  }
0x65: {  	_ =	shalt  }
0x66: {  	_ =	shalt  }
0x67: {  	_ =	shalt  }
0x68: {  	_ =	shalt  }
0x69: {  	_ =	shalt  }
0x6a: {  	_ =	shalt  }
0x6b: {  	_ =	shalt  }
0x6c: {  	_ =	shalt  }
0x6d: {  	_ =	shalt  }
0x6e: {  	_ =	shalt  }
0x6f: {  	_ =	shalt  }
0x70: {  	_ =	shalt  }
0x71: {  	_ =	shalt  }
0x72: {  	_ =	shalt  }
0x73: {  	_ =	shalt  }
0x74: {  	_ =	shalt  }
0x75: {  	_ =	shalt  }
0x76: {  	_ =	shalt  }
0x77: {  	_ =	shalt  }
0x78: {  	_ =	shalt  }
0x79: {  	_ =	shalt  }
0x7a: {  	_ =	shalt  }
0x7b: {  	_ =	shalt  }
0x7c: {  	_ =	shalt  }
0x7d: {  	_ =	shalt  }
0x7e: {  	_ =	shalt  }
0x7f: {  	_ =	shalt  }
0x80: {  	_ =	shalt  }
0x81: {  	_ =	shalt  }
0x82: {  	_ =	shalt  }
0x83: {  	_ =	shalt  }
0x84: {  	_ =	shalt  }
0x85: {  	_ =	shalt  }
0x86: {  	_ =	shalt  }
0x87: {  	_ =	shalt  }
.Lfunc_end0:
.L_simem_size_0:
called_computation.2_lowered:
.L_overlay_start_0:
0x88: {  	s2 =	sld [smem:$0x3FD9]  }
0x89: {  	s3 =	sld [smem:$0x3FFE];
	_ =	sdelay $0x1  }
0x8a: {  	s1 =	srdreg.scid  }
0x8b: {  	s0 =	sand.u32 $0x1, s1  }
0x8c: {  	s14 =	sshll.u32 s0, $0xA;
	s2 =	sadd.s32 s3, s2  }
0x8d: {  	s2 =	sadd.s32 s2, s14  }
0x8e: {  	[smem:$0x3FC5] =	sst s2  }
0x8f: {  	_ = 	snop  }
0x90: {  	s2 =	sld [smem:$0x3FD0];
	_ =	sdelay $0x2  }
0x91: {  	s4 =	simm.s32 $0xB;
	s5 =	simm.s32 $0x10;
	s15 =	sld [smem:$0x3FC8]  }
0x92: {  	[smem:s5], [sflag:s4] =	dma.local [hbm:s2], $0x1  }
0x93: {  	_ =	swait.eq [sflag:s4], $0x1  }
0x94: {  	[sflag:s4] =	ssyncset.done $0x0  }
0x95: {  	[sflag:s4] =	ssyncadd.s32 $0xFFFFFFFF  }
0x96: {  	s16 =	sld [smem:$0x11];
	(tm) =	ssettm $0x1  }
0x97: {  	s17 =	sld [smem:$0x3FFB];
	_ =	sdelay $0x3  }
0x98: {  	_ =	strace s17  }
0x99: {  	s4 =	sld [smem:$0x3FFC];
	_ =	sdelay $0x3  }
0x9a: {  	_ =	strace s4  }
0x9b: {  	s4 =	sld [smem:$0x3FFD];
	_ =	sdelay $0x3  }
0x9c: {  	_ =	strace s4  }
0x9d: {  	_ =	strace $0x8FFFFFFF  }
0x9e: {  	s18 =	sld [smem:$0x3FDB];
	_ =	sdelay $0x1  }
0x9f: {  	s19 =	simm.s32 $_scs_section_size  }
0xa0: {  	s6 =	simm.s32 $_size__tile_overlayer_lowered;
	s7 =	simm.s32 $_tile_overlayer_lowered  }
0xa1: {  	s22 =	simm.s32 $0x1BFF;
	s21 =	sshll.u32 s7, $0x1;
	s4 =	sadd.s32 s19, s18  }
0xa2: {  	s8 =	simm.s32 $0x0;
	s20 =	sshll.u32 s6, $0x1;
	s6 =	sadd.s32 s21, s4  }
0xa3: {  	[timem:s8], [sflag:s22] =	dma.local [hbm:s6], s20  }
0xa4: {  	_ =	swait.ge [sflag:s22], s20  }
0xa5: {  	s5 =	ssub.s32 $0x0, s20;
	[sflag:s22] =	ssyncset.done $0x0  }
0xa6: {  	[sflag:s22] =	ssyncadd.s32 s5;
	_ =	sdelay $0x1  }
0xa7: {  	s23 =	simm.s32 $0x1B8B  }
0xa8: {  	_ =	swait.ge [sflag:s23], $0x1  }
0xa9: {  	[sflag:s23] =	ssyncset.done $0x0  }
0xaa: {  	s25 =	simm.s32 $0x1B8E;
	s24 =	sld [smem:$0x3FFE];
	[sflag:s23] =	ssyncadd.s32 $0xFFFFFFFF  }
0xab: {  	s26 =	simm.s32 $execute0_lowered;
	[smem:$0x3FD2] =	sst s25  }
0xac: {  	s6 =	sshll.u32 s26, $0x1;
	_ =	strace $0x8000004C;
	[dreg:$0x1] =	wrdreg $0xFFFFFFFF  }
0xad: {  	s28 =	simm.s32 $_size_execute0_lowered;
	s4 =	sadd.s32 s4, s6;
	[dreg:$0x0] =	wrdreg $0x0  }
0xae: {  	s6 =	sshll.u32 s28, $0x1;
	[dreg:$0x2] =	wrdreg s4  }
0xaf: {  	[dreg:$0x3] =	wrdreg s6  }
0xb0: {  	[dreg:$0x4] =	wrdreg $0xC0  }
0xb1: {  	_ =	task [dreg:s8], $0x5FFFF  }
0xb2: {  	[dreg:$0x1] =	wrdreg $0xFFFFFFFF  }
0xb3: {  	[dreg:$0x0] =	wrdreg $0x60  }
0xb4: {  	[dreg:$0x2] =	wrdreg s15  }
0xb5: {  	[dreg:$0x3] =	wrdreg s16  }
0xb6: {  	[dreg:$0x4] =	wrdreg s24  }
0xb7: {  	[dreg:$0x5] =	wrdreg $0x9  }
0xb8: {  	_ =	task.clear_ibuf [dreg:s8], $0x6FFFF;
	_ =	strace $0x9000004C  }
0xb9: {  	s29 =	simm.s32 $0x9;
	_ =	strace $0x8000004E  }
0xba: {  	_ =	swait.ge [sflag:s29], $0x1  }
0xbb: {  	[sflag:s29] =	ssyncadd.s32 $0xFFFFFFFF  }
0xbc: {  	_ =	strace $0x9000004E  }
0xbd: {  	_ =	sfence  }
0xbe: {  	s30 =	sld [smem:$0x0];
	_ =	sdelay $0x2  }
0xbf: {  	s31 =	sshll.u32 s1, $0xD;
	s1 =	sshrl.u32 s1, $0x2  }
0xc0: {  	s3 =	sand.u32 $0x4000, s31;
	s1 =	sadd.s32 s1, s30  }
0xc1: {  	s0 =	sor.u32 s3, s0;
	s1 =	sshll.u32 s1, $0x11  }
0xc2: {  	s0 =	sor.u32 s1, s0  }
0xc3: {  	s0 =	sadd.s32 $0x8F2B, s0  }
0xc4: {  	[sflag:s0] =	ssyncadd.remote.s32 $0x1  }
0xc5: {  	_ =	sfence.sel $0xFFFF  }
0xc6: {  	[dreg:$0x0] =	wrdreg $0xFFFFFFFF;
	(pc) =	sbr.abs _section_cstart, $3  }
0xc7: {  	[dreg:$0x1] =	wrdreg $0xFFFFFFFF  }
0xc8: {  	_ =	task.clear_ibuf [dreg:s8], $0x2FFFF;
	_ =	strace $0x9FFFFFFF  }
0xc9: {  	(tm) =	ssettm $0x7FFFFFFF  }
tec
execute0_lowered:
.L_overlay_start_1:
0x0: {  	(tag) =	ssettag $0x1  }
0x1: {  	s4 =	rddreg [dreg:$0x0]  }
0x2: {  	s5 =	rddreg [dreg:$0x1]  }
0x3: {  	s3 =	rddreg [dreg:$0x2]  }
0x4: {  	s0 =	rddreg [dreg:$0x3]  }
0x5: {  	s2 =	simm.s32 $0x0;
	s6 =	srdreg.scid;
	s1 =	stileid.u32  }
0x6: {  	[smem:$0x7FF] =	sst s2;
	s6 =	sand.u32 $0x1, s6;
	s8 =	sshll.u32 s1, $0xA  }
0x7: {  	s3 =	sadd.s32 $0x21E00, s3;
	s7 =	ssub.s32 $0x2, s6;
	s6 =	sshll.u32 s6, $0x9  }
0x8: {  	_ =	strace $0x8000004D;
	s9 =	sshrl.u32 s7, $0x1;
	s6 =	sor.u32 s6, s8  }
0x9: {  	s7 =	ssub.s32 s7, s9;
	s8 =	sshrl.u32 s6, $0x3;
	s6 =	sshll.u32 s6, $0x4  }
0xa: {  	s9 =	simm.s32 $0x0;
	s4 =	sadd.s32 s4, s8;
	s5 =	sadd.s32 s5, s6  }
0xb: {  	s6 =	smax.u32 s7, $0x1;
	s7 =	simm.s32 $0x2;
	s8 =	simm.s32 $0x1  }
.LBB2_1:
0xc: {  	[tilespmem:s2], [sflag:$0x2] =	stream.linear.gather [hbm4b:s4+s2], $0x200, $0x38;
	[tilespmem:$0x10200] =	vst v63  }
0xd: {  	_ =	swait.ge [sflag:s7], $0x200  }
0xe: {  	[sflag:s7] =	ssyncset.done $0x0  }
0xf: {  	s10 =	simm.s32 $0x200;
	v0 =	vmov s2;
	[sflag:s7] =	ssyncadd.s32 $0xFFFFFE00  }
0x10: {  	[tilespmem:s10], [sflag:$0x2] =	stream.linear.gather [hbm4b:s5+s2], $0x10000, $0x38;
	[tilespmem:$0x10200] =	vst v63  }
0x11: {  	_ =	swait.ge [sflag:s7], $0x10000  }
0x12: {  	[sflag:s7] =	ssyncset.done $0x0  }
0x13: {  	[sflag:s7] =	ssyncadd.s32 $0xFFFF0000  }
0x14: {  	v0 =	vld.idx.msk [tilespmem:v0+s2+$0x0], $0xffff;
	_ =	sdelay $0x4  }
0x15: {  	v0 =	vxor.u32 $0x80000000, v0  }
0x16: {  	(xrf0) =	vmax.scan.msk.u32 $0xffff, v0;
	_ =	sdelay $0x5  }
0x17: {  	v0, _, _ =	vpop (xrf0)  }
0x18: {  	(v2sf) =	vpush v0, $0xF;
	_ =	sdelay $0xd  }
0x19: {  	s11 =	simm.s32 $0x1  }
0x1a: {  	v0 =	vmov s11;
	s30 =	spop (v2sf)  }
0x1b: {  	s11 =	sshll.u32 s30, $0x4  }
0x1c: {  	s11 =	sand.u32 $0x1FFFFFF0, s11  }
0x1d: {  	s11 =	sadd.s32 s3, s11  }
0x1e: {  	[hbm4b:s11+s2] =	stream.linear.scatter [tilespmem:s10], [sflag:$0x1], $0x80, $0x38;
	[tilespmem:$0x10200] =	vst v63  }
0x1f: {  	v0 =	vld.idx.msk [tilespmem:v0+s2+$0x0], $0xffff;
	_ =	sdelay $0x4  }
0x20: {  	v0 =	vxor.u32 $0x80000000, v0  }
0x21: {  	(xrf0) =	vmax.scan.msk.u32 $0xffff, v0;
	_ =	sdelay $0x5  }
0x22: {  	v0, _, _ =	vpop (xrf0)  }
0x23: {  	(v2sf) =	vpush v0, $0xF;
	_ =	sdelay $0xd  }
0x24: {  	s31 =	simm.s32 $0x2  }
0x25: {  	s11 =	simm.s32 $0x3;
	v0 =	vmov s31;
	s12 =	spop (v2sf)  }
.LBB2_2:
0x26: {  	p0 =	sne.s32 s11, $0x1FF;
	s12 =	sshll.u32 s12, $0x4  }
0x27: {  	s12 =	sand.u32 $0x1FFFFFF0, s12  }
0x28: {  	s10 =	sadd.s32 $0x80, s10;
	s12 =	sadd.s32 s3, s12  }
0x29: {  	[hbm4b:s12+s2] =	stream.linear.scatter [tilespmem:s10], [sflag:$0x1], $0x80, $0x38;
	[tilespmem:$0x10200] =	vst v63  }
0x2a: {  	v0 =	vld.idx.msk [tilespmem:v0+s2+$0x0], $0xffff;
	_ =	sdelay $0x5  }
0x2b: {  	v0 =	vxor.u32 $0x80000000, v0  }
0x2c: {  	(xrf0) =	vmax.scan.msk.u32 $0xffff, v0;
	_ =	sdelay $0x5  }
0x2d: {  	v0, _, _ =	vpop (xrf0)  }
0x2e: {  	(v2sf) =	vpush v0, $0xF;
	_ =	sdelay $0xa  }
.Ltmp0:
0x2f: {  	(pc) =	sbr.rel @p0 .LBB2_2-.Ltmp0, $2  }
0x30: {  	_ =	sdelay $0x2  }
0x31: {  	v0 =	vmov s11;
	s11 =	sadd.s32 $0x1, s11;
	s12 =	spop (v2sf)  }
0x32: {  	s11 =	sshll.u32 s12, $0x4  }
0x33: {  	s11 =	sand.u32 $0x1FFFFFF0, s11  }
0x34: {  	s10 =	sadd.s32 $0x80, s10;
	s11 =	sadd.s32 s3, s11  }
0x35: {  	[hbm4b:s11+s2] =	stream.linear.scatter [tilespmem:s10], [sflag:$0x1], $0x80, $0x38;
	[tilespmem:$0x10200] =	vst v63  }
0x36: {  	v0 =	vld.idx.msk [tilespmem:v0+s2+$0x0], $0xffff;
	_ =	sdelay $0x4  }
0x37: {  	v0 =	vxor.u32 $0x80000000, v0  }
0x38: {  	(xrf0) =	vmax.scan.msk.u32 $0xffff, v0;
	_ =	sdelay $0x5  }
0x39: {  	v0, _, _ =	vpop (xrf0)  }
0x3a: {  	(v2sf) =	vpush v0, $0xF;
	_ =	sdelay $0xe  }
0x3b: {  	s31 =	spop (v2sf)  }
0x3c: {  	s9 =	sadd.s32 $0x1, s9;
	s11 =	sshll.u32 s31, $0x4  }
0x3d: {  	p0 =	sne.s32 s9, s6;
	s11 =	sand.u32 $0x1FFFFFF0, s11  }
.Ltmp1:
0x3e: {  	s10 =	sadd.s32 $0x80, s10;
	s11 =	sadd.s32 s3, s11;
	(pc) =	sbr.rel @p0 .LBB2_1-.Ltmp1, $4  }
0x3f: {  	[hbm4b:s11+s2] =	stream.linear.scatter [tilespmem:s10], [sflag:$0x1], $0x80, $0x38;
	[tilespmem:$0x10200] =	vst v63  }
0x40: {  	_ =	swait.ge [sflag:s8], $0x10000  }
0x41: {  	[sflag:s8] =	ssyncset.done $0x0  }
0x42: {  	[sflag:s8] =	ssyncadd.s32 $0xFFFF0000  }
0x43: {  	_ =	sfence.sel $0x180000  }
0x44: {  	[bflag:$0x0] =	sbarrier.arrive $0xFFFF  }
0x45: {  	p0 =	sne.s32 s1, $0x0;
	_ =	strace $0x9000004D  }
0x46: {  	s0 =	sadd.s32 @!p0 $0x100000, s0;
	[bflag:$0x2] =	sbarrier.arrive $0xFFFF  }
0x47: {  	[sflag:s0] =	ssyncadd.tile.s32 @!p0 $0x1;
	_ =	shalt  }
.Lfunc_end2:
_tile_overlayer_lowered:
.L_overlay_start_2:
0x48: {  	(tag) =	ssettag $0x2  }
0x49: {  	s0 =	rddreg [dreg:$0x0];
	s2 =	stileid.u32  }
0x4a: {  	s1 =	rddreg [dreg:$0x1];
	p0 =	sne.s32 s2, $0x0  }
0x4b: {  	s3 =	rddreg [dreg:$0x2];
	[bflag:$0x3] =	sbarrier.arrive $0xFFFF;
	s2 =	simm.s32 @!p0 $0x1C02  }
0x4c: {  	[timem:s3], [sflag:s2] =	dma.local @!p0 [hbm:s0], s1  }
0x4d: {  	s0 =	simm.s32 @!p0 $0x2  }
0x4e: {  	_ =	swait.ge @!p0 [sflag:s0], s1  }
0x4f: {  	s1 =	ssub.s32 @!p0 $0x0, s1;
	[sflag:s0] =	ssyncset.done @!p0 $0x0  }
0x50: {  	[sflag:s0] =	ssyncadd.s32 @!p0 s1  }
0x51: {  	[bflag:$0x3] =	sbarrier.arrive $0xFFFF  }
0x52: {  	_ =	shalt  }

// kernel: kernel.7.cloned.1.call-start
scs
__scs_entry_jumppad:
0x0: {  	(pc) =	sbr.rel $0x88, $3  }
0x1: {  	(tag) =	ssettag $0x0;
	lr =	simm.s32 $0x1  }
0x2: {  	[smem:$0x3F9E] =	sst lr;
	_ =	strace $0xD0000000  }
0x3: {  	_ = 	snop  }
0x4: {  	_ = 	snop  }
0x5: {  	_ = 	snop  }
0x6: {  	_ = 	snop  }
0x7: {  	_ = 	snop  }
__scs_overlays_trampoline_lowered:
0x8: {  	[smem:$0x3FAD] =	sst s0  }
0x9: {  	[smem:$0x3FAE] =	sst s1  }
0xa: {  	[smem:$0x3FAF] =	sst s2  }
0xb: {  	[smem:$0x3FB0] =	sst s3  }
0xc: {  	[smem:$0x3FB1] =	sst s4  }
0xd: {  	[smem:$0x3FB2] =	sst s5  }
0xe: {  	[smem:$0x3FB3] =	sst s6  }
0xf: {  	[smem:$0x3FB4] =	sst s7  }
0x10: {  	[smem:$0x3FB5] =	sst s8  }
0x11: {  	[smem:$0x3FB6] =	sst s9;
	s0 =	simm.s32 @!p0 $0x0  }
0x12: {  	s1 =	sld [smem:$0x3F9C];
	s0 =	simm.s32 @p0 $0x1  }
0x13: {  	[smem:$0x3FB7] =	sst s0;
	s0 =	simm.s32 @!p1 $0x0  }
0x14: {  	s2 =	sld [smem:$0x3F9B];
	s0 =	simm.s32 @p1 $0x1  }
0x15: {  	[smem:$0x3FB8] =	sst s0;
	s0 =	simm.s32 @!p2 $0x0  }
0x16: {  	s3 =	sld [smem:$0x3FDB];
	s0 =	simm.s32 @p2 $0x1  }
0x17: {  	s4 =	simm.s32 $0x1BF5;
	[smem:$0x3FBA] =	sst s0  }
0x18: {  	s0 =	sld [smem:$0x3F9D];
	_ =	swait.ge [sflag:s4], $0x0  }
0x19: {  	s7 =	sld [smem:$0x3F9E]  }
0x1a: {  	s8 =	sadd.s32 $0xFFFFE003, lr  }
0x1b: {  	s9 =	sadd.s32 $0xFFFFFEF7, lr;
	s5 =	simm.s32 $0xFFFFFFFF;
	p2 =	slt.u32 s8, $0xFFFFF086  }
0x1c: {  	p1 =	slt.u32 s9, $0xF7A;
	s5 =	simm.s32 @!p2 $0x0  }
0x1d: {  	s5 =	simm.s32 @p1 $0x1;
	p0 =	seq.s32 s7, s2  }
0x1e: {  	s7 =	smul.u32 @!p0 $0xF7A, s2;
	p2 =	seq.s32 @!p0 s5, $0x0  }
0x1f: {  	s9 =	smul.u32 $0xF7A, s1;
	s8 =	simm.s32 @!p0 $0x1BF5;
	p2 =	por !p2, p0  }
0x20: {  	[sflag:s8] =	ssyncset.s32 @!p0 $0xFFFFF086;
	s6 =	sadd.s32 @!p0 s3, s7;
	s7 =	simm.s32 @!p0 $0x108  }
0x21: {  	s3 =	sadd.s32 s3, s9;
	s6 =	sadd.s32 @!p0 $0x88, s6;
	s7 =	simm.s32 @p2 $0x1082  }
0x22: {  	[simem:s7], [sflag:s8] =	dma.local @!p0 [hbm:s6], $0xF7A  }
0x23: {  	s9 =	sor.u32 $0xD0000000, s2;
	s6 =	simm.s32 $0x108;
	_ =	swait.ge @!p0 [sflag:s8], $0x0  }
0x24: {  	s3 =	sadd.s32 $0x88, s3;
	s6 =	simm.s32 @!p1 $0x1082;
	[sflag:s4] =	ssyncset.s32 $0xFFFFF086  }
0x25: {  	[simem:s6], [sflag:s4] =	dma.local [hbm:s3], $0xF7A  }
0x26: {  	[smem:$0x3F9E] =	sst s1;
	(tag) =	ssettag s2;
	_ =	strace s9  }
0x27: {  	s1 =	sld [smem:$0x3FAE]  }
0x28: {  	s2 =	sld [smem:$0x3FAF]  }
0x29: {  	s4 =	sld [smem:$0x3FB1]  }
0x2a: {  	p0 =	seq.s32 s5, $0x0;
	s5 =	sld [smem:$0x3FB2]  }
0x2b: {  	s6 =	sld [smem:$0x3FB3]  }
0x2c: {  	s7 =	sld [smem:$0x3FB4]  }
0x2d: {  	s3 =	simm.s32 $0x108;
	s8 =	sld [smem:$0x3FB5]  }
0x2e: {  	s3 =	simm.s32 @!p0 $0x1082;
	s9 =	sld [smem:$0x3FB6]  }
0x2f: {  	lr =	sadd.s32 s0, s3;
	s0 =	sld [smem:$0x3FAD]  }
0x30: {  	s3 =	sld [smem:$0x3FB0]  }
0x31: {  	[smem:$0x3FB9] =	sst s10  }
0x32: {  	s10 =	sld [smem:$0x3FB7];
	_ =	sdelay $0x3  }
0x33: {  	p0 =	seq.s32 s10, $0x1;
	s10 =	sld [smem:$0x3FB9];
	_ =	sdelay $0x3  }
0x34: {  	[smem:$0x3FB9] =	sst s10  }
0x35: {  	s10 =	sld [smem:$0x3FB8];
	_ =	sdelay $0x3  }
0x36: {  	p1 =	seq.s32 s10, $0x1;
	s10 =	sld [smem:$0x3FB9];
	_ =	sdelay $0x3  }
0x37: {  	[smem:$0x3FB9] =	sst s10  }
0x38: {  	s10 =	sld [smem:$0x3FBA]  }
0x39: {  	_ = 	snop;
	(pc) =	sbr.ind lr, $3  }
0x3a: {  	_ = 	snop  }
0x3b: {  	_ = 	snop  }
0x3c: {  	p2 =	seq.s32 s10, $0x1;
	s10 =	sld [smem:$0x3FB9]  }
0x3d: {  	_ =	shalt  }
0x3e: {  	_ =	shalt  }
0x3f: {  	_ =	shalt  }
0x40: {  	_ =	shalt  }
0x41: {  	_ =	shalt  }
0x42: {  	_ =	shalt  }
0x43: {  	_ =	shalt  }
0x44: {  	_ =	shalt  }
0x45: {  	_ =	shalt  }
0x46: {  	_ =	shalt  }
0x47: {  	_ =	shalt  }
0x48: {  	_ =	shalt  }
0x49: {  	_ =	shalt  }
0x4a: {  	_ =	shalt  }
0x4b: {  	_ =	shalt  }
0x4c: {  	_ =	shalt  }
0x4d: {  	_ =	shalt  }
0x4e: {  	_ =	shalt  }
0x4f: {  	_ =	shalt  }
0x50: {  	_ =	shalt  }
0x51: {  	_ =	shalt  }
0x52: {  	_ =	shalt  }
0x53: {  	_ =	shalt  }
0x54: {  	_ =	shalt  }
0x55: {  	_ =	shalt  }
0x56: {  	_ =	shalt  }
0x57: {  	_ =	shalt  }
0x58: {  	_ =	shalt  }
0x59: {  	_ =	shalt  }
0x5a: {  	_ =	shalt  }
0x5b: {  	_ =	shalt  }
0x5c: {  	_ =	shalt  }
0x5d: {  	_ =	shalt  }
0x5e: {  	_ =	shalt  }
0x5f: {  	_ =	shalt  }
0x60: {  	_ =	shalt  }
0x61: {  	_ =	shalt  }
0x62: {  	_ =	shalt  }
0x63: {  	_ =	shalt  }
0x64: {  	_ =	shalt  }
0x65: {  	_ =	shalt  }
0x66: {  	_ =	shalt  }
0x67: {  	_ =	shalt  }
0x68: {  	_ =	shalt  }
0x69: {  	_ =	shalt  }
0x6a: {  	_ =	shalt  }
0x6b: {  	_ =	shalt  }
0x6c: {  	_ =	shalt  }
0x6d: {  	_ =	shalt  }
0x6e: {  	_ =	shalt  }
0x6f: {  	_ =	shalt  }
0x70: {  	_ =	shalt  }
0x71: {  	_ =	shalt  }
0x72: {  	_ =	shalt  }
0x73: {  	_ =	shalt  }
0x74: {  	_ =	shalt  }
0x75: {  	_ =	shalt  }
0x76: {  	_ =	shalt  }
0x77: {  	_ =	shalt  }
0x78: {  	_ =	shalt  }
0x79: {  	_ =	shalt  }
0x7a: {  	_ =	shalt  }
0x7b: {  	_ =	shalt  }
0x7c: {  	_ =	shalt  }
0x7d: {  	_ =	shalt  }
0x7e: {  	_ =	shalt  }
0x7f: {  	_ =	shalt  }
0x80: {  	_ =	shalt  }
0x81: {  	_ =	shalt  }
0x82: {  	_ =	shalt  }
0x83: {  	_ =	shalt  }
0x84: {  	_ =	shalt  }
0x85: {  	_ =	shalt  }
0x86: {  	_ =	shalt  }
0x87: {  	_ =	shalt  }
.Lfunc_end0:
.L_simem_size_0:
called_computation_lowered:
.L_overlay_start_0:
0x88: {  	s2 =	sld [smem:$0x3FD9]  }
0x89: {  	s3 =	sld [smem:$0x3FFE];
	_ =	sdelay $0x1  }
0x8a: {  	s1 =	srdreg.scid  }
0x8b: {  	s0 =	sand.u32 $0x1, s1  }
0x8c: {  	s17 =	sshll.u32 s0, $0xA;
	s2 =	sadd.s32 s3, s2  }
0x8d: {  	s2 =	sadd.s32 s2, s17  }
0x8e: {  	[smem:$0x3FC5] =	sst s2  }
0x8f: {  	_ = 	snop  }
0x90: {  	s18 =	sld [smem:$0x3FC8];
	(tm) =	ssettm $0x1  }
0x91: {  	s19 =	sld [smem:$0x3FFB];
	_ =	sdelay $0x3  }
0x92: {  	_ =	strace s19  }
0x93: {  	s2 =	sld [smem:$0x3FFC];
	_ =	sdelay $0x3  }
0x94: {  	_ =	strace s2  }
0x95: {  	s2 =	sld [smem:$0x3FFD];
	_ =	sdelay $0x3  }
0x96: {  	_ =	strace s2  }
0x97: {  	_ =	strace $0x8FFFFFFF  }
0x98: {  	s20 =	sld [smem:$0x3FDB];
	_ =	sdelay $0x1  }
0x99: {  	s4 =	simm.s32 $_scs_section_size  }
0x9a: {  	s5 =	simm.s32 $_size__tile_overlayer_lowered;
	s6 =	simm.s32 $_tile_overlayer_lowered  }
0x9b: {  	s7 =	simm.s32 $0x1BFF;
	s21 =	sshll.u32 s6, $0x1;
	s4 =	sadd.s32 s4, s20  }
0x9c: {  	s22 =	simm.s32 $0x0;
	s5 =	sshll.u32 s5, $0x1;
	s6 =	sadd.s32 s21, s4  }
0x9d: {  	[timem:s22], [sflag:s7] =	dma.local [hbm:s6], s5  }
0x9e: {  	_ =	swait.ge [sflag:s7], s5  }
0x9f: {  	s5 =	ssub.s32 $0x0, s5;
	[sflag:s7] =	ssyncset.done $0x0  }
0xa0: {  	[sflag:s7] =	ssyncadd.s32 s5;
	_ =	sdelay $0x1  }
0xa1: {  	s23 =	simm.s32 $0x1B8B  }
0xa2: {  	_ =	swait.ge [sflag:s23], $0x1  }
0xa3: {  	[sflag:s23] =	ssyncset.done $0x0  }
0xa4: {  	[sflag:s23] =	ssyncadd.s32 $0xFFFFFFFF  }
0xa5: {  	s5 =	sld [smem:$0x0]  }
0xa6: {  	s6 =	sand.u32 $0xFFFFFFFE, s1  }
0xa7: {  	p0 =	sne.s32 s1, s6  }
0xa8: {  	s6 =	sshll.u32 @p0 s6, $0xE  }
0xa9: {  	s6 =	sadd.s32 @p0 $0x11B8D, s6;
	s7 =	sshll.u32 @p0 s5, $0x11  }
0xaa: {  	s6 =	sor.u32 @p0 s7, s6  }
0xab: {  	[sflag:s6] =	ssyncadd.remote.s32 @p0 $0x1;
	_ =	sdelay $0x1  }
0xac: {  	s6 =	simm.s32 @p0 $0x1B8D  }
0xad: {  	_ =	swait.eq @p0 [sflag:s6], $0x1  }
0xae: {  	[sflag:s6] =	ssyncadd.s32 @p0 $0xFFFFFFFF  }
0xaf: {  	s7 =	sshll.u32 @!p0 s1, $0xE  }
0xb0: {  	s7 =	sor.u32 @!p0 $0x4000, s7;
	s6 =	simm.s32 @!p0 $0x1B8D  }
0xb1: {  	s5 =	sshll.u32 @!p0 s5, $0x11;
	s7 =	sadd.s32 @!p0 $0x11B8D, s7;
	_ =	swait.eq @!p0 [sflag:s6], $0x1  }
0xb2: {  	s5 =	sor.u32 @!p0 s5, s7;
	[sflag:s6] =	ssyncadd.s32 @!p0 $0xFFFFFFFF  }
0xb3: {  	s25 =	simm.s32 $0x1B8E;
	s24 =	sld [smem:$0x3FFE];
	[sflag:s5] =	ssyncadd.remote.s32 @!p0 $0x1  }
0xb4: {  	s26 =	simm.s32 $execute0_lowered;
	[smem:$0x3FD2] =	sst s25  }
0xb5: {  	s6 =	sshll.u32 s26, $0x1;
	_ =	strace $0x80000049;
	[dreg:$0x1] =	wrdreg $0xFFFFFFFF  }
0xb6: {  	s28 =	simm.s32 $_size_execute0_lowered;
	s4 =	sadd.s32 s4, s6;
	[dreg:$0x0] =	wrdreg $0x0  }
0xb7: {  	s6 =	sshll.u32 s28, $0x1;
	[dreg:$0x2] =	wrdreg s4  }
0xb8: {  	[dreg:$0x3] =	wrdreg s6  }
0xb9: {  	[dreg:$0x4] =	wrdreg $0xC0  }
0xba: {  	_ =	task [dreg:s22], $0x5FFFF  }
0xbb: {  	[dreg:$0x1] =	wrdreg $0xFFFFFFFF  }
0xbc: {  	[dreg:$0x0] =	wrdreg $0x60  }
0xbd: {  	[dreg:$0x2] =	wrdreg s24  }
0xbe: {  	[dreg:$0x3] =	wrdreg s18  }
0xbf: {  	[dreg:$0x4] =	wrdreg $0x9  }
0xc0: {  	_ =	task.clear_ibuf [dreg:s22], $0x5FFFF;
	_ =	strace $0x90000049  }
0xc1: {  	s29 =	simm.s32 $0x9;
	_ =	strace $0x8000004B  }
0xc2: {  	_ =	swait.ge [sflag:s29], $0x1  }
0xc3: {  	[sflag:s29] =	ssyncadd.s32 $0xFFFFFFFF  }
0xc4: {  	_ =	strace $0x9000004B  }
0xc5: {  	_ =	sfence  }
0xc6: {  	s30 =	sld [smem:$0x0];
	_ =	sdelay $0x2  }
0xc7: {  	s31 =	sshll.u32 s1, $0xD;
	s1 =	sshrl.u32 s1, $0x2  }
0xc8: {  	s4 =	sand.u32 $0x4000, s31;
	s1 =	sadd.s32 s1, s30  }
0xc9: {  	s0 =	sor.u32 s4, s0;
	s1 =	sshll.u32 s1, $0x11  }
0xca: {  	s0 =	sor.u32 s1, s0  }
0xcb: {  	s0 =	sadd.s32 $0x8F2B, s0  }
0xcc: {  	[sflag:s0] =	ssyncadd.remote.s32 $0x1  }
0xcd: {  	_ =	sfence.sel $0xFFFF  }
0xce: {  	[dreg:$0x0] =	wrdreg $0xFFFFFFFF;
	(pc) =	sbr.abs _section_cstart, $3  }
0xcf: {  	[dreg:$0x1] =	wrdreg $0xFFFFFFFF  }
0xd0: {  	_ =	task.clear_ibuf [dreg:s22], $0x2FFFF;
	_ =	strace $0x9FFFFFFF  }
0xd1: {  	(tm) =	ssettm $0x7FFFFFFF  }
tec
execute0_lowered:
.L_overlay_start_1:
0x0: {  	(tag) =	ssettag $0x1  }
0x1: {  	s4 =	rddreg [dreg:$0x0]  }
0x2: {  	s5 =	rddreg [dreg:$0x1]  }
0x3: {  	s0 =	rddreg [dreg:$0x2];
	s2 =	simm.s32 $0x0;
	s3 =	srdreg.scid  }
0x4: {  	s1 =	stileid.u32;
	s10 =	simm.s32 $0x0;
	s6 =	sand.u32 $0x1, s3  }
0x5: {  	[smem:$0x7FF] =	sst s2;
	s7 =	sshll.u32 s1, $0xA;
	s8 =	sshll.u32 s6, $0x9  }
0x6: {  	s3 =	sadd.s32 $0x21E00, s4;
	s6 =	ssub.s32 $0x2, s6;
	s7 =	sor.u32 s8, s7  }
0x7: {  	_ =	strace $0x8000004A;
	s9 =	sshrl.u32 s6, $0x1;
	s8 =	sshll.u32 s7, $0x4  }
0x8: {  	s7 =	sshrl.u32 s7, $0x3;
	s6 =	ssub.s32 s6, s9;
	s9 =	simm.s32 $0x200  }
0x9: {  	s8 =	sadd.s32 s8, s4;
	s4 =	sadd.s32 s5, s7;
	s6 =	smax.u32 s6, $0x1  }
0xa: {  	s7 =	simm.s32 $0x2;
	s5 =	sadd.s32 $0x1A8800, s8;
	s8 =	simm.s32 $0x1  }
.LBB2_1:
0xb: {  	v0 =	vmov s2  }
0xc: {  	[tilespmem:s2], [sflag:$0x2] =	stream.linear.gather [hbm4b:s4+s2], $0x200, $0x38;
	[tilespmem:$0x10200] =	vst v63  }
0xd: {  	_ =	swait.ge [sflag:s7], $0x200  }
0xe: {  	[sflag:s7] =	ssyncset.done $0x0  }
0xf: {  	[sflag:s7] =	ssyncadd.s32 $0xFFFFFE00  }
0x10: {  	v0 =	vld.idx.msk [tilespmem:v0+s2+$0x0], $0xffff;
	_ =	sdelay $0x4  }
0x11: {  	v0 =	vxor.u32 $0x80000000, v0  }
0x12: {  	(xrf0) =	vmax.scan.msk.u32 $0xffff, v0;
	_ =	sdelay $0x5  }
0x13: {  	v0, _, _ =	vpop (xrf0)  }
0x14: {  	(v2sf) =	vpush v0, $0xF;
	_ =	sdelay $0xd  }
0x15: {  	s11 =	simm.s32 $0x1  }
0x16: {  	v0 =	vmov s11;
	s30 =	spop (v2sf)  }
0x17: {  	s11 =	sshll.u32 s30, $0x4  }
0x18: {  	s11 =	sand.u32 $0x1FFFFFF0, s11  }
0x19: {  	s11 =	sadd.s32 s3, s11  }
0x1a: {  	[tilespmem:s9], [sflag:$0x1] =	stream.linear.gather [hbm4b:s11+s2], $0x80, $0x38;
	[tilespmem:$0x10200] =	vst v63  }
0x1b: {  	v0 =	vld.idx.msk [tilespmem:v0+s2+$0x0], $0xffff;
	_ =	sdelay $0x4  }
0x1c: {  	v0 =	vxor.u32 $0x80000000, v0  }
0x1d: {  	(xrf0) =	vmax.scan.msk.u32 $0xffff, v0;
	_ =	sdelay $0x5  }
0x1e: {  	v0, _, _ =	vpop (xrf0)  }
0x1f: {  	(v2sf) =	vpush v0, $0xF;
	_ =	sdelay $0xd  }
0x20: {  	s31 =	simm.s32 $0x2  }
0x21: {  	s12 =	simm.s32 $0x3;
	s11 =	simm.s32 $0x200;
	v0 =	vmov s31;
	s13 =	spop (v2sf)  }
.LBB2_2:
0x22: {  	p0 =	sne.s32 s12, $0x1FF;
	s13 =	sshll.u32 s13, $0x4  }
0x23: {  	s13 =	sand.u32 $0x1FFFFFF0, s13  }
0x24: {  	s11 =	sadd.s32 $0x80, s11;
	s13 =	sadd.s32 s3, s13  }
0x25: {  	[tilespmem:s11], [sflag:$0x1] =	stream.linear.gather [hbm4b:s13+s2], $0x80, $0x38;
	[tilespmem:$0x10200] =	vst v63  }
0x26: {  	v0 =	vld.idx.msk [tilespmem:v0+s2+$0x0], $0xffff;
	_ =	sdelay $0x5  }
0x27: {  	v0 =	vxor.u32 $0x80000000, v0  }
0x28: {  	(xrf0) =	vmax.scan.msk.u32 $0xffff, v0;
	_ =	sdelay $0x5  }
0x29: {  	v0, _, _ =	vpop (xrf0)  }
0x2a: {  	(v2sf) =	vpush v0, $0xF;
	_ =	sdelay $0xa  }
.Ltmp0:
0x2b: {  	(pc) =	sbr.rel @p0 .LBB2_2-.Ltmp0, $2  }
0x2c: {  	_ =	sdelay $0x2  }
0x2d: {  	v0 =	vmov s12;
	s12 =	sadd.s32 $0x1, s12;
	s13 =	spop (v2sf)  }
0x2e: {  	s12 =	sshll.u32 s13, $0x4  }
0x2f: {  	s12 =	sand.u32 $0x1FFFFFF0, s12  }
0x30: {  	s11 =	sadd.s32 $0x80, s11;
	s12 =	sadd.s32 s3, s12  }
0x31: {  	[tilespmem:s11], [sflag:$0x1] =	stream.linear.gather [hbm4b:s12+s2], $0x80, $0x38;
	[tilespmem:$0x10200] =	vst v63  }
0x32: {  	v0 =	vld.idx.msk [tilespmem:v0+s2+$0x0], $0xffff;
	_ =	sdelay $0x4  }
0x33: {  	v0 =	vxor.u32 $0x80000000, v0  }
0x34: {  	(xrf0) =	vmax.scan.msk.u32 $0xffff, v0;
	_ =	sdelay $0x5  }
0x35: {  	v0, _, _ =	vpop (xrf0)  }
0x36: {  	(v2sf) =	vpush v0, $0xF;
	_ =	sdelay $0xe  }
0x37: {  	s31 =	spop (v2sf)  }
0x38: {  	s12 =	sshll.u32 s31, $0x4  }
0x39: {  	s12 =	sand.u32 $0x1FFFFFF0, s12  }
0x3a: {  	s11 =	sadd.s32 $0x80, s11;
	s12 =	sadd.s32 s3, s12  }
0x3b: {  	[tilespmem:s11], [sflag:$0x1] =	stream.linear.gather [hbm4b:s12+s2], $0x80, $0x38;
	[tilespmem:$0x10200] =	vst v63  }
0x3c: {  	s10 =	sadd.s32 $0x1, s10;
	_ =	swait.ge [sflag:s8], $0x10000  }
0x3d: {  	p0 =	sne.s32 s10, s6;
	[sflag:s8] =	ssyncset.done $0x0  }
.Ltmp1:
0x3e: {  	[sflag:s8] =	ssyncadd.s32 $0xFFFF0000;
	(pc) =	sbr.rel @p0 .LBB2_1-.Ltmp1, $4  }
0x3f: {  	[hbm4b:s5+s2] =	stream.linear.scatter [tilespmem:s9], [sflag:$0x2], $0x10000, $0x38;
	[tilespmem:$0x10200] =	vst v63  }
0x40: {  	_ =	swait.ge [sflag:s7], $0x10000  }
0x41: {  	[sflag:s7] =	ssyncset.done $0x0  }
0x42: {  	[sflag:s7] =	ssyncadd.s32 $0xFFFF0000  }
0x43: {  	_ =	sfence.sel $0x180000  }
0x44: {  	[bflag:$0x0] =	sbarrier.arrive $0xFFFF  }
0x45: {  	p0 =	sne.s32 s1, $0x0;
	_ =	strace $0x9000004A  }
0x46: {  	s0 =	sadd.s32 @!p0 $0x100000, s0;
	[bflag:$0x2] =	sbarrier.arrive $0xFFFF  }
0x47: {  	[sflag:s0] =	ssyncadd.tile.s32 @!p0 $0x1;
	_ =	shalt  }
.Lfunc_end2:
_tile_overlayer_lowered:
.L_overlay_start_2:
0x48: {  	(tag) =	ssettag $0x2  }
0x49: {  	s0 =	rddreg [dreg:$0x0];
	s2 =	stileid.u32  }
0x4a: {  	s1 =	rddreg [dreg:$0x1];
	p0 =	sne.s32 s2, $0x0  }
0x4b: {  	s3 =	rddreg [dreg:$0x2];
	[bflag:$0x3] =	sbarrier.arrive $0xFFFF;
	s2 =	simm.s32 @!p0 $0x1C02  }
0x4c: {  	[timem:s3], [sflag:s2] =	dma.local @!p0 [hbm:s0], s1  }
0x4d: {  	s0 =	simm.s32 @!p0 $0x2  }
0x4e: {  	_ =	swait.ge @!p0 [sflag:s0], s1  }
0x4f: {  	s1 =	ssub.s32 @!p0 $0x0, s1;
	[sflag:s0] =	ssyncset.done @!p0 $0x0  }
0x50: {  	[sflag:s0] =	ssyncadd.s32 @!p0 s1  }
0x51: {  	[bflag:$0x3] =	sbarrier.arrive $0xFFFF  }
0x52: {  	_ =	shalt  }

</sc_bundles>
